<compile_context>
chip_gen: v7x
topology: tpu7x:2x2x1
jax: 0.10.2.dev20260603
libtpu: 0.0.44.dev20260713+nightly
codegen_flags: <defaults>
</compile_context>

<pallas_src>
import functools

import jax
import jax.numpy as jnp
from jax import lax
from jax.experimental import pallas as pl
from jax.experimental.pallas import tpu as pltpu
from jax.experimental.pallas import tpu_sc as plsc

_NC = 2
_NS = 16
_CH = 16
_NSLOT = 3


def _make_sc_broadcast(B, H, dtype):
    topk = 2
    nw = _NC * _NS
    rows_per_w = B // nw
    n_chunks = rows_per_w // _CH
    mesh = plsc.VectorSubcoreMesh(core_axis_name="c", subcore_axis_name="s")

    @functools.partial(
        pl.kernel,
        mesh=mesh,
        out_type=jax.ShapeDtypeStruct((B, topk, H), dtype),
        scratch_types=[
            pltpu.VMEM((_NSLOT, _CH, H), dtype),
            pltpu.SemaphoreType.DMA((_NSLOT,)),
            pltpu.SemaphoreType.DMA((_NSLOT,)),
        ],
    )
    def sc_broadcast(x_hbm, out_hbm, buf, rsem, wsem):
        wid = lax.axis_index("s") * _NC + lax.axis_index("c")
        base = wid * rows_per_w

        def read(c, slot):
            return pltpu.make_async_copy(
                x_hbm.at[pl.ds(base + c * _CH, _CH)], buf.at[slot], rsem.at[slot])

        def write(c, slot, k):
            return pltpu.make_async_copy(
                buf.at[slot], out_hbm.at[pl.ds(base + c * _CH, _CH), k],
                wsem.at[slot])

        for c in range(min(_NSLOT, n_chunks)):
            read(c, c).start()
        for c in range(n_chunks):
            s = c % _NSLOT
            read(c, s).wait()
            write(c, s, 0).start()
            write(c, s, 1).start()
            m = c + _NSLOT
            if m < n_chunks:
                write(c, s, 0).wait()
                write(c, s, 1).wait()
                read(m, s).start()
        for c in range(max(0, n_chunks - _NSLOT), n_chunks):
            write(c, c % _NSLOT, 0).wait()
            write(c, c % _NSLOT, 1).wait()

    return sc_broadcast


def kernel(x, expert_indices):
    del expert_indices
    B, H = x.shape
    return _make_sc_broadcast(B, H, x.dtype)(x)

# --- scband reference (transcript-rebuilt; emitter-appended) ---
"""Pipeline reference for scband-expert-parallel-63711544868877 (READ-ONLY COPY).

The authoritative reference and input builder live on the scoring server;
editing this copy changes nothing except your own understanding.
"""

import jax, jax.numpy as jnp
import numpy as np

NUM_EXPERTS = 64
SIM_WORLD_SIZE = 8  # simulated EP world size on a single device (all-to-all is identity)


def setup_inputs(seed: int = 0) -> dict:
    key = jax.random.key(seed)
    k1, k2 = jax.random.split(key)
    x = jax.random.normal(k1, (8192, 2048), dtype=jnp.float32)
    expert_indices = jax.random.randint(k2, (8192, 2), 0, NUM_EXPERTS)
    return {"x": x, "expert_indices": expert_indices}


def reference(x, expert_indices):
    # Faithful single-device simulation of ExpertParallel.dispatch + ExpertParallel.combine.
    # With a single process group the all-to-all exchange is the identity, so the
    # permute (dispatch) followed by unpermute (combine) is reproduced exactly.
    B, H = x.shape
    topk = expert_indices.shape[1]

    # ---- dispatch ----
    # x_flat = x.unsqueeze(1).expand(-1, topk, -1).reshape(-1, H)
    x_flat = jnp.broadcast_to(x[:, None, :], (B, topk, H)).reshape(B * topk, H)
    indices_flat = expert_indices.reshape(-1)
    num_local_experts = NUM_EXPERTS // SIM_WORLD_SIZE
    target_ranks = indices_flat // num_local_experts
    sort_indices = jnp.argsort(target_ranks)
    x_sorted = x_flat[sort_indices]
    # splits = bincount(target_ranks_sorted, minlength=world_size)
    splits = jnp.bincount(target_ranks[sort_indices], length=SIM_WORLD_SIZE)
    del splits  # used only as all-to-all split metadata; identity exchange here
    received_x = x_sorted  # all_to_all_single with one logical group -> identity

    # ---- (expert MLP would run here; module under test only dispatches/combines) ----

    # ---- combine ----
    sent_back = received_x  # identity all-to-all back to source rank
    # output.index_copy_(0, sort_indices, received_x)
    output = jnp.zeros_like(sent_back).at[sort_indices].set(sent_back)
    output = output.reshape(B, topk, H)
    return output

if __name__ == "__main__":
    import jax
    _d = setup_inputs()
    print(jax.jit(kernel)(*tuple(_d.values())))

</pallas_src>

<mosaic_0001>
#map = affine_map<(d0, d1) -> (0, 0)>
#map1 = affine_map<(d0, d1) -> (0, 0, 0)>
module attributes {stable_mosaic.version = 14 : i64} {
  func.func @sc_broadcast(%arg0: i32, %arg1: i32, %arg2: memref<8192x2048xf32, #tpu.memory_space<hbm>>, %arg3: memref<8192x2x2048xf32, #tpu.memory_space<hbm>>, %arg4: memref<3x16x2048xf32, #tpu.memory_space<vmem>>, %arg5: memref<3x!tpu.dma_semaphore, #tpu.memory_space<semaphore_mem>>, %arg6: memref<3x!tpu.dma_semaphore, #tpu.memory_space<semaphore_mem>>) attributes {dimension_semantics = [#tpu.dimension_semantics<core_parallel>, #tpu.dimension_semantics<subcore_parallel>], iteration_bounds = array<i64: 2, 16>, scalar_prefetch = 0 : i64, scratch_operands = 3 : i64, tpu.core_type = #tpu.core_type<sc_vector_subcore>, window_params = [{transform_indices = #map}, {transform_indices = #map1}]} {
    %mul3A = arith.constant 2 : i32
    %mul3A_0 = arith.muli %arg1, %mul3A : i32
    %add3A = arith.addi %mul3A_0, %arg0 : i32
    %mul3A_1 = arith.constant 256 : i32
    %mul3A_2 = arith.muli %add3A, %mul3A_1 : i32
    %add3A_3 = arith.constant 0 : i32
    %add3A_4 = arith.addi %mul3A_2, %add3A_3 : i32
    %dma_start3A = arith.constant 0 : i32
    %dma_start3A_5 = arith.constant 0 : i32
    %dma_start3A_6 = arith.constant 0 : i32
    %dma_start3A_7 = arith.constant 0 : i32
    %dma_start3A_8 = tpu.memref_slice %arg4[%dma_start3A, %dma_start3A_6, %dma_start3A_7] : memref<3x16x2048xf32, #tpu.memory_space<vmem>> -> memref<1x16x2048xf32, #tpu.memory_space<vmem>>
    %dma_start3A_9 = tpu.memref_squeeze %dma_start3A_8 : memref<1x16x2048xf32, #tpu.memory_space<vmem>> -> memref<16x2048xf32, #tpu.memory_space<vmem>>
    %dma_start3A_10 = arith.constant 0 : i32
    %dma_start3A_11 = tpu.memref_slice %arg2[%add3A_4, %dma_start3A_10] : memref<8192x2048xf32, #tpu.memory_space<hbm>> -> memref<16x2048xf32, #tpu.memory_space<hbm>>
    %dma_start3A_12 = tpu.memref_slice %arg5[%dma_start3A_5] : memref<3x!tpu.dma_semaphore, #tpu.memory_space<semaphore_mem>> -> memref<1x!tpu.dma_semaphore, #tpu.memory_space<semaphore_mem>>
    %dma_start3A_13 = tpu.memref_squeeze %dma_start3A_12 : memref<1x!tpu.dma_semaphore, #tpu.memory_space<semaphore_mem>> -> memref<!tpu.dma_semaphore, #tpu.memory_space<semaphore_mem>>
    %dma_start3A_14 = arith.constant 0 : i32
    %dma_start3A_15 = arith.constant 0 : i32
    %dma_start3A_16 = tpu.memref_slice %arg4[%dma_start3A, %dma_start3A_14, %dma_start3A_15] : memref<3x16x2048xf32, #tpu.memory_space<vmem>> -> memref<1x16x2048xf32, #tpu.memory_space<vmem>>
    %dma_start3A_17 = tpu.memref_squeeze %dma_start3A_16 : memref<1x16x2048xf32, #tpu.memory_space<vmem>> -> memref<16x2048xf32, #tpu.memory_space<vmem>>
    %dma_start3A_18 = arith.constant 0 : i32
    %dma_start3A_19 = tpu.memref_slice %arg2[%add3A_4, %dma_start3A_18] : memref<8192x2048xf32, #tpu.memory_space<hbm>> -> memref<16x2048xf32, #tpu.memory_space<hbm>>
    tpu.enqueue_dma source(%dma_start3A_19 : memref<16x2048xf32, #tpu.memory_space<hbm>>) target(%dma_start3A_17 : memref<16x2048xf32, #tpu.memory_space<vmem>>) target_semaphore(%dma_start3A_13 : memref<!tpu.dma_semaphore, #tpu.memory_space<semaphore_mem>>)
    %add3A_20 = arith.constant 16 : i32
    %add3A_21 = arith.addi %mul3A_2, %add3A_20 : i32
    %dma_start3A_22 = arith.constant 1 : i32
    %dma_start3A_23 = arith.constant 1 : i32
    %dma_start3A_24 = arith.constant 0 : i32
    %dma_start3A_25 = arith.constant 0 : i32
    %dma_start3A_26 = tpu.memref_slice %arg4[%dma_start3A_22, %dma_start3A_24, %dma_start3A_25] : memref<3x16x2048xf32, #tpu.memory_space<vmem>> -> memref<1x16x2048xf32, #tpu.memory_space<vmem>>
    %dma_start3A_27 = tpu.memref_squeeze %dma_start3A_26 : memref<1x16x2048xf32, #tpu.memory_space<vmem>> -> memref<16x2048xf32, #tpu.memory_space<vmem>>
    %dma_start3A_28 = arith.constant 0 : i32
    %dma_start3A_29 = tpu.memref_slice %arg2[%add3A_21, %dma_start3A_28] : memref<8192x2048xf32, #tpu.memory_space<hbm>> -> memref<16x2048xf32, #tpu.memory_space<hbm>>
    %dma_start3A_30 = tpu.memref_slice %arg5[%dma_start3A_23] : memref<3x!tpu.dma_semaphore, #tpu.memory_space<semaphore_mem>> -> memref<1x!tpu.dma_semaphore, #tpu.memory_space<semaphore_mem>>
    %dma_start3A_31 = tpu.memref_squeeze %dma_start3A_30 : memref<1x!tpu.dma_semaphore, #tpu.memory_space<semaphore_mem>> -> memref<!tpu.dma_semaphore, #tpu.memory_space<semaphore_mem>>
    %dma_start3A_32 = arith.constant 0 : i32
    %dma_start3A_33 = arith.constant 0 : i32
    %dma_start3A_34 = tpu.memref_slice %arg4[%dma_start3A_22, %dma_start3A_32, %dma_start3A_33] : memref<3x16x2048xf32, #tpu.memory_space<vmem>> -> memref<1x16x2048xf32, #tpu.memory_space<vmem>>
    %dma_start3A_35 = tpu.memref_squeeze %dma_start3A_34 : memref<1x16x2048xf32, #tpu.memory_space<vmem>> -> memref<16x2048xf32, #tpu.memory_space<vmem>>
    %dma_start3A_36 = arith.constant 0 : i32
    %dma_start3A_37 = tpu.memref_slice %arg2[%add3A_21, %dma_start3A_36] : memref<8192x2048xf32, #tpu.memory_space<hbm>> -> memref<16x2048xf32, #tpu.memory_space<hbm>>
    tpu.enqueue_dma source(%dma_start3A_37 : memref<16x2048xf32, #tpu.memory_space<hbm>>) target(%dma_start3A_35 : memref<16x2048xf32, #tpu.memory_space<vmem>>) target_semaphore(%dma_start3A_31 : memref<!tpu.dma_semaphore, #tpu.memory_space<semaphore_mem>>)
    %add3A_38 = arith.constant 32 : i32
    %add3A_39 = arith.addi %mul3A_2, %add3A_38 : i32
    %dma_start3A_40 = arith.constant 2 : i32
    %dma_start3A_41 = arith.constant 2 : i32
    %dma_start3A_42 = arith.constant 0 : i32
    %dma_start3A_43 = arith.constant 0 : i32
    %dma_start3A_44 = tpu.memref_slice %arg4[%dma_start3A_40, %dma_start3A_42, %dma_start3A_43] : memref<3x16x2048xf32, #tpu.memory_space<vmem>> -> memref<1x16x2048xf32, #tpu.memory_space<vmem>>
    %dma_start3A_45 = tpu.memref_squeeze %dma_start3A_44 : memref<1x16x2048xf32, #tpu.memory_space<vmem>> -> memref<16x2048xf32, #tpu.memory_space<vmem>>
    %dma_start3A_46 = arith.constant 0 : i32
    %dma_start3A_47 = tpu.memref_slice %arg2[%add3A_39, %dma_start3A_46] : memref<8192x2048xf32, #tpu.memory_space<hbm>> -> memref<16x2048xf32, #tpu.memory_space<hbm>>
    %dma_start3A_48 = tpu.memref_slice %arg5[%dma_start3A_41] : memref<3x!tpu.dma_semaphore, #tpu.memory_space<semaphore_mem>> -> memref<1x!tpu.dma_semaphore, #tpu.memory_space<semaphore_mem>>
    %dma_start3A_49 = tpu.memref_squeeze %dma_start3A_48 : memref<1x!tpu.dma_semaphore, #tpu.memory_space<semaphore_mem>> -> memref<!tpu.dma_semaphore, #tpu.memory_space<semaphore_mem>>
    %dma_start3A_50 = arith.constant 0 : i32
    %dma_start3A_51 = arith.constant 0 : i32
    %dma_start3A_52 = tpu.memref_slice %arg4[%dma_start3A_40, %dma_start3A_50, %dma_start3A_51] : memref<3x16x2048xf32, #tpu.memory_space<vmem>> -> memref<1x16x2048xf32, #tpu.memory_space<vmem>>
    %dma_start3A_53 = tpu.memref_squeeze %dma_start3A_52 : memref<1x16x2048xf32, #tpu.memory_space<vmem>> -> memref<16x2048xf32, #tpu.memory_space<vmem>>
    %dma_start3A_54 = arith.constant 0 : i32
    %dma_start3A_55 = tpu.memref_slice %arg2[%add3A_39, %dma_start3A_54] : memref<8192x2048xf32, #tpu.memory_space<hbm>> -> memref<16x2048xf32, #tpu.memory_space<hbm>>
    tpu.enqueue_dma source(%dma_start3A_55 : memref<16x2048xf32, #tpu.memory_space<hbm>>) target(%dma_start3A_53 : memref<16x2048xf32, #tpu.memory_space<vmem>>) target_semaphore(%dma_start3A_49 : memref<!tpu.dma_semaphore, #tpu.memory_space<semaphore_mem>>)
    %add3A_56 = arith.constant 0 : i32
    %add3A_57 = arith.addi %mul3A_2, %add3A_56 : i32
    %dma_wait3A = arith.constant 0 : i32
    %dma_wait3A_58 = arith.constant 0 : i32
    %dma_wait3A_59 = arith.constant 0 : i32
    %dma_wait3A_60 = arith.constant 0 : i32
    %dma_wait3A_61 = tpu.memref_slice %arg4[%dma_wait3A, %dma_wait3A_59, %dma_wait3A_60] : memref<3x16x2048xf32, #tpu.memory_space<vmem>> -> memref<1x16x2048xf32, #tpu.memory_space<vmem>>
    %dma_wait3A_62 = tpu.memref_squeeze %dma_wait3A_61 : memref<1x16x2048xf32, #tpu.memory_space<vmem>> -> memref<16x2048xf32, #tpu.memory_space<vmem>>
    %dma_wait3A_63 = arith.constant 0 : i32
    %dma_wait3A_64 = tpu.memref_slice %arg2[%add3A_57, %dma_wait3A_63] : memref<8192x2048xf32, #tpu.memory_space<hbm>> -> memref<16x2048xf32, #tpu.memory_space<hbm>>
    %dma_wait3A_65 = tpu.memref_slice %arg5[%dma_wait3A_58] : memref<3x!tpu.dma_semaphore, #tpu.memory_space<semaphore_mem>> -> memref<1x!tpu.dma_semaphore, #tpu.memory_space<semaphore_mem>>
    %dma_wait3A_66 = tpu.memref_squeeze %dma_wait3A_65 : memref<1x!tpu.dma_semaphore, #tpu.memory_space<semaphore_mem>> -> memref<!tpu.dma_semaphore, #tpu.memory_space<semaphore_mem>>
    %dma_wait3A_67 = arith.constant 0 : i32
    %dma_wait3A_68 = arith.constant 0 : i32
    %dma_wait3A_69 = tpu.memref_slice %arg4[%dma_wait3A, %dma_wait3A_67, %dma_wait3A_68] : memref<3x16x2048xf32, #tpu.memory_space<vmem>> -> memref<1x16x2048xf32, #tpu.memory_space<vmem>>
    %dma_wait3A_70 = tpu.memref_squeeze %dma_wait3A_69 : memref<1x16x2048xf32, #tpu.memory_space<vmem>> -> memref<16x2048xf32, #tpu.memory_space<vmem>>
    %dma_wait3A_71 = arith.constant 0 : i32
    %dma_wait3A_72 = tpu.memref_slice %arg2[%add3A_57, %dma_wait3A_71] : memref<8192x2048xf32, #tpu.memory_space<hbm>> -> memref<16x2048xf32, #tpu.memory_space<hbm>>
    tpu.wait_dma2 semaphore(%dma_wait3A_66 : memref<!tpu.dma_semaphore, #tpu.memory_space<semaphore_mem>>) src(%dma_wait3A_72 : memref<16x2048xf32, #tpu.memory_space<hbm>>) dst(%dma_wait3A_70 : memref<16x2048xf32, #tpu.memory_space<vmem>>)
    %add3A_73 = arith.constant 0 : i32
    %add3A_74 = arith.addi %mul3A_2, %add3A_73 : i32
    %dma_start3A_75 = arith.constant 0 : i32
    %dma_start3A_76 = arith.constant 0 : i32
    %dma_start3A_77 = arith.constant 0 : i32
    %dma_start3A_78 = arith.constant 0 : i32
    %dma_start3A_79 = arith.constant 0 : i32
    %dma_start3A_80 = tpu.memref_slice %arg4[%dma_start3A_75, %dma_start3A_78, %dma_start3A_79] : memref<3x16x2048xf32, #tpu.memory_space<vmem>> -> memref<1x16x2048xf32, #tpu.memory_space<vmem>>
    %dma_start3A_81 = tpu.memref_squeeze %dma_start3A_80 : memref<1x16x2048xf32, #tpu.memory_space<vmem>> -> memref<16x2048xf32, #tpu.memory_space<vmem>>
    %dma_start3A_82 = arith.constant 0 : i32
    %dma_start3A_83 = tpu.memref_slice %arg3[%add3A_74, %dma_start3A_76, %dma_start3A_82] : memref<8192x2x2048xf32, #tpu.memory_space<hbm>> -> memref<16x1x2048xf32, #tpu.memory_space<hbm>>
    %dma_start3A_84 = tpu.memref_squeeze %dma_start3A_83 : memref<16x1x2048xf32, #tpu.memory_space<hbm>> -> memref<16x2048xf32, #tpu.memory_space<hbm>>
    %dma_start3A_85 = tpu.memref_slice %arg6[%dma_start3A_77] : memref<3x!tpu.dma_semaphore, #tpu.memory_space<semaphore_mem>> -> memref<1x!tpu.dma_semaphore, #tpu.memory_space<semaphore_mem>>
    %dma_start3A_86 = tpu.memref_squeeze %dma_start3A_85 : memref<1x!tpu.dma_semaphore, #tpu.memory_space<semaphore_mem>> -> memref<!tpu.dma_semaphore, #tpu.memory_space<semaphore_mem>>
    %dma_start3A_87 = arith.constant 0 : i32
    %dma_start3A_88 = tpu.memref_slice %arg3[%add3A_74, %dma_start3A_76, %dma_start3A_87] : memref<8192x2x2048xf32, #tpu.memory_space<hbm>> -> memref<16x1x2048xf32, #tpu.memory_space<hbm>>
    %dma_start3A_89 = tpu.memref_squeeze %dma_start3A_88 : memref<16x1x2048xf32, #tpu.memory_space<hbm>> -> memref<16x2048xf32, #tpu.memory_space<hbm>>
    %dma_start3A_90 = arith.constant 0 : i32
    %dma_start3A_91 = arith.constant 0 : i32
    %dma_start3A_92 = tpu.memref_slice %arg4[%dma_start3A_75, %dma_start3A_90, %dma_start3A_91] : memref<3x16x2048xf32, #tpu.memory_space<vmem>> -> memref<1x16x2048xf32, #tpu.memory_space<vmem>>
    %dma_start3A_93 = tpu.memref_squeeze %dma_start3A_92 : memref<1x16x2048xf32, #tpu.memory_space<vmem>> -> memref<16x2048xf32, #tpu.memory_space<vmem>>
    tpu.enqueue_dma source(%dma_start3A_93 : memref<16x2048xf32, #tpu.memory_space<vmem>>) target(%dma_start3A_89 : memref<16x2048xf32, #tpu.memory_space<hbm>>) target_semaphore(%dma_start3A_86 : memref<!tpu.dma_semaphore, #tpu.memory_space<semaphore_mem>>)
    %add3A_94 = arith.constant 0 : i32
    %add3A_95 = arith.addi %mul3A_2, %add3A_94 : i32
    %dma_start3A_96 = arith.constant 0 : i32
    %dma_start3A_97 = arith.constant 1 : i32
    %dma_start3A_98 = arith.constant 0 : i32
    %dma_start3A_99 = arith.constant 0 : i32
    %dma_start3A_100 = arith.constant 0 : i32
    %dma_start3A_101 = tpu.memref_slice %arg4[%dma_start3A_96, %dma_start3A_99, %dma_start3A_100] : memref<3x16x2048xf32, #tpu.memory_space<vmem>> -> memref<1x16x2048xf32, #tpu.memory_space<vmem>>
    %dma_start3A_102 = tpu.memref_squeeze %dma_start3A_101 : memref<1x16x2048xf32, #tpu.memory_space<vmem>> -> memref<16x2048xf32, #tpu.memory_space<vmem>>
    %dma_start3A_103 = arith.constant 0 : i32
    %dma_start3A_104 = tpu.memref_slice %arg3[%add3A_95, %dma_start3A_97, %dma_start3A_103] : memref<8192x2x2048xf32, #tpu.memory_space<hbm>> -> memref<16x1x2048xf32, #tpu.memory_space<hbm>>
    %dma_start3A_105 = tpu.memref_squeeze %dma_start3A_104 : memref<16x1x2048xf32, #tpu.memory_space<hbm>> -> memref<16x2048xf32, #tpu.memory_space<hbm>>
    %dma_start3A_106 = tpu.memref_slice %arg6[%dma_start3A_98] : memref<3x!tpu.dma_semaphore, #tpu.memory_space<semaphore_mem>> -> memref<1x!tpu.dma_semaphore, #tpu.memory_space<semaphore_mem>>
    %dma_start3A_107 = tpu.memref_squeeze %dma_start3A_106 : memref<1x!tpu.dma_semaphore, #tpu.memory_space<semaphore_mem>> -> memref<!tpu.dma_semaphore, #tpu.memory_space<semaphore_mem>>
    %dma_start3A_108 = arith.constant 0 : i32
    %dma_start3A_109 = tpu.memref_slice %arg3[%add3A_95, %dma_start3A_97, %dma_start3A_108] : memref<8192x2x2048xf32, #tpu.memory_space<hbm>> -> memref<16x1x2048xf32, #tpu.memory_space<hbm>>
    %dma_start3A_110 = tpu.memref_squeeze %dma_start3A_109 : memref<16x1x2048xf32, #tpu.memory_space<hbm>> -> memref<16x2048xf32, #tpu.memory_space<hbm>>
    %dma_start3A_111 = arith.constant 0 : i32
    %dma_start3A_112 = arith.constant 0 : i32
    %dma_start3A_113 = tpu.memref_slice %arg4[%dma_start3A_96, %dma_start3A_111, %dma_start3A_112] : memref<3x16x2048xf32, #tpu.memory_space<vmem>> -> memref<1x16x2048xf32, #tpu.memory_space<vmem>>
    %dma_start3A_114 = tpu.memref_squeeze %dma_start3A_113 : memref<1x16x2048xf32, #tpu.memory_space<vmem>> -> memref<16x2048xf32, #tpu.memory_space<vmem>>
    tpu.enqueue_dma source(%dma_start3A_114 : memref<16x2048xf32, #tpu.memory_space<vmem>>) target(%dma_start3A_110 : memref<16x2048xf32, #tpu.memory_space<hbm>>) target_semaphore(%dma_start3A_107 : memref<!tpu.dma_semaphore, #tpu.memory_space<semaphore_mem>>)
    %add3A_115 = arith.constant 0 : i32
    %add3A_116 = arith.addi %mul3A_2, %add3A_115 : i32
    %dma_wait3A_117 = arith.constant 0 : i32
    %dma_wait3A_118 = arith.constant 0 : i32
    %dma_wait3A_119 = arith.constant 0 : i32
    %dma_wait3A_120 = arith.constant 0 : i32
    %dma_wait3A_121 = arith.constant 0 : i32
    %dma_wait3A_122 = tpu.memref_slice %arg4[%dma_wait3A_117, %dma_wait3A_120, %dma_wait3A_121] : memref<3x16x2048xf32, #tpu.memory_space<vmem>> -> memref<1x16x2048xf32, #tpu.memory_space<vmem>>
    %dma_wait3A_123 = tpu.memref_squeeze %dma_wait3A_122 : memref<1x16x2048xf32, #tpu.memory_space<vmem>> -> memref<16x2048xf32, #tpu.memory_space<vmem>>
    %dma_wait3A_124 = arith.constant 0 : i32
    %dma_wait3A_125 = tpu.memref_slice %arg3[%add3A_116, %dma_wait3A_118, %dma_wait3A_124] : memref<8192x2x2048xf32, #tpu.memory_space<hbm>> -> memref<16x1x2048xf32, #tpu.memory_space<hbm>>
    %dma_wait3A_126 = tpu.memref_squeeze %dma_wait3A_125 : memref<16x1x2048xf32, #tpu.memory_space<hbm>> -> memref<16x2048xf32, #tpu.memory_space<hbm>>
    %dma_wait3A_127 = tpu.memref_slice %arg6[%dma_wait3A_119] : memref<3x!tpu.dma_semaphore, #tpu.memory_space<semaphore_mem>> -> memref<1x!tpu.dma_semaphore, #tpu.memory_space<semaphore_mem>>
    %dma_wait3A_128 = tpu.memref_squeeze %dma_wait3A_127 : memref<1x!tpu.dma_semaphore, #tpu.memory_space<semaphore_mem>> -> memref<!tpu.dma_semaphore, #tpu.memory_space<semaphore_mem>>
    %dma_wait3A_129 = arith.constant 0 : i32
    %dma_wait3A_130 = tpu.memref_slice %arg3[%add3A_116, %dma_wait3A_118, %dma_wait3A_129] : memref<8192x2x2048xf32, #tpu.memory_space<hbm>> -> memref<16x1x2048xf32, #tpu.memory_space<hbm>>
    %dma_wait3A_131 = tpu.memref_squeeze %dma_wait3A_130 : memref<16x1x2048xf32, #tpu.memory_space<hbm>> -> memref<16x2048xf32, #tpu.memory_space<hbm>>
    %dma_wait3A_132 = arith.constant 0 : i32
    %dma_wait3A_133 = arith.constant 0 : i32
    %dma_wait3A_134 = tpu.memref_slice %arg4[%dma_wait3A_117, %dma_wait3A_132, %dma_wait3A_133] : memref<3x16x2048xf32, #tpu.memory_space<vmem>> -> memref<1x16x2048xf32, #tpu.memory_space<vmem>>
    %dma_wait3A_135 = tpu.memref_squeeze %dma_wait3A_134 : memref<1x16x2048xf32, #tpu.memory_space<vmem>> -> memref<16x2048xf32, #tpu.memory_space<vmem>>
    tpu.wait_dma2 semaphore(%dma_wait3A_128 : memref<!tpu.dma_semaphore, #tpu.memory_space<semaphore_mem>>) src(%dma_wait3A_135 : memref<16x2048xf32, #tpu.memory_space<vmem>>) dst(%dma_wait3A_131 : memref<16x2048xf32, #tpu.memory_space<hbm>>)
    %add3A_136 = arith.constant 0 : i32
    %add3A_137 = arith.addi %mul3A_2, %add3A_136 : i32
    %dma_wait3A_138 = arith.constant 0 : i32
    %dma_wait3A_139 = arith.constant 1 : i32
    %dma_wait3A_140 = arith.constant 0 : i32
    %dma_wait3A_141 = arith.constant 0 : i32
    %dma_wait3A_142 = arith.constant 0 : i32
    %dma_wait3A_143 = tpu.memref_slice %arg4[%dma_wait3A_138, %dma_wait3A_141, %dma_wait3A_142] : memref<3x16x2048xf32, #tpu.memory_space<vmem>> -> memref<1x16x2048xf32, #tpu.memory_space<vmem>>
    %dma_wait3A_144 = tpu.memref_squeeze %dma_wait3A_143 : memref<1x16x2048xf32, #tpu.memory_space<vmem>> -> memref<16x2048xf32, #tpu.memory_space<vmem>>
    %dma_wait3A_145 = arith.constant 0 : i32
    %dma_wait3A_146 = tpu.memref_slice %arg3[%add3A_137, %dma_wait3A_139, %dma_wait3A_145] : memref<8192x2x2048xf32, #tpu.memory_space<hbm>> -> memref<16x1x2048xf32, #tpu.memory_space<hbm>>
    %dma_wait3A_147 = tpu.memref_squeeze %dma_wait3A_146 : memref<16x1x2048xf32, #tpu.memory_space<hbm>> -> memref<16x2048xf32, #tpu.memory_space<hbm>>
    %dma_wait3A_148 = tpu.memref_slice %arg6[%dma_wait3A_140] : memref<3x!tpu.dma_semaphore, #tpu.memory_space<semaphore_mem>> -> memref<1x!tpu.dma_semaphore, #tpu.memory_space<semaphore_mem>>
    %dma_wait3A_149 = tpu.memref_squeeze %dma_wait3A_148 : memref<1x!tpu.dma_semaphore, #tpu.memory_space<semaphore_mem>> -> memref<!tpu.dma_semaphore, #tpu.memory_space<semaphore_mem>>
    %dma_wait3A_150 = arith.constant 0 : i32
    %dma_wait3A_151 = tpu.memref_slice %arg3[%add3A_137, %dma_wait3A_139, %dma_wait3A_150] : memref<8192x2x2048xf32, #tpu.memory_space<hbm>> -> memref<16x1x2048xf32, #tpu.memory_space<hbm>>
    %dma_wait3A_152 = tpu.memref_squeeze %dma_wait3A_151 : memref<16x1x2048xf32, #tpu.memory_space<hbm>> -> memref<16x2048xf32, #tpu.memory_space<hbm>>
    %dma_wait3A_153 = arith.constant 0 : i32
    %dma_wait3A_154 = arith.constant 0 : i32
    %dma_wait3A_155 = tpu.memref_slice %arg4[%dma_wait3A_138, %dma_wait3A_153, %dma_wait3A_154] : memref<3x16x2048xf32, #tpu.memory_space<vmem>> -> memref<1x16x2048xf32, #tpu.memory_space<vmem>>
    %dma_wait3A_156 = tpu.memref_squeeze %dma_wait3A_155 : memref<1x16x2048xf32, #tpu.memory_space<vmem>> -> memref<16x2048xf32, #tpu.memory_space<vmem>>
    tpu.wait_dma2 semaphore(%dma_wait3A_149 : memref<!tpu.dma_semaphore, #tpu.memory_space<semaphore_mem>>) src(%dma_wait3A_156 : memref<16x2048xf32, #tpu.memory_space<vmem>>) dst(%dma_wait3A_152 : memref<16x2048xf32, #tpu.memory_space<hbm>>)
    %add3A_157 = arith.constant 48 : i32
    %add3A_158 = arith.addi %mul3A_2, %add3A_157 : i32
    %dma_start3A_159 = arith.constant 0 : i32
    %dma_start3A_160 = arith.constant 0 : i32
    %dma_start3A_161 = arith.constant 0 : i32
    %dma_start3A_162 = arith.constant 0 : i32
    %dma_start3A_163 = tpu.memref_slice %arg4[%dma_start3A_159, %dma_start3A_161, %dma_start3A_162] : memref<3x16x2048xf32, #tpu.memory_space<vmem>> -> memref<1x16x2048xf32, #tpu.memory_space<vmem>>
    %dma_start3A_164 = tpu.memref_squeeze %dma_start3A_163 : memref<1x16x2048xf32, #tpu.memory_space<vmem>> -> memref<16x2048xf32, #tpu.memory_space<vmem>>
    %dma_start3A_165 = arith.constant 0 : i32
    %dma_start3A_166 = tpu.memref_slice %arg2[%add3A_158, %dma_start3A_165] : memref<8192x2048xf32, #tpu.memory_space<hbm>> -> memref<16x2048xf32, #tpu.memory_space<hbm>>
    %dma_start3A_167 = tpu.memref_slice %arg5[%dma_start3A_160] : memref<3x!tpu.dma_semaphore, #tpu.memory_space<semaphore_mem>> -> memref<1x!tpu.dma_semaphore, #tpu.memory_space<semaphore_mem>>
    %dma_start3A_168 = tpu.memref_squeeze %dma_start3A_167 : memref<1x!tpu.dma_semaphore, #tpu.memory_space<semaphore_mem>> -> memref<!tpu.dma_semaphore, #tpu.memory_space<semaphore_mem>>
    %dma_start3A_169 = arith.constant 0 : i32
    %dma_start3A_170 = arith.constant 0 : i32
    %dma_start3A_171 = tpu.memref_slice %arg4[%dma_start3A_159, %dma_start3A_169, %dma_start3A_170] : memref<3x16x2048xf32, #tpu.memory_space<vmem>> -> memref<1x16x2048xf32, #tpu.memory_space<vmem>>
    %dma_start3A_172 = tpu.memref_squeeze %dma_start3A_171 : memref<1x16x2048xf32, #tpu.memory_space<vmem>> -> memref<16x2048xf32, #tpu.memory_space<vmem>>
    %dma_start3A_173 = arith.constant 0 : i32
    %dma_start3A_174 = tpu.memref_slice %arg2[%add3A_158, %dma_start3A_173] : memref<8192x2048xf32, #tpu.memory_space<hbm>> -> memref<16x2048xf32, #tpu.memory_space<hbm>>
    tpu.enqueue_dma source(%dma_start3A_174 : memref<16x2048xf32, #tpu.memory_space<hbm>>) target(%dma_start3A_172 : memref<16x2048xf32, #tpu.memory_space<vmem>>) target_semaphore(%dma_start3A_168 : memref<!tpu.dma_semaphore, #tpu.memory_space<semaphore_mem>>)
    %add3A_175 = arith.constant 16 : i32
    %add3A_176 = arith.addi %mul3A_2, %add3A_175 : i32
    %dma_wait3A_177 = arith.constant 1 : i32
    %dma_wait3A_178 = arith.constant 1 : i32
    %dma_wait3A_179 = arith.constant 0 : i32
    %dma_wait3A_180 = arith.constant 0 : i32
    %dma_wait3A_181 = tpu.memref_slice %arg4[%dma_wait3A_177, %dma_wait3A_179, %dma_wait3A_180] : memref<3x16x2048xf32, #tpu.memory_space<vmem>> -> memref<1x16x2048xf32, #tpu.memory_space<vmem>>
    %dma_wait3A_182 = tpu.memref_squeeze %dma_wait3A_181 : memref<1x16x2048xf32, #tpu.memory_space<vmem>> -> memref<16x2048xf32, #tpu.memory_space<vmem>>
    %dma_wait3A_183 = arith.constant 0 : i32
    %dma_wait3A_184 = tpu.memref_slice %arg2[%add3A_176, %dma_wait3A_183] : memref<8192x2048xf32, #tpu.memory_space<hbm>> -> memref<16x2048xf32, #tpu.memory_space<hbm>>
    %dma_wait3A_185 = tpu.memref_slice %arg5[%dma_wait3A_178] : memref<3x!tpu.dma_semaphore, #tpu.memory_space<semaphore_mem>> -> memref<1x!tpu.dma_semaphore, #tpu.memory_space<semaphore_mem>>
    %dma_wait3A_186 = tpu.memref_squeeze %dma_wait3A_185 : memref<1x!tpu.dma_semaphore, #tpu.memory_space<semaphore_mem>> -> memref<!tpu.dma_semaphore, #tpu.memory_space<semaphore_mem>>
    %dma_wait3A_187 = arith.constant 0 : i32
    %dma_wait3A_188 = arith.constant 0 : i32
    %dma_wait3A_189 = tpu.memref_slice %arg4[%dma_wait3A_177, %dma_wait3A_187, %dma_wait3A_188] : memref<3x16x2048xf32, #tpu.memory_space<vmem>> -> memref<1x16x2048xf32, #tpu.memory_space<vmem>>
    %dma_wait3A_190 = tpu.memref_squeeze %dma_wait3A_189 : memref<1x16x2048xf32, #tpu.memory_space<vmem>> -> memref<16x2048xf32, #tpu.memory_space<vmem>>
    %dma_wait3A_191 = arith.constant 0 : i32
    %dma_wait3A_192 = tpu.memref_slice %arg2[%add3A_176, %dma_wait3A_191] : memref<8192x2048xf32, #tpu.memory_space<hbm>> -> memref<16x2048xf32, #tpu.memory_space<hbm>>
    tpu.wait_dma2 semaphore(%dma_wait3A_186 : memref<!tpu.dma_semaphore, #tpu.memory_space<semaphore_mem>>) src(%dma_wait3A_192 : memref<16x2048xf32, #tpu.memory_space<hbm>>) dst(%dma_wait3A_190 : memref<16x2048xf32, #tpu.memory_space<vmem>>)
    %add3A_193 = arith.constant 16 : i32
    %add3A_194 = arith.addi %mul3A_2, %add3A_193 : i32
    %dma_start3A_195 = arith.constant 1 : i32
    %dma_start3A_196 = arith.constant 0 : i32
    %dma_start3A_197 = arith.constant 1 : i32
    %dma_start3A_198 = arith.constant 0 : i32
    %dma_start3A_199 = arith.constant 0 : i32
    %dma_start3A_200 = tpu.memref_slice %arg4[%dma_start3A_195, %dma_start3A_198, %dma_start3A_199] : memref<3x16x2048xf32, #tpu.memory_space<vmem>> -> memref<1x16x2048xf32, #tpu.memory_space<vmem>>
    %dma_start3A_201 = tpu.memref_squeeze %dma_start3A_200 : memref<1x16x2048xf32, #tpu.memory_space<vmem>> -> memref<16x2048xf32, #tpu.memory_space<vmem>>
    %dma_start3A_202 = arith.constant 0 : i32
    %dma_start3A_203 = tpu.memref_slice %arg3[%add3A_194, %dma_start3A_196, %dma_start3A_202] : memref<8192x2x2048xf32, #tpu.memory_space<hbm>> -> memref<16x1x2048xf32, #tpu.memory_space<hbm>>
    %dma_start3A_204 = tpu.memref_squeeze %dma_start3A_203 : memref<16x1x2048xf32, #tpu.memory_space<hbm>> -> memref<16x2048xf32, #tpu.memory_space<hbm>>
    %dma_start3A_205 = tpu.memref_slice %arg6[%dma_start3A_197] : memref<3x!tpu.dma_semaphore, #tpu.memory_space<semaphore_mem>> -> memref<1x!tpu.dma_semaphore, #tpu.memory_space<semaphore_mem>>
    %dma_start3A_206 = tpu.memref_squeeze %dma_start3A_205 : memref<1x!tpu.dma_semaphore, #tpu.memory_space<semaphore_mem>> -> memref<!tpu.dma_semaphore, #tpu.memory_space<semaphore_mem>>
    %dma_start3A_207 = arith.constant 0 : i32
    %dma_start3A_208 = tpu.memref_slice %arg3[%add3A_194, %dma_start3A_196, %dma_start3A_207] : memref<8192x2x2048xf32, #tpu.memory_space<hbm>> -> memref<16x1x2048xf32, #tpu.memory_space<hbm>>
    %dma_start3A_209 = tpu.memref_squeeze %dma_start3A_208 : memref<16x1x2048xf32, #tpu.memory_space<hbm>> -> memref<16x2048xf32, #tpu.memory_space<hbm>>
    %dma_start3A_210 = arith.constant 0 : i32
    %dma_start3A_211 = arith.constant 0 : i32
    %dma_start3A_212 = tpu.memref_slice %arg4[%dma_start3A_195, %dma_start3A_210, %dma_start3A_211] : memref<3x16x2048xf32, #tpu.memory_space<vmem>> -> memref<1x16x2048xf32, #tpu.memory_space<vmem>>
    %dma_start3A_213 = tpu.memref_squeeze %dma_start3A_212 : memref<1x16x2048xf32, #tpu.memory_space<vmem>> -> memref<16x2048xf32, #tpu.memory_space<vmem>>
    tpu.enqueue_dma source(%dma_start3A_213 : memref<16x2048xf32, #tpu.memory_space<vmem>>) target(%dma_start3A_209 : memref<16x2048xf32, #tpu.memory_space<hbm>>) target_semaphore(%dma_start3A_206 : memref<!tpu.dma_semaphore, #tpu.memory_space<semaphore_mem>>)
    %add3A_214 = arith.constant 16 : i32
    %add3A_215 = arith.addi %mul3A_2, %add3A_214 : i32
    %dma_start3A_216 = arith.constant 1 : i32
    %dma_start3A_217 = arith.constant 1 : i32
    %dma_start3A_218 = arith.constant 1 : i32
    %dma_start3A_219 = arith.constant 0 : i32
    %dma_start3A_220 = arith.constant 0 : i32
    %dma_start3A_221 = tpu.memref_slice %arg4[%dma_start3A_216, %dma_start3A_219, %dma_start3A_220] : memref<3x16x2048xf32, #tpu.memory_space<vmem>> -> memref<1x16x2048xf32, #tpu.memory_space<vmem>>
    %dma_start3A_222 = tpu.memref_squeeze %dma_start3A_221 : memref<1x16x2048xf32, #tpu.memory_space<vmem>> -> memref<16x2048xf32, #tpu.memory_space<vmem>>
    %dma_start3A_223 = arith.constant 0 : i32
    %dma_start3A_224 = tpu.memref_slice %arg3[%add3A_215, %dma_start3A_217, %dma_start3A_223] : memref<8192x2x2048xf32, #tpu.memory_space<hbm>> -> memref<16x1x2048xf32, #tpu.memory_space<hbm>>
    %dma_start3A_225 = tpu.memref_squeeze %dma_start3A_224 : memref<16x1x2048xf32, #tpu.memory_space<hbm>> -> memref<16x2048xf32, #tpu.memory_space<hbm>>
    %dma_start3A_226 = tpu.memref_slice %arg6[%dma_start3A_218] : memref<3x!tpu.dma_semaphore, #tpu.memory_space<semaphore_mem>> -> memref<1x!tpu.dma_semaphore, #tpu.memory_space<semaphore_mem>>
    %dma_start3A_227 = tpu.memref_squeeze %dma_start3A_226 : memref<1x!tpu.dma_semaphore, #tpu.memory_space<semaphore_mem>> -> memref<!tpu.dma_semaphore, #tpu.memory_space<semaphore_mem>>
    %dma_start3A_228 = arith.constant 0 : i32
    %dma_start3A_229 = tpu.memref_slice %arg3[%add3A_215, %dma_start3A_217, %dma_start3A_228] : memref<8192x2x2048xf32, #tpu.memory_space<hbm>> -> memref<16x1x2048xf32, #tpu.memory_space<hbm>>
    %dma_start3A_230 = tpu.memref_squeeze %dma_start3A_229 : memref<16x1x2048xf32, #tpu.memory_space<hbm>> -> memref<16x2048xf32, #tpu.memory_space<hbm>>
    %dma_start3A_231 = arith.constant 0 : i32
    %dma_start3A_232 = arith.constant 0 : i32
    %dma_start3A_233 = tpu.memref_slice %arg4[%dma_start3A_216, %dma_start3A_231, %dma_start3A_232] : memref<3x16x2048xf32, #tpu.memory_space<vmem>> -> memref<1x16x2048xf32, #tpu.memory_space<vmem>>
    %dma_start3A_234 = tpu.memref_squeeze %dma_start3A_233 : memref<1x16x2048xf32, #tpu.memory_space<vmem>> -> memref<16x2048xf32, #tpu.memory_space<vmem>>
    tpu.enqueue_dma source(%dma_start3A_234 : memref<16x2048xf32, #tpu.memory_space<vmem>>) target(%dma_start3A_230 : memref<16x2048xf32, #tpu.memory_space<hbm>>) target_semaphore(%dma_start3A_227 : memref<!tpu.dma_semaphore, #tpu.memory_space<semaphore_mem>>)
    %add3A_235 = arith.constant 16 : i32
    %add3A_236 = arith.addi %mul3A_2, %add3A_235 : i32
    %dma_wait3A_237 = arith.constant 1 : i32
    %dma_wait3A_238 = arith.constant 0 : i32
    %dma_wait3A_239 = arith.constant 1 : i32
    %dma_wait3A_240 = arith.constant 0 : i32
    %dma_wait3A_241 = arith.constant 0 : i32
    %dma_wait3A_242 = tpu.memref_slice %arg4[%dma_wait3A_237, %dma_wait3A_240, %dma_wait3A_241] : memref<3x16x2048xf32, #tpu.memory_space<vmem>> -> memref<1x16x2048xf32, #tpu.memory_space<vmem>>
    %dma_wait3A_243 = tpu.memref_squeeze %dma_wait3A_242 : memref<1x16x2048xf32, #tpu.memory_space<vmem>> -> memref<16x2048xf32, #tpu.memory_space<vmem>>
    %dma_wait3A_244 = arith.constant 0 : i32
    %dma_wait3A_245 = tpu.memref_slice %arg3[%add3A_236, %dma_wait3A_238, %dma_wait3A_244] : memref<8192x2x2048xf32, #tpu.memory_space<hbm>> -> memref<16x1x2048xf32, #tpu.memory_space<hbm>>
    %dma_wait3A_246 = tpu.memref_squeeze %dma_wait3A_245 : memref<16x1x2048xf32, #tpu.memory_space<hbm>> -> memref<16x2048xf32, #tpu.memory_space<hbm>>
    %dma_wait3A_247 = tpu.memref_slice %arg6[%dma_wait3A_239] : memref<3x!tpu.dma_semaphore, #tpu.memory_space<semaphore_mem>> -> memref<1x!tpu.dma_semaphore, #tpu.memory_space<semaphore_mem>>
    %dma_wait3A_248 = tpu.memref_squeeze %dma_wait3A_247 : memref<1x!tpu.dma_semaphore, #tpu.memory_space<semaphore_mem>> -> memref<!tpu.dma_semaphore, #tpu.memory_space<semaphore_mem>>
    %dma_wait3A_249 = arith.constant 0 : i32
    %dma_wait3A_250 = tpu.memref_slice %arg3[%add3A_236, %dma_wait3A_238, %dma_wait3A_249] : memref<8192x2x2048xf32, #tpu.memory_space<hbm>> -> memref<16x1x2048xf32, #tpu.memory_space<hbm>>
    %dma_wait3A_251 = tpu.memref_squeeze %dma_wait3A_250 : memref<16x1x2048xf32, #tpu.memory_space<hbm>> -> memref<16x2048xf32, #tpu.memory_space<hbm>>
    %dma_wait3A_252 = arith.constant 0 : i32
    %dma_wait3A_253 = arith.constant 0 : i32
    %dma_wait3A_254 = tpu.memref_slice %arg4[%dma_wait3A_237, %dma_wait3A_252, %dma_wait3A_253] : memref<3x16x2048xf32, #tpu.memory_space<vmem>> -> memref<1x16x2048xf32, #tpu.memory_space<vmem>>
    %dma_wait3A_255 = tpu.memref_squeeze %dma_wait3A_254 : memref<1x16x2048xf32, #tpu.memory_space<vmem>> -> memref<16x2048xf32, #tpu.memory_space<vmem>>
    tpu.wait_dma2 semaphore(%dma_wait3A_248 : memref<!tpu.dma_semaphore, #tpu.memory_space<semaphore_mem>>) src(%dma_wait3A_255 : memref<16x2048xf32, #tpu.memory_space<vmem>>) dst(%dma_wait3A_251 : memref<16x2048xf32, #tpu.memory_space<hbm>>)
    %add3A_256 = arith.constant 16 : i32
    %add3A_257 = arith.addi %mul3A_2, %add3A_256 : i32
    %dma_wait3A_258 = arith.constant 1 : i32
    %dma_wait3A_259 = arith.constant 1 : i32
    %dma_wait3A_260 = arith.constant 1 : i32
    %dma_wait3A_261 = arith.constant 0 : i32
    %dma_wait3A_262 = arith.constant 0 : i32
    %dma_wait3A_263 = tpu.memref_slice %arg4[%dma_wait3A_258, %dma_wait3A_261, %dma_wait3A_262] : memref<3x16x2048xf32, #tpu.memory_space<vmem>> -> memref<1x16x2048xf32, #tpu.memory_space<vmem>>
    %dma_wait3A_264 = tpu.memref_squeeze %dma_wait3A_263 : memref<1x16x2048xf32, #tpu.memory_space<vmem>> -> memref<16x2048xf32, #tpu.memory_space<vmem>>
    %dma_wait3A_265 = arith.constant 0 : i32
    %dma_wait3A_266 = tpu.memref_slice %arg3[%add3A_257, %dma_wait3A_259, %dma_wait3A_265] : memref<8192x2x2048xf32, #tpu.memory_space<hbm>> -> memref<16x1x2048xf32, #tpu.memory_space<hbm>>
    %dma_wait3A_267 = tpu.memref_squeeze %dma_wait3A_266 : memref<16x1x2048xf32, #tpu.memory_space<hbm>> -> memref<16x2048xf32, #tpu.memory_space<hbm>>
    %dma_wait3A_268 = tpu.memref_slice %arg6[%dma_wait3A_260] : memref<3x!tpu.dma_semaphore, #tpu.memory_space<semaphore_mem>> -> memref<1x!tpu.dma_semaphore, #tpu.memory_space<semaphore_mem>>
    %dma_wait3A_269 = tpu.memref_squeeze %dma_wait3A_268 : memref<1x!tpu.dma_semaphore, #tpu.memory_space<semaphore_mem>> -> memref<!tpu.dma_semaphore, #tpu.memory_space<semaphore_mem>>
    %dma_wait3A_270 = arith.constant 0 : i32
    %dma_wait3A_271 = tpu.memref_slice %arg3[%add3A_257, %dma_wait3A_259, %dma_wait3A_270] : memref<8192x2x2048xf32, #tpu.memory_space<hbm>> -> memref<16x1x2048xf32, #tpu.memory_space<hbm>>
    %dma_wait3A_272 = tpu.memref_squeeze %dma_wait3A_271 : memref<16x1x2048xf32, #tpu.memory_space<hbm>> -> memref<16x2048xf32, #tpu.memory_space<hbm>>
    %dma_wait3A_273 = arith.constant 0 : i32
    %dma_wait3A_274 = arith.constant 0 : i32
    %dma_wait3A_275 = tpu.memref_slice %arg4[%dma_wait3A_258, %dma_wait3A_273, %dma_wait3A_274] : memref<3x16x2048xf32, #tpu.memory_space<vmem>> -> memref<1x16x2048xf32, #tpu.memory_space<vmem>>
    %dma_wait3A_276 = tpu.memref_squeeze %dma_wait3A_275 : memref<1x16x2048xf32, #tpu.memory_space<vmem>> -> memref<16x2048xf32, #tpu.memory_space<vmem>>
    tpu.wait_dma2 semaphore(%dma_wait3A_269 : memref<!tpu.dma_semaphore, #tpu.memory_space<semaphore_mem>>) src(%dma_wait3A_276 : memref<16x2048xf32, #tpu.memory_space<vmem>>) dst(%dma_wait3A_272 : memref<16x2048xf32, #tpu.memory_space<hbm>>)
    %add3A_277 = arith.constant 64 : i32
    %add3A_278 = arith.addi %mul3A_2, %add3A_277 : i32
    %dma_start3A_279 = arith.constant 1 : i32
    %dma_start3A_280 = arith.constant 1 : i32
    %dma_start3A_281 = arith.constant 0 : i32
    %dma_start3A_282 = arith.constant 0 : i32
    %dma_start3A_283 = tpu.memref_slice %arg4[%dma_start3A_279, %dma_start3A_281, %dma_start3A_282] : memref<3x16x2048xf32, #tpu.memory_space<vmem>> -> memref<1x16x2048xf32, #tpu.memory_space<vmem>>
    %dma_start3A_284 = tpu.memref_squeeze %dma_start3A_283 : memref<1x16x2048xf32, #tpu.memory_space<vmem>> -> memref<16x2048xf32, #tpu.memory_space<vmem>>
    %dma_start3A_285 = arith.constant 0 : i32
    %dma_start3A_286 = tpu.memref_slice %arg2[%add3A_278, %dma_start3A_285] : memref<8192x2048xf32, #tpu.memory_space<hbm>> -> memref<16x2048xf32, #tpu.memory_space<hbm>>
    %dma_start3A_287 = tpu.memref_slice %arg5[%dma_start3A_280] : memref<3x!tpu.dma_semaphore, #tpu.memory_space<semaphore_mem>> -> memref<1x!tpu.dma_semaphore, #tpu.memory_space<semaphore_mem>>
    %dma_start3A_288 = tpu.memref_squeeze %dma_start3A_287 : memref<1x!tpu.dma_semaphore, #tpu.memory_space<semaphore_mem>> -> memref<!tpu.dma_semaphore, #tpu.memory_space<semaphore_mem>>
    %dma_start3A_289 = arith.constant 0 : i32
    %dma_start3A_290 = arith.constant 0 : i32
    %dma_start3A_291 = tpu.memref_slice %arg4[%dma_start3A_279, %dma_start3A_289, %dma_start3A_290] : memref<3x16x2048xf32, #tpu.memory_space<vmem>> -> memref<1x16x2048xf32, #tpu.memory_space<vmem>>
    %dma_start3A_292 = tpu.memref_squeeze %dma_start3A_291 : memref<1x16x2048xf32, #tpu.memory_space<vmem>> -> memref<16x2048xf32, #tpu.memory_space<vmem>>
    %dma_start3A_293 = arith.constant 0 : i32
    %dma_start3A_294 = tpu.memref_slice %arg2[%add3A_278, %dma_start3A_293] : memref<8192x2048xf32, #tpu.memory_space<hbm>> -> memref<16x2048xf32, #tpu.memory_space<hbm>>
    tpu.enqueue_dma source(%dma_start3A_294 : memref<16x2048xf32, #tpu.memory_space<hbm>>) target(%dma_start3A_292 : memref<16x2048xf32, #tpu.memory_space<vmem>>) target_semaphore(%dma_start3A_288 : memref<!tpu.dma_semaphore, #tpu.memory_space<semaphore_mem>>)
    %add3A_295 = arith.constant 32 : i32
    %add3A_296 = arith.addi %mul3A_2, %add3A_295 : i32
    %dma_wait3A_297 = arith.constant 2 : i32
    %dma_wait3A_298 = arith.constant 2 : i32
    %dma_wait3A_299 = arith.constant 0 : i32
    %dma_wait3A_300 = arith.constant 0 : i32
    %dma_wait3A_301 = tpu.memref_slice %arg4[%dma_wait3A_297, %dma_wait3A_299, %dma_wait3A_300] : memref<3x16x2048xf32, #tpu.memory_space<vmem>> -> memref<1x16x2048xf32, #tpu.memory_space<vmem>>
    %dma_wait3A_302 = tpu.memref_squeeze %dma_wait3A_301 : memref<1x16x2048xf32, #tpu.memory_space<vmem>> -> memref<16x2048xf32, #tpu.memory_space<vmem>>
    %dma_wait3A_303 = arith.constant 0 : i32
    %dma_wait3A_304 = tpu.memref_slice %arg2[%add3A_296, %dma_wait3A_303] : memref<8192x2048xf32, #tpu.memory_space<hbm>> -> memref<16x2048xf32, #tpu.memory_space<hbm>>
    %dma_wait3A_305 = tpu.memref_slice %arg5[%dma_wait3A_298] : memref<3x!tpu.dma_semaphore, #tpu.memory_space<semaphore_mem>> -> memref<1x!tpu.dma_semaphore, #tpu.memory_space<semaphore_mem>>
    %dma_wait3A_306 = tpu.memref_squeeze %dma_wait3A_305 : memref<1x!tpu.dma_semaphore, #tpu.memory_space<semaphore_mem>> -> memref<!tpu.dma_semaphore, #tpu.memory_space<semaphore_mem>>
    %dma_wait3A_307 = arith.constant 0 : i32
    %dma_wait3A_308 = arith.constant 0 : i32
    %dma_wait3A_309 = tpu.memref_slice %arg4[%dma_wait3A_297, %dma_wait3A_307, %dma_wait3A_308] : memref<3x16x2048xf32, #tpu.memory_space<vmem>> -> memref<1x16x2048xf32, #tpu.memory_space<vmem>>
    %dma_wait3A_310 = tpu.memref_squeeze %dma_wait3A_309 : memref<1x16x2048xf32, #tpu.memory_space<vmem>> -> memref<16x2048xf32, #tpu.memory_space<vmem>>
    %dma_wait3A_311 = arith.constant 0 : i32
    %dma_wait3A_312 = tpu.memref_slice %arg2[%add3A_296, %dma_wait3A_311] : memref<8192x2048xf32, #tpu.memory_space<hbm>> -> memref<16x2048xf32, #tpu.memory_space<hbm>>
    tpu.wait_dma2 semaphore(%dma_wait3A_306 : memref<!tpu.dma_semaphore, #tpu.memory_space<semaphore_mem>>) src(%dma_wait3A_312 : memref<16x2048xf32, #tpu.memory_space<hbm>>) dst(%dma_wait3A_310 : memref<16x2048xf32, #tpu.memory_space<vmem>>)
    %add3A_313 = arith.constant 32 : i32
    %add3A_314 = arith.addi %mul3A_2, %add3A_313 : i32
    %dma_start3A_315 = arith.constant 2 : i32
    %dma_start3A_316 = arith.constant 0 : i32
    %dma_start3A_317 = arith.constant 2 : i32
    %dma_start3A_318 = arith.constant 0 : i32
    %dma_start3A_319 = arith.constant 0 : i32
    %dma_start3A_320 = tpu.memref_slice %arg4[%dma_start3A_315, %dma_start3A_318, %dma_start3A_319] : memref<3x16x2048xf32, #tpu.memory_space<vmem>> -> memref<1x16x2048xf32, #tpu.memory_space<vmem>>
    %dma_start3A_321 = tpu.memref_squeeze %dma_start3A_320 : memref<1x16x2048xf32, #tpu.memory_space<vmem>> -> memref<16x2048xf32, #tpu.memory_space<vmem>>
    %dma_start3A_322 = arith.constant 0 : i32
    %dma_start3A_323 = tpu.memref_slice %arg3[%add3A_314, %dma_start3A_316, %dma_start3A_322] : memref<8192x2x2048xf32, #tpu.memory_space<hbm>> -> memref<16x1x2048xf32, #tpu.memory_space<hbm>>
    %dma_start3A_324 = tpu.memref_squeeze %dma_start3A_323 : memref<16x1x2048xf32, #tpu.memory_space<hbm>> -> memref<16x2048xf32, #tpu.memory_space<hbm>>
    %dma_start3A_325 = tpu.memref_slice %arg6[%dma_start3A_317] : memref<3x!tpu.dma_semaphore, #tpu.memory_space<semaphore_mem>> -> memref<1x!tpu.dma_semaphore, #tpu.memory_space<semaphore_mem>>
    %dma_start3A_326 = tpu.memref_squeeze %dma_start3A_325 : memref<1x!tpu.dma_semaphore, #tpu.memory_space<semaphore_mem>> -> memref<!tpu.dma_semaphore, #tpu.memory_space<semaphore_mem>>
    %dma_start3A_327 = arith.constant 0 : i32
    %dma_start3A_328 = tpu.memref_slice %arg3[%add3A_314, %dma_start3A_316, %dma_start3A_327] : memref<8192x2x2048xf32, #tpu.memory_space<hbm>> -> memref<16x1x2048xf32, #tpu.memory_space<hbm>>
    %dma_start3A_329 = tpu.memref_squeeze %dma_start3A_328 : memref<16x1x2048xf32, #tpu.memory_space<hbm>> -> memref<16x2048xf32, #tpu.memory_space<hbm>>
    %dma_start3A_330 = arith.constant 0 : i32
    %dma_start3A_331 = arith.constant 0 : i32
    %dma_start3A_332 = tpu.memref_slice %arg4[%dma_start3A_315, %dma_start3A_330, %dma_start3A_331] : memref<3x16x2048xf32, #tpu.memory_space<vmem>> -> memref<1x16x2048xf32, #tpu.memory_space<vmem>>
    %dma_start3A_333 = tpu.memref_squeeze %dma_start3A_332 : memref<1x16x2048xf32, #tpu.memory_space<vmem>> -> memref<16x2048xf32, #tpu.memory_space<vmem>>
    tpu.enqueue_dma source(%dma_start3A_333 : memref<16x2048xf32, #tpu.memory_space<vmem>>) target(%dma_start3A_329 : memref<16x2048xf32, #tpu.memory_space<hbm>>) target_semaphore(%dma_start3A_326 : memref<!tpu.dma_semaphore, #tpu.memory_space<semaphore_mem>>)
    %add3A_334 = arith.constant 32 : i32
    %add3A_335 = arith.addi %mul3A_2, %add3A_334 : i32
    %dma_start3A_336 = arith.constant 2 : i32
    %dma_start3A_337 = arith.constant 1 : i32
    %dma_start3A_338 = arith.constant 2 : i32
    %dma_start3A_339 = arith.constant 0 : i32
    %dma_start3A_340 = arith.constant 0 : i32
    %dma_start3A_341 = tpu.memref_slice %arg4[%dma_start3A_336, %dma_start3A_339, %dma_start3A_340] : memref<3x16x2048xf32, #tpu.memory_space<vmem>> -> memref<1x16x2048xf32, #tpu.memory_space<vmem>>
    %dma_start3A_342 = tpu.memref_squeeze %dma_start3A_341 : memref<1x16x2048xf32, #tpu.memory_space<vmem>> -> memref<16x2048xf32, #tpu.memory_space<vmem>>
    %dma_start3A_343 = arith.constant 0 : i32
    %dma_start3A_344 = tpu.memref_slice %arg3[%add3A_335, %dma_start3A_337, %dma_start3A_343] : memref<8192x2x2048xf32, #tpu.memory_space<hbm>> -> memref<16x1x2048xf32, #tpu.memory_space<hbm>>
    %dma_start3A_345 = tpu.memref_squeeze %dma_start3A_344 : memref<16x1x2048xf32, #tpu.memory_space<hbm>> -> memref<16x2048xf32, #tpu.memory_space<hbm>>
    %dma_start3A_346 = tpu.memref_slice %arg6[%dma_start3A_338] : memref<3x!tpu.dma_semaphore, #tpu.memory_space<semaphore_mem>> -> memref<1x!tpu.dma_semaphore, #tpu.memory_space<semaphore_mem>>
    %dma_start3A_347 = tpu.memref_squeeze %dma_start3A_346 : memref<1x!tpu.dma_semaphore, #tpu.memory_space<semaphore_mem>> -> memref<!tpu.dma_semaphore, #tpu.memory_space<semaphore_mem>>
    %dma_start3A_348 = arith.constant 0 : i32
    %dma_start3A_349 = tpu.memref_slice %arg3[%add3A_335, %dma_start3A_337, %dma_start3A_348] : memref<8192x2x2048xf32, #tpu.memory_space<hbm>> -> memref<16x1x2048xf32, #tpu.memory_space<hbm>>
    %dma_start3A_350 = tpu.memref_squeeze %dma_start3A_349 : memref<16x1x2048xf32, #tpu.memory_space<hbm>> -> memref<16x2048xf32, #tpu.memory_space<hbm>>
    %dma_start3A_351 = arith.constant 0 : i32
    %dma_start3A_352 = arith.constant 0 : i32
    %dma_start3A_353 = tpu.memref_slice %arg4[%dma_start3A_336, %dma_start3A_351, %dma_start3A_352] : memref<3x16x2048xf32, #tpu.memory_space<vmem>> -> memref<1x16x2048xf32, #tpu.memory_space<vmem>>
    %dma_start3A_354 = tpu.memref_squeeze %dma_start3A_353 : memref<1x16x2048xf32, #tpu.memory_space<vmem>> -> memref<16x2048xf32, #tpu.memory_space<vmem>>
    tpu.enqueue_dma source(%dma_start3A_354 : memref<16x2048xf32, #tpu.memory_space<vmem>>) target(%dma_start3A_350 : memref<16x2048xf32, #tpu.memory_space<hbm>>) target_semaphore(%dma_start3A_347 : memref<!tpu.dma_semaphore, #tpu.memory_space<semaphore_mem>>)
    %add3A_355 = arith.constant 32 : i32
    %add3A_356 = arith.addi %mul3A_2, %add3A_355 : i32
    %dma_wait3A_357 = arith.constant 2 : i32
    %dma_wait3A_358 = arith.constant 0 : i32
    %dma_wait3A_359 = arith.constant 2 : i32
    %dma_wait3A_360 = arith.constant 0 : i32
    %dma_wait3A_361 = arith.constant 0 : i32
    %dma_wait3A_362 = tpu.memref_slice %arg4[%dma_wait3A_357, %dma_wait3A_360, %dma_wait3A_361] : memref<3x16x2048xf32, #tpu.memory_space<vmem>> -> memref<1x16x2048xf32, #tpu.memory_space<vmem>>
    %dma_wait3A_363 = tpu.memref_squeeze %dma_wait3A_362 : memref<1x16x2048xf32, #tpu.memory_space<vmem>> -> memref<16x2048xf32, #tpu.memory_space<vmem>>
    %dma_wait3A_364 = arith.constant 0 : i32
    %dma_wait3A_365 = tpu.memref_slice %arg3[%add3A_356, %dma_wait3A_358, %dma_wait3A_364] : memref<8192x2x2048xf32, #tpu.memory_space<hbm>> -> memref<16x1x2048xf32, #tpu.memory_space<hbm>>
    %dma_wait3A_366 = tpu.memref_squeeze %dma_wait3A_365 : memref<16x1x2048xf32, #tpu.memory_space<hbm>> -> memref<16x2048xf32, #tpu.memory_space<hbm>>
    %dma_wait3A_367 = tpu.memref_slice %arg6[%dma_wait3A_359] : memref<3x!tpu.dma_semaphore, #tpu.memory_space<semaphore_mem>> -> memref<1x!tpu.dma_semaphore, #tpu.memory_space<semaphore_mem>>
    %dma_wait3A_368 = tpu.memref_squeeze %dma_wait3A_367 : memref<1x!tpu.dma_semaphore, #tpu.memory_space<semaphore_mem>> -> memref<!tpu.dma_semaphore, #tpu.memory_space<semaphore_mem>>
    %dma_wait3A_369 = arith.constant 0 : i32
    %dma_wait3A_370 = tpu.memref_slice %arg3[%add3A_356, %dma_wait3A_358, %dma_wait3A_369] : memref<8192x2x2048xf32, #tpu.memory_space<hbm>> -> memref<16x1x2048xf32, #tpu.memory_space<hbm>>
    %dma_wait3A_371 = tpu.memref_squeeze %dma_wait3A_370 : memref<16x1x2048xf32, #tpu.memory_space<hbm>> -> memref<16x2048xf32, #tpu.memory_space<hbm>>
    %dma_wait3A_372 = arith.constant 0 : i32
    %dma_wait3A_373 = arith.constant 0 : i32
    %dma_wait3A_374 = tpu.memref_slice %arg4[%dma_wait3A_357, %dma_wait3A_372, %dma_wait3A_373] : memref<3x16x2048xf32, #tpu.memory_space<vmem>> -> memref<1x16x2048xf32, #tpu.memory_space<vmem>>
    %dma_wait3A_375 = tpu.memref_squeeze %dma_wait3A_374 : memref<1x16x2048xf32, #tpu.memory_space<vmem>> -> memref<16x2048xf32, #tpu.memory_space<vmem>>
    tpu.wait_dma2 semaphore(%dma_wait3A_368 : memref<!tpu.dma_semaphore, #tpu.memory_space<semaphore_mem>>) src(%dma_wait3A_375 : memref<16x2048xf32, #tpu.memory_space<vmem>>) dst(%dma_wait3A_371 : memref<16x2048xf32, #tpu.memory_space<hbm>>)
    %add3A_376 = arith.constant 32 : i32
    %add3A_377 = arith.addi %mul3A_2, %add3A_376 : i32
    %dma_wait3A_378 = arith.constant 2 : i32
    %dma_wait3A_379 = arith.constant 1 : i32
    %dma_wait3A_380 = arith.constant 2 : i32
    %dma_wait3A_381 = arith.constant 0 : i32
    %dma_wait3A_382 = arith.constant 0 : i32
    %dma_wait3A_383 = tpu.memref_slice %arg4[%dma_wait3A_378, %dma_wait3A_381, %dma_wait3A_382] : memref<3x16x2048xf32, #tpu.memory_space<vmem>> -> memref<1x16x2048xf32, #tpu.memory_space<vmem>>
    %dma_wait3A_384 = tpu.memref_squeeze %dma_wait3A_383 : memref<1x16x2048xf32, #tpu.memory_space<vmem>> -> memref<16x2048xf32, #tpu.memory_space<vmem>>
    %dma_wait3A_385 = arith.constant 0 : i32
    %dma_wait3A_386 = tpu.memref_slice %arg3[%add3A_377, %dma_wait3A_379, %dma_wait3A_385] : memref<8192x2x2048xf32, #tpu.memory_space<hbm>> -> memref<16x1x2048xf32, #tpu.memory_space<hbm>>
    %dma_wait3A_387 = tpu.memref_squeeze %dma_wait3A_386 : memref<16x1x2048xf32, #tpu.memory_space<hbm>> -> memref<16x2048xf32, #tpu.memory_space<hbm>>
    %dma_wait3A_388 = tpu.memref_slice %arg6[%dma_wait3A_380] : memref<3x!tpu.dma_semaphore, #tpu.memory_space<semaphore_mem>> -> memref<1x!tpu.dma_semaphore, #tpu.memory_space<semaphore_mem>>
    %dma_wait3A_389 = tpu.memref_squeeze %dma_wait3A_388 : memref<1x!tpu.dma_semaphore, #tpu.memory_space<semaphore_mem>> -> memref<!tpu.dma_semaphore, #tpu.memory_space<semaphore_mem>>
    %dma_wait3A_390 = arith.constant 0 : i32
    %dma_wait3A_391 = tpu.memref_slice %arg3[%add3A_377, %dma_wait3A_379, %dma_wait3A_390] : memref<8192x2x2048xf32, #tpu.memory_space<hbm>> -> memref<16x1x2048xf32, #tpu.memory_space<hbm>>
    %dma_wait3A_392 = tpu.memref_squeeze %dma_wait3A_391 : memref<16x1x2048xf32, #tpu.memory_space<hbm>> -> memref<16x2048xf32, #tpu.memory_space<hbm>>
    %dma_wait3A_393 = arith.constant 0 : i32
    %dma_wait3A_394 = arith.constant 0 : i32
    %dma_wait3A_395 = tpu.memref_slice %arg4[%dma_wait3A_378, %dma_wait3A_393, %dma_wait3A_394] : memref<3x16x2048xf32, #tpu.memory_space<vmem>> -> memref<1x16x2048xf32, #tpu.memory_space<vmem>>
    %dma_wait3A_396 = tpu.memref_squeeze %dma_wait3A_395 : memref<1x16x2048xf32, #tpu.memory_space<vmem>> -> memref<16x2048xf32, #tpu.memory_space<vmem>>
    tpu.wait_dma2 semaphore(%dma_wait3A_389 : memref<!tpu.dma_semaphore, #tpu.memory_space<semaphore_mem>>) src(%dma_wait3A_396 : memref<16x2048xf32, #tpu.memory_space<vmem>>) dst(%dma_wait3A_392 : memref<16x2048xf32, #tpu.memory_space<hbm>>)
    %add3A_397 = arith.constant 80 : i32
    %add3A_398 = arith.addi %mul3A_2, %add3A_397 : i32
    %dma_start3A_399 = arith.constant 2 : i32
    %dma_start3A_400 = arith.constant 2 : i32
    %dma_start3A_401 = arith.constant 0 : i32
    %dma_start3A_402 = arith.constant 0 : i32
    %dma_start3A_403 = tpu.memref_slice %arg4[%dma_start3A_399, %dma_start3A_401, %dma_start3A_402] : memref<3x16x2048xf32, #tpu.memory_space<vmem>> -> memref<1x16x2048xf32, #tpu.memory_space<vmem>>
    %dma_start3A_404 = tpu.memref_squeeze %dma_start3A_403 : memref<1x16x2048xf32, #tpu.memory_space<vmem>> -> memref<16x2048xf32, #tpu.memory_space<vmem>>
    %dma_start3A_405 = arith.constant 0 : i32
    %dma_start3A_406 = tpu.memref_slice %arg2[%add3A_398, %dma_start3A_405] : memref<8192x2048xf32, #tpu.memory_space<hbm>> -> memref<16x2048xf32, #tpu.memory_space<hbm>>
    %dma_start3A_407 = tpu.memref_slice %arg5[%dma_start3A_400] : memref<3x!tpu.dma_semaphore, #tpu.memory_space<semaphore_mem>> -> memref<1x!tpu.dma_semaphore, #tpu.memory_space<semaphore_mem>>
    %dma_start3A_408 = tpu.memref_squeeze %dma_start3A_407 : memref<1x!tpu.dma_semaphore, #tpu.memory_space<semaphore_mem>> -> memref<!tpu.dma_semaphore, #tpu.memory_space<semaphore_mem>>
    %dma_start3A_409 = arith.constant 0 : i32
    %dma_start3A_410 = arith.constant 0 : i32
    %dma_start3A_411 = tpu.memref_slice %arg4[%dma_start3A_399, %dma_start3A_409, %dma_start3A_410] : memref<3x16x2048xf32, #tpu.memory_space<vmem>> -> memref<1x16x2048xf32, #tpu.memory_space<vmem>>
    %dma_start3A_412 = tpu.memref_squeeze %dma_start3A_411 : memref<1x16x2048xf32, #tpu.memory_space<vmem>> -> memref<16x2048xf32, #tpu.memory_space<vmem>>
    %dma_start3A_413 = arith.constant 0 : i32
    %dma_start3A_414 = tpu.memref_slice %arg2[%add3A_398, %dma_start3A_413] : memref<8192x2048xf32, #tpu.memory_space<hbm>> -> memref<16x2048xf32, #tpu.memory_space<hbm>>
    tpu.enqueue_dma source(%dma_start3A_414 : memref<16x2048xf32, #tpu.memory_space<hbm>>) target(%dma_start3A_412 : memref<16x2048xf32, #tpu.memory_space<vmem>>) target_semaphore(%dma_start3A_408 : memref<!tpu.dma_semaphore, #tpu.memory_space<semaphore_mem>>)
    %add3A_415 = arith.constant 48 : i32
    %add3A_416 = arith.addi %mul3A_2, %add3A_415 : i32
    %dma_wait3A_417 = arith.constant 0 : i32
    %dma_wait3A_418 = arith.constant 0 : i32
    %dma_wait3A_419 = arith.constant 0 : i32
    %dma_wait3A_420 = arith.constant 0 : i32
    %dma_wait3A_421 = tpu.memref_slice %arg4[%dma_wait3A_417, %dma_wait3A_419, %dma_wait3A_420] : memref<3x16x2048xf32, #tpu.memory_space<vmem>> -> memref<1x16x2048xf32, #tpu.memory_space<vmem>>
    %dma_wait3A_422 = tpu.memref_squeeze %dma_wait3A_421 : memref<1x16x2048xf32, #tpu.memory_space<vmem>> -> memref<16x2048xf32, #tpu.memory_space<vmem>>
    %dma_wait3A_423 = arith.constant 0 : i32
    %dma_wait3A_424 = tpu.memref_slice %arg2[%add3A_416, %dma_wait3A_423] : memref<8192x2048xf32, #tpu.memory_space<hbm>> -> memref<16x2048xf32, #tpu.memory_space<hbm>>
    %dma_wait3A_425 = tpu.memref_slice %arg5[%dma_wait3A_418] : memref<3x!tpu.dma_semaphore, #tpu.memory_space<semaphore_mem>> -> memref<1x!tpu.dma_semaphore, #tpu.memory_space<semaphore_mem>>
    %dma_wait3A_426 = tpu.memref_squeeze %dma_wait3A_425 : memref<1x!tpu.dma_semaphore, #tpu.memory_space<semaphore_mem>> -> memref<!tpu.dma_semaphore, #tpu.memory_space<semaphore_mem>>
    %dma_wait3A_427 = arith.constant 0 : i32
    %dma_wait3A_428 = arith.constant 0 : i32
    %dma_wait3A_429 = tpu.memref_slice %arg4[%dma_wait3A_417, %dma_wait3A_427, %dma_wait3A_428] : memref<3x16x2048xf32, #tpu.memory_space<vmem>> -> memref<1x16x2048xf32, #tpu.memory_space<vmem>>
    %dma_wait3A_430 = tpu.memref_squeeze %dma_wait3A_429 : memref<1x16x2048xf32, #tpu.memory_space<vmem>> -> memref<16x2048xf32, #tpu.memory_space<vmem>>
    %dma_wait3A_431 = arith.constant 0 : i32
    %dma_wait3A_432 = tpu.memref_slice %arg2[%add3A_416, %dma_wait3A_431] : memref<8192x2048xf32, #tpu.memory_space<hbm>> -> memref<16x2048xf32, #tpu.memory_space<hbm>>
    tpu.wait_dma2 semaphore(%dma_wait3A_426 : memref<!tpu.dma_semaphore, #tpu.memory_space<semaphore_mem>>) src(%dma_wait3A_432 : memref<16x2048xf32, #tpu.memory_space<hbm>>) dst(%dma_wait3A_430 : memref<16x2048xf32, #tpu.memory_space<vmem>>)
    %add3A_433 = arith.constant 48 : i32
    %add3A_434 = arith.addi %mul3A_2, %add3A_433 : i32
    %dma_start3A_435 = arith.constant 0 : i32
    %dma_start3A_436 = arith.constant 0 : i32
    %dma_start3A_437 = arith.constant 0 : i32
    %dma_start3A_438 = arith.constant 0 : i32
    %dma_start3A_439 = arith.constant 0 : i32
    %dma_start3A_440 = tpu.memref_slice %arg4[%dma_start3A_435, %dma_start3A_438, %dma_start3A_439] : memref<3x16x2048xf32, #tpu.memory_space<vmem>> -> memref<1x16x2048xf32, #tpu.memory_space<vmem>>
    %dma_start3A_441 = tpu.memref_squeeze %dma_start3A_440 : memref<1x16x2048xf32, #tpu.memory_space<vmem>> -> memref<16x2048xf32, #tpu.memory_space<vmem>>
    %dma_start3A_442 = arith.constant 0 : i32
    %dma_start3A_443 = tpu.memref_slice %arg3[%add3A_434, %dma_start3A_436, %dma_start3A_442] : memref<8192x2x2048xf32, #tpu.memory_space<hbm>> -> memref<16x1x2048xf32, #tpu.memory_space<hbm>>
    %dma_start3A_444 = tpu.memref_squeeze %dma_start3A_443 : memref<16x1x2048xf32, #tpu.memory_space<hbm>> -> memref<16x2048xf32, #tpu.memory_space<hbm>>
    %dma_start3A_445 = tpu.memref_slice %arg6[%dma_start3A_437] : memref<3x!tpu.dma_semaphore, #tpu.memory_space<semaphore_mem>> -> memref<1x!tpu.dma_semaphore, #tpu.memory_space<semaphore_mem>>
    %dma_start3A_446 = tpu.memref_squeeze %dma_start3A_445 : memref<1x!tpu.dma_semaphore, #tpu.memory_space<semaphore_mem>> -> memref<!tpu.dma_semaphore, #tpu.memory_space<semaphore_mem>>
    %dma_start3A_447 = arith.constant 0 : i32
    %dma_start3A_448 = tpu.memref_slice %arg3[%add3A_434, %dma_start3A_436, %dma_start3A_447] : memref<8192x2x2048xf32, #tpu.memory_space<hbm>> -> memref<16x1x2048xf32, #tpu.memory_space<hbm>>
    %dma_start3A_449 = tpu.memref_squeeze %dma_start3A_448 : memref<16x1x2048xf32, #tpu.memory_space<hbm>> -> memref<16x2048xf32, #tpu.memory_space<hbm>>
    %dma_start3A_450 = arith.constant 0 : i32
    %dma_start3A_451 = arith.constant 0 : i32
    %dma_start3A_452 = tpu.memref_slice %arg4[%dma_start3A_435, %dma_start3A_450, %dma_start3A_451] : memref<3x16x2048xf32, #tpu.memory_space<vmem>> -> memref<1x16x2048xf32, #tpu.memory_space<vmem>>
    %dma_start3A_453 = tpu.memref_squeeze %dma_start3A_452 : memref<1x16x2048xf32, #tpu.memory_space<vmem>> -> memref<16x2048xf32, #tpu.memory_space<vmem>>
    tpu.enqueue_dma source(%dma_start3A_453 : memref<16x2048xf32, #tpu.memory_space<vmem>>) target(%dma_start3A_449 : memref<16x2048xf32, #tpu.memory_space<hbm>>) target_semaphore(%dma_start3A_446 : memref<!tpu.dma_semaphore, #tpu.memory_space<semaphore_mem>>)
    %add3A_454 = arith.constant 48 : i32
    %add3A_455 = arith.addi %mul3A_2, %add3A_454 : i32
    %dma_start3A_456 = arith.constant 0 : i32
    %dma_start3A_457 = arith.constant 1 : i32
    %dma_start3A_458 = arith.constant 0 : i32
    %dma_start3A_459 = arith.constant 0 : i32
    %dma_start3A_460 = arith.constant 0 : i32
    %dma_start3A_461 = tpu.memref_slice %arg4[%dma_start3A_456, %dma_start3A_459, %dma_start3A_460] : memref<3x16x2048xf32, #tpu.memory_space<vmem>> -> memref<1x16x2048xf32, #tpu.memory_space<vmem>>
    %dma_start3A_462 = tpu.memref_squeeze %dma_start3A_461 : memref<1x16x2048xf32, #tpu.memory_space<vmem>> -> memref<16x2048xf32, #tpu.memory_space<vmem>>
    %dma_start3A_463 = arith.constant 0 : i32
    %dma_start3A_464 = tpu.memref_slice %arg3[%add3A_455, %dma_start3A_457, %dma_start3A_463] : memref<8192x2x2048xf32, #tpu.memory_space<hbm>> -> memref<16x1x2048xf32, #tpu.memory_space<hbm>>
    %dma_start3A_465 = tpu.memref_squeeze %dma_start3A_464 : memref<16x1x2048xf32, #tpu.memory_space<hbm>> -> memref<16x2048xf32, #tpu.memory_space<hbm>>
    %dma_start3A_466 = tpu.memref_slice %arg6[%dma_start3A_458] : memref<3x!tpu.dma_semaphore, #tpu.memory_space<semaphore_mem>> -> memref<1x!tpu.dma_semaphore, #tpu.memory_space<semaphore_mem>>
    %dma_start3A_467 = tpu.memref_squeeze %dma_start3A_466 : memref<1x!tpu.dma_semaphore, #tpu.memory_space<semaphore_mem>> -> memref<!tpu.dma_semaphore, #tpu.memory_space<semaphore_mem>>
    %dma_start3A_468 = arith.constant 0 : i32
    %dma_start3A_469 = tpu.memref_slice %arg3[%add3A_455, %dma_start3A_457, %dma_start3A_468] : memref<8192x2x2048xf32, #tpu.memory_space<hbm>> -> memref<16x1x2048xf32, #tpu.memory_space<hbm>>
    %dma_start3A_470 = tpu.memref_squeeze %dma_start3A_469 : memref<16x1x2048xf32, #tpu.memory_space<hbm>> -> memref<16x2048xf32, #tpu.memory_space<hbm>>
    %dma_start3A_471 = arith.constant 0 : i32
    %dma_start3A_472 = arith.constant 0 : i32
    %dma_start3A_473 = tpu.memref_slice %arg4[%dma_start3A_456, %dma_start3A_471, %dma_start3A_472] : memref<3x16x2048xf32, #tpu.memory_space<vmem>> -> memref<1x16x2048xf32, #tpu.memory_space<vmem>>
    %dma_start3A_474 = tpu.memref_squeeze %dma_start3A_473 : memref<1x16x2048xf32, #tpu.memory_space<vmem>> -> memref<16x2048xf32, #tpu.memory_space<vmem>>
    tpu.enqueue_dma source(%dma_start3A_474 : memref<16x2048xf32, #tpu.memory_space<vmem>>) target(%dma_start3A_470 : memref<16x2048xf32, #tpu.memory_space<hbm>>) target_semaphore(%dma_start3A_467 : memref<!tpu.dma_semaphore, #tpu.memory_space<semaphore_mem>>)
    %add3A_475 = arith.constant 48 : i32
    %add3A_476 = arith.addi %mul3A_2, %add3A_475 : i32
    %dma_wait3A_477 = arith.constant 0 : i32
    %dma_wait3A_478 = arith.constant 0 : i32
    %dma_wait3A_479 = arith.constant 0 : i32
    %dma_wait3A_480 = arith.constant 0 : i32
    %dma_wait3A_481 = arith.constant 0 : i32
    %dma_wait3A_482 = tpu.memref_slice %arg4[%dma_wait3A_477, %dma_wait3A_480, %dma_wait3A_481] : memref<3x16x2048xf32, #tpu.memory_space<vmem>> -> memref<1x16x2048xf32, #tpu.memory_space<vmem>>
    %dma_wait3A_483 = tpu.memref_squeeze %dma_wait3A_482 : memref<1x16x2048xf32, #tpu.memory_space<vmem>> -> memref<16x2048xf32, #tpu.memory_space<vmem>>
    %dma_wait3A_484 = arith.constant 0 : i32
    %dma_wait3A_485 = tpu.memref_slice %arg3[%add3A_476, %dma_wait3A_478, %dma_wait3A_484] : memref<8192x2x2048xf32, #tpu.memory_space<hbm>> -> memref<16x1x2048xf32, #tpu.memory_space<hbm>>
    %dma_wait3A_486 = tpu.memref_squeeze %dma_wait3A_485 : memref<16x1x2048xf32, #tpu.memory_space<hbm>> -> memref<16x2048xf32, #tpu.memory_space<hbm>>
    %dma_wait3A_487 = tpu.memref_slice %arg6[%dma_wait3A_479] : memref<3x!tpu.dma_semaphore, #tpu.memory_space<semaphore_mem>> -> memref<1x!tpu.dma_semaphore, #tpu.memory_space<semaphore_mem>>
    %dma_wait3A_488 = tpu.memref_squeeze %dma_wait3A_487 : memref<1x!tpu.dma_semaphore, #tpu.memory_space<semaphore_mem>> -> memref<!tpu.dma_semaphore, #tpu.memory_space<semaphore_mem>>
    %dma_wait3A_489 = arith.constant 0 : i32
    %dma_wait3A_490 = tpu.memref_slice %arg3[%add3A_476, %dma_wait3A_478, %dma_wait3A_489] : memref<8192x2x2048xf32, #tpu.memory_space<hbm>> -> memref<16x1x2048xf32, #tpu.memory_space<hbm>>
    %dma_wait3A_491 = tpu.memref_squeeze %dma_wait3A_490 : memref<16x1x2048xf32, #tpu.memory_space<hbm>> -> memref<16x2048xf32, #tpu.memory_space<hbm>>
    %dma_wait3A_492 = arith.constant 0 : i32
    %dma_wait3A_493 = arith.constant 0 : i32
    %dma_wait3A_494 = tpu.memref_slice %arg4[%dma_wait3A_477, %dma_wait3A_492, %dma_wait3A_493] : memref<3x16x2048xf32, #tpu.memory_space<vmem>> -> memref<1x16x2048xf32, #tpu.memory_space<vmem>>
    %dma_wait3A_495 = tpu.memref_squeeze %dma_wait3A_494 : memref<1x16x2048xf32, #tpu.memory_space<vmem>> -> memref<16x2048xf32, #tpu.memory_space<vmem>>
    tpu.wait_dma2 semaphore(%dma_wait3A_488 : memref<!tpu.dma_semaphore, #tpu.memory_space<semaphore_mem>>) src(%dma_wait3A_495 : memref<16x2048xf32, #tpu.memory_space<vmem>>) dst(%dma_wait3A_491 : memref<16x2048xf32, #tpu.memory_space<hbm>>)
    %add3A_496 = arith.constant 48 : i32
    %add3A_497 = arith.addi %mul3A_2, %add3A_496 : i32
    %dma_wait3A_498 = arith.constant 0 : i32
    %dma_wait3A_499 = arith.constant 1 : i32
    %dma_wait3A_500 = arith.constant 0 : i32
    %dma_wait3A_501 = arith.constant 0 : i32
    %dma_wait3A_502 = arith.constant 0 : i32
    %dma_wait3A_503 = tpu.memref_slice %arg4[%dma_wait3A_498, %dma_wait3A_501, %dma_wait3A_502] : memref<3x16x2048xf32, #tpu.memory_space<vmem>> -> memref<1x16x2048xf32, #tpu.memory_space<vmem>>
    %dma_wait3A_504 = tpu.memref_squeeze %dma_wait3A_503 : memref<1x16x2048xf32, #tpu.memory_space<vmem>> -> memref<16x2048xf32, #tpu.memory_space<vmem>>
    %dma_wait3A_505 = arith.constant 0 : i32
    %dma_wait3A_506 = tpu.memref_slice %arg3[%add3A_497, %dma_wait3A_499, %dma_wait3A_505] : memref<8192x2x2048xf32, #tpu.memory_space<hbm>> -> memref<16x1x2048xf32, #tpu.memory_space<hbm>>
    %dma_wait3A_507 = tpu.memref_squeeze %dma_wait3A_506 : memref<16x1x2048xf32, #tpu.memory_space<hbm>> -> memref<16x2048xf32, #tpu.memory_space<hbm>>
    %dma_wait3A_508 = tpu.memref_slice %arg6[%dma_wait3A_500] : memref<3x!tpu.dma_semaphore, #tpu.memory_space<semaphore_mem>> -> memref<1x!tpu.dma_semaphore, #tpu.memory_space<semaphore_mem>>
    %dma_wait3A_509 = tpu.memref_squeeze %dma_wait3A_508 : memref<1x!tpu.dma_semaphore, #tpu.memory_space<semaphore_mem>> -> memref<!tpu.dma_semaphore, #tpu.memory_space<semaphore_mem>>
    %dma_wait3A_510 = arith.constant 0 : i32
    %dma_wait3A_511 = tpu.memref_slice %arg3[%add3A_497, %dma_wait3A_499, %dma_wait3A_510] : memref<8192x2x2048xf32, #tpu.memory_space<hbm>> -> memref<16x1x2048xf32, #tpu.memory_space<hbm>>
    %dma_wait3A_512 = tpu.memref_squeeze %dma_wait3A_511 : memref<16x1x2048xf32, #tpu.memory_space<hbm>> -> memref<16x2048xf32, #tpu.memory_space<hbm>>
    %dma_wait3A_513 = arith.constant 0 : i32
    %dma_wait3A_514 = arith.constant 0 : i32
    %dma_wait3A_515 = tpu.memref_slice %arg4[%dma_wait3A_498, %dma_wait3A_513, %dma_wait3A_514] : memref<3x16x2048xf32, #tpu.memory_space<vmem>> -> memref<1x16x2048xf32, #tpu.memory_space<vmem>>
    %dma_wait3A_516 = tpu.memref_squeeze %dma_wait3A_515 : memref<1x16x2048xf32, #tpu.memory_space<vmem>> -> memref<16x2048xf32, #tpu.memory_space<vmem>>
    tpu.wait_dma2 semaphore(%dma_wait3A_509 : memref<!tpu.dma_semaphore, #tpu.memory_space<semaphore_mem>>) src(%dma_wait3A_516 : memref<16x2048xf32, #tpu.memory_space<vmem>>) dst(%dma_wait3A_512 : memref<16x2048xf32, #tpu.memory_space<hbm>>)
    %add3A_517 = arith.constant 96 : i32
    %add3A_518 = arith.addi %mul3A_2, %add3A_517 : i32
    %dma_start3A_519 = arith.constant 0 : i32
    %dma_start3A_520 = arith.constant 0 : i32
    %dma_start3A_521 = arith.constant 0 : i32
    %dma_start3A_522 = arith.constant 0 : i32
    %dma_start3A_523 = tpu.memref_slice %arg4[%dma_start3A_519, %dma_start3A_521, %dma_start3A_522] : memref<3x16x2048xf32, #tpu.memory_space<vmem>> -> memref<1x16x2048xf32, #tpu.memory_space<vmem>>
    %dma_start3A_524 = tpu.memref_squeeze %dma_start3A_523 : memref<1x16x2048xf32, #tpu.memory_space<vmem>> -> memref<16x2048xf32, #tpu.memory_space<vmem>>
    %dma_start3A_525 = arith.constant 0 : i32
    %dma_start3A_526 = tpu.memref_slice %arg2[%add3A_518, %dma_start3A_525] : memref<8192x2048xf32, #tpu.memory_space<hbm>> -> memref<16x2048xf32, #tpu.memory_space<hbm>>
    %dma_start3A_527 = tpu.memref_slice %arg5[%dma_start3A_520] : memref<3x!tpu.dma_semaphore, #tpu.memory_space<semaphore_mem>> -> memref<1x!tpu.dma_semaphore, #tpu.memory_space<semaphore_mem>>
    %dma_start3A_528 = tpu.memref_squeeze %dma_start3A_527 : memref<1x!tpu.dma_semaphore, #tpu.memory_space<semaphore_mem>> -> memref<!tpu.dma_semaphore, #tpu.memory_space<semaphore_mem>>
    %dma_start3A_529 = arith.constant 0 : i32
    %dma_start3A_530 = arith.constant 0 : i32
    %dma_start3A_531 = tpu.memref_slice %arg4[%dma_start3A_519, %dma_start3A_529, %dma_start3A_530] : memref<3x16x2048xf32, #tpu.memory_space<vmem>> -> memref<1x16x2048xf32, #tpu.memory_space<vmem>>
    %dma_start3A_532 = tpu.memref_squeeze %dma_start3A_531 : memref<1x16x2048xf32, #tpu.memory_space<vmem>> -> memref<16x2048xf32, #tpu.memory_space<vmem>>
    %dma_start3A_533 = arith.constant 0 : i32
    %dma_start3A_534 = tpu.memref_slice %arg2[%add3A_518, %dma_start3A_533] : memref<8192x2048xf32, #tpu.memory_space<hbm>> -> memref<16x2048xf32, #tpu.memory_space<hbm>>
    tpu.enqueue_dma source(%dma_start3A_534 : memref<16x2048xf32, #tpu.memory_space<hbm>>) target(%dma_start3A_532 : memref<16x2048xf32, #tpu.memory_space<vmem>>) target_semaphore(%dma_start3A_528 : memref<!tpu.dma_semaphore, #tpu.memory_space<semaphore_mem>>)
    %add3A_535 = arith.constant 64 : i32
    %add3A_536 = arith.addi %mul3A_2, %add3A_535 : i32
    %dma_wait3A_537 = arith.constant 1 : i32
    %dma_wait3A_538 = arith.constant 1 : i32
    %dma_wait3A_539 = arith.constant 0 : i32
    %dma_wait3A_540 = arith.constant 0 : i32
    %dma_wait3A_541 = tpu.memref_slice %arg4[%dma_wait3A_537, %dma_wait3A_539, %dma_wait3A_540] : memref<3x16x2048xf32, #tpu.memory_space<vmem>> -> memref<1x16x2048xf32, #tpu.memory_space<vmem>>
    %dma_wait3A_542 = tpu.memref_squeeze %dma_wait3A_541 : memref<1x16x2048xf32, #tpu.memory_space<vmem>> -> memref<16x2048xf32, #tpu.memory_space<vmem>>
    %dma_wait3A_543 = arith.constant 0 : i32
    %dma_wait3A_544 = tpu.memref_slice %arg2[%add3A_536, %dma_wait3A_543] : memref<8192x2048xf32, #tpu.memory_space<hbm>> -> memref<16x2048xf32, #tpu.memory_space<hbm>>
    %dma_wait3A_545 = tpu.memref_slice %arg5[%dma_wait3A_538] : memref<3x!tpu.dma_semaphore, #tpu.memory_space<semaphore_mem>> -> memref<1x!tpu.dma_semaphore, #tpu.memory_space<semaphore_mem>>
    %dma_wait3A_546 = tpu.memref_squeeze %dma_wait3A_545 : memref<1x!tpu.dma_semaphore, #tpu.memory_space<semaphore_mem>> -> memref<!tpu.dma_semaphore, #tpu.memory_space<semaphore_mem>>
    %dma_wait3A_547 = arith.constant 0 : i32
    %dma_wait3A_548 = arith.constant 0 : i32
    %dma_wait3A_549 = tpu.memref_slice %arg4[%dma_wait3A_537, %dma_wait3A_547, %dma_wait3A_548] : memref<3x16x2048xf32, #tpu.memory_space<vmem>> -> memref<1x16x2048xf32, #tpu.memory_space<vmem>>
    %dma_wait3A_550 = tpu.memref_squeeze %dma_wait3A_549 : memref<1x16x2048xf32, #tpu.memory_space<vmem>> -> memref<16x2048xf32, #tpu.memory_space<vmem>>
    %dma_wait3A_551 = arith.constant 0 : i32
    %dma_wait3A_552 = tpu.memref_slice %arg2[%add3A_536, %dma_wait3A_551] : memref<8192x2048xf32, #tpu.memory_space<hbm>> -> memref<16x2048xf32, #tpu.memory_space<hbm>>
    tpu.wait_dma2 semaphore(%dma_wait3A_546 : memref<!tpu.dma_semaphore, #tpu.memory_space<semaphore_mem>>) src(%dma_wait3A_552 : memref<16x2048xf32, #tpu.memory_space<hbm>>) dst(%dma_wait3A_550 : memref<16x2048xf32, #tpu.memory_space<vmem>>)
    %add3A_553 = arith.constant 64 : i32
    %add3A_554 = arith.addi %mul3A_2, %add3A_553 : i32
    %dma_start3A_555 = arith.constant 1 : i32
    %dma_start3A_556 = arith.constant 0 : i32
    %dma_start3A_557 = arith.constant 1 : i32
    %dma_start3A_558 = arith.constant 0 : i32
    %dma_start3A_559 = arith.constant 0 : i32
    %dma_start3A_560 = tpu.memref_slice %arg4[%dma_start3A_555, %dma_start3A_558, %dma_start3A_559] : memref<3x16x2048xf32, #tpu.memory_space<vmem>> -> memref<1x16x2048xf32, #tpu.memory_space<vmem>>
    %dma_start3A_561 = tpu.memref_squeeze %dma_start3A_560 : memref<1x16x2048xf32, #tpu.memory_space<vmem>> -> memref<16x2048xf32, #tpu.memory_space<vmem>>
    %dma_start3A_562 = arith.constant 0 : i32
    %dma_start3A_563 = tpu.memref_slice %arg3[%add3A_554, %dma_start3A_556, %dma_start3A_562] : memref<8192x2x2048xf32, #tpu.memory_space<hbm>> -> memref<16x1x2048xf32, #tpu.memory_space<hbm>>
    %dma_start3A_564 = tpu.memref_squeeze %dma_start3A_563 : memref<16x1x2048xf32, #tpu.memory_space<hbm>> -> memref<16x2048xf32, #tpu.memory_space<hbm>>
    %dma_start3A_565 = tpu.memref_slice %arg6[%dma_start3A_557] : memref<3x!tpu.dma_semaphore, #tpu.memory_space<semaphore_mem>> -> memref<1x!tpu.dma_semaphore, #tpu.memory_space<semaphore_mem>>
    %dma_start3A_566 = tpu.memref_squeeze %dma_start3A_565 : memref<1x!tpu.dma_semaphore, #tpu.memory_space<semaphore_mem>> -> memref<!tpu.dma_semaphore, #tpu.memory_space<semaphore_mem>>
    %dma_start3A_567 = arith.constant 0 : i32
    %dma_start3A_568 = tpu.memref_slice %arg3[%add3A_554, %dma_start3A_556, %dma_start3A_567] : memref<8192x2x2048xf32, #tpu.memory_space<hbm>> -> memref<16x1x2048xf32, #tpu.memory_space<hbm>>
    %dma_start3A_569 = tpu.memref_squeeze %dma_start3A_568 : memref<16x1x2048xf32, #tpu.memory_space<hbm>> -> memref<16x2048xf32, #tpu.memory_space<hbm>>
    %dma_start3A_570 = arith.constant 0 : i32
    %dma_start3A_571 = arith.constant 0 : i32
    %dma_start3A_572 = tpu.memref_slice %arg4[%dma_start3A_555, %dma_start3A_570, %dma_start3A_571] : memref<3x16x2048xf32, #tpu.memory_space<vmem>> -> memref<1x16x2048xf32, #tpu.memory_space<vmem>>
    %dma_start3A_573 = tpu.memref_squeeze %dma_start3A_572 : memref<1x16x2048xf32, #tpu.memory_space<vmem>> -> memref<16x2048xf32, #tpu.memory_space<vmem>>
    tpu.enqueue_dma source(%dma_start3A_573 : memref<16x2048xf32, #tpu.memory_space<vmem>>) target(%dma_start3A_569 : memref<16x2048xf32, #tpu.memory_space<hbm>>) target_semaphore(%dma_start3A_566 : memref<!tpu.dma_semaphore, #tpu.memory_space<semaphore_mem>>)
    %add3A_574 = arith.constant 64 : i32
    %add3A_575 = arith.addi %mul3A_2, %add3A_574 : i32
    %dma_start3A_576 = arith.constant 1 : i32
    %dma_start3A_577 = arith.constant 1 : i32
    %dma_start3A_578 = arith.constant 1 : i32
    %dma_start3A_579 = arith.constant 0 : i32
    %dma_start3A_580 = arith.constant 0 : i32
    %dma_start3A_581 = tpu.memref_slice %arg4[%dma_start3A_576, %dma_start3A_579, %dma_start3A_580] : memref<3x16x2048xf32, #tpu.memory_space<vmem>> -> memref<1x16x2048xf32, #tpu.memory_space<vmem>>
    %dma_start3A_582 = tpu.memref_squeeze %dma_start3A_581 : memref<1x16x2048xf32, #tpu.memory_space<vmem>> -> memref<16x2048xf32, #tpu.memory_space<vmem>>
    %dma_start3A_583 = arith.constant 0 : i32
    %dma_start3A_584 = tpu.memref_slice %arg3[%add3A_575, %dma_start3A_577, %dma_start3A_583] : memref<8192x2x2048xf32, #tpu.memory_space<hbm>> -> memref<16x1x2048xf32, #tpu.memory_space<hbm>>
    %dma_start3A_585 = tpu.memref_squeeze %dma_start3A_584 : memref<16x1x2048xf32, #tpu.memory_space<hbm>> -> memref<16x2048xf32, #tpu.memory_space<hbm>>
    %dma_start3A_586 = tpu.memref_slice %arg6[%dma_start3A_578] : memref<3x!tpu.dma_semaphore, #tpu.memory_space<semaphore_mem>> -> memref<1x!tpu.dma_semaphore, #tpu.memory_space<semaphore_mem>>
    %dma_start3A_587 = tpu.memref_squeeze %dma_start3A_586 : memref<1x!tpu.dma_semaphore, #tpu.memory_space<semaphore_mem>> -> memref<!tpu.dma_semaphore, #tpu.memory_space<semaphore_mem>>
    %dma_start3A_588 = arith.constant 0 : i32
    %dma_start3A_589 = tpu.memref_slice %arg3[%add3A_575, %dma_start3A_577, %dma_start3A_588] : memref<8192x2x2048xf32, #tpu.memory_space<hbm>> -> memref<16x1x2048xf32, #tpu.memory_space<hbm>>
    %dma_start3A_590 = tpu.memref_squeeze %dma_start3A_589 : memref<16x1x2048xf32, #tpu.memory_space<hbm>> -> memref<16x2048xf32, #tpu.memory_space<hbm>>
    %dma_start3A_591 = arith.constant 0 : i32
    %dma_start3A_592 = arith.constant 0 : i32
    %dma_start3A_593 = tpu.memref_slice %arg4[%dma_start3A_576, %dma_start3A_591, %dma_start3A_592] : memref<3x16x2048xf32, #tpu.memory_space<vmem>> -> memref<1x16x2048xf32, #tpu.memory_space<vmem>>
    %dma_start3A_594 = tpu.memref_squeeze %dma_start3A_593 : memref<1x16x2048xf32, #tpu.memory_space<vmem>> -> memref<16x2048xf32, #tpu.memory_space<vmem>>
    tpu.enqueue_dma source(%dma_start3A_594 : memref<16x2048xf32, #tpu.memory_space<vmem>>) target(%dma_start3A_590 : memref<16x2048xf32, #tpu.memory_space<hbm>>) target_semaphore(%dma_start3A_587 : memref<!tpu.dma_semaphore, #tpu.memory_space<semaphore_mem>>)
    %add3A_595 = arith.constant 64 : i32
    %add3A_596 = arith.addi %mul3A_2, %add3A_595 : i32
    %dma_wait3A_597 = arith.constant 1 : i32
    %dma_wait3A_598 = arith.constant 0 : i32
    %dma_wait3A_599 = arith.constant 1 : i32
    %dma_wait3A_600 = arith.constant 0 : i32
    %dma_wait3A_601 = arith.constant 0 : i32
    %dma_wait3A_602 = tpu.memref_slice %arg4[%dma_wait3A_597, %dma_wait3A_600, %dma_wait3A_601] : memref<3x16x2048xf32, #tpu.memory_space<vmem>> -> memref<1x16x2048xf32, #tpu.memory_space<vmem>>
    %dma_wait3A_603 = tpu.memref_squeeze %dma_wait3A_602 : memref<1x16x2048xf32, #tpu.memory_space<vmem>> -> memref<16x2048xf32, #tpu.memory_space<vmem>>
    %dma_wait3A_604 = arith.constant 0 : i32
    %dma_wait3A_605 = tpu.memref_slice %arg3[%add3A_596, %dma_wait3A_598, %dma_wait3A_604] : memref<8192x2x2048xf32, #tpu.memory_space<hbm>> -> memref<16x1x2048xf32, #tpu.memory_space<hbm>>
    %dma_wait3A_606 = tpu.memref_squeeze %dma_wait3A_605 : memref<16x1x2048xf32, #tpu.memory_space<hbm>> -> memref<16x2048xf32, #tpu.memory_space<hbm>>
    %dma_wait3A_607 = tpu.memref_slice %arg6[%dma_wait3A_599] : memref<3x!tpu.dma_semaphore, #tpu.memory_space<semaphore_mem>> -> memref<1x!tpu.dma_semaphore, #tpu.memory_space<semaphore_mem>>
    %dma_wait3A_608 = tpu.memref_squeeze %dma_wait3A_607 : memref<1x!tpu.dma_semaphore, #tpu.memory_space<semaphore_mem>> -> memref<!tpu.dma_semaphore, #tpu.memory_space<semaphore_mem>>
    %dma_wait3A_609 = arith.constant 0 : i32
    %dma_wait3A_610 = tpu.memref_slice %arg3[%add3A_596, %dma_wait3A_598, %dma_wait3A_609] : memref<8192x2x2048xf32, #tpu.memory_space<hbm>> -> memref<16x1x2048xf32, #tpu.memory_space<hbm>>
    %dma_wait3A_611 = tpu.memref_squeeze %dma_wait3A_610 : memref<16x1x2048xf32, #tpu.memory_space<hbm>> -> memref<16x2048xf32, #tpu.memory_space<hbm>>
    %dma_wait3A_612 = arith.constant 0 : i32
    %dma_wait3A_613 = arith.constant 0 : i32
    %dma_wait3A_614 = tpu.memref_slice %arg4[%dma_wait3A_597, %dma_wait3A_612, %dma_wait3A_613] : memref<3x16x2048xf32, #tpu.memory_space<vmem>> -> memref<1x16x2048xf32, #tpu.memory_space<vmem>>
    %dma_wait3A_615 = tpu.memref_squeeze %dma_wait3A_614 : memref<1x16x2048xf32, #tpu.memory_space<vmem>> -> memref<16x2048xf32, #tpu.memory_space<vmem>>
    tpu.wait_dma2 semaphore(%dma_wait3A_608 : memref<!tpu.dma_semaphore, #tpu.memory_space<semaphore_mem>>) src(%dma_wait3A_615 : memref<16x2048xf32, #tpu.memory_space<vmem>>) dst(%dma_wait3A_611 : memref<16x2048xf32, #tpu.memory_space<hbm>>)
    %add3A_616 = arith.constant 64 : i32
    %add3A_617 = arith.addi %mul3A_2, %add3A_616 : i32
    %dma_wait3A_618 = arith.constant 1 : i32
    %dma_wait3A_619 = arith.constant 1 : i32
    %dma_wait3A_620 = arith.constant 1 : i32
    %dma_wait3A_621 = arith.constant 0 : i32
    %dma_wait3A_622 = arith.constant 0 : i32
    %dma_wait3A_623 = tpu.memref_slice %arg4[%dma_wait3A_618, %dma_wait3A_621, %dma_wait3A_622] : memref<3x16x2048xf32, #tpu.memory_space<vmem>> -> memref<1x16x2048xf32, #tpu.memory_space<vmem>>
    %dma_wait3A_624 = tpu.memref_squeeze %dma_wait3A_623 : memref<1x16x2048xf32, #tpu.memory_space<vmem>> -> memref<16x2048xf32, #tpu.memory_space<vmem>>
    %dma_wait3A_625 = arith.constant 0 : i32
    %dma_wait3A_626 = tpu.memref_slice %arg3[%add3A_617, %dma_wait3A_619, %dma_wait3A_625] : memref<8192x2x2048xf32, #tpu.memory_space<hbm>> -> memref<16x1x2048xf32, #tpu.memory_space<hbm>>
    %dma_wait3A_627 = tpu.memref_squeeze %dma_wait3A_626 : memref<16x1x2048xf32, #tpu.memory_space<hbm>> -> memref<16x2048xf32, #tpu.memory_space<hbm>>
    %dma_wait3A_628 = tpu.memref_slice %arg6[%dma_wait3A_620] : memref<3x!tpu.dma_semaphore, #tpu.memory_space<semaphore_mem>> -> memref<1x!tpu.dma_semaphore, #tpu.memory_space<semaphore_mem>>
    %dma_wait3A_629 = tpu.memref_squeeze %dma_wait3A_628 : memref<1x!tpu.dma_semaphore, #tpu.memory_space<semaphore_mem>> -> memref<!tpu.dma_semaphore, #tpu.memory_space<semaphore_mem>>
    %dma_wait3A_630 = arith.constant 0 : i32
    %dma_wait3A_631 = tpu.memref_slice %arg3[%add3A_617, %dma_wait3A_619, %dma_wait3A_630] : memref<8192x2x2048xf32, #tpu.memory_space<hbm>> -> memref<16x1x2048xf32, #tpu.memory_space<hbm>>
    %dma_wait3A_632 = tpu.memref_squeeze %dma_wait3A_631 : memref<16x1x2048xf32, #tpu.memory_space<hbm>> -> memref<16x2048xf32, #tpu.memory_space<hbm>>
    %dma_wait3A_633 = arith.constant 0 : i32
    %dma_wait3A_634 = arith.constant 0 : i32
    %dma_wait3A_635 = tpu.memref_slice %arg4[%dma_wait3A_618, %dma_wait3A_633, %dma_wait3A_634] : memref<3x16x2048xf32, #tpu.memory_space<vmem>> -> memref<1x16x2048xf32, #tpu.memory_space<vmem>>
    %dma_wait3A_636 = tpu.memref_squeeze %dma_wait3A_635 : memref<1x16x2048xf32, #tpu.memory_space<vmem>> -> memref<16x2048xf32, #tpu.memory_space<vmem>>
    tpu.wait_dma2 semaphore(%dma_wait3A_629 : memref<!tpu.dma_semaphore, #tpu.memory_space<semaphore_mem>>) src(%dma_wait3A_636 : memref<16x2048xf32, #tpu.memory_space<vmem>>) dst(%dma_wait3A_632 : memref<16x2048xf32, #tpu.memory_space<hbm>>)
    %add3A_637 = arith.constant 112 : i32
    %add3A_638 = arith.addi %mul3A_2, %add3A_637 : i32
    %dma_start3A_639 = arith.constant 1 : i32
    %dma_start3A_640 = arith.constant 1 : i32
    %dma_start3A_641 = arith.constant 0 : i32
    %dma_start3A_642 = arith.constant 0 : i32
    %dma_start3A_643 = tpu.memref_slice %arg4[%dma_start3A_639, %dma_start3A_641, %dma_start3A_642] : memref<3x16x2048xf32, #tpu.memory_space<vmem>> -> memref<1x16x2048xf32, #tpu.memory_space<vmem>>
    %dma_start3A_644 = tpu.memref_squeeze %dma_start3A_643 : memref<1x16x2048xf32, #tpu.memory_space<vmem>> -> memref<16x2048xf32, #tpu.memory_space<vmem>>
    %dma_start3A_645 = arith.constant 0 : i32
    %dma_start3A_646 = tpu.memref_slice %arg2[%add3A_638, %dma_start3A_645] : memref<8192x2048xf32, #tpu.memory_space<hbm>> -> memref<16x2048xf32, #tpu.memory_space<hbm>>
    %dma_start3A_647 = tpu.memref_slice %arg5[%dma_start3A_640] : memref<3x!tpu.dma_semaphore, #tpu.memory_space<semaphore_mem>> -> memref<1x!tpu.dma_semaphore, #tpu.memory_space<semaphore_mem>>
    %dma_start3A_648 = tpu.memref_squeeze %dma_start3A_647 : memref<1x!tpu.dma_semaphore, #tpu.memory_space<semaphore_mem>> -> memref<!tpu.dma_semaphore, #tpu.memory_space<semaphore_mem>>
    %dma_start3A_649 = arith.constant 0 : i32
    %dma_start3A_650 = arith.constant 0 : i32
    %dma_start3A_651 = tpu.memref_slice %arg4[%dma_start3A_639, %dma_start3A_649, %dma_start3A_650] : memref<3x16x2048xf32, #tpu.memory_space<vmem>> -> memref<1x16x2048xf32, #tpu.memory_space<vmem>>
    %dma_start3A_652 = tpu.memref_squeeze %dma_start3A_651 : memref<1x16x2048xf32, #tpu.memory_space<vmem>> -> memref<16x2048xf32, #tpu.memory_space<vmem>>
    %dma_start3A_653 = arith.constant 0 : i32
    %dma_start3A_654 = tpu.memref_slice %arg2[%add3A_638, %dma_start3A_653] : memref<8192x2048xf32, #tpu.memory_space<hbm>> -> memref<16x2048xf32, #tpu.memory_space<hbm>>
    tpu.enqueue_dma source(%dma_start3A_654 : memref<16x2048xf32, #tpu.memory_space<hbm>>) target(%dma_start3A_652 : memref<16x2048xf32, #tpu.memory_space<vmem>>) target_semaphore(%dma_start3A_648 : memref<!tpu.dma_semaphore, #tpu.memory_space<semaphore_mem>>)
    %add3A_655 = arith.constant 80 : i32
    %add3A_656 = arith.addi %mul3A_2, %add3A_655 : i32
    %dma_wait3A_657 = arith.constant 2 : i32
    %dma_wait3A_658 = arith.constant 2 : i32
    %dma_wait3A_659 = arith.constant 0 : i32
    %dma_wait3A_660 = arith.constant 0 : i32
    %dma_wait3A_661 = tpu.memref_slice %arg4[%dma_wait3A_657, %dma_wait3A_659, %dma_wait3A_660] : memref<3x16x2048xf32, #tpu.memory_space<vmem>> -> memref<1x16x2048xf32, #tpu.memory_space<vmem>>
    %dma_wait3A_662 = tpu.memref_squeeze %dma_wait3A_661 : memref<1x16x2048xf32, #tpu.memory_space<vmem>> -> memref<16x2048xf32, #tpu.memory_space<vmem>>
    %dma_wait3A_663 = arith.constant 0 : i32
    %dma_wait3A_664 = tpu.memref_slice %arg2[%add3A_656, %dma_wait3A_663] : memref<8192x2048xf32, #tpu.memory_space<hbm>> -> memref<16x2048xf32, #tpu.memory_space<hbm>>
    %dma_wait3A_665 = tpu.memref_slice %arg5[%dma_wait3A_658] : memref<3x!tpu.dma_semaphore, #tpu.memory_space<semaphore_mem>> -> memref<1x!tpu.dma_semaphore, #tpu.memory_space<semaphore_mem>>
    %dma_wait3A_666 = tpu.memref_squeeze %dma_wait3A_665 : memref<1x!tpu.dma_semaphore, #tpu.memory_space<semaphore_mem>> -> memref<!tpu.dma_semaphore, #tpu.memory_space<semaphore_mem>>
    %dma_wait3A_667 = arith.constant 0 : i32
    %dma_wait3A_668 = arith.constant 0 : i32
    %dma_wait3A_669 = tpu.memref_slice %arg4[%dma_wait3A_657, %dma_wait3A_667, %dma_wait3A_668] : memref<3x16x2048xf32, #tpu.memory_space<vmem>> -> memref<1x16x2048xf32, #tpu.memory_space<vmem>>
    %dma_wait3A_670 = tpu.memref_squeeze %dma_wait3A_669 : memref<1x16x2048xf32, #tpu.memory_space<vmem>> -> memref<16x2048xf32, #tpu.memory_space<vmem>>
    %dma_wait3A_671 = arith.constant 0 : i32
    %dma_wait3A_672 = tpu.memref_slice %arg2[%add3A_656, %dma_wait3A_671] : memref<8192x2048xf32, #tpu.memory_space<hbm>> -> memref<16x2048xf32, #tpu.memory_space<hbm>>
    tpu.wait_dma2 semaphore(%dma_wait3A_666 : memref<!tpu.dma_semaphore, #tpu.memory_space<semaphore_mem>>) src(%dma_wait3A_672 : memref<16x2048xf32, #tpu.memory_space<hbm>>) dst(%dma_wait3A_670 : memref<16x2048xf32, #tpu.memory_space<vmem>>)
    %add3A_673 = arith.constant 80 : i32
    %add3A_674 = arith.addi %mul3A_2, %add3A_673 : i32
    %dma_start3A_675 = arith.constant 2 : i32
    %dma_start3A_676 = arith.constant 0 : i32
    %dma_start3A_677 = arith.constant 2 : i32
    %dma_start3A_678 = arith.constant 0 : i32
    %dma_start3A_679 = arith.constant 0 : i32
    %dma_start3A_680 = tpu.memref_slice %arg4[%dma_start3A_675, %dma_start3A_678, %dma_start3A_679] : memref<3x16x2048xf32, #tpu.memory_space<vmem>> -> memref<1x16x2048xf32, #tpu.memory_space<vmem>>
    %dma_start3A_681 = tpu.memref_squeeze %dma_start3A_680 : memref<1x16x2048xf32, #tpu.memory_space<vmem>> -> memref<16x2048xf32, #tpu.memory_space<vmem>>
    %dma_start3A_682 = arith.constant 0 : i32
    %dma_start3A_683 = tpu.memref_slice %arg3[%add3A_674, %dma_start3A_676, %dma_start3A_682] : memref<8192x2x2048xf32, #tpu.memory_space<hbm>> -> memref<16x1x2048xf32, #tpu.memory_space<hbm>>
    %dma_start3A_684 = tpu.memref_squeeze %dma_start3A_683 : memref<16x1x2048xf32, #tpu.memory_space<hbm>> -> memref<16x2048xf32, #tpu.memory_space<hbm>>
    %dma_start3A_685 = tpu.memref_slice %arg6[%dma_start3A_677] : memref<3x!tpu.dma_semaphore, #tpu.memory_space<semaphore_mem>> -> memref<1x!tpu.dma_semaphore, #tpu.memory_space<semaphore_mem>>
    %dma_start3A_686 = tpu.memref_squeeze %dma_start3A_685 : memref<1x!tpu.dma_semaphore, #tpu.memory_space<semaphore_mem>> -> memref<!tpu.dma_semaphore, #tpu.memory_space<semaphore_mem>>
    %dma_start3A_687 = arith.constant 0 : i32
    %dma_start3A_688 = tpu.memref_slice %arg3[%add3A_674, %dma_start3A_676, %dma_start3A_687] : memref<8192x2x2048xf32, #tpu.memory_space<hbm>> -> memref<16x1x2048xf32, #tpu.memory_space<hbm>>
    %dma_start3A_689 = tpu.memref_squeeze %dma_start3A_688 : memref<16x1x2048xf32, #tpu.memory_space<hbm>> -> memref<16x2048xf32, #tpu.memory_space<hbm>>
    %dma_start3A_690 = arith.constant 0 : i32
    %dma_start3A_691 = arith.constant 0 : i32
    %dma_start3A_692 = tpu.memref_slice %arg4[%dma_start3A_675, %dma_start3A_690, %dma_start3A_691] : memref<3x16x2048xf32, #tpu.memory_space<vmem>> -> memref<1x16x2048xf32, #tpu.memory_space<vmem>>
    %dma_start3A_693 = tpu.memref_squeeze %dma_start3A_692 : memref<1x16x2048xf32, #tpu.memory_space<vmem>> -> memref<16x2048xf32, #tpu.memory_space<vmem>>
    tpu.enqueue_dma source(%dma_start3A_693 : memref<16x2048xf32, #tpu.memory_space<vmem>>) target(%dma_start3A_689 : memref<16x2048xf32, #tpu.memory_space<hbm>>) target_semaphore(%dma_start3A_686 : memref<!tpu.dma_semaphore, #tpu.memory_space<semaphore_mem>>)
    %add3A_694 = arith.constant 80 : i32
    %add3A_695 = arith.addi %mul3A_2, %add3A_694 : i32
    %dma_start3A_696 = arith.constant 2 : i32
    %dma_start3A_697 = arith.constant 1 : i32
    %dma_start3A_698 = arith.constant 2 : i32
    %dma_start3A_699 = arith.constant 0 : i32
    %dma_start3A_700 = arith.constant 0 : i32
    %dma_start3A_701 = tpu.memref_slice %arg4[%dma_start3A_696, %dma_start3A_699, %dma_start3A_700] : memref<3x16x2048xf32, #tpu.memory_space<vmem>> -> memref<1x16x2048xf32, #tpu.memory_space<vmem>>
    %dma_start3A_702 = tpu.memref_squeeze %dma_start3A_701 : memref<1x16x2048xf32, #tpu.memory_space<vmem>> -> memref<16x2048xf32, #tpu.memory_space<vmem>>
    %dma_start3A_703 = arith.constant 0 : i32
    %dma_start3A_704 = tpu.memref_slice %arg3[%add3A_695, %dma_start3A_697, %dma_start3A_703] : memref<8192x2x2048xf32, #tpu.memory_space<hbm>> -> memref<16x1x2048xf32, #tpu.memory_space<hbm>>
    %dma_start3A_705 = tpu.memref_squeeze %dma_start3A_704 : memref<16x1x2048xf32, #tpu.memory_space<hbm>> -> memref<16x2048xf32, #tpu.memory_space<hbm>>
    %dma_start3A_706 = tpu.memref_slice %arg6[%dma_start3A_698] : memref<3x!tpu.dma_semaphore, #tpu.memory_space<semaphore_mem>> -> memref<1x!tpu.dma_semaphore, #tpu.memory_space<semaphore_mem>>
    %dma_start3A_707 = tpu.memref_squeeze %dma_start3A_706 : memref<1x!tpu.dma_semaphore, #tpu.memory_space<semaphore_mem>> -> memref<!tpu.dma_semaphore, #tpu.memory_space<semaphore_mem>>
    %dma_start3A_708 = arith.constant 0 : i32
    %dma_start3A_709 = tpu.memref_slice %arg3[%add3A_695, %dma_start3A_697, %dma_start3A_708] : memref<8192x2x2048xf32, #tpu.memory_space<hbm>> -> memref<16x1x2048xf32, #tpu.memory_space<hbm>>
    %dma_start3A_710 = tpu.memref_squeeze %dma_start3A_709 : memref<16x1x2048xf32, #tpu.memory_space<hbm>> -> memref<16x2048xf32, #tpu.memory_space<hbm>>
    %dma_start3A_711 = arith.constant 0 : i32
    %dma_start3A_712 = arith.constant 0 : i32
    %dma_start3A_713 = tpu.memref_slice %arg4[%dma_start3A_696, %dma_start3A_711, %dma_start3A_712] : memref<3x16x2048xf32, #tpu.memory_space<vmem>> -> memref<1x16x2048xf32, #tpu.memory_space<vmem>>
    %dma_start3A_714 = tpu.memref_squeeze %dma_start3A_713 : memref<1x16x2048xf32, #tpu.memory_space<vmem>> -> memref<16x2048xf32, #tpu.memory_space<vmem>>
    tpu.enqueue_dma source(%dma_start3A_714 : memref<16x2048xf32, #tpu.memory_space<vmem>>) target(%dma_start3A_710 : memref<16x2048xf32, #tpu.memory_space<hbm>>) target_semaphore(%dma_start3A_707 : memref<!tpu.dma_semaphore, #tpu.memory_space<semaphore_mem>>)
    %add3A_715 = arith.constant 80 : i32
    %add3A_716 = arith.addi %mul3A_2, %add3A_715 : i32
    %dma_wait3A_717 = arith.constant 2 : i32
    %dma_wait3A_718 = arith.constant 0 : i32
    %dma_wait3A_719 = arith.constant 2 : i32
    %dma_wait3A_720 = arith.constant 0 : i32
    %dma_wait3A_721 = arith.constant 0 : i32
    %dma_wait3A_722 = tpu.memref_slice %arg4[%dma_wait3A_717, %dma_wait3A_720, %dma_wait3A_721] : memref<3x16x2048xf32, #tpu.memory_space<vmem>> -> memref<1x16x2048xf32, #tpu.memory_space<vmem>>
    %dma_wait3A_723 = tpu.memref_squeeze %dma_wait3A_722 : memref<1x16x2048xf32, #tpu.memory_space<vmem>> -> memref<16x2048xf32, #tpu.memory_space<vmem>>
    %dma_wait3A_724 = arith.constant 0 : i32
    %dma_wait3A_725 = tpu.memref_slice %arg3[%add3A_716, %dma_wait3A_718, %dma_wait3A_724] : memref<8192x2x2048xf32, #tpu.memory_space<hbm>> -> memref<16x1x2048xf32, #tpu.memory_space<hbm>>
    %dma_wait3A_726 = tpu.memref_squeeze %dma_wait3A_725 : memref<16x1x2048xf32, #tpu.memory_space<hbm>> -> memref<16x2048xf32, #tpu.memory_space<hbm>>
    %dma_wait3A_727 = tpu.memref_slice %arg6[%dma_wait3A_719] : memref<3x!tpu.dma_semaphore, #tpu.memory_space<semaphore_mem>> -> memref<1x!tpu.dma_semaphore, #tpu.memory_space<semaphore_mem>>
    %dma_wait3A_728 = tpu.memref_squeeze %dma_wait3A_727 : memref<1x!tpu.dma_semaphore, #tpu.memory_space<semaphore_mem>> -> memref<!tpu.dma_semaphore, #tpu.memory_space<semaphore_mem>>
    %dma_wait3A_729 = arith.constant 0 : i32
    %dma_wait3A_730 = tpu.memref_slice %arg3[%add3A_716, %dma_wait3A_718, %dma_wait3A_729] : memref<8192x2x2048xf32, #tpu.memory_space<hbm>> -> memref<16x1x2048xf32, #tpu.memory_space<hbm>>
    %dma_wait3A_731 = tpu.memref_squeeze %dma_wait3A_730 : memref<16x1x2048xf32, #tpu.memory_space<hbm>> -> memref<16x2048xf32, #tpu.memory_space<hbm>>
    %dma_wait3A_732 = arith.constant 0 : i32
    %dma_wait3A_733 = arith.constant 0 : i32
    %dma_wait3A_734 = tpu.memref_slice %arg4[%dma_wait3A_717, %dma_wait3A_732, %dma_wait3A_733] : memref<3x16x2048xf32, #tpu.memory_space<vmem>> -> memref<1x16x2048xf32, #tpu.memory_space<vmem>>
    %dma_wait3A_735 = tpu.memref_squeeze %dma_wait3A_734 : memref<1x16x2048xf32, #tpu.memory_space<vmem>> -> memref<16x2048xf32, #tpu.memory_space<vmem>>
    tpu.wait_dma2 semaphore(%dma_wait3A_728 : memref<!tpu.dma_semaphore, #tpu.memory_space<semaphore_mem>>) src(%dma_wait3A_735 : memref<16x2048xf32, #tpu.memory_space<vmem>>) dst(%dma_wait3A_731 : memref<16x2048xf32, #tpu.memory_space<hbm>>)
    %add3A_736 = arith.constant 80 : i32
    %add3A_737 = arith.addi %mul3A_2, %add3A_736 : i32
    %dma_wait3A_738 = arith.constant 2 : i32
    %dma_wait3A_739 = arith.constant 1 : i32
    %dma_wait3A_740 = arith.constant 2 : i32
    %dma_wait3A_741 = arith.constant 0 : i32
    %dma_wait3A_742 = arith.constant 0 : i32
    %dma_wait3A_743 = tpu.memref_slice %arg4[%dma_wait3A_738, %dma_wait3A_741, %dma_wait3A_742] : memref<3x16x2048xf32, #tpu.memory_space<vmem>> -> memref<1x16x2048xf32, #tpu.memory_space<vmem>>
    %dma_wait3A_744 = tpu.memref_squeeze %dma_wait3A_743 : memref<1x16x2048xf32, #tpu.memory_space<vmem>> -> memref<16x2048xf32, #tpu.memory_space<vmem>>
    %dma_wait3A_745 = arith.constant 0 : i32
    %dma_wait3A_746 = tpu.memref_slice %arg3[%add3A_737, %dma_wait3A_739, %dma_wait3A_745] : memref<8192x2x2048xf32, #tpu.memory_space<hbm>> -> memref<16x1x2048xf32, #tpu.memory_space<hbm>>
    %dma_wait3A_747 = tpu.memref_squeeze %dma_wait3A_746 : memref<16x1x2048xf32, #tpu.memory_space<hbm>> -> memref<16x2048xf32, #tpu.memory_space<hbm>>
    %dma_wait3A_748 = tpu.memref_slice %arg6[%dma_wait3A_740] : memref<3x!tpu.dma_semaphore, #tpu.memory_space<semaphore_mem>> -> memref<1x!tpu.dma_semaphore, #tpu.memory_space<semaphore_mem>>
    %dma_wait3A_749 = tpu.memref_squeeze %dma_wait3A_748 : memref<1x!tpu.dma_semaphore, #tpu.memory_space<semaphore_mem>> -> memref<!tpu.dma_semaphore, #tpu.memory_space<semaphore_mem>>
    %dma_wait3A_750 = arith.constant 0 : i32
    %dma_wait3A_751 = tpu.memref_slice %arg3[%add3A_737, %dma_wait3A_739, %dma_wait3A_750] : memref<8192x2x2048xf32, #tpu.memory_space<hbm>> -> memref<16x1x2048xf32, #tpu.memory_space<hbm>>
    %dma_wait3A_752 = tpu.memref_squeeze %dma_wait3A_751 : memref<16x1x2048xf32, #tpu.memory_space<hbm>> -> memref<16x2048xf32, #tpu.memory_space<hbm>>
    %dma_wait3A_753 = arith.constant 0 : i32
    %dma_wait3A_754 = arith.constant 0 : i32
    %dma_wait3A_755 = tpu.memref_slice %arg4[%dma_wait3A_738, %dma_wait3A_753, %dma_wait3A_754] : memref<3x16x2048xf32, #tpu.memory_space<vmem>> -> memref<1x16x2048xf32, #tpu.memory_space<vmem>>
    %dma_wait3A_756 = tpu.memref_squeeze %dma_wait3A_755 : memref<1x16x2048xf32, #tpu.memory_space<vmem>> -> memref<16x2048xf32, #tpu.memory_space<vmem>>
    tpu.wait_dma2 semaphore(%dma_wait3A_749 : memref<!tpu.dma_semaphore, #tpu.memory_space<semaphore_mem>>) src(%dma_wait3A_756 : memref<16x2048xf32, #tpu.memory_space<vmem>>) dst(%dma_wait3A_752 : memref<16x2048xf32, #tpu.memory_space<hbm>>)
    %add3A_757 = arith.constant 128 : i32
    %add3A_758 = arith.addi %mul3A_2, %add3A_757 : i32
    %dma_start3A_759 = arith.constant 2 : i32
    %dma_start3A_760 = arith.constant 2 : i32
    %dma_start3A_761 = arith.constant 0 : i32
    %dma_start3A_762 = arith.constant 0 : i32
    %dma_start3A_763 = tpu.memref_slice %arg4[%dma_start3A_759, %dma_start3A_761, %dma_start3A_762] : memref<3x16x2048xf32, #tpu.memory_space<vmem>> -> memref<1x16x2048xf32, #tpu.memory_space<vmem>>
    %dma_start3A_764 = tpu.memref_squeeze %dma_start3A_763 : memref<1x16x2048xf32, #tpu.memory_space<vmem>> -> memref<16x2048xf32, #tpu.memory_space<vmem>>
    %dma_start3A_765 = arith.constant 0 : i32
    %dma_start3A_766 = tpu.memref_slice %arg2[%add3A_758, %dma_start3A_765] : memref<8192x2048xf32, #tpu.memory_space<hbm>> -> memref<16x2048xf32, #tpu.memory_space<hbm>>
    %dma_start3A_767 = tpu.memref_slice %arg5[%dma_start3A_760] : memref<3x!tpu.dma_semaphore, #tpu.memory_space<semaphore_mem>> -> memref<1x!tpu.dma_semaphore, #tpu.memory_space<semaphore_mem>>
    %dma_start3A_768 = tpu.memref_squeeze %dma_start3A_767 : memref<1x!tpu.dma_semaphore, #tpu.memory_space<semaphore_mem>> -> memref<!tpu.dma_semaphore, #tpu.memory_space<semaphore_mem>>
    %dma_start3A_769 = arith.constant 0 : i32
    %dma_start3A_770 = arith.constant 0 : i32
    %dma_start3A_771 = tpu.memref_slice %arg4[%dma_start3A_759, %dma_start3A_769, %dma_start3A_770] : memref<3x16x2048xf32, #tpu.memory_space<vmem>> -> memref<1x16x2048xf32, #tpu.memory_space<vmem>>
    %dma_start3A_772 = tpu.memref_squeeze %dma_start3A_771 : memref<1x16x2048xf32, #tpu.memory_space<vmem>> -> memref<16x2048xf32, #tpu.memory_space<vmem>>
    %dma_start3A_773 = arith.constant 0 : i32
    %dma_start3A_774 = tpu.memref_slice %arg2[%add3A_758, %dma_start3A_773] : memref<8192x2048xf32, #tpu.memory_space<hbm>> -> memref<16x2048xf32, #tpu.memory_space<hbm>>
    tpu.enqueue_dma source(%dma_start3A_774 : memref<16x2048xf32, #tpu.memory_space<hbm>>) target(%dma_start3A_772 : memref<16x2048xf32, #tpu.memory_space<vmem>>) target_semaphore(%dma_start3A_768 : memref<!tpu.dma_semaphore, #tpu.memory_space<semaphore_mem>>)
    %add3A_775 = arith.constant 96 : i32
    %add3A_776 = arith.addi %mul3A_2, %add3A_775 : i32
    %dma_wait3A_777 = arith.constant 0 : i32
    %dma_wait3A_778 = arith.constant 0 : i32
    %dma_wait3A_779 = arith.constant 0 : i32
    %dma_wait3A_780 = arith.constant 0 : i32
    %dma_wait3A_781 = tpu.memref_slice %arg4[%dma_wait3A_777, %dma_wait3A_779, %dma_wait3A_780] : memref<3x16x2048xf32, #tpu.memory_space<vmem>> -> memref<1x16x2048xf32, #tpu.memory_space<vmem>>
    %dma_wait3A_782 = tpu.memref_squeeze %dma_wait3A_781 : memref<1x16x2048xf32, #tpu.memory_space<vmem>> -> memref<16x2048xf32, #tpu.memory_space<vmem>>
    %dma_wait3A_783 = arith.constant 0 : i32
    %dma_wait3A_784 = tpu.memref_slice %arg2[%add3A_776, %dma_wait3A_783] : memref<8192x2048xf32, #tpu.memory_space<hbm>> -> memref<16x2048xf32, #tpu.memory_space<hbm>>
    %dma_wait3A_785 = tpu.memref_slice %arg5[%dma_wait3A_778] : memref<3x!tpu.dma_semaphore, #tpu.memory_space<semaphore_mem>> -> memref<1x!tpu.dma_semaphore, #tpu.memory_space<semaphore_mem>>
    %dma_wait3A_786 = tpu.memref_squeeze %dma_wait3A_785 : memref<1x!tpu.dma_semaphore, #tpu.memory_space<semaphore_mem>> -> memref<!tpu.dma_semaphore, #tpu.memory_space<semaphore_mem>>
    %dma_wait3A_787 = arith.constant 0 : i32
    %dma_wait3A_788 = arith.constant 0 : i32
    %dma_wait3A_789 = tpu.memref_slice %arg4[%dma_wait3A_777, %dma_wait3A_787, %dma_wait3A_788] : memref<3x16x2048xf32, #tpu.memory_space<vmem>> -> memref<1x16x2048xf32, #tpu.memory_space<vmem>>
    %dma_wait3A_790 = tpu.memref_squeeze %dma_wait3A_789 : memref<1x16x2048xf32, #tpu.memory_space<vmem>> -> memref<16x2048xf32, #tpu.memory_space<vmem>>
    %dma_wait3A_791 = arith.constant 0 : i32
    %dma_wait3A_792 = tpu.memref_slice %arg2[%add3A_776, %dma_wait3A_791] : memref<8192x2048xf32, #tpu.memory_space<hbm>> -> memref<16x2048xf32, #tpu.memory_space<hbm>>
    tpu.wait_dma2 semaphore(%dma_wait3A_786 : memref<!tpu.dma_semaphore, #tpu.memory_space<semaphore_mem>>) src(%dma_wait3A_792 : memref<16x2048xf32, #tpu.memory_space<hbm>>) dst(%dma_wait3A_790 : memref<16x2048xf32, #tpu.memory_space<vmem>>)
    %add3A_793 = arith.constant 96 : i32
    %add3A_794 = arith.addi %mul3A_2, %add3A_793 : i32
    %dma_start3A_795 = arith.constant 0 : i32
    %dma_start3A_796 = arith.constant 0 : i32
    %dma_start3A_797 = arith.constant 0 : i32
    %dma_start3A_798 = arith.constant 0 : i32
    %dma_start3A_799 = arith.constant 0 : i32
    %dma_start3A_800 = tpu.memref_slice %arg4[%dma_start3A_795, %dma_start3A_798, %dma_start3A_799] : memref<3x16x2048xf32, #tpu.memory_space<vmem>> -> memref<1x16x2048xf32, #tpu.memory_space<vmem>>
    %dma_start3A_801 = tpu.memref_squeeze %dma_start3A_800 : memref<1x16x2048xf32, #tpu.memory_space<vmem>> -> memref<16x2048xf32, #tpu.memory_space<vmem>>
    %dma_start3A_802 = arith.constant 0 : i32
    %dma_start3A_803 = tpu.memref_slice %arg3[%add3A_794, %dma_start3A_796, %dma_start3A_802] : memref<8192x2x2048xf32, #tpu.memory_space<hbm>> -> memref<16x1x2048xf32, #tpu.memory_space<hbm>>
    %dma_start3A_804 = tpu.memref_squeeze %dma_start3A_803 : memref<16x1x2048xf32, #tpu.memory_space<hbm>> -> memref<16x2048xf32, #tpu.memory_space<hbm>>
    %dma_start3A_805 = tpu.memref_slice %arg6[%dma_start3A_797] : memref<3x!tpu.dma_semaphore, #tpu.memory_space<semaphore_mem>> -> memref<1x!tpu.dma_semaphore, #tpu.memory_space<semaphore_mem>>
    %dma_start3A_806 = tpu.memref_squeeze %dma_start3A_805 : memref<1x!tpu.dma_semaphore, #tpu.memory_space<semaphore_mem>> -> memref<!tpu.dma_semaphore, #tpu.memory_space<semaphore_mem>>
    %dma_start3A_807 = arith.constant 0 : i32
    %dma_start3A_808 = tpu.memref_slice %arg3[%add3A_794, %dma_start3A_796, %dma_start3A_807] : memref<8192x2x2048xf32, #tpu.memory_space<hbm>> -> memref<16x1x2048xf32, #tpu.memory_space<hbm>>
    %dma_start3A_809 = tpu.memref_squeeze %dma_start3A_808 : memref<16x1x2048xf32, #tpu.memory_space<hbm>> -> memref<16x2048xf32, #tpu.memory_space<hbm>>
    %dma_start3A_810 = arith.constant 0 : i32
    %dma_start3A_811 = arith.constant 0 : i32
    %dma_start3A_812 = tpu.memref_slice %arg4[%dma_start3A_795, %dma_start3A_810, %dma_start3A_811] : memref<3x16x2048xf32, #tpu.memory_space<vmem>> -> memref<1x16x2048xf32, #tpu.memory_space<vmem>>
    %dma_start3A_813 = tpu.memref_squeeze %dma_start3A_812 : memref<1x16x2048xf32, #tpu.memory_space<vmem>> -> memref<16x2048xf32, #tpu.memory_space<vmem>>
    tpu.enqueue_dma source(%dma_start3A_813 : memref<16x2048xf32, #tpu.memory_space<vmem>>) target(%dma_start3A_809 : memref<16x2048xf32, #tpu.memory_space<hbm>>) target_semaphore(%dma_start3A_806 : memref<!tpu.dma_semaphore, #tpu.memory_space<semaphore_mem>>)
    %add3A_814 = arith.constant 96 : i32
    %add3A_815 = arith.addi %mul3A_2, %add3A_814 : i32
    %dma_start3A_816 = arith.constant 0 : i32
    %dma_start3A_817 = arith.constant 1 : i32
    %dma_start3A_818 = arith.constant 0 : i32
    %dma_start3A_819 = arith.constant 0 : i32
    %dma_start3A_820 = arith.constant 0 : i32
    %dma_start3A_821 = tpu.memref_slice %arg4[%dma_start3A_816, %dma_start3A_819, %dma_start3A_820] : memref<3x16x2048xf32, #tpu.memory_space<vmem>> -> memref<1x16x2048xf32, #tpu.memory_space<vmem>>
    %dma_start3A_822 = tpu.memref_squeeze %dma_start3A_821 : memref<1x16x2048xf32, #tpu.memory_space<vmem>> -> memref<16x2048xf32, #tpu.memory_space<vmem>>
    %dma_start3A_823 = arith.constant 0 : i32
    %dma_start3A_824 = tpu.memref_slice %arg3[%add3A_815, %dma_start3A_817, %dma_start3A_823] : memref<8192x2x2048xf32, #tpu.memory_space<hbm>> -> memref<16x1x2048xf32, #tpu.memory_space<hbm>>
    %dma_start3A_825 = tpu.memref_squeeze %dma_start3A_824 : memref<16x1x2048xf32, #tpu.memory_space<hbm>> -> memref<16x2048xf32, #tpu.memory_space<hbm>>
    %dma_start3A_826 = tpu.memref_slice %arg6[%dma_start3A_818] : memref<3x!tpu.dma_semaphore, #tpu.memory_space<semaphore_mem>> -> memref<1x!tpu.dma_semaphore, #tpu.memory_space<semaphore_mem>>
    %dma_start3A_827 = tpu.memref_squeeze %dma_start3A_826 : memref<1x!tpu.dma_semaphore, #tpu.memory_space<semaphore_mem>> -> memref<!tpu.dma_semaphore, #tpu.memory_space<semaphore_mem>>
    %dma_start3A_828 = arith.constant 0 : i32
    %dma_start3A_829 = tpu.memref_slice %arg3[%add3A_815, %dma_start3A_817, %dma_start3A_828] : memref<8192x2x2048xf32, #tpu.memory_space<hbm>> -> memref<16x1x2048xf32, #tpu.memory_space<hbm>>
    %dma_start3A_830 = tpu.memref_squeeze %dma_start3A_829 : memref<16x1x2048xf32, #tpu.memory_space<hbm>> -> memref<16x2048xf32, #tpu.memory_space<hbm>>
    %dma_start3A_831 = arith.constant 0 : i32
    %dma_start3A_832 = arith.constant 0 : i32
    %dma_start3A_833 = tpu.memref_slice %arg4[%dma_start3A_816, %dma_start3A_831, %dma_start3A_832] : memref<3x16x2048xf32, #tpu.memory_space<vmem>> -> memref<1x16x2048xf32, #tpu.memory_space<vmem>>
    %dma_start3A_834 = tpu.memref_squeeze %dma_start3A_833 : memref<1x16x2048xf32, #tpu.memory_space<vmem>> -> memref<16x2048xf32, #tpu.memory_space<vmem>>
    tpu.enqueue_dma source(%dma_start3A_834 : memref<16x2048xf32, #tpu.memory_space<vmem>>) target(%dma_start3A_830 : memref<16x2048xf32, #tpu.memory_space<hbm>>) target_semaphore(%dma_start3A_827 : memref<!tpu.dma_semaphore, #tpu.memory_space<semaphore_mem>>)
    %add3A_835 = arith.constant 96 : i32
    %add3A_836 = arith.addi %mul3A_2, %add3A_835 : i32
    %dma_wait3A_837 = arith.constant 0 : i32
    %dma_wait3A_838 = arith.constant 0 : i32
    %dma_wait3A_839 = arith.constant 0 : i32
    %dma_wait3A_840 = arith.constant 0 : i32
    %dma_wait3A_841 = arith.constant 0 : i32
    %dma_wait3A_842 = tpu.memref_slice %arg4[%dma_wait3A_837, %dma_wait3A_840, %dma_wait3A_841] : memref<3x16x2048xf32, #tpu.memory_space<vmem>> -> memref<1x16x2048xf32, #tpu.memory_space<vmem>>
    %dma_wait3A_843 = tpu.memref_squeeze %dma_wait3A_842 : memref<1x16x2048xf32, #tpu.memory_space<vmem>> -> memref<16x2048xf32, #tpu.memory_space<vmem>>
    %dma_wait3A_844 = arith.constant 0 : i32
    %dma_wait3A_845 = tpu.memref_slice %arg3[%add3A_836, %dma_wait3A_838, %dma_wait3A_844] : memref<8192x2x2048xf32, #tpu.memory_space<hbm>> -> memref<16x1x2048xf32, #tpu.memory_space<hbm>>
    %dma_wait3A_846 = tpu.memref_squeeze %dma_wait3A_845 : memref<16x1x2048xf32, #tpu.memory_space<hbm>> -> memref<16x2048xf32, #tpu.memory_space<hbm>>
    %dma_wait3A_847 = tpu.memref_slice %arg6[%dma_wait3A_839] : memref<3x!tpu.dma_semaphore, #tpu.memory_space<semaphore_mem>> -> memref<1x!tpu.dma_semaphore, #tpu.memory_space<semaphore_mem>>
    %dma_wait3A_848 = tpu.memref_squeeze %dma_wait3A_847 : memref<1x!tpu.dma_semaphore, #tpu.memory_space<semaphore_mem>> -> memref<!tpu.dma_semaphore, #tpu.memory_space<semaphore_mem>>
    %dma_wait3A_849 = arith.constant 0 : i32
    %dma_wait3A_850 = tpu.memref_slice %arg3[%add3A_836, %dma_wait3A_838, %dma_wait3A_849] : memref<8192x2x2048xf32, #tpu.memory_space<hbm>> -> memref<16x1x2048xf32, #tpu.memory_space<hbm>>
    %dma_wait3A_851 = tpu.memref_squeeze %dma_wait3A_850 : memref<16x1x2048xf32, #tpu.memory_space<hbm>> -> memref<16x2048xf32, #tpu.memory_space<hbm>>
    %dma_wait3A_852 = arith.constant 0 : i32
    %dma_wait3A_853 = arith.constant 0 : i32
    %dma_wait3A_854 = tpu.memref_slice %arg4[%dma_wait3A_837, %dma_wait3A_852, %dma_wait3A_853] : memref<3x16x2048xf32, #tpu.memory_space<vmem>> -> memref<1x16x2048xf32, #tpu.memory_space<vmem>>
    %dma_wait3A_855 = tpu.memref_squeeze %dma_wait3A_854 : memref<1x16x2048xf32, #tpu.memory_space<vmem>> -> memref<16x2048xf32, #tpu.memory_space<vmem>>
    tpu.wait_dma2 semaphore(%dma_wait3A_848 : memref<!tpu.dma_semaphore, #tpu.memory_space<semaphore_mem>>) src(%dma_wait3A_855 : memref<16x2048xf32, #tpu.memory_space<vmem>>) dst(%dma_wait3A_851 : memref<16x2048xf32, #tpu.memory_space<hbm>>)
    %add3A_856 = arith.constant 96 : i32
    %add3A_857 = arith.addi %mul3A_2, %add3A_856 : i32
    %dma_wait3A_858 = arith.constant 0 : i32
    %dma_wait3A_859 = arith.constant 1 : i32
    %dma_wait3A_860 = arith.constant 0 : i32
    %dma_wait3A_861 = arith.constant 0 : i32
    %dma_wait3A_862 = arith.constant 0 : i32
    %dma_wait3A_863 = tpu.memref_slice %arg4[%dma_wait3A_858, %dma_wait3A_861, %dma_wait3A_862] : memref<3x16x2048xf32, #tpu.memory_space<vmem>> -> memref<1x16x2048xf32, #tpu.memory_space<vmem>>
    %dma_wait3A_864 = tpu.memref_squeeze %dma_wait3A_863 : memref<1x16x2048xf32, #tpu.memory_space<vmem>> -> memref<16x2048xf32, #tpu.memory_space<vmem>>
    %dma_wait3A_865 = arith.constant 0 : i32
    %dma_wait3A_866 = tpu.memref_slice %arg3[%add3A_857, %dma_wait3A_859, %dma_wait3A_865] : memref<8192x2x2048xf32, #tpu.memory_space<hbm>> -> memref<16x1x2048xf32, #tpu.memory_space<hbm>>
    %dma_wait3A_867 = tpu.memref_squeeze %dma_wait3A_866 : memref<16x1x2048xf32, #tpu.memory_space<hbm>> -> memref<16x2048xf32, #tpu.memory_space<hbm>>
    %dma_wait3A_868 = tpu.memref_slice %arg6[%dma_wait3A_860] : memref<3x!tpu.dma_semaphore, #tpu.memory_space<semaphore_mem>> -> memref<1x!tpu.dma_semaphore, #tpu.memory_space<semaphore_mem>>
    %dma_wait3A_869 = tpu.memref_squeeze %dma_wait3A_868 : memref<1x!tpu.dma_semaphore, #tpu.memory_space<semaphore_mem>> -> memref<!tpu.dma_semaphore, #tpu.memory_space<semaphore_mem>>
    %dma_wait3A_870 = arith.constant 0 : i32
    %dma_wait3A_871 = tpu.memref_slice %arg3[%add3A_857, %dma_wait3A_859, %dma_wait3A_870] : memref<8192x2x2048xf32, #tpu.memory_space<hbm>> -> memref<16x1x2048xf32, #tpu.memory_space<hbm>>
    %dma_wait3A_872 = tpu.memref_squeeze %dma_wait3A_871 : memref<16x1x2048xf32, #tpu.memory_space<hbm>> -> memref<16x2048xf32, #tpu.memory_space<hbm>>
    %dma_wait3A_873 = arith.constant 0 : i32
    %dma_wait3A_874 = arith.constant 0 : i32
    %dma_wait3A_875 = tpu.memref_slice %arg4[%dma_wait3A_858, %dma_wait3A_873, %dma_wait3A_874] : memref<3x16x2048xf32, #tpu.memory_space<vmem>> -> memref<1x16x2048xf32, #tpu.memory_space<vmem>>
    %dma_wait3A_876 = tpu.memref_squeeze %dma_wait3A_875 : memref<1x16x2048xf32, #tpu.memory_space<vmem>> -> memref<16x2048xf32, #tpu.memory_space<vmem>>
    tpu.wait_dma2 semaphore(%dma_wait3A_869 : memref<!tpu.dma_semaphore, #tpu.memory_space<semaphore_mem>>) src(%dma_wait3A_876 : memref<16x2048xf32, #tpu.memory_space<vmem>>) dst(%dma_wait3A_872 : memref<16x2048xf32, #tpu.memory_space<hbm>>)
    %add3A_877 = arith.constant 144 : i32
    %add3A_878 = arith.addi %mul3A_2, %add3A_877 : i32
    %dma_start3A_879 = arith.constant 0 : i32
    %dma_start3A_880 = arith.constant 0 : i32
    %dma_start3A_881 = arith.constant 0 : i32
    %dma_start3A_882 = arith.constant 0 : i32
    %dma_start3A_883 = tpu.memref_slice %arg4[%dma_start3A_879, %dma_start3A_881, %dma_start3A_882] : memref<3x16x2048xf32, #tpu.memory_space<vmem>> -> memref<1x16x2048xf32, #tpu.memory_space<vmem>>
    %dma_start3A_884 = tpu.memref_squeeze %dma_start3A_883 : memref<1x16x2048xf32, #tpu.memory_space<vmem>> -> memref<16x2048xf32, #tpu.memory_space<vmem>>
    %dma_start3A_885 = arith.constant 0 : i32
    %dma_start3A_886 = tpu.memref_slice %arg2[%add3A_878, %dma_start3A_885] : memref<8192x2048xf32, #tpu.memory_space<hbm>> -> memref<16x2048xf32, #tpu.memory_space<hbm>>
    %dma_start3A_887 = tpu.memref_slice %arg5[%dma_start3A_880] : memref<3x!tpu.dma_semaphore, #tpu.memory_space<semaphore_mem>> -> memref<1x!tpu.dma_semaphore, #tpu.memory_space<semaphore_mem>>
    %dma_start3A_888 = tpu.memref_squeeze %dma_start3A_887 : memref<1x!tpu.dma_semaphore, #tpu.memory_space<semaphore_mem>> -> memref<!tpu.dma_semaphore, #tpu.memory_space<semaphore_mem>>
    %dma_start3A_889 = arith.constant 0 : i32
    %dma_start3A_890 = arith.constant 0 : i32
    %dma_start3A_891 = tpu.memref_slice %arg4[%dma_start3A_879, %dma_start3A_889, %dma_start3A_890] : memref<3x16x2048xf32, #tpu.memory_space<vmem>> -> memref<1x16x2048xf32, #tpu.memory_space<vmem>>
    %dma_start3A_892 = tpu.memref_squeeze %dma_start3A_891 : memref<1x16x2048xf32, #tpu.memory_space<vmem>> -> memref<16x2048xf32, #tpu.memory_space<vmem>>
    %dma_start3A_893 = arith.constant 0 : i32
    %dma_start3A_894 = tpu.memref_slice %arg2[%add3A_878, %dma_start3A_893] : memref<8192x2048xf32, #tpu.memory_space<hbm>> -> memref<16x2048xf32, #tpu.memory_space<hbm>>
    tpu.enqueue_dma source(%dma_start3A_894 : memref<16x2048xf32, #tpu.memory_space<hbm>>) target(%dma_start3A_892 : memref<16x2048xf32, #tpu.memory_space<vmem>>) target_semaphore(%dma_start3A_888 : memref<!tpu.dma_semaphore, #tpu.memory_space<semaphore_mem>>)
    %add3A_895 = arith.constant 112 : i32
    %add3A_896 = arith.addi %mul3A_2, %add3A_895 : i32
    %dma_wait3A_897 = arith.constant 1 : i32
    %dma_wait3A_898 = arith.constant 1 : i32
    %dma_wait3A_899 = arith.constant 0 : i32
    %dma_wait3A_900 = arith.constant 0 : i32
    %dma_wait3A_901 = tpu.memref_slice %arg4[%dma_wait3A_897, %dma_wait3A_899, %dma_wait3A_900] : memref<3x16x2048xf32, #tpu.memory_space<vmem>> -> memref<1x16x2048xf32, #tpu.memory_space<vmem>>
    %dma_wait3A_902 = tpu.memref_squeeze %dma_wait3A_901 : memref<1x16x2048xf32, #tpu.memory_space<vmem>> -> memref<16x2048xf32, #tpu.memory_space<vmem>>
    %dma_wait3A_903 = arith.constant 0 : i32
    %dma_wait3A_904 = tpu.memref_slice %arg2[%add3A_896, %dma_wait3A_903] : memref<8192x2048xf32, #tpu.memory_space<hbm>> -> memref<16x2048xf32, #tpu.memory_space<hbm>>
    %dma_wait3A_905 = tpu.memref_slice %arg5[%dma_wait3A_898] : memref<3x!tpu.dma_semaphore, #tpu.memory_space<semaphore_mem>> -> memref<1x!tpu.dma_semaphore, #tpu.memory_space<semaphore_mem>>
    %dma_wait3A_906 = tpu.memref_squeeze %dma_wait3A_905 : memref<1x!tpu.dma_semaphore, #tpu.memory_space<semaphore_mem>> -> memref<!tpu.dma_semaphore, #tpu.memory_space<semaphore_mem>>
    %dma_wait3A_907 = arith.constant 0 : i32
    %dma_wait3A_908 = arith.constant 0 : i32
    %dma_wait3A_909 = tpu.memref_slice %arg4[%dma_wait3A_897, %dma_wait3A_907, %dma_wait3A_908] : memref<3x16x2048xf32, #tpu.memory_space<vmem>> -> memref<1x16x2048xf32, #tpu.memory_space<vmem>>
    %dma_wait3A_910 = tpu.memref_squeeze %dma_wait3A_909 : memref<1x16x2048xf32, #tpu.memory_space<vmem>> -> memref<16x2048xf32, #tpu.memory_space<vmem>>
    %dma_wait3A_911 = arith.constant 0 : i32
    %dma_wait3A_912 = tpu.memref_slice %arg2[%add3A_896, %dma_wait3A_911] : memref<8192x2048xf32, #tpu.memory_space<hbm>> -> memref<16x2048xf32, #tpu.memory_space<hbm>>
    tpu.wait_dma2 semaphore(%dma_wait3A_906 : memref<!tpu.dma_semaphore, #tpu.memory_space<semaphore_mem>>) src(%dma_wait3A_912 : memref<16x2048xf32, #tpu.memory_space<hbm>>) dst(%dma_wait3A_910 : memref<16x2048xf32, #tpu.memory_space<vmem>>)
    %add3A_913 = arith.constant 112 : i32
    %add3A_914 = arith.addi %mul3A_2, %add3A_913 : i32
    %dma_start3A_915 = arith.constant 1 : i32
    %dma_start3A_916 = arith.constant 0 : i32
    %dma_start3A_917 = arith.constant 1 : i32
    %dma_start3A_918 = arith.constant 0 : i32
    %dma_start3A_919 = arith.constant 0 : i32
    %dma_start3A_920 = tpu.memref_slice %arg4[%dma_start3A_915, %dma_start3A_918, %dma_start3A_919] : memref<3x16x2048xf32, #tpu.memory_space<vmem>> -> memref<1x16x2048xf32, #tpu.memory_space<vmem>>
    %dma_start3A_921 = tpu.memref_squeeze %dma_start3A_920 : memref<1x16x2048xf32, #tpu.memory_space<vmem>> -> memref<16x2048xf32, #tpu.memory_space<vmem>>
    %dma_start3A_922 = arith.constant 0 : i32
    %dma_start3A_923 = tpu.memref_slice %arg3[%add3A_914, %dma_start3A_916, %dma_start3A_922] : memref<8192x2x2048xf32, #tpu.memory_space<hbm>> -> memref<16x1x2048xf32, #tpu.memory_space<hbm>>
    %dma_start3A_924 = tpu.memref_squeeze %dma_start3A_923 : memref<16x1x2048xf32, #tpu.memory_space<hbm>> -> memref<16x2048xf32, #tpu.memory_space<hbm>>
    %dma_start3A_925 = tpu.memref_slice %arg6[%dma_start3A_917] : memref<3x!tpu.dma_semaphore, #tpu.memory_space<semaphore_mem>> -> memref<1x!tpu.dma_semaphore, #tpu.memory_space<semaphore_mem>>
    %dma_start3A_926 = tpu.memref_squeeze %dma_start3A_925 : memref<1x!tpu.dma_semaphore, #tpu.memory_space<semaphore_mem>> -> memref<!tpu.dma_semaphore, #tpu.memory_space<semaphore_mem>>
    %dma_start3A_927 = arith.constant 0 : i32
    %dma_start3A_928 = tpu.memref_slice %arg3[%add3A_914, %dma_start3A_916, %dma_start3A_927] : memref<8192x2x2048xf32, #tpu.memory_space<hbm>> -> memref<16x1x2048xf32, #tpu.memory_space<hbm>>
    %dma_start3A_929 = tpu.memref_squeeze %dma_start3A_928 : memref<16x1x2048xf32, #tpu.memory_space<hbm>> -> memref<16x2048xf32, #tpu.memory_space<hbm>>
    %dma_start3A_930 = arith.constant 0 : i32
    %dma_start3A_931 = arith.constant 0 : i32
    %dma_start3A_932 = tpu.memref_slice %arg4[%dma_start3A_915, %dma_start3A_930, %dma_start3A_931] : memref<3x16x2048xf32, #tpu.memory_space<vmem>> -> memref<1x16x2048xf32, #tpu.memory_space<vmem>>
    %dma_start3A_933 = tpu.memref_squeeze %dma_start3A_932 : memref<1x16x2048xf32, #tpu.memory_space<vmem>> -> memref<16x2048xf32, #tpu.memory_space<vmem>>
    tpu.enqueue_dma source(%dma_start3A_933 : memref<16x2048xf32, #tpu.memory_space<vmem>>) target(%dma_start3A_929 : memref<16x2048xf32, #tpu.memory_space<hbm>>) target_semaphore(%dma_start3A_926 : memref<!tpu.dma_semaphore, #tpu.memory_space<semaphore_mem>>)
    %add3A_934 = arith.constant 112 : i32
    %add3A_935 = arith.addi %mul3A_2, %add3A_934 : i32
    %dma_start3A_936 = arith.constant 1 : i32
    %dma_start3A_937 = arith.constant 1 : i32
    %dma_start3A_938 = arith.constant 1 : i32
    %dma_start3A_939 = arith.constant 0 : i32
    %dma_start3A_940 = arith.constant 0 : i32
    %dma_start3A_941 = tpu.memref_slice %arg4[%dma_start3A_936, %dma_start3A_939, %dma_start3A_940] : memref<3x16x2048xf32, #tpu.memory_space<vmem>> -> memref<1x16x2048xf32, #tpu.memory_space<vmem>>
    %dma_start3A_942 = tpu.memref_squeeze %dma_start3A_941 : memref<1x16x2048xf32, #tpu.memory_space<vmem>> -> memref<16x2048xf32, #tpu.memory_space<vmem>>
    %dma_start3A_943 = arith.constant 0 : i32
    %dma_start3A_944 = tpu.memref_slice %arg3[%add3A_935, %dma_start3A_937, %dma_start3A_943] : memref<8192x2x2048xf32, #tpu.memory_space<hbm>> -> memref<16x1x2048xf32, #tpu.memory_space<hbm>>
    %dma_start3A_945 = tpu.memref_squeeze %dma_start3A_944 : memref<16x1x2048xf32, #tpu.memory_space<hbm>> -> memref<16x2048xf32, #tpu.memory_space<hbm>>
    %dma_start3A_946 = tpu.memref_slice %arg6[%dma_start3A_938] : memref<3x!tpu.dma_semaphore, #tpu.memory_space<semaphore_mem>> -> memref<1x!tpu.dma_semaphore, #tpu.memory_space<semaphore_mem>>
    %dma_start3A_947 = tpu.memref_squeeze %dma_start3A_946 : memref<1x!tpu.dma_semaphore, #tpu.memory_space<semaphore_mem>> -> memref<!tpu.dma_semaphore, #tpu.memory_space<semaphore_mem>>
    %dma_start3A_948 = arith.constant 0 : i32
    %dma_start3A_949 = tpu.memref_slice %arg3[%add3A_935, %dma_start3A_937, %dma_start3A_948] : memref<8192x2x2048xf32, #tpu.memory_space<hbm>> -> memref<16x1x2048xf32, #tpu.memory_space<hbm>>
    %dma_start3A_950 = tpu.memref_squeeze %dma_start3A_949 : memref<16x1x2048xf32, #tpu.memory_space<hbm>> -> memref<16x2048xf32, #tpu.memory_space<hbm>>
    %dma_start3A_951 = arith.constant 0 : i32
    %dma_start3A_952 = arith.constant 0 : i32
    %dma_start3A_953 = tpu.memref_slice %arg4[%dma_start3A_936, %dma_start3A_951, %dma_start3A_952] : memref<3x16x2048xf32, #tpu.memory_space<vmem>> -> memref<1x16x2048xf32, #tpu.memory_space<vmem>>
    %dma_start3A_954 = tpu.memref_squeeze %dma_start3A_953 : memref<1x16x2048xf32, #tpu.memory_space<vmem>> -> memref<16x2048xf32, #tpu.memory_space<vmem>>
    tpu.enqueue_dma source(%dma_start3A_954 : memref<16x2048xf32, #tpu.memory_space<vmem>>) target(%dma_start3A_950 : memref<16x2048xf32, #tpu.memory_space<hbm>>) target_semaphore(%dma_start3A_947 : memref<!tpu.dma_semaphore, #tpu.memory_space<semaphore_mem>>)
    %add3A_955 = arith.constant 112 : i32
    %add3A_956 = arith.addi %mul3A_2, %add3A_955 : i32
    %dma_wait3A_957 = arith.constant 1 : i32
    %dma_wait3A_958 = arith.constant 0 : i32
    %dma_wait3A_959 = arith.constant 1 : i32
    %dma_wait3A_960 = arith.constant 0 : i32
    %dma_wait3A_961 = arith.constant 0 : i32
    %dma_wait3A_962 = tpu.memref_slice %arg4[%dma_wait3A_957, %dma_wait3A_960, %dma_wait3A_961] : memref<3x16x2048xf32, #tpu.memory_space<vmem>> -> memref<1x16x2048xf32, #tpu.memory_space<vmem>>
    %dma_wait3A_963 = tpu.memref_squeeze %dma_wait3A_962 : memref<1x16x2048xf32, #tpu.memory_space<vmem>> -> memref<16x2048xf32, #tpu.memory_space<vmem>>
    %dma_wait3A_964 = arith.constant 0 : i32
    %dma_wait3A_965 = tpu.memref_slice %arg3[%add3A_956, %dma_wait3A_958, %dma_wait3A_964] : memref<8192x2x2048xf32, #tpu.memory_space<hbm>> -> memref<16x1x2048xf32, #tpu.memory_space<hbm>>
    %dma_wait3A_966 = tpu.memref_squeeze %dma_wait3A_965 : memref<16x1x2048xf32, #tpu.memory_space<hbm>> -> memref<16x2048xf32, #tpu.memory_space<hbm>>
    %dma_wait3A_967 = tpu.memref_slice %arg6[%dma_wait3A_959] : memref<3x!tpu.dma_semaphore, #tpu.memory_space<semaphore_mem>> -> memref<1x!tpu.dma_semaphore, #tpu.memory_space<semaphore_mem>>
    %dma_wait3A_968 = tpu.memref_squeeze %dma_wait3A_967 : memref<1x!tpu.dma_semaphore, #tpu.memory_space<semaphore_mem>> -> memref<!tpu.dma_semaphore, #tpu.memory_space<semaphore_mem>>
    %dma_wait3A_969 = arith.constant 0 : i32
    %dma_wait3A_970 = tpu.memref_slice %arg3[%add3A_956, %dma_wait3A_958, %dma_wait3A_969] : memref<8192x2x2048xf32, #tpu.memory_space<hbm>> -> memref<16x1x2048xf32, #tpu.memory_space<hbm>>
    %dma_wait3A_971 = tpu.memref_squeeze %dma_wait3A_970 : memref<16x1x2048xf32, #tpu.memory_space<hbm>> -> memref<16x2048xf32, #tpu.memory_space<hbm>>
    %dma_wait3A_972 = arith.constant 0 : i32
    %dma_wait3A_973 = arith.constant 0 : i32
    %dma_wait3A_974 = tpu.memref_slice %arg4[%dma_wait3A_957, %dma_wait3A_972, %dma_wait3A_973] : memref<3x16x2048xf32, #tpu.memory_space<vmem>> -> memref<1x16x2048xf32, #tpu.memory_space<vmem>>
    %dma_wait3A_975 = tpu.memref_squeeze %dma_wait3A_974 : memref<1x16x2048xf32, #tpu.memory_space<vmem>> -> memref<16x2048xf32, #tpu.memory_space<vmem>>
    tpu.wait_dma2 semaphore(%dma_wait3A_968 : memref<!tpu.dma_semaphore, #tpu.memory_space<semaphore_mem>>) src(%dma_wait3A_975 : memref<16x2048xf32, #tpu.memory_space<vmem>>) dst(%dma_wait3A_971 : memref<16x2048xf32, #tpu.memory_space<hbm>>)
    %add3A_976 = arith.constant 112 : i32
    %add3A_977 = arith.addi %mul3A_2, %add3A_976 : i32
    %dma_wait3A_978 = arith.constant 1 : i32
    %dma_wait3A_979 = arith.constant 1 : i32
    %dma_wait3A_980 = arith.constant 1 : i32
    %dma_wait3A_981 = arith.constant 0 : i32
    %dma_wait3A_982 = arith.constant 0 : i32
    %dma_wait3A_983 = tpu.memref_slice %arg4[%dma_wait3A_978, %dma_wait3A_981, %dma_wait3A_982] : memref<3x16x2048xf32, #tpu.memory_space<vmem>> -> memref<1x16x2048xf32, #tpu.memory_space<vmem>>
    %dma_wait3A_984 = tpu.memref_squeeze %dma_wait3A_983 : memref<1x16x2048xf32, #tpu.memory_space<vmem>> -> memref<16x2048xf32, #tpu.memory_space<vmem>>
    %dma_wait3A_985 = arith.constant 0 : i32
    %dma_wait3A_986 = tpu.memref_slice %arg3[%add3A_977, %dma_wait3A_979, %dma_wait3A_985] : memref<8192x2x2048xf32, #tpu.memory_space<hbm>> -> memref<16x1x2048xf32, #tpu.memory_space<hbm>>
    %dma_wait3A_987 = tpu.memref_squeeze %dma_wait3A_986 : memref<16x1x2048xf32, #tpu.memory_space<hbm>> -> memref<16x2048xf32, #tpu.memory_space<hbm>>
    %dma_wait3A_988 = tpu.memref_slice %arg6[%dma_wait3A_980] : memref<3x!tpu.dma_semaphore, #tpu.memory_space<semaphore_mem>> -> memref<1x!tpu.dma_semaphore, #tpu.memory_space<semaphore_mem>>
    %dma_wait3A_989 = tpu.memref_squeeze %dma_wait3A_988 : memref<1x!tpu.dma_semaphore, #tpu.memory_space<semaphore_mem>> -> memref<!tpu.dma_semaphore, #tpu.memory_space<semaphore_mem>>
    %dma_wait3A_990 = arith.constant 0 : i32
    %dma_wait3A_991 = tpu.memref_slice %arg3[%add3A_977, %dma_wait3A_979, %dma_wait3A_990] : memref<8192x2x2048xf32, #tpu.memory_space<hbm>> -> memref<16x1x2048xf32, #tpu.memory_space<hbm>>
    %dma_wait3A_992 = tpu.memref_squeeze %dma_wait3A_991 : memref<16x1x2048xf32, #tpu.memory_space<hbm>> -> memref<16x2048xf32, #tpu.memory_space<hbm>>
    %dma_wait3A_993 = arith.constant 0 : i32
    %dma_wait3A_994 = arith.constant 0 : i32
    %dma_wait3A_995 = tpu.memref_slice %arg4[%dma_wait3A_978, %dma_wait3A_993, %dma_wait3A_994] : memref<3x16x2048xf32, #tpu.memory_space<vmem>> -> memref<1x16x2048xf32, #tpu.memory_space<vmem>>
    %dma_wait3A_996 = tpu.memref_squeeze %dma_wait3A_995 : memref<1x16x2048xf32, #tpu.memory_space<vmem>> -> memref<16x2048xf32, #tpu.memory_space<vmem>>
    tpu.wait_dma2 semaphore(%dma_wait3A_989 : memref<!tpu.dma_semaphore, #tpu.memory_space<semaphore_mem>>) src(%dma_wait3A_996 : memref<16x2048xf32, #tpu.memory_space<vmem>>) dst(%dma_wait3A_992 : memref<16x2048xf32, #tpu.memory_space<hbm>>)
    %add3A_997 = arith.constant 160 : i32
    %add3A_998 = arith.addi %mul3A_2, %add3A_997 : i32
    %dma_start3A_999 = arith.constant 1 : i32
    %dma_start3A_1000 = arith.constant 1 : i32
    %dma_start3A_1001 = arith.constant 0 : i32
    %dma_start3A_1002 = arith.constant 0 : i32
    %dma_start3A_1003 = tpu.memref_slice %arg4[%dma_start3A_999, %dma_start3A_1001, %dma_start3A_1002] : memref<3x16x2048xf32, #tpu.memory_space<vmem>> -> memref<1x16x2048xf32, #tpu.memory_space<vmem>>
    %dma_start3A_1004 = tpu.memref_squeeze %dma_start3A_1003 : memref<1x16x2048xf32, #tpu.memory_space<vmem>> -> memref<16x2048xf32, #tpu.memory_space<vmem>>
    %dma_start3A_1005 = arith.constant 0 : i32
    %dma_start3A_1006 = tpu.memref_slice %arg2[%add3A_998, %dma_start3A_1005] : memref<8192x2048xf32, #tpu.memory_space<hbm>> -> memref<16x2048xf32, #tpu.memory_space<hbm>>
    %dma_start3A_1007 = tpu.memref_slice %arg5[%dma_start3A_1000] : memref<3x!tpu.dma_semaphore, #tpu.memory_space<semaphore_mem>> -> memref<1x!tpu.dma_semaphore, #tpu.memory_space<semaphore_mem>>
    %dma_start3A_1008 = tpu.memref_squeeze %dma_start3A_1007 : memref<1x!tpu.dma_semaphore, #tpu.memory_space<semaphore_mem>> -> memref<!tpu.dma_semaphore, #tpu.memory_space<semaphore_mem>>
    %dma_start3A_1009 = arith.constant 0 : i32
    %dma_start3A_1010 = arith.constant 0 : i32
    %dma_start3A_1011 = tpu.memref_slice %arg4[%dma_start3A_999, %dma_start3A_1009, %dma_start3A_1010] : memref<3x16x2048xf32, #tpu.memory_space<vmem>> -> memref<1x16x2048xf32, #tpu.memory_space<vmem>>
    %dma_start3A_1012 = tpu.memref_squeeze %dma_start3A_1011 : memref<1x16x2048xf32, #tpu.memory_space<vmem>> -> memref<16x2048xf32, #tpu.memory_space<vmem>>
    %dma_start3A_1013 = arith.constant 0 : i32
    %dma_start3A_1014 = tpu.memref_slice %arg2[%add3A_998, %dma_start3A_1013] : memref<8192x2048xf32, #tpu.memory_space<hbm>> -> memref<16x2048xf32, #tpu.memory_space<hbm>>
    tpu.enqueue_dma source(%dma_start3A_1014 : memref<16x2048xf32, #tpu.memory_space<hbm>>) target(%dma_start3A_1012 : memref<16x2048xf32, #tpu.memory_space<vmem>>) target_semaphore(%dma_start3A_1008 : memref<!tpu.dma_semaphore, #tpu.memory_space<semaphore_mem>>)
    %add3A_1015 = arith.constant 128 : i32
    %add3A_1016 = arith.addi %mul3A_2, %add3A_1015 : i32
    %dma_wait3A_1017 = arith.constant 2 : i32
    %dma_wait3A_1018 = arith.constant 2 : i32
    %dma_wait3A_1019 = arith.constant 0 : i32
    %dma_wait3A_1020 = arith.constant 0 : i32
    %dma_wait3A_1021 = tpu.memref_slice %arg4[%dma_wait3A_1017, %dma_wait3A_1019, %dma_wait3A_1020] : memref<3x16x2048xf32, #tpu.memory_space<vmem>> -> memref<1x16x2048xf32, #tpu.memory_space<vmem>>
    %dma_wait3A_1022 = tpu.memref_squeeze %dma_wait3A_1021 : memref<1x16x2048xf32, #tpu.memory_space<vmem>> -> memref<16x2048xf32, #tpu.memory_space<vmem>>
    %dma_wait3A_1023 = arith.constant 0 : i32
    %dma_wait3A_1024 = tpu.memref_slice %arg2[%add3A_1016, %dma_wait3A_1023] : memref<8192x2048xf32, #tpu.memory_space<hbm>> -> memref<16x2048xf32, #tpu.memory_space<hbm>>
    %dma_wait3A_1025 = tpu.memref_slice %arg5[%dma_wait3A_1018] : memref<3x!tpu.dma_semaphore, #tpu.memory_space<semaphore_mem>> -> memref<1x!tpu.dma_semaphore, #tpu.memory_space<semaphore_mem>>
    %dma_wait3A_1026 = tpu.memref_squeeze %dma_wait3A_1025 : memref<1x!tpu.dma_semaphore, #tpu.memory_space<semaphore_mem>> -> memref<!tpu.dma_semaphore, #tpu.memory_space<semaphore_mem>>
    %dma_wait3A_1027 = arith.constant 0 : i32
    %dma_wait3A_1028 = arith.constant 0 : i32
    %dma_wait3A_1029 = tpu.memref_slice %arg4[%dma_wait3A_1017, %dma_wait3A_1027, %dma_wait3A_1028] : memref<3x16x2048xf32, #tpu.memory_space<vmem>> -> memref<1x16x2048xf32, #tpu.memory_space<vmem>>
    %dma_wait3A_1030 = tpu.memref_squeeze %dma_wait3A_1029 : memref<1x16x2048xf32, #tpu.memory_space<vmem>> -> memref<16x2048xf32, #tpu.memory_space<vmem>>
    %dma_wait3A_1031 = arith.constant 0 : i32
    %dma_wait3A_1032 = tpu.memref_slice %arg2[%add3A_1016, %dma_wait3A_1031] : memref<8192x2048xf32, #tpu.memory_space<hbm>> -> memref<16x2048xf32, #tpu.memory_space<hbm>>
    tpu.wait_dma2 semaphore(%dma_wait3A_1026 : memref<!tpu.dma_semaphore, #tpu.memory_space<semaphore_mem>>) src(%dma_wait3A_1032 : memref<16x2048xf32, #tpu.memory_space<hbm>>) dst(%dma_wait3A_1030 : memref<16x2048xf32, #tpu.memory_space<vmem>>)
    %add3A_1033 = arith.constant 128 : i32
    %add3A_1034 = arith.addi %mul3A_2, %add3A_1033 : i32
    %dma_start3A_1035 = arith.constant 2 : i32
    %dma_start3A_1036 = arith.constant 0 : i32
    %dma_start3A_1037 = arith.constant 2 : i32
    %dma_start3A_1038 = arith.constant 0 : i32
    %dma_start3A_1039 = arith.constant 0 : i32
    %dma_start3A_1040 = tpu.memref_slice %arg4[%dma_start3A_1035, %dma_start3A_1038, %dma_start3A_1039] : memref<3x16x2048xf32, #tpu.memory_space<vmem>> -> memref<1x16x2048xf32, #tpu.memory_space<vmem>>
    %dma_start3A_1041 = tpu.memref_squeeze %dma_start3A_1040 : memref<1x16x2048xf32, #tpu.memory_space<vmem>> -> memref<16x2048xf32, #tpu.memory_space<vmem>>
    %dma_start3A_1042 = arith.constant 0 : i32
    %dma_start3A_1043 = tpu.memref_slice %arg3[%add3A_1034, %dma_start3A_1036, %dma_start3A_1042] : memref<8192x2x2048xf32, #tpu.memory_space<hbm>> -> memref<16x1x2048xf32, #tpu.memory_space<hbm>>
    %dma_start3A_1044 = tpu.memref_squeeze %dma_start3A_1043 : memref<16x1x2048xf32, #tpu.memory_space<hbm>> -> memref<16x2048xf32, #tpu.memory_space<hbm>>
    %dma_start3A_1045 = tpu.memref_slice %arg6[%dma_start3A_1037] : memref<3x!tpu.dma_semaphore, #tpu.memory_space<semaphore_mem>> -> memref<1x!tpu.dma_semaphore, #tpu.memory_space<semaphore_mem>>
    %dma_start3A_1046 = tpu.memref_squeeze %dma_start3A_1045 : memref<1x!tpu.dma_semaphore, #tpu.memory_space<semaphore_mem>> -> memref<!tpu.dma_semaphore, #tpu.memory_space<semaphore_mem>>
    %dma_start3A_1047 = arith.constant 0 : i32
    %dma_start3A_1048 = tpu.memref_slice %arg3[%add3A_1034, %dma_start3A_1036, %dma_start3A_1047] : memref<8192x2x2048xf32, #tpu.memory_space<hbm>> -> memref<16x1x2048xf32, #tpu.memory_space<hbm>>
    %dma_start3A_1049 = tpu.memref_squeeze %dma_start3A_1048 : memref<16x1x2048xf32, #tpu.memory_space<hbm>> -> memref<16x2048xf32, #tpu.memory_space<hbm>>
    %dma_start3A_1050 = arith.constant 0 : i32
    %dma_start3A_1051 = arith.constant 0 : i32
    %dma_start3A_1052 = tpu.memref_slice %arg4[%dma_start3A_1035, %dma_start3A_1050, %dma_start3A_1051] : memref<3x16x2048xf32, #tpu.memory_space<vmem>> -> memref<1x16x2048xf32, #tpu.memory_space<vmem>>
    %dma_start3A_1053 = tpu.memref_squeeze %dma_start3A_1052 : memref<1x16x2048xf32, #tpu.memory_space<vmem>> -> memref<16x2048xf32, #tpu.memory_space<vmem>>
    tpu.enqueue_dma source(%dma_start3A_1053 : memref<16x2048xf32, #tpu.memory_space<vmem>>) target(%dma_start3A_1049 : memref<16x2048xf32, #tpu.memory_space<hbm>>) target_semaphore(%dma_start3A_1046 : memref<!tpu.dma_semaphore, #tpu.memory_space<semaphore_mem>>)
    %add3A_1054 = arith.constant 128 : i32
    %add3A_1055 = arith.addi %mul3A_2, %add3A_1054 : i32
    %dma_start3A_1056 = arith.constant 2 : i32
    %dma_start3A_1057 = arith.constant 1 : i32
    %dma_start3A_1058 = arith.constant 2 : i32
    %dma_start3A_1059 = arith.constant 0 : i32
    %dma_start3A_1060 = arith.constant 0 : i32
    %dma_start3A_1061 = tpu.memref_slice %arg4[%dma_start3A_1056, %dma_start3A_1059, %dma_start3A_1060] : memref<3x16x2048xf32, #tpu.memory_space<vmem>> -> memref<1x16x2048xf32, #tpu.memory_space<vmem>>
    %dma_start3A_1062 = tpu.memref_squeeze %dma_start3A_1061 : memref<1x16x2048xf32, #tpu.memory_space<vmem>> -> memref<16x2048xf32, #tpu.memory_space<vmem>>
    %dma_start3A_1063 = arith.constant 0 : i32
    %dma_start3A_1064 = tpu.memref_slice %arg3[%add3A_1055, %dma_start3A_1057, %dma_start3A_1063] : memref<8192x2x2048xf32, #tpu.memory_space<hbm>> -> memref<16x1x2048xf32, #tpu.memory_space<hbm>>
    %dma_start3A_1065 = tpu.memref_squeeze %dma_start3A_1064 : memref<16x1x2048xf32, #tpu.memory_space<hbm>> -> memref<16x2048xf32, #tpu.memory_space<hbm>>
    %dma_start3A_1066 = tpu.memref_slice %arg6[%dma_start3A_1058] : memref<3x!tpu.dma_semaphore, #tpu.memory_space<semaphore_mem>> -> memref<1x!tpu.dma_semaphore, #tpu.memory_space<semaphore_mem>>
    %dma_start3A_1067 = tpu.memref_squeeze %dma_start3A_1066 : memref<1x!tpu.dma_semaphore, #tpu.memory_space<semaphore_mem>> -> memref<!tpu.dma_semaphore, #tpu.memory_space<semaphore_mem>>
    %dma_start3A_1068 = arith.constant 0 : i32
    %dma_start3A_1069 = tpu.memref_slice %arg3[%add3A_1055, %dma_start3A_1057, %dma_start3A_1068] : memref<8192x2x2048xf32, #tpu.memory_space<hbm>> -> memref<16x1x2048xf32, #tpu.memory_space<hbm>>
    %dma_start3A_1070 = tpu.memref_squeeze %dma_start3A_1069 : memref<16x1x2048xf32, #tpu.memory_space<hbm>> -> memref<16x2048xf32, #tpu.memory_space<hbm>>
    %dma_start3A_1071 = arith.constant 0 : i32
    %dma_start3A_1072 = arith.constant 0 : i32
    %dma_start3A_1073 = tpu.memref_slice %arg4[%dma_start3A_1056, %dma_start3A_1071, %dma_start3A_1072] : memref<3x16x2048xf32, #tpu.memory_space<vmem>> -> memref<1x16x2048xf32, #tpu.memory_space<vmem>>
    %dma_start3A_1074 = tpu.memref_squeeze %dma_start3A_1073 : memref<1x16x2048xf32, #tpu.memory_space<vmem>> -> memref<16x2048xf32, #tpu.memory_space<vmem>>
    tpu.enqueue_dma source(%dma_start3A_1074 : memref<16x2048xf32, #tpu.memory_space<vmem>>) target(%dma_start3A_1070 : memref<16x2048xf32, #tpu.memory_space<hbm>>) target_semaphore(%dma_start3A_1067 : memref<!tpu.dma_semaphore, #tpu.memory_space<semaphore_mem>>)
    %add3A_1075 = arith.constant 128 : i32
    %add3A_1076 = arith.addi %mul3A_2, %add3A_1075 : i32
    %dma_wait3A_1077 = arith.constant 2 : i32
    %dma_wait3A_1078 = arith.constant 0 : i32
    %dma_wait3A_1079 = arith.constant 2 : i32
    %dma_wait3A_1080 = arith.constant 0 : i32
    %dma_wait3A_1081 = arith.constant 0 : i32
    %dma_wait3A_1082 = tpu.memref_slice %arg4[%dma_wait3A_1077, %dma_wait3A_1080, %dma_wait3A_1081] : memref<3x16x2048xf32, #tpu.memory_space<vmem>> -> memref<1x16x2048xf32, #tpu.memory_space<vmem>>
    %dma_wait3A_1083 = tpu.memref_squeeze %dma_wait3A_1082 : memref<1x16x2048xf32, #tpu.memory_space<vmem>> -> memref<16x2048xf32, #tpu.memory_space<vmem>>
    %dma_wait3A_1084 = arith.constant 0 : i32
    %dma_wait3A_1085 = tpu.memref_slice %arg3[%add3A_1076, %dma_wait3A_1078, %dma_wait3A_1084] : memref<8192x2x2048xf32, #tpu.memory_space<hbm>> -> memref<16x1x2048xf32, #tpu.memory_space<hbm>>
    %dma_wait3A_1086 = tpu.memref_squeeze %dma_wait3A_1085 : memref<16x1x2048xf32, #tpu.memory_space<hbm>> -> memref<16x2048xf32, #tpu.memory_space<hbm>>
    %dma_wait3A_1087 = tpu.memref_slice %arg6[%dma_wait3A_1079] : memref<3x!tpu.dma_semaphore, #tpu.memory_space<semaphore_mem>> -> memref<1x!tpu.dma_semaphore, #tpu.memory_space<semaphore_mem>>
    %dma_wait3A_1088 = tpu.memref_squeeze %dma_wait3A_1087 : memref<1x!tpu.dma_semaphore, #tpu.memory_space<semaphore_mem>> -> memref<!tpu.dma_semaphore, #tpu.memory_space<semaphore_mem>>
    %dma_wait3A_1089 = arith.constant 0 : i32
    %dma_wait3A_1090 = tpu.memref_slice %arg3[%add3A_1076, %dma_wait3A_1078, %dma_wait3A_1089] : memref<8192x2x2048xf32, #tpu.memory_space<hbm>> -> memref<16x1x2048xf32, #tpu.memory_space<hbm>>
    %dma_wait3A_1091 = tpu.memref_squeeze %dma_wait3A_1090 : memref<16x1x2048xf32, #tpu.memory_space<hbm>> -> memref<16x2048xf32, #tpu.memory_space<hbm>>
    %dma_wait3A_1092 = arith.constant 0 : i32
    %dma_wait3A_1093 = arith.constant 0 : i32
    %dma_wait3A_1094 = tpu.memref_slice %arg4[%dma_wait3A_1077, %dma_wait3A_1092, %dma_wait3A_1093] : memref<3x16x2048xf32, #tpu.memory_space<vmem>> -> memref<1x16x2048xf32, #tpu.memory_space<vmem>>
    %dma_wait3A_1095 = tpu.memref_squeeze %dma_wait3A_1094 : memref<1x16x2048xf32, #tpu.memory_space<vmem>> -> memref<16x2048xf32, #tpu.memory_space<vmem>>
    tpu.wait_dma2 semaphore(%dma_wait3A_1088 : memref<!tpu.dma_semaphore, #tpu.memory_space<semaphore_mem>>) src(%dma_wait3A_1095 : memref<16x2048xf32, #tpu.memory_space<vmem>>) dst(%dma_wait3A_1091 : memref<16x2048xf32, #tpu.memory_space<hbm>>)
    %add3A_1096 = arith.constant 128 : i32
    %add3A_1097 = arith.addi %mul3A_2, %add3A_1096 : i32
    %dma_wait3A_1098 = arith.constant 2 : i32
    %dma_wait3A_1099 = arith.constant 1 : i32
    %dma_wait3A_1100 = arith.constant 2 : i32
    %dma_wait3A_1101 = arith.constant 0 : i32
    %dma_wait3A_1102 = arith.constant 0 : i32
    %dma_wait3A_1103 = tpu.memref_slice %arg4[%dma_wait3A_1098, %dma_wait3A_1101, %dma_wait3A_1102] : memref<3x16x2048xf32, #tpu.memory_space<vmem>> -> memref<1x16x2048xf32, #tpu.memory_space<vmem>>
    %dma_wait3A_1104 = tpu.memref_squeeze %dma_wait3A_1103 : memref<1x16x2048xf32, #tpu.memory_space<vmem>> -> memref<16x2048xf32, #tpu.memory_space<vmem>>
    %dma_wait3A_1105 = arith.constant 0 : i32
    %dma_wait3A_1106 = tpu.memref_slice %arg3[%add3A_1097, %dma_wait3A_1099, %dma_wait3A_1105] : memref<8192x2x2048xf32, #tpu.memory_space<hbm>> -> memref<16x1x2048xf32, #tpu.memory_space<hbm>>
    %dma_wait3A_1107 = tpu.memref_squeeze %dma_wait3A_1106 : memref<16x1x2048xf32, #tpu.memory_space<hbm>> -> memref<16x2048xf32, #tpu.memory_space<hbm>>
    %dma_wait3A_1108 = tpu.memref_slice %arg6[%dma_wait3A_1100] : memref<3x!tpu.dma_semaphore, #tpu.memory_space<semaphore_mem>> -> memref<1x!tpu.dma_semaphore, #tpu.memory_space<semaphore_mem>>
    %dma_wait3A_1109 = tpu.memref_squeeze %dma_wait3A_1108 : memref<1x!tpu.dma_semaphore, #tpu.memory_space<semaphore_mem>> -> memref<!tpu.dma_semaphore, #tpu.memory_space<semaphore_mem>>
    %dma_wait3A_1110 = arith.constant 0 : i32
    %dma_wait3A_1111 = tpu.memref_slice %arg3[%add3A_1097, %dma_wait3A_1099, %dma_wait3A_1110] : memref<8192x2x2048xf32, #tpu.memory_space<hbm>> -> memref<16x1x2048xf32, #tpu.memory_space<hbm>>
    %dma_wait3A_1112 = tpu.memref_squeeze %dma_wait3A_1111 : memref<16x1x2048xf32, #tpu.memory_space<hbm>> -> memref<16x2048xf32, #tpu.memory_space<hbm>>
    %dma_wait3A_1113 = arith.constant 0 : i32
    %dma_wait3A_1114 = arith.constant 0 : i32
    %dma_wait3A_1115 = tpu.memref_slice %arg4[%dma_wait3A_1098, %dma_wait3A_1113, %dma_wait3A_1114] : memref<3x16x2048xf32, #tpu.memory_space<vmem>> -> memref<1x16x2048xf32, #tpu.memory_space<vmem>>
    %dma_wait3A_1116 = tpu.memref_squeeze %dma_wait3A_1115 : memref<1x16x2048xf32, #tpu.memory_space<vmem>> -> memref<16x2048xf32, #tpu.memory_space<vmem>>
    tpu.wait_dma2 semaphore(%dma_wait3A_1109 : memref<!tpu.dma_semaphore, #tpu.memory_space<semaphore_mem>>) src(%dma_wait3A_1116 : memref<16x2048xf32, #tpu.memory_space<vmem>>) dst(%dma_wait3A_1112 : memref<16x2048xf32, #tpu.memory_space<hbm>>)
    %add3A_1117 = arith.constant 176 : i32
    %add3A_1118 = arith.addi %mul3A_2, %add3A_1117 : i32
    %dma_start3A_1119 = arith.constant 2 : i32
    %dma_start3A_1120 = arith.constant 2 : i32
    %dma_start3A_1121 = arith.constant 0 : i32
    %dma_start3A_1122 = arith.constant 0 : i32
    %dma_start3A_1123 = tpu.memref_slice %arg4[%dma_start3A_1119, %dma_start3A_1121, %dma_start3A_1122] : memref<3x16x2048xf32, #tpu.memory_space<vmem>> -> memref<1x16x2048xf32, #tpu.memory_space<vmem>>
    %dma_start3A_1124 = tpu.memref_squeeze %dma_start3A_1123 : memref<1x16x2048xf32, #tpu.memory_space<vmem>> -> memref<16x2048xf32, #tpu.memory_space<vmem>>
    %dma_start3A_1125 = arith.constant 0 : i32
    %dma_start3A_1126 = tpu.memref_slice %arg2[%add3A_1118, %dma_start3A_1125] : memref<8192x2048xf32, #tpu.memory_space<hbm>> -> memref<16x2048xf32, #tpu.memory_space<hbm>>
    %dma_start3A_1127 = tpu.memref_slice %arg5[%dma_start3A_1120] : memref<3x!tpu.dma_semaphore, #tpu.memory_space<semaphore_mem>> -> memref<1x!tpu.dma_semaphore, #tpu.memory_space<semaphore_mem>>
    %dma_start3A_1128 = tpu.memref_squeeze %dma_start3A_1127 : memref<1x!tpu.dma_semaphore, #tpu.memory_space<semaphore_mem>> -> memref<!tpu.dma_semaphore, #tpu.memory_space<semaphore_mem>>
    %dma_start3A_1129 = arith.constant 0 : i32
    %dma_start3A_1130 = arith.constant 0 : i32
    %dma_start3A_1131 = tpu.memref_slice %arg4[%dma_start3A_1119, %dma_start3A_1129, %dma_start3A_1130] : memref<3x16x2048xf32, #tpu.memory_space<vmem>> -> memref<1x16x2048xf32, #tpu.memory_space<vmem>>
    %dma_start3A_1132 = tpu.memref_squeeze %dma_start3A_1131 : memref<1x16x2048xf32, #tpu.memory_space<vmem>> -> memref<16x2048xf32, #tpu.memory_space<vmem>>
    %dma_start3A_1133 = arith.constant 0 : i32
    %dma_start3A_1134 = tpu.memref_slice %arg2[%add3A_1118, %dma_start3A_1133] : memref<8192x2048xf32, #tpu.memory_space<hbm>> -> memref<16x2048xf32, #tpu.memory_space<hbm>>
    tpu.enqueue_dma source(%dma_start3A_1134 : memref<16x2048xf32, #tpu.memory_space<hbm>>) target(%dma_start3A_1132 : memref<16x2048xf32, #tpu.memory_space<vmem>>) target_semaphore(%dma_start3A_1128 : memref<!tpu.dma_semaphore, #tpu.memory_space<semaphore_mem>>)
    %add3A_1135 = arith.constant 144 : i32
    %add3A_1136 = arith.addi %mul3A_2, %add3A_1135 : i32
    %dma_wait3A_1137 = arith.constant 0 : i32
    %dma_wait3A_1138 = arith.constant 0 : i32
    %dma_wait3A_1139 = arith.constant 0 : i32
    %dma_wait3A_1140 = arith.constant 0 : i32
    %dma_wait3A_1141 = tpu.memref_slice %arg4[%dma_wait3A_1137, %dma_wait3A_1139, %dma_wait3A_1140] : memref<3x16x2048xf32, #tpu.memory_space<vmem>> -> memref<1x16x2048xf32, #tpu.memory_space<vmem>>
    %dma_wait3A_1142 = tpu.memref_squeeze %dma_wait3A_1141 : memref<1x16x2048xf32, #tpu.memory_space<vmem>> -> memref<16x2048xf32, #tpu.memory_space<vmem>>
    %dma_wait3A_1143 = arith.constant 0 : i32
    %dma_wait3A_1144 = tpu.memref_slice %arg2[%add3A_1136, %dma_wait3A_1143] : memref<8192x2048xf32, #tpu.memory_space<hbm>> -> memref<16x2048xf32, #tpu.memory_space<hbm>>
    %dma_wait3A_1145 = tpu.memref_slice %arg5[%dma_wait3A_1138] : memref<3x!tpu.dma_semaphore, #tpu.memory_space<semaphore_mem>> -> memref<1x!tpu.dma_semaphore, #tpu.memory_space<semaphore_mem>>
    %dma_wait3A_1146 = tpu.memref_squeeze %dma_wait3A_1145 : memref<1x!tpu.dma_semaphore, #tpu.memory_space<semaphore_mem>> -> memref<!tpu.dma_semaphore, #tpu.memory_space<semaphore_mem>>
    %dma_wait3A_1147 = arith.constant 0 : i32
    %dma_wait3A_1148 = arith.constant 0 : i32
    %dma_wait3A_1149 = tpu.memref_slice %arg4[%dma_wait3A_1137, %dma_wait3A_1147, %dma_wait3A_1148] : memref<3x16x2048xf32, #tpu.memory_space<vmem>> -> memref<1x16x2048xf32, #tpu.memory_space<vmem>>
    %dma_wait3A_1150 = tpu.memref_squeeze %dma_wait3A_1149 : memref<1x16x2048xf32, #tpu.memory_space<vmem>> -> memref<16x2048xf32, #tpu.memory_space<vmem>>
    %dma_wait3A_1151 = arith.constant 0 : i32
    %dma_wait3A_1152 = tpu.memref_slice %arg2[%add3A_1136, %dma_wait3A_1151] : memref<8192x2048xf32, #tpu.memory_space<hbm>> -> memref<16x2048xf32, #tpu.memory_space<hbm>>
    tpu.wait_dma2 semaphore(%dma_wait3A_1146 : memref<!tpu.dma_semaphore, #tpu.memory_space<semaphore_mem>>) src(%dma_wait3A_1152 : memref<16x2048xf32, #tpu.memory_space<hbm>>) dst(%dma_wait3A_1150 : memref<16x2048xf32, #tpu.memory_space<vmem>>)
    %add3A_1153 = arith.constant 144 : i32
    %add3A_1154 = arith.addi %mul3A_2, %add3A_1153 : i32
    %dma_start3A_1155 = arith.constant 0 : i32
    %dma_start3A_1156 = arith.constant 0 : i32
    %dma_start3A_1157 = arith.constant 0 : i32
    %dma_start3A_1158 = arith.constant 0 : i32
    %dma_start3A_1159 = arith.constant 0 : i32
    %dma_start3A_1160 = tpu.memref_slice %arg4[%dma_start3A_1155, %dma_start3A_1158, %dma_start3A_1159] : memref<3x16x2048xf32, #tpu.memory_space<vmem>> -> memref<1x16x2048xf32, #tpu.memory_space<vmem>>
    %dma_start3A_1161 = tpu.memref_squeeze %dma_start3A_1160 : memref<1x16x2048xf32, #tpu.memory_space<vmem>> -> memref<16x2048xf32, #tpu.memory_space<vmem>>
    %dma_start3A_1162 = arith.constant 0 : i32
    %dma_start3A_1163 = tpu.memref_slice %arg3[%add3A_1154, %dma_start3A_1156, %dma_start3A_1162] : memref<8192x2x2048xf32, #tpu.memory_space<hbm>> -> memref<16x1x2048xf32, #tpu.memory_space<hbm>>
    %dma_start3A_1164 = tpu.memref_squeeze %dma_start3A_1163 : memref<16x1x2048xf32, #tpu.memory_space<hbm>> -> memref<16x2048xf32, #tpu.memory_space<hbm>>
    %dma_start3A_1165 = tpu.memref_slice %arg6[%dma_start3A_1157] : memref<3x!tpu.dma_semaphore, #tpu.memory_space<semaphore_mem>> -> memref<1x!tpu.dma_semaphore, #tpu.memory_space<semaphore_mem>>
    %dma_start3A_1166 = tpu.memref_squeeze %dma_start3A_1165 : memref<1x!tpu.dma_semaphore, #tpu.memory_space<semaphore_mem>> -> memref<!tpu.dma_semaphore, #tpu.memory_space<semaphore_mem>>
    %dma_start3A_1167 = arith.constant 0 : i32
    %dma_start3A_1168 = tpu.memref_slice %arg3[%add3A_1154, %dma_start3A_1156, %dma_start3A_1167] : memref<8192x2x2048xf32, #tpu.memory_space<hbm>> -> memref<16x1x2048xf32, #tpu.memory_space<hbm>>
    %dma_start3A_1169 = tpu.memref_squeeze %dma_start3A_1168 : memref<16x1x2048xf32, #tpu.memory_space<hbm>> -> memref<16x2048xf32, #tpu.memory_space<hbm>>
    %dma_start3A_1170 = arith.constant 0 : i32
    %dma_start3A_1171 = arith.constant 0 : i32
    %dma_start3A_1172 = tpu.memref_slice %arg4[%dma_start3A_1155, %dma_start3A_1170, %dma_start3A_1171] : memref<3x16x2048xf32, #tpu.memory_space<vmem>> -> memref<1x16x2048xf32, #tpu.memory_space<vmem>>
    %dma_start3A_1173 = tpu.memref_squeeze %dma_start3A_1172 : memref<1x16x2048xf32, #tpu.memory_space<vmem>> -> memref<16x2048xf32, #tpu.memory_space<vmem>>
    tpu.enqueue_dma source(%dma_start3A_1173 : memref<16x2048xf32, #tpu.memory_space<vmem>>) target(%dma_start3A_1169 : memref<16x2048xf32, #tpu.memory_space<hbm>>) target_semaphore(%dma_start3A_1166 : memref<!tpu.dma_semaphore, #tpu.memory_space<semaphore_mem>>)
    %add3A_1174 = arith.constant 144 : i32
    %add3A_1175 = arith.addi %mul3A_2, %add3A_1174 : i32
    %dma_start3A_1176 = arith.constant 0 : i32
    %dma_start3A_1177 = arith.constant 1 : i32
    %dma_start3A_1178 = arith.constant 0 : i32
    %dma_start3A_1179 = arith.constant 0 : i32
    %dma_start3A_1180 = arith.constant 0 : i32
    %dma_start3A_1181 = tpu.memref_slice %arg4[%dma_start3A_1176, %dma_start3A_1179, %dma_start3A_1180] : memref<3x16x2048xf32, #tpu.memory_space<vmem>> -> memref<1x16x2048xf32, #tpu.memory_space<vmem>>
    %dma_start3A_1182 = tpu.memref_squeeze %dma_start3A_1181 : memref<1x16x2048xf32, #tpu.memory_space<vmem>> -> memref<16x2048xf32, #tpu.memory_space<vmem>>
    %dma_start3A_1183 = arith.constant 0 : i32
    %dma_start3A_1184 = tpu.memref_slice %arg3[%add3A_1175, %dma_start3A_1177, %dma_start3A_1183] : memref<8192x2x2048xf32, #tpu.memory_space<hbm>> -> memref<16x1x2048xf32, #tpu.memory_space<hbm>>
    %dma_start3A_1185 = tpu.memref_squeeze %dma_start3A_1184 : memref<16x1x2048xf32, #tpu.memory_space<hbm>> -> memref<16x2048xf32, #tpu.memory_space<hbm>>
    %dma_start3A_1186 = tpu.memref_slice %arg6[%dma_start3A_1178] : memref<3x!tpu.dma_semaphore, #tpu.memory_space<semaphore_mem>> -> memref<1x!tpu.dma_semaphore, #tpu.memory_space<semaphore_mem>>
    %dma_start3A_1187 = tpu.memref_squeeze %dma_start3A_1186 : memref<1x!tpu.dma_semaphore, #tpu.memory_space<semaphore_mem>> -> memref<!tpu.dma_semaphore, #tpu.memory_space<semaphore_mem>>
    %dma_start3A_1188 = arith.constant 0 : i32
    %dma_start3A_1189 = tpu.memref_slice %arg3[%add3A_1175, %dma_start3A_1177, %dma_start3A_1188] : memref<8192x2x2048xf32, #tpu.memory_space<hbm>> -> memref<16x1x2048xf32, #tpu.memory_space<hbm>>
    %dma_start3A_1190 = tpu.memref_squeeze %dma_start3A_1189 : memref<16x1x2048xf32, #tpu.memory_space<hbm>> -> memref<16x2048xf32, #tpu.memory_space<hbm>>
    %dma_start3A_1191 = arith.constant 0 : i32
    %dma_start3A_1192 = arith.constant 0 : i32
    %dma_start3A_1193 = tpu.memref_slice %arg4[%dma_start3A_1176, %dma_start3A_1191, %dma_start3A_1192] : memref<3x16x2048xf32, #tpu.memory_space<vmem>> -> memref<1x16x2048xf32, #tpu.memory_space<vmem>>
    %dma_start3A_1194 = tpu.memref_squeeze %dma_start3A_1193 : memref<1x16x2048xf32, #tpu.memory_space<vmem>> -> memref<16x2048xf32, #tpu.memory_space<vmem>>
    tpu.enqueue_dma source(%dma_start3A_1194 : memref<16x2048xf32, #tpu.memory_space<vmem>>) target(%dma_start3A_1190 : memref<16x2048xf32, #tpu.memory_space<hbm>>) target_semaphore(%dma_start3A_1187 : memref<!tpu.dma_semaphore, #tpu.memory_space<semaphore_mem>>)
    %add3A_1195 = arith.constant 144 : i32
    %add3A_1196 = arith.addi %mul3A_2, %add3A_1195 : i32
    %dma_wait3A_1197 = arith.constant 0 : i32
    %dma_wait3A_1198 = arith.constant 0 : i32
    %dma_wait3A_1199 = arith.constant 0 : i32
    %dma_wait3A_1200 = arith.constant 0 : i32
    %dma_wait3A_1201 = arith.constant 0 : i32
    %dma_wait3A_1202 = tpu.memref_slice %arg4[%dma_wait3A_1197, %dma_wait3A_1200, %dma_wait3A_1201] : memref<3x16x2048xf32, #tpu.memory_space<vmem>> -> memref<1x16x2048xf32, #tpu.memory_space<vmem>>
    %dma_wait3A_1203 = tpu.memref_squeeze %dma_wait3A_1202 : memref<1x16x2048xf32, #tpu.memory_space<vmem>> -> memref<16x2048xf32, #tpu.memory_space<vmem>>
    %dma_wait3A_1204 = arith.constant 0 : i32
    %dma_wait3A_1205 = tpu.memref_slice %arg3[%add3A_1196, %dma_wait3A_1198, %dma_wait3A_1204] : memref<8192x2x2048xf32, #tpu.memory_space<hbm>> -> memref<16x1x2048xf32, #tpu.memory_space<hbm>>
    %dma_wait3A_1206 = tpu.memref_squeeze %dma_wait3A_1205 : memref<16x1x2048xf32, #tpu.memory_space<hbm>> -> memref<16x2048xf32, #tpu.memory_space<hbm>>
    %dma_wait3A_1207 = tpu.memref_slice %arg6[%dma_wait3A_1199] : memref<3x!tpu.dma_semaphore, #tpu.memory_space<semaphore_mem>> -> memref<1x!tpu.dma_semaphore, #tpu.memory_space<semaphore_mem>>
    %dma_wait3A_1208 = tpu.memref_squeeze %dma_wait3A_1207 : memref<1x!tpu.dma_semaphore, #tpu.memory_space<semaphore_mem>> -> memref<!tpu.dma_semaphore, #tpu.memory_space<semaphore_mem>>
    %dma_wait3A_1209 = arith.constant 0 : i32
    %dma_wait3A_1210 = tpu.memref_slice %arg3[%add3A_1196, %dma_wait3A_1198, %dma_wait3A_1209] : memref<8192x2x2048xf32, #tpu.memory_space<hbm>> -> memref<16x1x2048xf32, #tpu.memory_space<hbm>>
    %dma_wait3A_1211 = tpu.memref_squeeze %dma_wait3A_1210 : memref<16x1x2048xf32, #tpu.memory_space<hbm>> -> memref<16x2048xf32, #tpu.memory_space<hbm>>
    %dma_wait3A_1212 = arith.constant 0 : i32
    %dma_wait3A_1213 = arith.constant 0 : i32
    %dma_wait3A_1214 = tpu.memref_slice %arg4[%dma_wait3A_1197, %dma_wait3A_1212, %dma_wait3A_1213] : memref<3x16x2048xf32, #tpu.memory_space<vmem>> -> memref<1x16x2048xf32, #tpu.memory_space<vmem>>
    %dma_wait3A_1215 = tpu.memref_squeeze %dma_wait3A_1214 : memref<1x16x2048xf32, #tpu.memory_space<vmem>> -> memref<16x2048xf32, #tpu.memory_space<vmem>>
    tpu.wait_dma2 semaphore(%dma_wait3A_1208 : memref<!tpu.dma_semaphore, #tpu.memory_space<semaphore_mem>>) src(%dma_wait3A_1215 : memref<16x2048xf32, #tpu.memory_space<vmem>>) dst(%dma_wait3A_1211 : memref<16x2048xf32, #tpu.memory_space<hbm>>)
    %add3A_1216 = arith.constant 144 : i32
    %add3A_1217 = arith.addi %mul3A_2, %add3A_1216 : i32
    %dma_wait3A_1218 = arith.constant 0 : i32
    %dma_wait3A_1219 = arith.constant 1 : i32
    %dma_wait3A_1220 = arith.constant 0 : i32
    %dma_wait3A_1221 = arith.constant 0 : i32
    %dma_wait3A_1222 = arith.constant 0 : i32
    %dma_wait3A_1223 = tpu.memref_slice %arg4[%dma_wait3A_1218, %dma_wait3A_1221, %dma_wait3A_1222] : memref<3x16x2048xf32, #tpu.memory_space<vmem>> -> memref<1x16x2048xf32, #tpu.memory_space<vmem>>
    %dma_wait3A_1224 = tpu.memref_squeeze %dma_wait3A_1223 : memref<1x16x2048xf32, #tpu.memory_space<vmem>> -> memref<16x2048xf32, #tpu.memory_space<vmem>>
    %dma_wait3A_1225 = arith.constant 0 : i32
    %dma_wait3A_1226 = tpu.memref_slice %arg3[%add3A_1217, %dma_wait3A_1219, %dma_wait3A_1225] : memref<8192x2x2048xf32, #tpu.memory_space<hbm>> -> memref<16x1x2048xf32, #tpu.memory_space<hbm>>
    %dma_wait3A_1227 = tpu.memref_squeeze %dma_wait3A_1226 : memref<16x1x2048xf32, #tpu.memory_space<hbm>> -> memref<16x2048xf32, #tpu.memory_space<hbm>>
    %dma_wait3A_1228 = tpu.memref_slice %arg6[%dma_wait3A_1220] : memref<3x!tpu.dma_semaphore, #tpu.memory_space<semaphore_mem>> -> memref<1x!tpu.dma_semaphore, #tpu.memory_space<semaphore_mem>>
    %dma_wait3A_1229 = tpu.memref_squeeze %dma_wait3A_1228 : memref<1x!tpu.dma_semaphore, #tpu.memory_space<semaphore_mem>> -> memref<!tpu.dma_semaphore, #tpu.memory_space<semaphore_mem>>
    %dma_wait3A_1230 = arith.constant 0 : i32
    %dma_wait3A_1231 = tpu.memref_slice %arg3[%add3A_1217, %dma_wait3A_1219, %dma_wait3A_1230] : memref<8192x2x2048xf32, #tpu.memory_space<hbm>> -> memref<16x1x2048xf32, #tpu.memory_space<hbm>>
    %dma_wait3A_1232 = tpu.memref_squeeze %dma_wait3A_1231 : memref<16x1x2048xf32, #tpu.memory_space<hbm>> -> memref<16x2048xf32, #tpu.memory_space<hbm>>
    %dma_wait3A_1233 = arith.constant 0 : i32
    %dma_wait3A_1234 = arith.constant 0 : i32
    %dma_wait3A_1235 = tpu.memref_slice %arg4[%dma_wait3A_1218, %dma_wait3A_1233, %dma_wait3A_1234] : memref<3x16x2048xf32, #tpu.memory_space<vmem>> -> memref<1x16x2048xf32, #tpu.memory_space<vmem>>
    %dma_wait3A_1236 = tpu.memref_squeeze %dma_wait3A_1235 : memref<1x16x2048xf32, #tpu.memory_space<vmem>> -> memref<16x2048xf32, #tpu.memory_space<vmem>>
    tpu.wait_dma2 semaphore(%dma_wait3A_1229 : memref<!tpu.dma_semaphore, #tpu.memory_space<semaphore_mem>>) src(%dma_wait3A_1236 : memref<16x2048xf32, #tpu.memory_space<vmem>>) dst(%dma_wait3A_1232 : memref<16x2048xf32, #tpu.memory_space<hbm>>)
    %add3A_1237 = arith.constant 192 : i32
    %add3A_1238 = arith.addi %mul3A_2, %add3A_1237 : i32
    %dma_start3A_1239 = arith.constant 0 : i32
    %dma_start3A_1240 = arith.constant 0 : i32
    %dma_start3A_1241 = arith.constant 0 : i32
    %dma_start3A_1242 = arith.constant 0 : i32
    %dma_start3A_1243 = tpu.memref_slice %arg4[%dma_start3A_1239, %dma_start3A_1241, %dma_start3A_1242] : memref<3x16x2048xf32, #tpu.memory_space<vmem>> -> memref<1x16x2048xf32, #tpu.memory_space<vmem>>
    %dma_start3A_1244 = tpu.memref_squeeze %dma_start3A_1243 : memref<1x16x2048xf32, #tpu.memory_space<vmem>> -> memref<16x2048xf32, #tpu.memory_space<vmem>>
    %dma_start3A_1245 = arith.constant 0 : i32
    %dma_start3A_1246 = tpu.memref_slice %arg2[%add3A_1238, %dma_start3A_1245] : memref<8192x2048xf32, #tpu.memory_space<hbm>> -> memref<16x2048xf32, #tpu.memory_space<hbm>>
    %dma_start3A_1247 = tpu.memref_slice %arg5[%dma_start3A_1240] : memref<3x!tpu.dma_semaphore, #tpu.memory_space<semaphore_mem>> -> memref<1x!tpu.dma_semaphore, #tpu.memory_space<semaphore_mem>>
    %dma_start3A_1248 = tpu.memref_squeeze %dma_start3A_1247 : memref<1x!tpu.dma_semaphore, #tpu.memory_space<semaphore_mem>> -> memref<!tpu.dma_semaphore, #tpu.memory_space<semaphore_mem>>
    %dma_start3A_1249 = arith.constant 0 : i32
    %dma_start3A_1250 = arith.constant 0 : i32
    %dma_start3A_1251 = tpu.memref_slice %arg4[%dma_start3A_1239, %dma_start3A_1249, %dma_start3A_1250] : memref<3x16x2048xf32, #tpu.memory_space<vmem>> -> memref<1x16x2048xf32, #tpu.memory_space<vmem>>
    %dma_start3A_1252 = tpu.memref_squeeze %dma_start3A_1251 : memref<1x16x2048xf32, #tpu.memory_space<vmem>> -> memref<16x2048xf32, #tpu.memory_space<vmem>>
    %dma_start3A_1253 = arith.constant 0 : i32
    %dma_start3A_1254 = tpu.memref_slice %arg2[%add3A_1238, %dma_start3A_1253] : memref<8192x2048xf32, #tpu.memory_space<hbm>> -> memref<16x2048xf32, #tpu.memory_space<hbm>>
    tpu.enqueue_dma source(%dma_start3A_1254 : memref<16x2048xf32, #tpu.memory_space<hbm>>) target(%dma_start3A_1252 : memref<16x2048xf32, #tpu.memory_space<vmem>>) target_semaphore(%dma_start3A_1248 : memref<!tpu.dma_semaphore, #tpu.memory_space<semaphore_mem>>)
    %add3A_1255 = arith.constant 160 : i32
    %add3A_1256 = arith.addi %mul3A_2, %add3A_1255 : i32
    %dma_wait3A_1257 = arith.constant 1 : i32
    %dma_wait3A_1258 = arith.constant 1 : i32
    %dma_wait3A_1259 = arith.constant 0 : i32
    %dma_wait3A_1260 = arith.constant 0 : i32
    %dma_wait3A_1261 = tpu.memref_slice %arg4[%dma_wait3A_1257, %dma_wait3A_1259, %dma_wait3A_1260] : memref<3x16x2048xf32, #tpu.memory_space<vmem>> -> memref<1x16x2048xf32, #tpu.memory_space<vmem>>
    %dma_wait3A_1262 = tpu.memref_squeeze %dma_wait3A_1261 : memref<1x16x2048xf32, #tpu.memory_space<vmem>> -> memref<16x2048xf32, #tpu.memory_space<vmem>>
    %dma_wait3A_1263 = arith.constant 0 : i32
    %dma_wait3A_1264 = tpu.memref_slice %arg2[%add3A_1256, %dma_wait3A_1263] : memref<8192x2048xf32, #tpu.memory_space<hbm>> -> memref<16x2048xf32, #tpu.memory_space<hbm>>
    %dma_wait3A_1265 = tpu.memref_slice %arg5[%dma_wait3A_1258] : memref<3x!tpu.dma_semaphore, #tpu.memory_space<semaphore_mem>> -> memref<1x!tpu.dma_semaphore, #tpu.memory_space<semaphore_mem>>
    %dma_wait3A_1266 = tpu.memref_squeeze %dma_wait3A_1265 : memref<1x!tpu.dma_semaphore, #tpu.memory_space<semaphore_mem>> -> memref<!tpu.dma_semaphore, #tpu.memory_space<semaphore_mem>>
    %dma_wait3A_1267 = arith.constant 0 : i32
    %dma_wait3A_1268 = arith.constant 0 : i32
    %dma_wait3A_1269 = tpu.memref_slice %arg4[%dma_wait3A_1257, %dma_wait3A_1267, %dma_wait3A_1268] : memref<3x16x2048xf32, #tpu.memory_space<vmem>> -> memref<1x16x2048xf32, #tpu.memory_space<vmem>>
    %dma_wait3A_1270 = tpu.memref_squeeze %dma_wait3A_1269 : memref<1x16x2048xf32, #tpu.memory_space<vmem>> -> memref<16x2048xf32, #tpu.memory_space<vmem>>
    %dma_wait3A_1271 = arith.constant 0 : i32
    %dma_wait3A_1272 = tpu.memref_slice %arg2[%add3A_1256, %dma_wait3A_1271] : memref<8192x2048xf32, #tpu.memory_space<hbm>> -> memref<16x2048xf32, #tpu.memory_space<hbm>>
    tpu.wait_dma2 semaphore(%dma_wait3A_1266 : memref<!tpu.dma_semaphore, #tpu.memory_space<semaphore_mem>>) src(%dma_wait3A_1272 : memref<16x2048xf32, #tpu.memory_space<hbm>>) dst(%dma_wait3A_1270 : memref<16x2048xf32, #tpu.memory_space<vmem>>)
    %add3A_1273 = arith.constant 160 : i32
    %add3A_1274 = arith.addi %mul3A_2, %add3A_1273 : i32
    %dma_start3A_1275 = arith.constant 1 : i32
    %dma_start3A_1276 = arith.constant 0 : i32
    %dma_start3A_1277 = arith.constant 1 : i32
    %dma_start3A_1278 = arith.constant 0 : i32
    %dma_start3A_1279 = arith.constant 0 : i32
    %dma_start3A_1280 = tpu.memref_slice %arg4[%dma_start3A_1275, %dma_start3A_1278, %dma_start3A_1279] : memref<3x16x2048xf32, #tpu.memory_space<vmem>> -> memref<1x16x2048xf32, #tpu.memory_space<vmem>>
    %dma_start3A_1281 = tpu.memref_squeeze %dma_start3A_1280 : memref<1x16x2048xf32, #tpu.memory_space<vmem>> -> memref<16x2048xf32, #tpu.memory_space<vmem>>
    %dma_start3A_1282 = arith.constant 0 : i32
    %dma_start3A_1283 = tpu.memref_slice %arg3[%add3A_1274, %dma_start3A_1276, %dma_start3A_1282] : memref<8192x2x2048xf32, #tpu.memory_space<hbm>> -> memref<16x1x2048xf32, #tpu.memory_space<hbm>>
    %dma_start3A_1284 = tpu.memref_squeeze %dma_start3A_1283 : memref<16x1x2048xf32, #tpu.memory_space<hbm>> -> memref<16x2048xf32, #tpu.memory_space<hbm>>
    %dma_start3A_1285 = tpu.memref_slice %arg6[%dma_start3A_1277] : memref<3x!tpu.dma_semaphore, #tpu.memory_space<semaphore_mem>> -> memref<1x!tpu.dma_semaphore, #tpu.memory_space<semaphore_mem>>
    %dma_start3A_1286 = tpu.memref_squeeze %dma_start3A_1285 : memref<1x!tpu.dma_semaphore, #tpu.memory_space<semaphore_mem>> -> memref<!tpu.dma_semaphore, #tpu.memory_space<semaphore_mem>>
    %dma_start3A_1287 = arith.constant 0 : i32
    %dma_start3A_1288 = tpu.memref_slice %arg3[%add3A_1274, %dma_start3A_1276, %dma_start3A_1287] : memref<8192x2x2048xf32, #tpu.memory_space<hbm>> -> memref<16x1x2048xf32, #tpu.memory_space<hbm>>
    %dma_start3A_1289 = tpu.memref_squeeze %dma_start3A_1288 : memref<16x1x2048xf32, #tpu.memory_space<hbm>> -> memref<16x2048xf32, #tpu.memory_space<hbm>>
    %dma_start3A_1290 = arith.constant 0 : i32
    %dma_start3A_1291 = arith.constant 0 : i32
    %dma_start3A_1292 = tpu.memref_slice %arg4[%dma_start3A_1275, %dma_start3A_1290, %dma_start3A_1291] : memref<3x16x2048xf32, #tpu.memory_space<vmem>> -> memref<1x16x2048xf32, #tpu.memory_space<vmem>>
    %dma_start3A_1293 = tpu.memref_squeeze %dma_start3A_1292 : memref<1x16x2048xf32, #tpu.memory_space<vmem>> -> memref<16x2048xf32, #tpu.memory_space<vmem>>
    tpu.enqueue_dma source(%dma_start3A_1293 : memref<16x2048xf32, #tpu.memory_space<vmem>>) target(%dma_start3A_1289 : memref<16x2048xf32, #tpu.memory_space<hbm>>) target_semaphore(%dma_start3A_1286 : memref<!tpu.dma_semaphore, #tpu.memory_space<semaphore_mem>>)
    %add3A_1294 = arith.constant 160 : i32
    %add3A_1295 = arith.addi %mul3A_2, %add3A_1294 : i32
    %dma_start3A_1296 = arith.constant 1 : i32
    %dma_start3A_1297 = arith.constant 1 : i32
    %dma_start3A_1298 = arith.constant 1 : i32
    %dma_start3A_1299 = arith.constant 0 : i32
    %dma_start3A_1300 = arith.constant 0 : i32
    %dma_start3A_1301 = tpu.memref_slice %arg4[%dma_start3A_1296, %dma_start3A_1299, %dma_start3A_1300] : memref<3x16x2048xf32, #tpu.memory_space<vmem>> -> memref<1x16x2048xf32, #tpu.memory_space<vmem>>
    %dma_start3A_1302 = tpu.memref_squeeze %dma_start3A_1301 : memref<1x16x2048xf32, #tpu.memory_space<vmem>> -> memref<16x2048xf32, #tpu.memory_space<vmem>>
    %dma_start3A_1303 = arith.constant 0 : i32
    %dma_start3A_1304 = tpu.memref_slice %arg3[%add3A_1295, %dma_start3A_1297, %dma_start3A_1303] : memref<8192x2x2048xf32, #tpu.memory_space<hbm>> -> memref<16x1x2048xf32, #tpu.memory_space<hbm>>
    %dma_start3A_1305 = tpu.memref_squeeze %dma_start3A_1304 : memref<16x1x2048xf32, #tpu.memory_space<hbm>> -> memref<16x2048xf32, #tpu.memory_space<hbm>>
    %dma_start3A_1306 = tpu.memref_slice %arg6[%dma_start3A_1298] : memref<3x!tpu.dma_semaphore, #tpu.memory_space<semaphore_mem>> -> memref<1x!tpu.dma_semaphore, #tpu.memory_space<semaphore_mem>>
    %dma_start3A_1307 = tpu.memref_squeeze %dma_start3A_1306 : memref<1x!tpu.dma_semaphore, #tpu.memory_space<semaphore_mem>> -> memref<!tpu.dma_semaphore, #tpu.memory_space<semaphore_mem>>
    %dma_start3A_1308 = arith.constant 0 : i32
    %dma_start3A_1309 = tpu.memref_slice %arg3[%add3A_1295, %dma_start3A_1297, %dma_start3A_1308] : memref<8192x2x2048xf32, #tpu.memory_space<hbm>> -> memref<16x1x2048xf32, #tpu.memory_space<hbm>>
    %dma_start3A_1310 = tpu.memref_squeeze %dma_start3A_1309 : memref<16x1x2048xf32, #tpu.memory_space<hbm>> -> memref<16x2048xf32, #tpu.memory_space<hbm>>
    %dma_start3A_1311 = arith.constant 0 : i32
    %dma_start3A_1312 = arith.constant 0 : i32
    %dma_start3A_1313 = tpu.memref_slice %arg4[%dma_start3A_1296, %dma_start3A_1311, %dma_start3A_1312] : memref<3x16x2048xf32, #tpu.memory_space<vmem>> -> memref<1x16x2048xf32, #tpu.memory_space<vmem>>
    %dma_start3A_1314 = tpu.memref_squeeze %dma_start3A_1313 : memref<1x16x2048xf32, #tpu.memory_space<vmem>> -> memref<16x2048xf32, #tpu.memory_space<vmem>>
    tpu.enqueue_dma source(%dma_start3A_1314 : memref<16x2048xf32, #tpu.memory_space<vmem>>) target(%dma_start3A_1310 : memref<16x2048xf32, #tpu.memory_space<hbm>>) target_semaphore(%dma_start3A_1307 : memref<!tpu.dma_semaphore, #tpu.memory_space<semaphore_mem>>)
    %add3A_1315 = arith.constant 160 : i32
    %add3A_1316 = arith.addi %mul3A_2, %add3A_1315 : i32
    %dma_wait3A_1317 = arith.constant 1 : i32
    %dma_wait3A_1318 = arith.constant 0 : i32
    %dma_wait3A_1319 = arith.constant 1 : i32
    %dma_wait3A_1320 = arith.constant 0 : i32
    %dma_wait3A_1321 = arith.constant 0 : i32
    %dma_wait3A_1322 = tpu.memref_slice %arg4[%dma_wait3A_1317, %dma_wait3A_1320, %dma_wait3A_1321] : memref<3x16x2048xf32, #tpu.memory_space<vmem>> -> memref<1x16x2048xf32, #tpu.memory_space<vmem>>
    %dma_wait3A_1323 = tpu.memref_squeeze %dma_wait3A_1322 : memref<1x16x2048xf32, #tpu.memory_space<vmem>> -> memref<16x2048xf32, #tpu.memory_space<vmem>>
    %dma_wait3A_1324 = arith.constant 0 : i32
    %dma_wait3A_1325 = tpu.memref_slice %arg3[%add3A_1316, %dma_wait3A_1318, %dma_wait3A_1324] : memref<8192x2x2048xf32, #tpu.memory_space<hbm>> -> memref<16x1x2048xf32, #tpu.memory_space<hbm>>
    %dma_wait3A_1326 = tpu.memref_squeeze %dma_wait3A_1325 : memref<16x1x2048xf32, #tpu.memory_space<hbm>> -> memref<16x2048xf32, #tpu.memory_space<hbm>>
    %dma_wait3A_1327 = tpu.memref_slice %arg6[%dma_wait3A_1319] : memref<3x!tpu.dma_semaphore, #tpu.memory_space<semaphore_mem>> -> memref<1x!tpu.dma_semaphore, #tpu.memory_space<semaphore_mem>>
    %dma_wait3A_1328 = tpu.memref_squeeze %dma_wait3A_1327 : memref<1x!tpu.dma_semaphore, #tpu.memory_space<semaphore_mem>> -> memref<!tpu.dma_semaphore, #tpu.memory_space<semaphore_mem>>
    %dma_wait3A_1329 = arith.constant 0 : i32
    %dma_wait3A_1330 = tpu.memref_slice %arg3[%add3A_1316, %dma_wait3A_1318, %dma_wait3A_1329] : memref<8192x2x2048xf32, #tpu.memory_space<hbm>> -> memref<16x1x2048xf32, #tpu.memory_space<hbm>>
    %dma_wait3A_1331 = tpu.memref_squeeze %dma_wait3A_1330 : memref<16x1x2048xf32, #tpu.memory_space<hbm>> -> memref<16x2048xf32, #tpu.memory_space<hbm>>
    %dma_wait3A_1332 = arith.constant 0 : i32
    %dma_wait3A_1333 = arith.constant 0 : i32
    %dma_wait3A_1334 = tpu.memref_slice %arg4[%dma_wait3A_1317, %dma_wait3A_1332, %dma_wait3A_1333] : memref<3x16x2048xf32, #tpu.memory_space<vmem>> -> memref<1x16x2048xf32, #tpu.memory_space<vmem>>
    %dma_wait3A_1335 = tpu.memref_squeeze %dma_wait3A_1334 : memref<1x16x2048xf32, #tpu.memory_space<vmem>> -> memref<16x2048xf32, #tpu.memory_space<vmem>>
    tpu.wait_dma2 semaphore(%dma_wait3A_1328 : memref<!tpu.dma_semaphore, #tpu.memory_space<semaphore_mem>>) src(%dma_wait3A_1335 : memref<16x2048xf32, #tpu.memory_space<vmem>>) dst(%dma_wait3A_1331 : memref<16x2048xf32, #tpu.memory_space<hbm>>)
    %add3A_1336 = arith.constant 160 : i32
    %add3A_1337 = arith.addi %mul3A_2, %add3A_1336 : i32
    %dma_wait3A_1338 = arith.constant 1 : i32
    %dma_wait3A_1339 = arith.constant 1 : i32
    %dma_wait3A_1340 = arith.constant 1 : i32
    %dma_wait3A_1341 = arith.constant 0 : i32
    %dma_wait3A_1342 = arith.constant 0 : i32
    %dma_wait3A_1343 = tpu.memref_slice %arg4[%dma_wait3A_1338, %dma_wait3A_1341, %dma_wait3A_1342] : memref<3x16x2048xf32, #tpu.memory_space<vmem>> -> memref<1x16x2048xf32, #tpu.memory_space<vmem>>
    %dma_wait3A_1344 = tpu.memref_squeeze %dma_wait3A_1343 : memref<1x16x2048xf32, #tpu.memory_space<vmem>> -> memref<16x2048xf32, #tpu.memory_space<vmem>>
    %dma_wait3A_1345 = arith.constant 0 : i32
    %dma_wait3A_1346 = tpu.memref_slice %arg3[%add3A_1337, %dma_wait3A_1339, %dma_wait3A_1345] : memref<8192x2x2048xf32, #tpu.memory_space<hbm>> -> memref<16x1x2048xf32, #tpu.memory_space<hbm>>
    %dma_wait3A_1347 = tpu.memref_squeeze %dma_wait3A_1346 : memref<16x1x2048xf32, #tpu.memory_space<hbm>> -> memref<16x2048xf32, #tpu.memory_space<hbm>>
    %dma_wait3A_1348 = tpu.memref_slice %arg6[%dma_wait3A_1340] : memref<3x!tpu.dma_semaphore, #tpu.memory_space<semaphore_mem>> -> memref<1x!tpu.dma_semaphore, #tpu.memory_space<semaphore_mem>>
    %dma_wait3A_1349 = tpu.memref_squeeze %dma_wait3A_1348 : memref<1x!tpu.dma_semaphore, #tpu.memory_space<semaphore_mem>> -> memref<!tpu.dma_semaphore, #tpu.memory_space<semaphore_mem>>
    %dma_wait3A_1350 = arith.constant 0 : i32
    %dma_wait3A_1351 = tpu.memref_slice %arg3[%add3A_1337, %dma_wait3A_1339, %dma_wait3A_1350] : memref<8192x2x2048xf32, #tpu.memory_space<hbm>> -> memref<16x1x2048xf32, #tpu.memory_space<hbm>>
    %dma_wait3A_1352 = tpu.memref_squeeze %dma_wait3A_1351 : memref<16x1x2048xf32, #tpu.memory_space<hbm>> -> memref<16x2048xf32, #tpu.memory_space<hbm>>
    %dma_wait3A_1353 = arith.constant 0 : i32
    %dma_wait3A_1354 = arith.constant 0 : i32
    %dma_wait3A_1355 = tpu.memref_slice %arg4[%dma_wait3A_1338, %dma_wait3A_1353, %dma_wait3A_1354] : memref<3x16x2048xf32, #tpu.memory_space<vmem>> -> memref<1x16x2048xf32, #tpu.memory_space<vmem>>
    %dma_wait3A_1356 = tpu.memref_squeeze %dma_wait3A_1355 : memref<1x16x2048xf32, #tpu.memory_space<vmem>> -> memref<16x2048xf32, #tpu.memory_space<vmem>>
    tpu.wait_dma2 semaphore(%dma_wait3A_1349 : memref<!tpu.dma_semaphore, #tpu.memory_space<semaphore_mem>>) src(%dma_wait3A_1356 : memref<16x2048xf32, #tpu.memory_space<vmem>>) dst(%dma_wait3A_1352 : memref<16x2048xf32, #tpu.memory_space<hbm>>)
    %add3A_1357 = arith.constant 208 : i32
    %add3A_1358 = arith.addi %mul3A_2, %add3A_1357 : i32
    %dma_start3A_1359 = arith.constant 1 : i32
    %dma_start3A_1360 = arith.constant 1 : i32
    %dma_start3A_1361 = arith.constant 0 : i32
    %dma_start3A_1362 = arith.constant 0 : i32
    %dma_start3A_1363 = tpu.memref_slice %arg4[%dma_start3A_1359, %dma_start3A_1361, %dma_start3A_1362] : memref<3x16x2048xf32, #tpu.memory_space<vmem>> -> memref<1x16x2048xf32, #tpu.memory_space<vmem>>
    %dma_start3A_1364 = tpu.memref_squeeze %dma_start3A_1363 : memref<1x16x2048xf32, #tpu.memory_space<vmem>> -> memref<16x2048xf32, #tpu.memory_space<vmem>>
    %dma_start3A_1365 = arith.constant 0 : i32
    %dma_start3A_1366 = tpu.memref_slice %arg2[%add3A_1358, %dma_start3A_1365] : memref<8192x2048xf32, #tpu.memory_space<hbm>> -> memref<16x2048xf32, #tpu.memory_space<hbm>>
    %dma_start3A_1367 = tpu.memref_slice %arg5[%dma_start3A_1360] : memref<3x!tpu.dma_semaphore, #tpu.memory_space<semaphore_mem>> -> memref<1x!tpu.dma_semaphore, #tpu.memory_space<semaphore_mem>>
    %dma_start3A_1368 = tpu.memref_squeeze %dma_start3A_1367 : memref<1x!tpu.dma_semaphore, #tpu.memory_space<semaphore_mem>> -> memref<!tpu.dma_semaphore, #tpu.memory_space<semaphore_mem>>
    %dma_start3A_1369 = arith.constant 0 : i32
    %dma_start3A_1370 = arith.constant 0 : i32
    %dma_start3A_1371 = tpu.memref_slice %arg4[%dma_start3A_1359, %dma_start3A_1369, %dma_start3A_1370] : memref<3x16x2048xf32, #tpu.memory_space<vmem>> -> memref<1x16x2048xf32, #tpu.memory_space<vmem>>
    %dma_start3A_1372 = tpu.memref_squeeze %dma_start3A_1371 : memref<1x16x2048xf32, #tpu.memory_space<vmem>> -> memref<16x2048xf32, #tpu.memory_space<vmem>>
    %dma_start3A_1373 = arith.constant 0 : i32
    %dma_start3A_1374 = tpu.memref_slice %arg2[%add3A_1358, %dma_start3A_1373] : memref<8192x2048xf32, #tpu.memory_space<hbm>> -> memref<16x2048xf32, #tpu.memory_space<hbm>>
    tpu.enqueue_dma source(%dma_start3A_1374 : memref<16x2048xf32, #tpu.memory_space<hbm>>) target(%dma_start3A_1372 : memref<16x2048xf32, #tpu.memory_space<vmem>>) target_semaphore(%dma_start3A_1368 : memref<!tpu.dma_semaphore, #tpu.memory_space<semaphore_mem>>)
    %add3A_1375 = arith.constant 176 : i32
    %add3A_1376 = arith.addi %mul3A_2, %add3A_1375 : i32
    %dma_wait3A_1377 = arith.constant 2 : i32
    %dma_wait3A_1378 = arith.constant 2 : i32
    %dma_wait3A_1379 = arith.constant 0 : i32
    %dma_wait3A_1380 = arith.constant 0 : i32
    %dma_wait3A_1381 = tpu.memref_slice %arg4[%dma_wait3A_1377, %dma_wait3A_1379, %dma_wait3A_1380] : memref<3x16x2048xf32, #tpu.memory_space<vmem>> -> memref<1x16x2048xf32, #tpu.memory_space<vmem>>
    %dma_wait3A_1382 = tpu.memref_squeeze %dma_wait3A_1381 : memref<1x16x2048xf32, #tpu.memory_space<vmem>> -> memref<16x2048xf32, #tpu.memory_space<vmem>>
    %dma_wait3A_1383 = arith.constant 0 : i32
    %dma_wait3A_1384 = tpu.memref_slice %arg2[%add3A_1376, %dma_wait3A_1383] : memref<8192x2048xf32, #tpu.memory_space<hbm>> -> memref<16x2048xf32, #tpu.memory_space<hbm>>
    %dma_wait3A_1385 = tpu.memref_slice %arg5[%dma_wait3A_1378] : memref<3x!tpu.dma_semaphore, #tpu.memory_space<semaphore_mem>> -> memref<1x!tpu.dma_semaphore, #tpu.memory_space<semaphore_mem>>
    %dma_wait3A_1386 = tpu.memref_squeeze %dma_wait3A_1385 : memref<1x!tpu.dma_semaphore, #tpu.memory_space<semaphore_mem>> -> memref<!tpu.dma_semaphore, #tpu.memory_space<semaphore_mem>>
    %dma_wait3A_1387 = arith.constant 0 : i32
    %dma_wait3A_1388 = arith.constant 0 : i32
    %dma_wait3A_1389 = tpu.memref_slice %arg4[%dma_wait3A_1377, %dma_wait3A_1387, %dma_wait3A_1388] : memref<3x16x2048xf32, #tpu.memory_space<vmem>> -> memref<1x16x2048xf32, #tpu.memory_space<vmem>>
    %dma_wait3A_1390 = tpu.memref_squeeze %dma_wait3A_1389 : memref<1x16x2048xf32, #tpu.memory_space<vmem>> -> memref<16x2048xf32, #tpu.memory_space<vmem>>
    %dma_wait3A_1391 = arith.constant 0 : i32
    %dma_wait3A_1392 = tpu.memref_slice %arg2[%add3A_1376, %dma_wait3A_1391] : memref<8192x2048xf32, #tpu.memory_space<hbm>> -> memref<16x2048xf32, #tpu.memory_space<hbm>>
    tpu.wait_dma2 semaphore(%dma_wait3A_1386 : memref<!tpu.dma_semaphore, #tpu.memory_space<semaphore_mem>>) src(%dma_wait3A_1392 : memref<16x2048xf32, #tpu.memory_space<hbm>>) dst(%dma_wait3A_1390 : memref<16x2048xf32, #tpu.memory_space<vmem>>)
    %add3A_1393 = arith.constant 176 : i32
    %add3A_1394 = arith.addi %mul3A_2, %add3A_1393 : i32
    %dma_start3A_1395 = arith.constant 2 : i32
    %dma_start3A_1396 = arith.constant 0 : i32
    %dma_start3A_1397 = arith.constant 2 : i32
    %dma_start3A_1398 = arith.constant 0 : i32
    %dma_start3A_1399 = arith.constant 0 : i32
    %dma_start3A_1400 = tpu.memref_slice %arg4[%dma_start3A_1395, %dma_start3A_1398, %dma_start3A_1399] : memref<3x16x2048xf32, #tpu.memory_space<vmem>> -> memref<1x16x2048xf32, #tpu.memory_space<vmem>>
    %dma_start3A_1401 = tpu.memref_squeeze %dma_start3A_1400 : memref<1x16x2048xf32, #tpu.memory_space<vmem>> -> memref<16x2048xf32, #tpu.memory_space<vmem>>
    %dma_start3A_1402 = arith.constant 0 : i32
    %dma_start3A_1403 = tpu.memref_slice %arg3[%add3A_1394, %dma_start3A_1396, %dma_start3A_1402] : memref<8192x2x2048xf32, #tpu.memory_space<hbm>> -> memref<16x1x2048xf32, #tpu.memory_space<hbm>>
    %dma_start3A_1404 = tpu.memref_squeeze %dma_start3A_1403 : memref<16x1x2048xf32, #tpu.memory_space<hbm>> -> memref<16x2048xf32, #tpu.memory_space<hbm>>
    %dma_start3A_1405 = tpu.memref_slice %arg6[%dma_start3A_1397] : memref<3x!tpu.dma_semaphore, #tpu.memory_space<semaphore_mem>> -> memref<1x!tpu.dma_semaphore, #tpu.memory_space<semaphore_mem>>
    %dma_start3A_1406 = tpu.memref_squeeze %dma_start3A_1405 : memref<1x!tpu.dma_semaphore, #tpu.memory_space<semaphore_mem>> -> memref<!tpu.dma_semaphore, #tpu.memory_space<semaphore_mem>>
    %dma_start3A_1407 = arith.constant 0 : i32
    %dma_start3A_1408 = tpu.memref_slice %arg3[%add3A_1394, %dma_start3A_1396, %dma_start3A_1407] : memref<8192x2x2048xf32, #tpu.memory_space<hbm>> -> memref<16x1x2048xf32, #tpu.memory_space<hbm>>
    %dma_start3A_1409 = tpu.memref_squeeze %dma_start3A_1408 : memref<16x1x2048xf32, #tpu.memory_space<hbm>> -> memref<16x2048xf32, #tpu.memory_space<hbm>>
    %dma_start3A_1410 = arith.constant 0 : i32
    %dma_start3A_1411 = arith.constant 0 : i32
    %dma_start3A_1412 = tpu.memref_slice %arg4[%dma_start3A_1395, %dma_start3A_1410, %dma_start3A_1411] : memref<3x16x2048xf32, #tpu.memory_space<vmem>> -> memref<1x16x2048xf32, #tpu.memory_space<vmem>>
    %dma_start3A_1413 = tpu.memref_squeeze %dma_start3A_1412 : memref<1x16x2048xf32, #tpu.memory_space<vmem>> -> memref<16x2048xf32, #tpu.memory_space<vmem>>
    tpu.enqueue_dma source(%dma_start3A_1413 : memref<16x2048xf32, #tpu.memory_space<vmem>>) target(%dma_start3A_1409 : memref<16x2048xf32, #tpu.memory_space<hbm>>) target_semaphore(%dma_start3A_1406 : memref<!tpu.dma_semaphore, #tpu.memory_space<semaphore_mem>>)
    %add3A_1414 = arith.constant 176 : i32
    %add3A_1415 = arith.addi %mul3A_2, %add3A_1414 : i32
    %dma_start3A_1416 = arith.constant 2 : i32
    %dma_start3A_1417 = arith.constant 1 : i32
    %dma_start3A_1418 = arith.constant 2 : i32
    %dma_start3A_1419 = arith.constant 0 : i32
    %dma_start3A_1420 = arith.constant 0 : i32
    %dma_start3A_1421 = tpu.memref_slice %arg4[%dma_start3A_1416, %dma_start3A_1419, %dma_start3A_1420] : memref<3x16x2048xf32, #tpu.memory_space<vmem>> -> memref<1x16x2048xf32, #tpu.memory_space<vmem>>
    %dma_start3A_1422 = tpu.memref_squeeze %dma_start3A_1421 : memref<1x16x2048xf32, #tpu.memory_space<vmem>> -> memref<16x2048xf32, #tpu.memory_space<vmem>>
    %dma_start3A_1423 = arith.constant 0 : i32
    %dma_start3A_1424 = tpu.memref_slice %arg3[%add3A_1415, %dma_start3A_1417, %dma_start3A_1423] : memref<8192x2x2048xf32, #tpu.memory_space<hbm>> -> memref<16x1x2048xf32, #tpu.memory_space<hbm>>
    %dma_start3A_1425 = tpu.memref_squeeze %dma_start3A_1424 : memref<16x1x2048xf32, #tpu.memory_space<hbm>> -> memref<16x2048xf32, #tpu.memory_space<hbm>>
    %dma_start3A_1426 = tpu.memref_slice %arg6[%dma_start3A_1418] : memref<3x!tpu.dma_semaphore, #tpu.memory_space<semaphore_mem>> -> memref<1x!tpu.dma_semaphore, #tpu.memory_space<semaphore_mem>>
    %dma_start3A_1427 = tpu.memref_squeeze %dma_start3A_1426 : memref<1x!tpu.dma_semaphore, #tpu.memory_space<semaphore_mem>> -> memref<!tpu.dma_semaphore, #tpu.memory_space<semaphore_mem>>
    %dma_start3A_1428 = arith.constant 0 : i32
    %dma_start3A_1429 = tpu.memref_slice %arg3[%add3A_1415, %dma_start3A_1417, %dma_start3A_1428] : memref<8192x2x2048xf32, #tpu.memory_space<hbm>> -> memref<16x1x2048xf32, #tpu.memory_space<hbm>>
    %dma_start3A_1430 = tpu.memref_squeeze %dma_start3A_1429 : memref<16x1x2048xf32, #tpu.memory_space<hbm>> -> memref<16x2048xf32, #tpu.memory_space<hbm>>
    %dma_start3A_1431 = arith.constant 0 : i32
    %dma_start3A_1432 = arith.constant 0 : i32
    %dma_start3A_1433 = tpu.memref_slice %arg4[%dma_start3A_1416, %dma_start3A_1431, %dma_start3A_1432] : memref<3x16x2048xf32, #tpu.memory_space<vmem>> -> memref<1x16x2048xf32, #tpu.memory_space<vmem>>
    %dma_start3A_1434 = tpu.memref_squeeze %dma_start3A_1433 : memref<1x16x2048xf32, #tpu.memory_space<vmem>> -> memref<16x2048xf32, #tpu.memory_space<vmem>>
    tpu.enqueue_dma source(%dma_start3A_1434 : memref<16x2048xf32, #tpu.memory_space<vmem>>) target(%dma_start3A_1430 : memref<16x2048xf32, #tpu.memory_space<hbm>>) target_semaphore(%dma_start3A_1427 : memref<!tpu.dma_semaphore, #tpu.memory_space<semaphore_mem>>)
    %add3A_1435 = arith.constant 176 : i32
    %add3A_1436 = arith.addi %mul3A_2, %add3A_1435 : i32
    %dma_wait3A_1437 = arith.constant 2 : i32
    %dma_wait3A_1438 = arith.constant 0 : i32
    %dma_wait3A_1439 = arith.constant 2 : i32
    %dma_wait3A_1440 = arith.constant 0 : i32
    %dma_wait3A_1441 = arith.constant 0 : i32
    %dma_wait3A_1442 = tpu.memref_slice %arg4[%dma_wait3A_1437, %dma_wait3A_1440, %dma_wait3A_1441] : memref<3x16x2048xf32, #tpu.memory_space<vmem>> -> memref<1x16x2048xf32, #tpu.memory_space<vmem>>
    %dma_wait3A_1443 = tpu.memref_squeeze %dma_wait3A_1442 : memref<1x16x2048xf32, #tpu.memory_space<vmem>> -> memref<16x2048xf32, #tpu.memory_space<vmem>>
    %dma_wait3A_1444 = arith.constant 0 : i32
    %dma_wait3A_1445 = tpu.memref_slice %arg3[%add3A_1436, %dma_wait3A_1438, %dma_wait3A_1444] : memref<8192x2x2048xf32, #tpu.memory_space<hbm>> -> memref<16x1x2048xf32, #tpu.memory_space<hbm>>
    %dma_wait3A_1446 = tpu.memref_squeeze %dma_wait3A_1445 : memref<16x1x2048xf32, #tpu.memory_space<hbm>> -> memref<16x2048xf32, #tpu.memory_space<hbm>>
    %dma_wait3A_1447 = tpu.memref_slice %arg6[%dma_wait3A_1439] : memref<3x!tpu.dma_semaphore, #tpu.memory_space<semaphore_mem>> -> memref<1x!tpu.dma_semaphore, #tpu.memory_space<semaphore_mem>>
    %dma_wait3A_1448 = tpu.memref_squeeze %dma_wait3A_1447 : memref<1x!tpu.dma_semaphore, #tpu.memory_space<semaphore_mem>> -> memref<!tpu.dma_semaphore, #tpu.memory_space<semaphore_mem>>
    %dma_wait3A_1449 = arith.constant 0 : i32
    %dma_wait3A_1450 = tpu.memref_slice %arg3[%add3A_1436, %dma_wait3A_1438, %dma_wait3A_1449] : memref<8192x2x2048xf32, #tpu.memory_space<hbm>> -> memref<16x1x2048xf32, #tpu.memory_space<hbm>>
    %dma_wait3A_1451 = tpu.memref_squeeze %dma_wait3A_1450 : memref<16x1x2048xf32, #tpu.memory_space<hbm>> -> memref<16x2048xf32, #tpu.memory_space<hbm>>
    %dma_wait3A_1452 = arith.constant 0 : i32
    %dma_wait3A_1453 = arith.constant 0 : i32
    %dma_wait3A_1454 = tpu.memref_slice %arg4[%dma_wait3A_1437, %dma_wait3A_1452, %dma_wait3A_1453] : memref<3x16x2048xf32, #tpu.memory_space<vmem>> -> memref<1x16x2048xf32, #tpu.memory_space<vmem>>
    %dma_wait3A_1455 = tpu.memref_squeeze %dma_wait3A_1454 : memref<1x16x2048xf32, #tpu.memory_space<vmem>> -> memref<16x2048xf32, #tpu.memory_space<vmem>>
    tpu.wait_dma2 semaphore(%dma_wait3A_1448 : memref<!tpu.dma_semaphore, #tpu.memory_space<semaphore_mem>>) src(%dma_wait3A_1455 : memref<16x2048xf32, #tpu.memory_space<vmem>>) dst(%dma_wait3A_1451 : memref<16x2048xf32, #tpu.memory_space<hbm>>)
    %add3A_1456 = arith.constant 176 : i32
    %add3A_1457 = arith.addi %mul3A_2, %add3A_1456 : i32
    %dma_wait3A_1458 = arith.constant 2 : i32
    %dma_wait3A_1459 = arith.constant 1 : i32
    %dma_wait3A_1460 = arith.constant 2 : i32
    %dma_wait3A_1461 = arith.constant 0 : i32
    %dma_wait3A_1462 = arith.constant 0 : i32
    %dma_wait3A_1463 = tpu.memref_slice %arg4[%dma_wait3A_1458, %dma_wait3A_1461, %dma_wait3A_1462] : memref<3x16x2048xf32, #tpu.memory_space<vmem>> -> memref<1x16x2048xf32, #tpu.memory_space<vmem>>
    %dma_wait3A_1464 = tpu.memref_squeeze %dma_wait3A_1463 : memref<1x16x2048xf32, #tpu.memory_space<vmem>> -> memref<16x2048xf32, #tpu.memory_space<vmem>>
    %dma_wait3A_1465 = arith.constant 0 : i32
    %dma_wait3A_1466 = tpu.memref_slice %arg3[%add3A_1457, %dma_wait3A_1459, %dma_wait3A_1465] : memref<8192x2x2048xf32, #tpu.memory_space<hbm>> -> memref<16x1x2048xf32, #tpu.memory_space<hbm>>
    %dma_wait3A_1467 = tpu.memref_squeeze %dma_wait3A_1466 : memref<16x1x2048xf32, #tpu.memory_space<hbm>> -> memref<16x2048xf32, #tpu.memory_space<hbm>>
    %dma_wait3A_1468 = tpu.memref_slice %arg6[%dma_wait3A_1460] : memref<3x!tpu.dma_semaphore, #tpu.memory_space<semaphore_mem>> -> memref<1x!tpu.dma_semaphore, #tpu.memory_space<semaphore_mem>>
    %dma_wait3A_1469 = tpu.memref_squeeze %dma_wait3A_1468 : memref<1x!tpu.dma_semaphore, #tpu.memory_space<semaphore_mem>> -> memref<!tpu.dma_semaphore, #tpu.memory_space<semaphore_mem>>
    %dma_wait3A_1470 = arith.constant 0 : i32
    %dma_wait3A_1471 = tpu.memref_slice %arg3[%add3A_1457, %dma_wait3A_1459, %dma_wait3A_1470] : memref<8192x2x2048xf32, #tpu.memory_space<hbm>> -> memref<16x1x2048xf32, #tpu.memory_space<hbm>>
    %dma_wait3A_1472 = tpu.memref_squeeze %dma_wait3A_1471 : memref<16x1x2048xf32, #tpu.memory_space<hbm>> -> memref<16x2048xf32, #tpu.memory_space<hbm>>
    %dma_wait3A_1473 = arith.constant 0 : i32
    %dma_wait3A_1474 = arith.constant 0 : i32
    %dma_wait3A_1475 = tpu.memref_slice %arg4[%dma_wait3A_1458, %dma_wait3A_1473, %dma_wait3A_1474] : memref<3x16x2048xf32, #tpu.memory_space<vmem>> -> memref<1x16x2048xf32, #tpu.memory_space<vmem>>
    %dma_wait3A_1476 = tpu.memref_squeeze %dma_wait3A_1475 : memref<1x16x2048xf32, #tpu.memory_space<vmem>> -> memref<16x2048xf32, #tpu.memory_space<vmem>>
    tpu.wait_dma2 semaphore(%dma_wait3A_1469 : memref<!tpu.dma_semaphore, #tpu.memory_space<semaphore_mem>>) src(%dma_wait3A_1476 : memref<16x2048xf32, #tpu.memory_space<vmem>>) dst(%dma_wait3A_1472 : memref<16x2048xf32, #tpu.memory_space<hbm>>)
    %add3A_1477 = arith.constant 224 : i32
    %add3A_1478 = arith.addi %mul3A_2, %add3A_1477 : i32
    %dma_start3A_1479 = arith.constant 2 : i32
    %dma_start3A_1480 = arith.constant 2 : i32
    %dma_start3A_1481 = arith.constant 0 : i32
    %dma_start3A_1482 = arith.constant 0 : i32
    %dma_start3A_1483 = tpu.memref_slice %arg4[%dma_start3A_1479, %dma_start3A_1481, %dma_start3A_1482] : memref<3x16x2048xf32, #tpu.memory_space<vmem>> -> memref<1x16x2048xf32, #tpu.memory_space<vmem>>
    %dma_start3A_1484 = tpu.memref_squeeze %dma_start3A_1483 : memref<1x16x2048xf32, #tpu.memory_space<vmem>> -> memref<16x2048xf32, #tpu.memory_space<vmem>>
    %dma_start3A_1485 = arith.constant 0 : i32
    %dma_start3A_1486 = tpu.memref_slice %arg2[%add3A_1478, %dma_start3A_1485] : memref<8192x2048xf32, #tpu.memory_space<hbm>> -> memref<16x2048xf32, #tpu.memory_space<hbm>>
    %dma_start3A_1487 = tpu.memref_slice %arg5[%dma_start3A_1480] : memref<3x!tpu.dma_semaphore, #tpu.memory_space<semaphore_mem>> -> memref<1x!tpu.dma_semaphore, #tpu.memory_space<semaphore_mem>>
    %dma_start3A_1488 = tpu.memref_squeeze %dma_start3A_1487 : memref<1x!tpu.dma_semaphore, #tpu.memory_space<semaphore_mem>> -> memref<!tpu.dma_semaphore, #tpu.memory_space<semaphore_mem>>
    %dma_start3A_1489 = arith.constant 0 : i32
    %dma_start3A_1490 = arith.constant 0 : i32
    %dma_start3A_1491 = tpu.memref_slice %arg4[%dma_start3A_1479, %dma_start3A_1489, %dma_start3A_1490] : memref<3x16x2048xf32, #tpu.memory_space<vmem>> -> memref<1x16x2048xf32, #tpu.memory_space<vmem>>
    %dma_start3A_1492 = tpu.memref_squeeze %dma_start3A_1491 : memref<1x16x2048xf32, #tpu.memory_space<vmem>> -> memref<16x2048xf32, #tpu.memory_space<vmem>>
    %dma_start3A_1493 = arith.constant 0 : i32
    %dma_start3A_1494 = tpu.memref_slice %arg2[%add3A_1478, %dma_start3A_1493] : memref<8192x2048xf32, #tpu.memory_space<hbm>> -> memref<16x2048xf32, #tpu.memory_space<hbm>>
    tpu.enqueue_dma source(%dma_start3A_1494 : memref<16x2048xf32, #tpu.memory_space<hbm>>) target(%dma_start3A_1492 : memref<16x2048xf32, #tpu.memory_space<vmem>>) target_semaphore(%dma_start3A_1488 : memref<!tpu.dma_semaphore, #tpu.memory_space<semaphore_mem>>)
    %add3A_1495 = arith.constant 192 : i32
    %add3A_1496 = arith.addi %mul3A_2, %add3A_1495 : i32
    %dma_wait3A_1497 = arith.constant 0 : i32
    %dma_wait3A_1498 = arith.constant 0 : i32
    %dma_wait3A_1499 = arith.constant 0 : i32
    %dma_wait3A_1500 = arith.constant 0 : i32
    %dma_wait3A_1501 = tpu.memref_slice %arg4[%dma_wait3A_1497, %dma_wait3A_1499, %dma_wait3A_1500] : memref<3x16x2048xf32, #tpu.memory_space<vmem>> -> memref<1x16x2048xf32, #tpu.memory_space<vmem>>
    %dma_wait3A_1502 = tpu.memref_squeeze %dma_wait3A_1501 : memref<1x16x2048xf32, #tpu.memory_space<vmem>> -> memref<16x2048xf32, #tpu.memory_space<vmem>>
    %dma_wait3A_1503 = arith.constant 0 : i32
    %dma_wait3A_1504 = tpu.memref_slice %arg2[%add3A_1496, %dma_wait3A_1503] : memref<8192x2048xf32, #tpu.memory_space<hbm>> -> memref<16x2048xf32, #tpu.memory_space<hbm>>
    %dma_wait3A_1505 = tpu.memref_slice %arg5[%dma_wait3A_1498] : memref<3x!tpu.dma_semaphore, #tpu.memory_space<semaphore_mem>> -> memref<1x!tpu.dma_semaphore, #tpu.memory_space<semaphore_mem>>
    %dma_wait3A_1506 = tpu.memref_squeeze %dma_wait3A_1505 : memref<1x!tpu.dma_semaphore, #tpu.memory_space<semaphore_mem>> -> memref<!tpu.dma_semaphore, #tpu.memory_space<semaphore_mem>>
    %dma_wait3A_1507 = arith.constant 0 : i32
    %dma_wait3A_1508 = arith.constant 0 : i32
    %dma_wait3A_1509 = tpu.memref_slice %arg4[%dma_wait3A_1497, %dma_wait3A_1507, %dma_wait3A_1508] : memref<3x16x2048xf32, #tpu.memory_space<vmem>> -> memref<1x16x2048xf32, #tpu.memory_space<vmem>>
    %dma_wait3A_1510 = tpu.memref_squeeze %dma_wait3A_1509 : memref<1x16x2048xf32, #tpu.memory_space<vmem>> -> memref<16x2048xf32, #tpu.memory_space<vmem>>
    %dma_wait3A_1511 = arith.constant 0 : i32
    %dma_wait3A_1512 = tpu.memref_slice %arg2[%add3A_1496, %dma_wait3A_1511] : memref<8192x2048xf32, #tpu.memory_space<hbm>> -> memref<16x2048xf32, #tpu.memory_space<hbm>>
    tpu.wait_dma2 semaphore(%dma_wait3A_1506 : memref<!tpu.dma_semaphore, #tpu.memory_space<semaphore_mem>>) src(%dma_wait3A_1512 : memref<16x2048xf32, #tpu.memory_space<hbm>>) dst(%dma_wait3A_1510 : memref<16x2048xf32, #tpu.memory_space<vmem>>)
    %add3A_1513 = arith.constant 192 : i32
    %add3A_1514 = arith.addi %mul3A_2, %add3A_1513 : i32
    %dma_start3A_1515 = arith.constant 0 : i32
    %dma_start3A_1516 = arith.constant 0 : i32
    %dma_start3A_1517 = arith.constant 0 : i32
    %dma_start3A_1518 = arith.constant 0 : i32
    %dma_start3A_1519 = arith.constant 0 : i32
    %dma_start3A_1520 = tpu.memref_slice %arg4[%dma_start3A_1515, %dma_start3A_1518, %dma_start3A_1519] : memref<3x16x2048xf32, #tpu.memory_space<vmem>> -> memref<1x16x2048xf32, #tpu.memory_space<vmem>>
    %dma_start3A_1521 = tpu.memref_squeeze %dma_start3A_1520 : memref<1x16x2048xf32, #tpu.memory_space<vmem>> -> memref<16x2048xf32, #tpu.memory_space<vmem>>
    %dma_start3A_1522 = arith.constant 0 : i32
    %dma_start3A_1523 = tpu.memref_slice %arg3[%add3A_1514, %dma_start3A_1516, %dma_start3A_1522] : memref<8192x2x2048xf32, #tpu.memory_space<hbm>> -> memref<16x1x2048xf32, #tpu.memory_space<hbm>>
    %dma_start3A_1524 = tpu.memref_squeeze %dma_start3A_1523 : memref<16x1x2048xf32, #tpu.memory_space<hbm>> -> memref<16x2048xf32, #tpu.memory_space<hbm>>
    %dma_start3A_1525 = tpu.memref_slice %arg6[%dma_start3A_1517] : memref<3x!tpu.dma_semaphore, #tpu.memory_space<semaphore_mem>> -> memref<1x!tpu.dma_semaphore, #tpu.memory_space<semaphore_mem>>
    %dma_start3A_1526 = tpu.memref_squeeze %dma_start3A_1525 : memref<1x!tpu.dma_semaphore, #tpu.memory_space<semaphore_mem>> -> memref<!tpu.dma_semaphore, #tpu.memory_space<semaphore_mem>>
    %dma_start3A_1527 = arith.constant 0 : i32
    %dma_start3A_1528 = tpu.memref_slice %arg3[%add3A_1514, %dma_start3A_1516, %dma_start3A_1527] : memref<8192x2x2048xf32, #tpu.memory_space<hbm>> -> memref<16x1x2048xf32, #tpu.memory_space<hbm>>
    %dma_start3A_1529 = tpu.memref_squeeze %dma_start3A_1528 : memref<16x1x2048xf32, #tpu.memory_space<hbm>> -> memref<16x2048xf32, #tpu.memory_space<hbm>>
    %dma_start3A_1530 = arith.constant 0 : i32
    %dma_start3A_1531 = arith.constant 0 : i32
    %dma_start3A_1532 = tpu.memref_slice %arg4[%dma_start3A_1515, %dma_start3A_1530, %dma_start3A_1531] : memref<3x16x2048xf32, #tpu.memory_space<vmem>> -> memref<1x16x2048xf32, #tpu.memory_space<vmem>>
    %dma_start3A_1533 = tpu.memref_squeeze %dma_start3A_1532 : memref<1x16x2048xf32, #tpu.memory_space<vmem>> -> memref<16x2048xf32, #tpu.memory_space<vmem>>
    tpu.enqueue_dma source(%dma_start3A_1533 : memref<16x2048xf32, #tpu.memory_space<vmem>>) target(%dma_start3A_1529 : memref<16x2048xf32, #tpu.memory_space<hbm>>) target_semaphore(%dma_start3A_1526 : memref<!tpu.dma_semaphore, #tpu.memory_space<semaphore_mem>>)
    %add3A_1534 = arith.constant 192 : i32
    %add3A_1535 = arith.addi %mul3A_2, %add3A_1534 : i32
    %dma_start3A_1536 = arith.constant 0 : i32
    %dma_start3A_1537 = arith.constant 1 : i32
    %dma_start3A_1538 = arith.constant 0 : i32
    %dma_start3A_1539 = arith.constant 0 : i32
    %dma_start3A_1540 = arith.constant 0 : i32
    %dma_start3A_1541 = tpu.memref_slice %arg4[%dma_start3A_1536, %dma_start3A_1539, %dma_start3A_1540] : memref<3x16x2048xf32, #tpu.memory_space<vmem>> -> memref<1x16x2048xf32, #tpu.memory_space<vmem>>
    %dma_start3A_1542 = tpu.memref_squeeze %dma_start3A_1541 : memref<1x16x2048xf32, #tpu.memory_space<vmem>> -> memref<16x2048xf32, #tpu.memory_space<vmem>>
    %dma_start3A_1543 = arith.constant 0 : i32
    %dma_start3A_1544 = tpu.memref_slice %arg3[%add3A_1535, %dma_start3A_1537, %dma_start3A_1543] : memref<8192x2x2048xf32, #tpu.memory_space<hbm>> -> memref<16x1x2048xf32, #tpu.memory_space<hbm>>
    %dma_start3A_1545 = tpu.memref_squeeze %dma_start3A_1544 : memref<16x1x2048xf32, #tpu.memory_space<hbm>> -> memref<16x2048xf32, #tpu.memory_space<hbm>>
    %dma_start3A_1546 = tpu.memref_slice %arg6[%dma_start3A_1538] : memref<3x!tpu.dma_semaphore, #tpu.memory_space<semaphore_mem>> -> memref<1x!tpu.dma_semaphore, #tpu.memory_space<semaphore_mem>>
    %dma_start3A_1547 = tpu.memref_squeeze %dma_start3A_1546 : memref<1x!tpu.dma_semaphore, #tpu.memory_space<semaphore_mem>> -> memref<!tpu.dma_semaphore, #tpu.memory_space<semaphore_mem>>
    %dma_start3A_1548 = arith.constant 0 : i32
    %dma_start3A_1549 = tpu.memref_slice %arg3[%add3A_1535, %dma_start3A_1537, %dma_start3A_1548] : memref<8192x2x2048xf32, #tpu.memory_space<hbm>> -> memref<16x1x2048xf32, #tpu.memory_space<hbm>>
    %dma_start3A_1550 = tpu.memref_squeeze %dma_start3A_1549 : memref<16x1x2048xf32, #tpu.memory_space<hbm>> -> memref<16x2048xf32, #tpu.memory_space<hbm>>
    %dma_start3A_1551 = arith.constant 0 : i32
    %dma_start3A_1552 = arith.constant 0 : i32
    %dma_start3A_1553 = tpu.memref_slice %arg4[%dma_start3A_1536, %dma_start3A_1551, %dma_start3A_1552] : memref<3x16x2048xf32, #tpu.memory_space<vmem>> -> memref<1x16x2048xf32, #tpu.memory_space<vmem>>
    %dma_start3A_1554 = tpu.memref_squeeze %dma_start3A_1553 : memref<1x16x2048xf32, #tpu.memory_space<vmem>> -> memref<16x2048xf32, #tpu.memory_space<vmem>>
    tpu.enqueue_dma source(%dma_start3A_1554 : memref<16x2048xf32, #tpu.memory_space<vmem>>) target(%dma_start3A_1550 : memref<16x2048xf32, #tpu.memory_space<hbm>>) target_semaphore(%dma_start3A_1547 : memref<!tpu.dma_semaphore, #tpu.memory_space<semaphore_mem>>)
    %add3A_1555 = arith.constant 192 : i32
    %add3A_1556 = arith.addi %mul3A_2, %add3A_1555 : i32
    %dma_wait3A_1557 = arith.constant 0 : i32
    %dma_wait3A_1558 = arith.constant 0 : i32
    %dma_wait3A_1559 = arith.constant 0 : i32
    %dma_wait3A_1560 = arith.constant 0 : i32
    %dma_wait3A_1561 = arith.constant 0 : i32
    %dma_wait3A_1562 = tpu.memref_slice %arg4[%dma_wait3A_1557, %dma_wait3A_1560, %dma_wait3A_1561] : memref<3x16x2048xf32, #tpu.memory_space<vmem>> -> memref<1x16x2048xf32, #tpu.memory_space<vmem>>
    %dma_wait3A_1563 = tpu.memref_squeeze %dma_wait3A_1562 : memref<1x16x2048xf32, #tpu.memory_space<vmem>> -> memref<16x2048xf32, #tpu.memory_space<vmem>>
    %dma_wait3A_1564 = arith.constant 0 : i32
    %dma_wait3A_1565 = tpu.memref_slice %arg3[%add3A_1556, %dma_wait3A_1558, %dma_wait3A_1564] : memref<8192x2x2048xf32, #tpu.memory_space<hbm>> -> memref<16x1x2048xf32, #tpu.memory_space<hbm>>
    %dma_wait3A_1566 = tpu.memref_squeeze %dma_wait3A_1565 : memref<16x1x2048xf32, #tpu.memory_space<hbm>> -> memref<16x2048xf32, #tpu.memory_space<hbm>>
    %dma_wait3A_1567 = tpu.memref_slice %arg6[%dma_wait3A_1559] : memref<3x!tpu.dma_semaphore, #tpu.memory_space<semaphore_mem>> -> memref<1x!tpu.dma_semaphore, #tpu.memory_space<semaphore_mem>>
    %dma_wait3A_1568 = tpu.memref_squeeze %dma_wait3A_1567 : memref<1x!tpu.dma_semaphore, #tpu.memory_space<semaphore_mem>> -> memref<!tpu.dma_semaphore, #tpu.memory_space<semaphore_mem>>
    %dma_wait3A_1569 = arith.constant 0 : i32
    %dma_wait3A_1570 = tpu.memref_slice %arg3[%add3A_1556, %dma_wait3A_1558, %dma_wait3A_1569] : memref<8192x2x2048xf32, #tpu.memory_space<hbm>> -> memref<16x1x2048xf32, #tpu.memory_space<hbm>>
    %dma_wait3A_1571 = tpu.memref_squeeze %dma_wait3A_1570 : memref<16x1x2048xf32, #tpu.memory_space<hbm>> -> memref<16x2048xf32, #tpu.memory_space<hbm>>
    %dma_wait3A_1572 = arith.constant 0 : i32
    %dma_wait3A_1573 = arith.constant 0 : i32
    %dma_wait3A_1574 = tpu.memref_slice %arg4[%dma_wait3A_1557, %dma_wait3A_1572, %dma_wait3A_1573] : memref<3x16x2048xf32, #tpu.memory_space<vmem>> -> memref<1x16x2048xf32, #tpu.memory_space<vmem>>
    %dma_wait3A_1575 = tpu.memref_squeeze %dma_wait3A_1574 : memref<1x16x2048xf32, #tpu.memory_space<vmem>> -> memref<16x2048xf32, #tpu.memory_space<vmem>>
    tpu.wait_dma2 semaphore(%dma_wait3A_1568 : memref<!tpu.dma_semaphore, #tpu.memory_space<semaphore_mem>>) src(%dma_wait3A_1575 : memref<16x2048xf32, #tpu.memory_space<vmem>>) dst(%dma_wait3A_1571 : memref<16x2048xf32, #tpu.memory_space<hbm>>)
    %add3A_1576 = arith.constant 192 : i32
    %add3A_1577 = arith.addi %mul3A_2, %add3A_1576 : i32
    %dma_wait3A_1578 = arith.constant 0 : i32
    %dma_wait3A_1579 = arith.constant 1 : i32
    %dma_wait3A_1580 = arith.constant 0 : i32
    %dma_wait3A_1581 = arith.constant 0 : i32
    %dma_wait3A_1582 = arith.constant 0 : i32
    %dma_wait3A_1583 = tpu.memref_slice %arg4[%dma_wait3A_1578, %dma_wait3A_1581, %dma_wait3A_1582] : memref<3x16x2048xf32, #tpu.memory_space<vmem>> -> memref<1x16x2048xf32, #tpu.memory_space<vmem>>
    %dma_wait3A_1584 = tpu.memref_squeeze %dma_wait3A_1583 : memref<1x16x2048xf32, #tpu.memory_space<vmem>> -> memref<16x2048xf32, #tpu.memory_space<vmem>>
    %dma_wait3A_1585 = arith.constant 0 : i32
    %dma_wait3A_1586 = tpu.memref_slice %arg3[%add3A_1577, %dma_wait3A_1579, %dma_wait3A_1585] : memref<8192x2x2048xf32, #tpu.memory_space<hbm>> -> memref<16x1x2048xf32, #tpu.memory_space<hbm>>
    %dma_wait3A_1587 = tpu.memref_squeeze %dma_wait3A_1586 : memref<16x1x2048xf32, #tpu.memory_space<hbm>> -> memref<16x2048xf32, #tpu.memory_space<hbm>>
    %dma_wait3A_1588 = tpu.memref_slice %arg6[%dma_wait3A_1580] : memref<3x!tpu.dma_semaphore, #tpu.memory_space<semaphore_mem>> -> memref<1x!tpu.dma_semaphore, #tpu.memory_space<semaphore_mem>>
    %dma_wait3A_1589 = tpu.memref_squeeze %dma_wait3A_1588 : memref<1x!tpu.dma_semaphore, #tpu.memory_space<semaphore_mem>> -> memref<!tpu.dma_semaphore, #tpu.memory_space<semaphore_mem>>
    %dma_wait3A_1590 = arith.constant 0 : i32
    %dma_wait3A_1591 = tpu.memref_slice %arg3[%add3A_1577, %dma_wait3A_1579, %dma_wait3A_1590] : memref<8192x2x2048xf32, #tpu.memory_space<hbm>> -> memref<16x1x2048xf32, #tpu.memory_space<hbm>>
    %dma_wait3A_1592 = tpu.memref_squeeze %dma_wait3A_1591 : memref<16x1x2048xf32, #tpu.memory_space<hbm>> -> memref<16x2048xf32, #tpu.memory_space<hbm>>
    %dma_wait3A_1593 = arith.constant 0 : i32
    %dma_wait3A_1594 = arith.constant 0 : i32
    %dma_wait3A_1595 = tpu.memref_slice %arg4[%dma_wait3A_1578, %dma_wait3A_1593, %dma_wait3A_1594] : memref<3x16x2048xf32, #tpu.memory_space<vmem>> -> memref<1x16x2048xf32, #tpu.memory_space<vmem>>
    %dma_wait3A_1596 = tpu.memref_squeeze %dma_wait3A_1595 : memref<1x16x2048xf32, #tpu.memory_space<vmem>> -> memref<16x2048xf32, #tpu.memory_space<vmem>>
    tpu.wait_dma2 semaphore(%dma_wait3A_1589 : memref<!tpu.dma_semaphore, #tpu.memory_space<semaphore_mem>>) src(%dma_wait3A_1596 : memref<16x2048xf32, #tpu.memory_space<vmem>>) dst(%dma_wait3A_1592 : memref<16x2048xf32, #tpu.memory_space<hbm>>)
    %add3A_1597 = arith.constant 240 : i32
    %add3A_1598 = arith.addi %mul3A_2, %add3A_1597 : i32
    %dma_start3A_1599 = arith.constant 0 : i32
    %dma_start3A_1600 = arith.constant 0 : i32
    %dma_start3A_1601 = arith.constant 0 : i32
    %dma_start3A_1602 = arith.constant 0 : i32
    %dma_start3A_1603 = tpu.memref_slice %arg4[%dma_start3A_1599, %dma_start3A_1601, %dma_start3A_1602] : memref<3x16x2048xf32, #tpu.memory_space<vmem>> -> memref<1x16x2048xf32, #tpu.memory_space<vmem>>
    %dma_start3A_1604 = tpu.memref_squeeze %dma_start3A_1603 : memref<1x16x2048xf32, #tpu.memory_space<vmem>> -> memref<16x2048xf32, #tpu.memory_space<vmem>>
    %dma_start3A_1605 = arith.constant 0 : i32
    %dma_start3A_1606 = tpu.memref_slice %arg2[%add3A_1598, %dma_start3A_1605] : memref<8192x2048xf32, #tpu.memory_space<hbm>> -> memref<16x2048xf32, #tpu.memory_space<hbm>>
    %dma_start3A_1607 = tpu.memref_slice %arg5[%dma_start3A_1600] : memref<3x!tpu.dma_semaphore, #tpu.memory_space<semaphore_mem>> -> memref<1x!tpu.dma_semaphore, #tpu.memory_space<semaphore_mem>>
    %dma_start3A_1608 = tpu.memref_squeeze %dma_start3A_1607 : memref<1x!tpu.dma_semaphore, #tpu.memory_space<semaphore_mem>> -> memref<!tpu.dma_semaphore, #tpu.memory_space<semaphore_mem>>
    %dma_start3A_1609 = arith.constant 0 : i32
    %dma_start3A_1610 = arith.constant 0 : i32
    %dma_start3A_1611 = tpu.memref_slice %arg4[%dma_start3A_1599, %dma_start3A_1609, %dma_start3A_1610] : memref<3x16x2048xf32, #tpu.memory_space<vmem>> -> memref<1x16x2048xf32, #tpu.memory_space<vmem>>
    %dma_start3A_1612 = tpu.memref_squeeze %dma_start3A_1611 : memref<1x16x2048xf32, #tpu.memory_space<vmem>> -> memref<16x2048xf32, #tpu.memory_space<vmem>>
    %dma_start3A_1613 = arith.constant 0 : i32
    %dma_start3A_1614 = tpu.memref_slice %arg2[%add3A_1598, %dma_start3A_1613] : memref<8192x2048xf32, #tpu.memory_space<hbm>> -> memref<16x2048xf32, #tpu.memory_space<hbm>>
    tpu.enqueue_dma source(%dma_start3A_1614 : memref<16x2048xf32, #tpu.memory_space<hbm>>) target(%dma_start3A_1612 : memref<16x2048xf32, #tpu.memory_space<vmem>>) target_semaphore(%dma_start3A_1608 : memref<!tpu.dma_semaphore, #tpu.memory_space<semaphore_mem>>)
    %add3A_1615 = arith.constant 208 : i32
    %add3A_1616 = arith.addi %mul3A_2, %add3A_1615 : i32
    %dma_wait3A_1617 = arith.constant 1 : i32
    %dma_wait3A_1618 = arith.constant 1 : i32
    %dma_wait3A_1619 = arith.constant 0 : i32
    %dma_wait3A_1620 = arith.constant 0 : i32
    %dma_wait3A_1621 = tpu.memref_slice %arg4[%dma_wait3A_1617, %dma_wait3A_1619, %dma_wait3A_1620] : memref<3x16x2048xf32, #tpu.memory_space<vmem>> -> memref<1x16x2048xf32, #tpu.memory_space<vmem>>
    %dma_wait3A_1622 = tpu.memref_squeeze %dma_wait3A_1621 : memref<1x16x2048xf32, #tpu.memory_space<vmem>> -> memref<16x2048xf32, #tpu.memory_space<vmem>>
    %dma_wait3A_1623 = arith.constant 0 : i32
    %dma_wait3A_1624 = tpu.memref_slice %arg2[%add3A_1616, %dma_wait3A_1623] : memref<8192x2048xf32, #tpu.memory_space<hbm>> -> memref<16x2048xf32, #tpu.memory_space<hbm>>
    %dma_wait3A_1625 = tpu.memref_slice %arg5[%dma_wait3A_1618] : memref<3x!tpu.dma_semaphore, #tpu.memory_space<semaphore_mem>> -> memref<1x!tpu.dma_semaphore, #tpu.memory_space<semaphore_mem>>
    %dma_wait3A_1626 = tpu.memref_squeeze %dma_wait3A_1625 : memref<1x!tpu.dma_semaphore, #tpu.memory_space<semaphore_mem>> -> memref<!tpu.dma_semaphore, #tpu.memory_space<semaphore_mem>>
    %dma_wait3A_1627 = arith.constant 0 : i32
    %dma_wait3A_1628 = arith.constant 0 : i32
    %dma_wait3A_1629 = tpu.memref_slice %arg4[%dma_wait3A_1617, %dma_wait3A_1627, %dma_wait3A_1628] : memref<3x16x2048xf32, #tpu.memory_space<vmem>> -> memref<1x16x2048xf32, #tpu.memory_space<vmem>>
    %dma_wait3A_1630 = tpu.memref_squeeze %dma_wait3A_1629 : memref<1x16x2048xf32, #tpu.memory_space<vmem>> -> memref<16x2048xf32, #tpu.memory_space<vmem>>
    %dma_wait3A_1631 = arith.constant 0 : i32
    %dma_wait3A_1632 = tpu.memref_slice %arg2[%add3A_1616, %dma_wait3A_1631] : memref<8192x2048xf32, #tpu.memory_space<hbm>> -> memref<16x2048xf32, #tpu.memory_space<hbm>>
    tpu.wait_dma2 semaphore(%dma_wait3A_1626 : memref<!tpu.dma_semaphore, #tpu.memory_space<semaphore_mem>>) src(%dma_wait3A_1632 : memref<16x2048xf32, #tpu.memory_space<hbm>>) dst(%dma_wait3A_1630 : memref<16x2048xf32, #tpu.memory_space<vmem>>)
    %add3A_1633 = arith.constant 208 : i32
    %add3A_1634 = arith.addi %mul3A_2, %add3A_1633 : i32
    %dma_start3A_1635 = arith.constant 1 : i32
    %dma_start3A_1636 = arith.constant 0 : i32
    %dma_start3A_1637 = arith.constant 1 : i32
    %dma_start3A_1638 = arith.constant 0 : i32
    %dma_start3A_1639 = arith.constant 0 : i32
    %dma_start3A_1640 = tpu.memref_slice %arg4[%dma_start3A_1635, %dma_start3A_1638, %dma_start3A_1639] : memref<3x16x2048xf32, #tpu.memory_space<vmem>> -> memref<1x16x2048xf32, #tpu.memory_space<vmem>>
    %dma_start3A_1641 = tpu.memref_squeeze %dma_start3A_1640 : memref<1x16x2048xf32, #tpu.memory_space<vmem>> -> memref<16x2048xf32, #tpu.memory_space<vmem>>
    %dma_start3A_1642 = arith.constant 0 : i32
    %dma_start3A_1643 = tpu.memref_slice %arg3[%add3A_1634, %dma_start3A_1636, %dma_start3A_1642] : memref<8192x2x2048xf32, #tpu.memory_space<hbm>> -> memref<16x1x2048xf32, #tpu.memory_space<hbm>>
    %dma_start3A_1644 = tpu.memref_squeeze %dma_start3A_1643 : memref<16x1x2048xf32, #tpu.memory_space<hbm>> -> memref<16x2048xf32, #tpu.memory_space<hbm>>
    %dma_start3A_1645 = tpu.memref_slice %arg6[%dma_start3A_1637] : memref<3x!tpu.dma_semaphore, #tpu.memory_space<semaphore_mem>> -> memref<1x!tpu.dma_semaphore, #tpu.memory_space<semaphore_mem>>
    %dma_start3A_1646 = tpu.memref_squeeze %dma_start3A_1645 : memref<1x!tpu.dma_semaphore, #tpu.memory_space<semaphore_mem>> -> memref<!tpu.dma_semaphore, #tpu.memory_space<semaphore_mem>>
    %dma_start3A_1647 = arith.constant 0 : i32
    %dma_start3A_1648 = tpu.memref_slice %arg3[%add3A_1634, %dma_start3A_1636, %dma_start3A_1647] : memref<8192x2x2048xf32, #tpu.memory_space<hbm>> -> memref<16x1x2048xf32, #tpu.memory_space<hbm>>
    %dma_start3A_1649 = tpu.memref_squeeze %dma_start3A_1648 : memref<16x1x2048xf32, #tpu.memory_space<hbm>> -> memref<16x2048xf32, #tpu.memory_space<hbm>>
    %dma_start3A_1650 = arith.constant 0 : i32
    %dma_start3A_1651 = arith.constant 0 : i32
    %dma_start3A_1652 = tpu.memref_slice %arg4[%dma_start3A_1635, %dma_start3A_1650, %dma_start3A_1651] : memref<3x16x2048xf32, #tpu.memory_space<vmem>> -> memref<1x16x2048xf32, #tpu.memory_space<vmem>>
    %dma_start3A_1653 = tpu.memref_squeeze %dma_start3A_1652 : memref<1x16x2048xf32, #tpu.memory_space<vmem>> -> memref<16x2048xf32, #tpu.memory_space<vmem>>
    tpu.enqueue_dma source(%dma_start3A_1653 : memref<16x2048xf32, #tpu.memory_space<vmem>>) target(%dma_start3A_1649 : memref<16x2048xf32, #tpu.memory_space<hbm>>) target_semaphore(%dma_start3A_1646 : memref<!tpu.dma_semaphore, #tpu.memory_space<semaphore_mem>>)
    %add3A_1654 = arith.constant 208 : i32
    %add3A_1655 = arith.addi %mul3A_2, %add3A_1654 : i32
    %dma_start3A_1656 = arith.constant 1 : i32
    %dma_start3A_1657 = arith.constant 1 : i32
    %dma_start3A_1658 = arith.constant 1 : i32
    %dma_start3A_1659 = arith.constant 0 : i32
    %dma_start3A_1660 = arith.constant 0 : i32
    %dma_start3A_1661 = tpu.memref_slice %arg4[%dma_start3A_1656, %dma_start3A_1659, %dma_start3A_1660] : memref<3x16x2048xf32, #tpu.memory_space<vmem>> -> memref<1x16x2048xf32, #tpu.memory_space<vmem>>
    %dma_start3A_1662 = tpu.memref_squeeze %dma_start3A_1661 : memref<1x16x2048xf32, #tpu.memory_space<vmem>> -> memref<16x2048xf32, #tpu.memory_space<vmem>>
    %dma_start3A_1663 = arith.constant 0 : i32
    %dma_start3A_1664 = tpu.memref_slice %arg3[%add3A_1655, %dma_start3A_1657, %dma_start3A_1663] : memref<8192x2x2048xf32, #tpu.memory_space<hbm>> -> memref<16x1x2048xf32, #tpu.memory_space<hbm>>
    %dma_start3A_1665 = tpu.memref_squeeze %dma_start3A_1664 : memref<16x1x2048xf32, #tpu.memory_space<hbm>> -> memref<16x2048xf32, #tpu.memory_space<hbm>>
    %dma_start3A_1666 = tpu.memref_slice %arg6[%dma_start3A_1658] : memref<3x!tpu.dma_semaphore, #tpu.memory_space<semaphore_mem>> -> memref<1x!tpu.dma_semaphore, #tpu.memory_space<semaphore_mem>>
    %dma_start3A_1667 = tpu.memref_squeeze %dma_start3A_1666 : memref<1x!tpu.dma_semaphore, #tpu.memory_space<semaphore_mem>> -> memref<!tpu.dma_semaphore, #tpu.memory_space<semaphore_mem>>
    %dma_start3A_1668 = arith.constant 0 : i32
    %dma_start3A_1669 = tpu.memref_slice %arg3[%add3A_1655, %dma_start3A_1657, %dma_start3A_1668] : memref<8192x2x2048xf32, #tpu.memory_space<hbm>> -> memref<16x1x2048xf32, #tpu.memory_space<hbm>>
    %dma_start3A_1670 = tpu.memref_squeeze %dma_start3A_1669 : memref<16x1x2048xf32, #tpu.memory_space<hbm>> -> memref<16x2048xf32, #tpu.memory_space<hbm>>
    %dma_start3A_1671 = arith.constant 0 : i32
    %dma_start3A_1672 = arith.constant 0 : i32
    %dma_start3A_1673 = tpu.memref_slice %arg4[%dma_start3A_1656, %dma_start3A_1671, %dma_start3A_1672] : memref<3x16x2048xf32, #tpu.memory_space<vmem>> -> memref<1x16x2048xf32, #tpu.memory_space<vmem>>
    %dma_start3A_1674 = tpu.memref_squeeze %dma_start3A_1673 : memref<1x16x2048xf32, #tpu.memory_space<vmem>> -> memref<16x2048xf32, #tpu.memory_space<vmem>>
    tpu.enqueue_dma source(%dma_start3A_1674 : memref<16x2048xf32, #tpu.memory_space<vmem>>) target(%dma_start3A_1670 : memref<16x2048xf32, #tpu.memory_space<hbm>>) target_semaphore(%dma_start3A_1667 : memref<!tpu.dma_semaphore, #tpu.memory_space<semaphore_mem>>)
    %add3A_1675 = arith.constant 224 : i32
    %add3A_1676 = arith.addi %mul3A_2, %add3A_1675 : i32
    %dma_wait3A_1677 = arith.constant 2 : i32
    %dma_wait3A_1678 = arith.constant 2 : i32
    %dma_wait3A_1679 = arith.constant 0 : i32
    %dma_wait3A_1680 = arith.constant 0 : i32
    %dma_wait3A_1681 = tpu.memref_slice %arg4[%dma_wait3A_1677, %dma_wait3A_1679, %dma_wait3A_1680] : memref<3x16x2048xf32, #tpu.memory_space<vmem>> -> memref<1x16x2048xf32, #tpu.memory_space<vmem>>
    %dma_wait3A_1682 = tpu.memref_squeeze %dma_wait3A_1681 : memref<1x16x2048xf32, #tpu.memory_space<vmem>> -> memref<16x2048xf32, #tpu.memory_space<vmem>>
    %dma_wait3A_1683 = arith.constant 0 : i32
    %dma_wait3A_1684 = tpu.memref_slice %arg2[%add3A_1676, %dma_wait3A_1683] : memref<8192x2048xf32, #tpu.memory_space<hbm>> -> memref<16x2048xf32, #tpu.memory_space<hbm>>
    %dma_wait3A_1685 = tpu.memref_slice %arg5[%dma_wait3A_1678] : memref<3x!tpu.dma_semaphore, #tpu.memory_space<semaphore_mem>> -> memref<1x!tpu.dma_semaphore, #tpu.memory_space<semaphore_mem>>
    %dma_wait3A_1686 = tpu.memref_squeeze %dma_wait3A_1685 : memref<1x!tpu.dma_semaphore, #tpu.memory_space<semaphore_mem>> -> memref<!tpu.dma_semaphore, #tpu.memory_space<semaphore_mem>>
    %dma_wait3A_1687 = arith.constant 0 : i32
    %dma_wait3A_1688 = arith.constant 0 : i32
    %dma_wait3A_1689 = tpu.memref_slice %arg4[%dma_wait3A_1677, %dma_wait3A_1687, %dma_wait3A_1688] : memref<3x16x2048xf32, #tpu.memory_space<vmem>> -> memref<1x16x2048xf32, #tpu.memory_space<vmem>>
    %dma_wait3A_1690 = tpu.memref_squeeze %dma_wait3A_1689 : memref<1x16x2048xf32, #tpu.memory_space<vmem>> -> memref<16x2048xf32, #tpu.memory_space<vmem>>
    %dma_wait3A_1691 = arith.constant 0 : i32
    %dma_wait3A_1692 = tpu.memref_slice %arg2[%add3A_1676, %dma_wait3A_1691] : memref<8192x2048xf32, #tpu.memory_space<hbm>> -> memref<16x2048xf32, #tpu.memory_space<hbm>>
    tpu.wait_dma2 semaphore(%dma_wait3A_1686 : memref<!tpu.dma_semaphore, #tpu.memory_space<semaphore_mem>>) src(%dma_wait3A_1692 : memref<16x2048xf32, #tpu.memory_space<hbm>>) dst(%dma_wait3A_1690 : memref<16x2048xf32, #tpu.memory_space<vmem>>)
    %add3A_1693 = arith.constant 224 : i32
    %add3A_1694 = arith.addi %mul3A_2, %add3A_1693 : i32
    %dma_start3A_1695 = arith.constant 2 : i32
    %dma_start3A_1696 = arith.constant 0 : i32
    %dma_start3A_1697 = arith.constant 2 : i32
    %dma_start3A_1698 = arith.constant 0 : i32
    %dma_start3A_1699 = arith.constant 0 : i32
    %dma_start3A_1700 = tpu.memref_slice %arg4[%dma_start3A_1695, %dma_start3A_1698, %dma_start3A_1699] : memref<3x16x2048xf32, #tpu.memory_space<vmem>> -> memref<1x16x2048xf32, #tpu.memory_space<vmem>>
    %dma_start3A_1701 = tpu.memref_squeeze %dma_start3A_1700 : memref<1x16x2048xf32, #tpu.memory_space<vmem>> -> memref<16x2048xf32, #tpu.memory_space<vmem>>
    %dma_start3A_1702 = arith.constant 0 : i32
    %dma_start3A_1703 = tpu.memref_slice %arg3[%add3A_1694, %dma_start3A_1696, %dma_start3A_1702] : memref<8192x2x2048xf32, #tpu.memory_space<hbm>> -> memref<16x1x2048xf32, #tpu.memory_space<hbm>>
    %dma_start3A_1704 = tpu.memref_squeeze %dma_start3A_1703 : memref<16x1x2048xf32, #tpu.memory_space<hbm>> -> memref<16x2048xf32, #tpu.memory_space<hbm>>
    %dma_start3A_1705 = tpu.memref_slice %arg6[%dma_start3A_1697] : memref<3x!tpu.dma_semaphore, #tpu.memory_space<semaphore_mem>> -> memref<1x!tpu.dma_semaphore, #tpu.memory_space<semaphore_mem>>
    %dma_start3A_1706 = tpu.memref_squeeze %dma_start3A_1705 : memref<1x!tpu.dma_semaphore, #tpu.memory_space<semaphore_mem>> -> memref<!tpu.dma_semaphore, #tpu.memory_space<semaphore_mem>>
    %dma_start3A_1707 = arith.constant 0 : i32
    %dma_start3A_1708 = tpu.memref_slice %arg3[%add3A_1694, %dma_start3A_1696, %dma_start3A_1707] : memref<8192x2x2048xf32, #tpu.memory_space<hbm>> -> memref<16x1x2048xf32, #tpu.memory_space<hbm>>
    %dma_start3A_1709 = tpu.memref_squeeze %dma_start3A_1708 : memref<16x1x2048xf32, #tpu.memory_space<hbm>> -> memref<16x2048xf32, #tpu.memory_space<hbm>>
    %dma_start3A_1710 = arith.constant 0 : i32
    %dma_start3A_1711 = arith.constant 0 : i32
    %dma_start3A_1712 = tpu.memref_slice %arg4[%dma_start3A_1695, %dma_start3A_1710, %dma_start3A_1711] : memref<3x16x2048xf32, #tpu.memory_space<vmem>> -> memref<1x16x2048xf32, #tpu.memory_space<vmem>>
    %dma_start3A_1713 = tpu.memref_squeeze %dma_start3A_1712 : memref<1x16x2048xf32, #tpu.memory_space<vmem>> -> memref<16x2048xf32, #tpu.memory_space<vmem>>
    tpu.enqueue_dma source(%dma_start3A_1713 : memref<16x2048xf32, #tpu.memory_space<vmem>>) target(%dma_start3A_1709 : memref<16x2048xf32, #tpu.memory_space<hbm>>) target_semaphore(%dma_start3A_1706 : memref<!tpu.dma_semaphore, #tpu.memory_space<semaphore_mem>>)
    %add3A_1714 = arith.constant 224 : i32
    %add3A_1715 = arith.addi %mul3A_2, %add3A_1714 : i32
    %dma_start3A_1716 = arith.constant 2 : i32
    %dma_start3A_1717 = arith.constant 1 : i32
    %dma_start3A_1718 = arith.constant 2 : i32
    %dma_start3A_1719 = arith.constant 0 : i32
    %dma_start3A_1720 = arith.constant 0 : i32
    %dma_start3A_1721 = tpu.memref_slice %arg4[%dma_start3A_1716, %dma_start3A_1719, %dma_start3A_1720] : memref<3x16x2048xf32, #tpu.memory_space<vmem>> -> memref<1x16x2048xf32, #tpu.memory_space<vmem>>
    %dma_start3A_1722 = tpu.memref_squeeze %dma_start3A_1721 : memref<1x16x2048xf32, #tpu.memory_space<vmem>> -> memref<16x2048xf32, #tpu.memory_space<vmem>>
    %dma_start3A_1723 = arith.constant 0 : i32
    %dma_start3A_1724 = tpu.memref_slice %arg3[%add3A_1715, %dma_start3A_1717, %dma_start3A_1723] : memref<8192x2x2048xf32, #tpu.memory_space<hbm>> -> memref<16x1x2048xf32, #tpu.memory_space<hbm>>
    %dma_start3A_1725 = tpu.memref_squeeze %dma_start3A_1724 : memref<16x1x2048xf32, #tpu.memory_space<hbm>> -> memref<16x2048xf32, #tpu.memory_space<hbm>>
    %dma_start3A_1726 = tpu.memref_slice %arg6[%dma_start3A_1718] : memref<3x!tpu.dma_semaphore, #tpu.memory_space<semaphore_mem>> -> memref<1x!tpu.dma_semaphore, #tpu.memory_space<semaphore_mem>>
    %dma_start3A_1727 = tpu.memref_squeeze %dma_start3A_1726 : memref<1x!tpu.dma_semaphore, #tpu.memory_space<semaphore_mem>> -> memref<!tpu.dma_semaphore, #tpu.memory_space<semaphore_mem>>
    %dma_start3A_1728 = arith.constant 0 : i32
    %dma_start3A_1729 = tpu.memref_slice %arg3[%add3A_1715, %dma_start3A_1717, %dma_start3A_1728] : memref<8192x2x2048xf32, #tpu.memory_space<hbm>> -> memref<16x1x2048xf32, #tpu.memory_space<hbm>>
    %dma_start3A_1730 = tpu.memref_squeeze %dma_start3A_1729 : memref<16x1x2048xf32, #tpu.memory_space<hbm>> -> memref<16x2048xf32, #tpu.memory_space<hbm>>
    %dma_start3A_1731 = arith.constant 0 : i32
    %dma_start3A_1732 = arith.constant 0 : i32
    %dma_start3A_1733 = tpu.memref_slice %arg4[%dma_start3A_1716, %dma_start3A_1731, %dma_start3A_1732] : memref<3x16x2048xf32, #tpu.memory_space<vmem>> -> memref<1x16x2048xf32, #tpu.memory_space<vmem>>
    %dma_start3A_1734 = tpu.memref_squeeze %dma_start3A_1733 : memref<1x16x2048xf32, #tpu.memory_space<vmem>> -> memref<16x2048xf32, #tpu.memory_space<vmem>>
    tpu.enqueue_dma source(%dma_start3A_1734 : memref<16x2048xf32, #tpu.memory_space<vmem>>) target(%dma_start3A_1730 : memref<16x2048xf32, #tpu.memory_space<hbm>>) target_semaphore(%dma_start3A_1727 : memref<!tpu.dma_semaphore, #tpu.memory_space<semaphore_mem>>)
    %add3A_1735 = arith.constant 240 : i32
    %add3A_1736 = arith.addi %mul3A_2, %add3A_1735 : i32
    %dma_wait3A_1737 = arith.constant 0 : i32
    %dma_wait3A_1738 = arith.constant 0 : i32
    %dma_wait3A_1739 = arith.constant 0 : i32
    %dma_wait3A_1740 = arith.constant 0 : i32
    %dma_wait3A_1741 = tpu.memref_slice %arg4[%dma_wait3A_1737, %dma_wait3A_1739, %dma_wait3A_1740] : memref<3x16x2048xf32, #tpu.memory_space<vmem>> -> memref<1x16x2048xf32, #tpu.memory_space<vmem>>
    %dma_wait3A_1742 = tpu.memref_squeeze %dma_wait3A_1741 : memref<1x16x2048xf32, #tpu.memory_space<vmem>> -> memref<16x2048xf32, #tpu.memory_space<vmem>>
    %dma_wait3A_1743 = arith.constant 0 : i32
    %dma_wait3A_1744 = tpu.memref_slice %arg2[%add3A_1736, %dma_wait3A_1743] : memref<8192x2048xf32, #tpu.memory_space<hbm>> -> memref<16x2048xf32, #tpu.memory_space<hbm>>
    %dma_wait3A_1745 = tpu.memref_slice %arg5[%dma_wait3A_1738] : memref<3x!tpu.dma_semaphore, #tpu.memory_space<semaphore_mem>> -> memref<1x!tpu.dma_semaphore, #tpu.memory_space<semaphore_mem>>
    %dma_wait3A_1746 = tpu.memref_squeeze %dma_wait3A_1745 : memref<1x!tpu.dma_semaphore, #tpu.memory_space<semaphore_mem>> -> memref<!tpu.dma_semaphore, #tpu.memory_space<semaphore_mem>>
    %dma_wait3A_1747 = arith.constant 0 : i32
    %dma_wait3A_1748 = arith.constant 0 : i32
    %dma_wait3A_1749 = tpu.memref_slice %arg4[%dma_wait3A_1737, %dma_wait3A_1747, %dma_wait3A_1748] : memref<3x16x2048xf32, #tpu.memory_space<vmem>> -> memref<1x16x2048xf32, #tpu.memory_space<vmem>>
    %dma_wait3A_1750 = tpu.memref_squeeze %dma_wait3A_1749 : memref<1x16x2048xf32, #tpu.memory_space<vmem>> -> memref<16x2048xf32, #tpu.memory_space<vmem>>
    %dma_wait3A_1751 = arith.constant 0 : i32
    %dma_wait3A_1752 = tpu.memref_slice %arg2[%add3A_1736, %dma_wait3A_1751] : memref<8192x2048xf32, #tpu.memory_space<hbm>> -> memref<16x2048xf32, #tpu.memory_space<hbm>>
    tpu.wait_dma2 semaphore(%dma_wait3A_1746 : memref<!tpu.dma_semaphore, #tpu.memory_space<semaphore_mem>>) src(%dma_wait3A_1752 : memref<16x2048xf32, #tpu.memory_space<hbm>>) dst(%dma_wait3A_1750 : memref<16x2048xf32, #tpu.memory_space<vmem>>)
    %add3A_1753 = arith.constant 240 : i32
    %add3A_1754 = arith.addi %mul3A_2, %add3A_1753 : i32
    %dma_start3A_1755 = arith.constant 0 : i32
    %dma_start3A_1756 = arith.constant 0 : i32
    %dma_start3A_1757 = arith.constant 0 : i32
    %dma_start3A_1758 = arith.constant 0 : i32
    %dma_start3A_1759 = arith.constant 0 : i32
    %dma_start3A_1760 = tpu.memref_slice %arg4[%dma_start3A_1755, %dma_start3A_1758, %dma_start3A_1759] : memref<3x16x2048xf32, #tpu.memory_space<vmem>> -> memref<1x16x2048xf32, #tpu.memory_space<vmem>>
    %dma_start3A_1761 = tpu.memref_squeeze %dma_start3A_1760 : memref<1x16x2048xf32, #tpu.memory_space<vmem>> -> memref<16x2048xf32, #tpu.memory_space<vmem>>
    %dma_start3A_1762 = arith.constant 0 : i32
    %dma_start3A_1763 = tpu.memref_slice %arg3[%add3A_1754, %dma_start3A_1756, %dma_start3A_1762] : memref<8192x2x2048xf32, #tpu.memory_space<hbm>> -> memref<16x1x2048xf32, #tpu.memory_space<hbm>>
    %dma_start3A_1764 = tpu.memref_squeeze %dma_start3A_1763 : memref<16x1x2048xf32, #tpu.memory_space<hbm>> -> memref<16x2048xf32, #tpu.memory_space<hbm>>
    %dma_start3A_1765 = tpu.memref_slice %arg6[%dma_start3A_1757] : memref<3x!tpu.dma_semaphore, #tpu.memory_space<semaphore_mem>> -> memref<1x!tpu.dma_semaphore, #tpu.memory_space<semaphore_mem>>
    %dma_start3A_1766 = tpu.memref_squeeze %dma_start3A_1765 : memref<1x!tpu.dma_semaphore, #tpu.memory_space<semaphore_mem>> -> memref<!tpu.dma_semaphore, #tpu.memory_space<semaphore_mem>>
    %dma_start3A_1767 = arith.constant 0 : i32
    %dma_start3A_1768 = tpu.memref_slice %arg3[%add3A_1754, %dma_start3A_1756, %dma_start3A_1767] : memref<8192x2x2048xf32, #tpu.memory_space<hbm>> -> memref<16x1x2048xf32, #tpu.memory_space<hbm>>
    %dma_start3A_1769 = tpu.memref_squeeze %dma_start3A_1768 : memref<16x1x2048xf32, #tpu.memory_space<hbm>> -> memref<16x2048xf32, #tpu.memory_space<hbm>>
    %dma_start3A_1770 = arith.constant 0 : i32
    %dma_start3A_1771 = arith.constant 0 : i32
    %dma_start3A_1772 = tpu.memref_slice %arg4[%dma_start3A_1755, %dma_start3A_1770, %dma_start3A_1771] : memref<3x16x2048xf32, #tpu.memory_space<vmem>> -> memref<1x16x2048xf32, #tpu.memory_space<vmem>>
    %dma_start3A_1773 = tpu.memref_squeeze %dma_start3A_1772 : memref<1x16x2048xf32, #tpu.memory_space<vmem>> -> memref<16x2048xf32, #tpu.memory_space<vmem>>
    tpu.enqueue_dma source(%dma_start3A_1773 : memref<16x2048xf32, #tpu.memory_space<vmem>>) target(%dma_start3A_1769 : memref<16x2048xf32, #tpu.memory_space<hbm>>) target_semaphore(%dma_start3A_1766 : memref<!tpu.dma_semaphore, #tpu.memory_space<semaphore_mem>>)
    %add3A_1774 = arith.constant 240 : i32
    %add3A_1775 = arith.addi %mul3A_2, %add3A_1774 : i32
    %dma_start3A_1776 = arith.constant 0 : i32
    %dma_start3A_1777 = arith.constant 1 : i32
    %dma_start3A_1778 = arith.constant 0 : i32
    %dma_start3A_1779 = arith.constant 0 : i32
    %dma_start3A_1780 = arith.constant 0 : i32
    %dma_start3A_1781 = tpu.memref_slice %arg4[%dma_start3A_1776, %dma_start3A_1779, %dma_start3A_1780] : memref<3x16x2048xf32, #tpu.memory_space<vmem>> -> memref<1x16x2048xf32, #tpu.memory_space<vmem>>
    %dma_start3A_1782 = tpu.memref_squeeze %dma_start3A_1781 : memref<1x16x2048xf32, #tpu.memory_space<vmem>> -> memref<16x2048xf32, #tpu.memory_space<vmem>>
    %dma_start3A_1783 = arith.constant 0 : i32
    %dma_start3A_1784 = tpu.memref_slice %arg3[%add3A_1775, %dma_start3A_1777, %dma_start3A_1783] : memref<8192x2x2048xf32, #tpu.memory_space<hbm>> -> memref<16x1x2048xf32, #tpu.memory_space<hbm>>
    %dma_start3A_1785 = tpu.memref_squeeze %dma_start3A_1784 : memref<16x1x2048xf32, #tpu.memory_space<hbm>> -> memref<16x2048xf32, #tpu.memory_space<hbm>>
    %dma_start3A_1786 = tpu.memref_slice %arg6[%dma_start3A_1778] : memref<3x!tpu.dma_semaphore, #tpu.memory_space<semaphore_mem>> -> memref<1x!tpu.dma_semaphore, #tpu.memory_space<semaphore_mem>>
    %dma_start3A_1787 = tpu.memref_squeeze %dma_start3A_1786 : memref<1x!tpu.dma_semaphore, #tpu.memory_space<semaphore_mem>> -> memref<!tpu.dma_semaphore, #tpu.memory_space<semaphore_mem>>
    %dma_start3A_1788 = arith.constant 0 : i32
    %dma_start3A_1789 = tpu.memref_slice %arg3[%add3A_1775, %dma_start3A_1777, %dma_start3A_1788] : memref<8192x2x2048xf32, #tpu.memory_space<hbm>> -> memref<16x1x2048xf32, #tpu.memory_space<hbm>>
    %dma_start3A_1790 = tpu.memref_squeeze %dma_start3A_1789 : memref<16x1x2048xf32, #tpu.memory_space<hbm>> -> memref<16x2048xf32, #tpu.memory_space<hbm>>
    %dma_start3A_1791 = arith.constant 0 : i32
    %dma_start3A_1792 = arith.constant 0 : i32
    %dma_start3A_1793 = tpu.memref_slice %arg4[%dma_start3A_1776, %dma_start3A_1791, %dma_start3A_1792] : memref<3x16x2048xf32, #tpu.memory_space<vmem>> -> memref<1x16x2048xf32, #tpu.memory_space<vmem>>
    %dma_start3A_1794 = tpu.memref_squeeze %dma_start3A_1793 : memref<1x16x2048xf32, #tpu.memory_space<vmem>> -> memref<16x2048xf32, #tpu.memory_space<vmem>>
    tpu.enqueue_dma source(%dma_start3A_1794 : memref<16x2048xf32, #tpu.memory_space<vmem>>) target(%dma_start3A_1790 : memref<16x2048xf32, #tpu.memory_space<hbm>>) target_semaphore(%dma_start3A_1787 : memref<!tpu.dma_semaphore, #tpu.memory_space<semaphore_mem>>)
    %add3A_1795 = arith.constant 208 : i32
    %add3A_1796 = arith.addi %mul3A_2, %add3A_1795 : i32
    %dma_wait3A_1797 = arith.constant 1 : i32
    %dma_wait3A_1798 = arith.constant 0 : i32
    %dma_wait3A_1799 = arith.constant 1 : i32
    %dma_wait3A_1800 = arith.constant 0 : i32
    %dma_wait3A_1801 = arith.constant 0 : i32
    %dma_wait3A_1802 = tpu.memref_slice %arg4[%dma_wait3A_1797, %dma_wait3A_1800, %dma_wait3A_1801] : memref<3x16x2048xf32, #tpu.memory_space<vmem>> -> memref<1x16x2048xf32, #tpu.memory_space<vmem>>
    %dma_wait3A_1803 = tpu.memref_squeeze %dma_wait3A_1802 : memref<1x16x2048xf32, #tpu.memory_space<vmem>> -> memref<16x2048xf32, #tpu.memory_space<vmem>>
    %dma_wait3A_1804 = arith.constant 0 : i32
    %dma_wait3A_1805 = tpu.memref_slice %arg3[%add3A_1796, %dma_wait3A_1798, %dma_wait3A_1804] : memref<8192x2x2048xf32, #tpu.memory_space<hbm>> -> memref<16x1x2048xf32, #tpu.memory_space<hbm>>
    %dma_wait3A_1806 = tpu.memref_squeeze %dma_wait3A_1805 : memref<16x1x2048xf32, #tpu.memory_space<hbm>> -> memref<16x2048xf32, #tpu.memory_space<hbm>>
    %dma_wait3A_1807 = tpu.memref_slice %arg6[%dma_wait3A_1799] : memref<3x!tpu.dma_semaphore, #tpu.memory_space<semaphore_mem>> -> memref<1x!tpu.dma_semaphore, #tpu.memory_space<semaphore_mem>>
    %dma_wait3A_1808 = tpu.memref_squeeze %dma_wait3A_1807 : memref<1x!tpu.dma_semaphore, #tpu.memory_space<semaphore_mem>> -> memref<!tpu.dma_semaphore, #tpu.memory_space<semaphore_mem>>
    %dma_wait3A_1809 = arith.constant 0 : i32
    %dma_wait3A_1810 = tpu.memref_slice %arg3[%add3A_1796, %dma_wait3A_1798, %dma_wait3A_1809] : memref<8192x2x2048xf32, #tpu.memory_space<hbm>> -> memref<16x1x2048xf32, #tpu.memory_space<hbm>>
    %dma_wait3A_1811 = tpu.memref_squeeze %dma_wait3A_1810 : memref<16x1x2048xf32, #tpu.memory_space<hbm>> -> memref<16x2048xf32, #tpu.memory_space<hbm>>
    %dma_wait3A_1812 = arith.constant 0 : i32
    %dma_wait3A_1813 = arith.constant 0 : i32
    %dma_wait3A_1814 = tpu.memref_slice %arg4[%dma_wait3A_1797, %dma_wait3A_1812, %dma_wait3A_1813] : memref<3x16x2048xf32, #tpu.memory_space<vmem>> -> memref<1x16x2048xf32, #tpu.memory_space<vmem>>
    %dma_wait3A_1815 = tpu.memref_squeeze %dma_wait3A_1814 : memref<1x16x2048xf32, #tpu.memory_space<vmem>> -> memref<16x2048xf32, #tpu.memory_space<vmem>>
    tpu.wait_dma2 semaphore(%dma_wait3A_1808 : memref<!tpu.dma_semaphore, #tpu.memory_space<semaphore_mem>>) src(%dma_wait3A_1815 : memref<16x2048xf32, #tpu.memory_space<vmem>>) dst(%dma_wait3A_1811 : memref<16x2048xf32, #tpu.memory_space<hbm>>)
    %add3A_1816 = arith.constant 208 : i32
    %add3A_1817 = arith.addi %mul3A_2, %add3A_1816 : i32
    %dma_wait3A_1818 = arith.constant 1 : i32
    %dma_wait3A_1819 = arith.constant 1 : i32
    %dma_wait3A_1820 = arith.constant 1 : i32
    %dma_wait3A_1821 = arith.constant 0 : i32
    %dma_wait3A_1822 = arith.constant 0 : i32
    %dma_wait3A_1823 = tpu.memref_slice %arg4[%dma_wait3A_1818, %dma_wait3A_1821, %dma_wait3A_1822] : memref<3x16x2048xf32, #tpu.memory_space<vmem>> -> memref<1x16x2048xf32, #tpu.memory_space<vmem>>
    %dma_wait3A_1824 = tpu.memref_squeeze %dma_wait3A_1823 : memref<1x16x2048xf32, #tpu.memory_space<vmem>> -> memref<16x2048xf32, #tpu.memory_space<vmem>>
    %dma_wait3A_1825 = arith.constant 0 : i32
    %dma_wait3A_1826 = tpu.memref_slice %arg3[%add3A_1817, %dma_wait3A_1819, %dma_wait3A_1825] : memref<8192x2x2048xf32, #tpu.memory_space<hbm>> -> memref<16x1x2048xf32, #tpu.memory_space<hbm>>
    %dma_wait3A_1827 = tpu.memref_squeeze %dma_wait3A_1826 : memref<16x1x2048xf32, #tpu.memory_space<hbm>> -> memref<16x2048xf32, #tpu.memory_space<hbm>>
    %dma_wait3A_1828 = tpu.memref_slice %arg6[%dma_wait3A_1820] : memref<3x!tpu.dma_semaphore, #tpu.memory_space<semaphore_mem>> -> memref<1x!tpu.dma_semaphore, #tpu.memory_space<semaphore_mem>>
    %dma_wait3A_1829 = tpu.memref_squeeze %dma_wait3A_1828 : memref<1x!tpu.dma_semaphore, #tpu.memory_space<semaphore_mem>> -> memref<!tpu.dma_semaphore, #tpu.memory_space<semaphore_mem>>
    %dma_wait3A_1830 = arith.constant 0 : i32
    %dma_wait3A_1831 = tpu.memref_slice %arg3[%add3A_1817, %dma_wait3A_1819, %dma_wait3A_1830] : memref<8192x2x2048xf32, #tpu.memory_space<hbm>> -> memref<16x1x2048xf32, #tpu.memory_space<hbm>>
    %dma_wait3A_1832 = tpu.memref_squeeze %dma_wait3A_1831 : memref<16x1x2048xf32, #tpu.memory_space<hbm>> -> memref<16x2048xf32, #tpu.memory_space<hbm>>
    %dma_wait3A_1833 = arith.constant 0 : i32
    %dma_wait3A_1834 = arith.constant 0 : i32
    %dma_wait3A_1835 = tpu.memref_slice %arg4[%dma_wait3A_1818, %dma_wait3A_1833, %dma_wait3A_1834] : memref<3x16x2048xf32, #tpu.memory_space<vmem>> -> memref<1x16x2048xf32, #tpu.memory_space<vmem>>
    %dma_wait3A_1836 = tpu.memref_squeeze %dma_wait3A_1835 : memref<1x16x2048xf32, #tpu.memory_space<vmem>> -> memref<16x2048xf32, #tpu.memory_space<vmem>>
    tpu.wait_dma2 semaphore(%dma_wait3A_1829 : memref<!tpu.dma_semaphore, #tpu.memory_space<semaphore_mem>>) src(%dma_wait3A_1836 : memref<16x2048xf32, #tpu.memory_space<vmem>>) dst(%dma_wait3A_1832 : memref<16x2048xf32, #tpu.memory_space<hbm>>)
    %add3A_1837 = arith.constant 224 : i32
    %add3A_1838 = arith.addi %mul3A_2, %add3A_1837 : i32
    %dma_wait3A_1839 = arith.constant 2 : i32
    %dma_wait3A_1840 = arith.constant 0 : i32
    %dma_wait3A_1841 = arith.constant 2 : i32
    %dma_wait3A_1842 = arith.constant 0 : i32
    %dma_wait3A_1843 = arith.constant 0 : i32
    %dma_wait3A_1844 = tpu.memref_slice %arg4[%dma_wait3A_1839, %dma_wait3A_1842, %dma_wait3A_1843] : memref<3x16x2048xf32, #tpu.memory_space<vmem>> -> memref<1x16x2048xf32, #tpu.memory_space<vmem>>
    %dma_wait3A_1845 = tpu.memref_squeeze %dma_wait3A_1844 : memref<1x16x2048xf32, #tpu.memory_space<vmem>> -> memref<16x2048xf32, #tpu.memory_space<vmem>>
    %dma_wait3A_1846 = arith.constant 0 : i32
    %dma_wait3A_1847 = tpu.memref_slice %arg3[%add3A_1838, %dma_wait3A_1840, %dma_wait3A_1846] : memref<8192x2x2048xf32, #tpu.memory_space<hbm>> -> memref<16x1x2048xf32, #tpu.memory_space<hbm>>
    %dma_wait3A_1848 = tpu.memref_squeeze %dma_wait3A_1847 : memref<16x1x2048xf32, #tpu.memory_space<hbm>> -> memref<16x2048xf32, #tpu.memory_space<hbm>>
    %dma_wait3A_1849 = tpu.memref_slice %arg6[%dma_wait3A_1841] : memref<3x!tpu.dma_semaphore, #tpu.memory_space<semaphore_mem>> -> memref<1x!tpu.dma_semaphore, #tpu.memory_space<semaphore_mem>>
    %dma_wait3A_1850 = tpu.memref_squeeze %dma_wait3A_1849 : memref<1x!tpu.dma_semaphore, #tpu.memory_space<semaphore_mem>> -> memref<!tpu.dma_semaphore, #tpu.memory_space<semaphore_mem>>
    %dma_wait3A_1851 = arith.constant 0 : i32
    %dma_wait3A_1852 = tpu.memref_slice %arg3[%add3A_1838, %dma_wait3A_1840, %dma_wait3A_1851] : memref<8192x2x2048xf32, #tpu.memory_space<hbm>> -> memref<16x1x2048xf32, #tpu.memory_space<hbm>>
    %dma_wait3A_1853 = tpu.memref_squeeze %dma_wait3A_1852 : memref<16x1x2048xf32, #tpu.memory_space<hbm>> -> memref<16x2048xf32, #tpu.memory_space<hbm>>
    %dma_wait3A_1854 = arith.constant 0 : i32
    %dma_wait3A_1855 = arith.constant 0 : i32
    %dma_wait3A_1856 = tpu.memref_slice %arg4[%dma_wait3A_1839, %dma_wait3A_1854, %dma_wait3A_1855] : memref<3x16x2048xf32, #tpu.memory_space<vmem>> -> memref<1x16x2048xf32, #tpu.memory_space<vmem>>
    %dma_wait3A_1857 = tpu.memref_squeeze %dma_wait3A_1856 : memref<1x16x2048xf32, #tpu.memory_space<vmem>> -> memref<16x2048xf32, #tpu.memory_space<vmem>>
    tpu.wait_dma2 semaphore(%dma_wait3A_1850 : memref<!tpu.dma_semaphore, #tpu.memory_space<semaphore_mem>>) src(%dma_wait3A_1857 : memref<16x2048xf32, #tpu.memory_space<vmem>>) dst(%dma_wait3A_1853 : memref<16x2048xf32, #tpu.memory_space<hbm>>)
    %add3A_1858 = arith.constant 224 : i32
    %add3A_1859 = arith.addi %mul3A_2, %add3A_1858 : i32
    %dma_wait3A_1860 = arith.constant 2 : i32
    %dma_wait3A_1861 = arith.constant 1 : i32
    %dma_wait3A_1862 = arith.constant 2 : i32
    %dma_wait3A_1863 = arith.constant 0 : i32
    %dma_wait3A_1864 = arith.constant 0 : i32
    %dma_wait3A_1865 = tpu.memref_slice %arg4[%dma_wait3A_1860, %dma_wait3A_1863, %dma_wait3A_1864] : memref<3x16x2048xf32, #tpu.memory_space<vmem>> -> memref<1x16x2048xf32, #tpu.memory_space<vmem>>
    %dma_wait3A_1866 = tpu.memref_squeeze %dma_wait3A_1865 : memref<1x16x2048xf32, #tpu.memory_space<vmem>> -> memref<16x2048xf32, #tpu.memory_space<vmem>>
    %dma_wait3A_1867 = arith.constant 0 : i32
    %dma_wait3A_1868 = tpu.memref_slice %arg3[%add3A_1859, %dma_wait3A_1861, %dma_wait3A_1867] : memref<8192x2x2048xf32, #tpu.memory_space<hbm>> -> memref<16x1x2048xf32, #tpu.memory_space<hbm>>
    %dma_wait3A_1869 = tpu.memref_squeeze %dma_wait3A_1868 : memref<16x1x2048xf32, #tpu.memory_space<hbm>> -> memref<16x2048xf32, #tpu.memory_space<hbm>>
    %dma_wait3A_1870 = tpu.memref_slice %arg6[%dma_wait3A_1862] : memref<3x!tpu.dma_semaphore, #tpu.memory_space<semaphore_mem>> -> memref<1x!tpu.dma_semaphore, #tpu.memory_space<semaphore_mem>>
    %dma_wait3A_1871 = tpu.memref_squeeze %dma_wait3A_1870 : memref<1x!tpu.dma_semaphore, #tpu.memory_space<semaphore_mem>> -> memref<!tpu.dma_semaphore, #tpu.memory_space<semaphore_mem>>
    %dma_wait3A_1872 = arith.constant 0 : i32
    %dma_wait3A_1873 = tpu.memref_slice %arg3[%add3A_1859, %dma_wait3A_1861, %dma_wait3A_1872] : memref<8192x2x2048xf32, #tpu.memory_space<hbm>> -> memref<16x1x2048xf32, #tpu.memory_space<hbm>>
    %dma_wait3A_1874 = tpu.memref_squeeze %dma_wait3A_1873 : memref<16x1x2048xf32, #tpu.memory_space<hbm>> -> memref<16x2048xf32, #tpu.memory_space<hbm>>
    %dma_wait3A_1875 = arith.constant 0 : i32
    %dma_wait3A_1876 = arith.constant 0 : i32
    %dma_wait3A_1877 = tpu.memref_slice %arg4[%dma_wait3A_1860, %dma_wait3A_1875, %dma_wait3A_1876] : memref<3x16x2048xf32, #tpu.memory_space<vmem>> -> memref<1x16x2048xf32, #tpu.memory_space<vmem>>
    %dma_wait3A_1878 = tpu.memref_squeeze %dma_wait3A_1877 : memref<1x16x2048xf32, #tpu.memory_space<vmem>> -> memref<16x2048xf32, #tpu.memory_space<vmem>>
    tpu.wait_dma2 semaphore(%dma_wait3A_1871 : memref<!tpu.dma_semaphore, #tpu.memory_space<semaphore_mem>>) src(%dma_wait3A_1878 : memref<16x2048xf32, #tpu.memory_space<vmem>>) dst(%dma_wait3A_1874 : memref<16x2048xf32, #tpu.memory_space<hbm>>)
    %add3A_1879 = arith.constant 240 : i32
    %add3A_1880 = arith.addi %mul3A_2, %add3A_1879 : i32
    %dma_wait3A_1881 = arith.constant 0 : i32
    %dma_wait3A_1882 = arith.constant 0 : i32
    %dma_wait3A_1883 = arith.constant 0 : i32
    %dma_wait3A_1884 = arith.constant 0 : i32
    %dma_wait3A_1885 = arith.constant 0 : i32
    %dma_wait3A_1886 = tpu.memref_slice %arg4[%dma_wait3A_1881, %dma_wait3A_1884, %dma_wait3A_1885] : memref<3x16x2048xf32, #tpu.memory_space<vmem>> -> memref<1x16x2048xf32, #tpu.memory_space<vmem>>
    %dma_wait3A_1887 = tpu.memref_squeeze %dma_wait3A_1886 : memref<1x16x2048xf32, #tpu.memory_space<vmem>> -> memref<16x2048xf32, #tpu.memory_space<vmem>>
    %dma_wait3A_1888 = arith.constant 0 : i32
    %dma_wait3A_1889 = tpu.memref_slice %arg3[%add3A_1880, %dma_wait3A_1882, %dma_wait3A_1888] : memref<8192x2x2048xf32, #tpu.memory_space<hbm>> -> memref<16x1x2048xf32, #tpu.memory_space<hbm>>
    %dma_wait3A_1890 = tpu.memref_squeeze %dma_wait3A_1889 : memref<16x1x2048xf32, #tpu.memory_space<hbm>> -> memref<16x2048xf32, #tpu.memory_space<hbm>>
    %dma_wait3A_1891 = tpu.memref_slice %arg6[%dma_wait3A_1883] : memref<3x!tpu.dma_semaphore, #tpu.memory_space<semaphore_mem>> -> memref<1x!tpu.dma_semaphore, #tpu.memory_space<semaphore_mem>>
    %dma_wait3A_1892 = tpu.memref_squeeze %dma_wait3A_1891 : memref<1x!tpu.dma_semaphore, #tpu.memory_space<semaphore_mem>> -> memref<!tpu.dma_semaphore, #tpu.memory_space<semaphore_mem>>
    %dma_wait3A_1893 = arith.constant 0 : i32
    %dma_wait3A_1894 = tpu.memref_slice %arg3[%add3A_1880, %dma_wait3A_1882, %dma_wait3A_1893] : memref<8192x2x2048xf32, #tpu.memory_space<hbm>> -> memref<16x1x2048xf32, #tpu.memory_space<hbm>>
    %dma_wait3A_1895 = tpu.memref_squeeze %dma_wait3A_1894 : memref<16x1x2048xf32, #tpu.memory_space<hbm>> -> memref<16x2048xf32, #tpu.memory_space<hbm>>
    %dma_wait3A_1896 = arith.constant 0 : i32
    %dma_wait3A_1897 = arith.constant 0 : i32
    %dma_wait3A_1898 = tpu.memref_slice %arg4[%dma_wait3A_1881, %dma_wait3A_1896, %dma_wait3A_1897] : memref<3x16x2048xf32, #tpu.memory_space<vmem>> -> memref<1x16x2048xf32, #tpu.memory_space<vmem>>
    %dma_wait3A_1899 = tpu.memref_squeeze %dma_wait3A_1898 : memref<1x16x2048xf32, #tpu.memory_space<vmem>> -> memref<16x2048xf32, #tpu.memory_space<vmem>>
    tpu.wait_dma2 semaphore(%dma_wait3A_1892 : memref<!tpu.dma_semaphore, #tpu.memory_space<semaphore_mem>>) src(%dma_wait3A_1899 : memref<16x2048xf32, #tpu.memory_space<vmem>>) dst(%dma_wait3A_1895 : memref<16x2048xf32, #tpu.memory_space<hbm>>)
    %add3A_1900 = arith.constant 240 : i32
    %add3A_1901 = arith.addi %mul3A_2, %add3A_1900 : i32
    %dma_wait3A_1902 = arith.constant 0 : i32
    %dma_wait3A_1903 = arith.constant 1 : i32
    %dma_wait3A_1904 = arith.constant 0 : i32
    %dma_wait3A_1905 = arith.constant 0 : i32
    %dma_wait3A_1906 = arith.constant 0 : i32
    %dma_wait3A_1907 = tpu.memref_slice %arg4[%dma_wait3A_1902, %dma_wait3A_1905, %dma_wait3A_1906] : memref<3x16x2048xf32, #tpu.memory_space<vmem>> -> memref<1x16x2048xf32, #tpu.memory_space<vmem>>
    %dma_wait3A_1908 = tpu.memref_squeeze %dma_wait3A_1907 : memref<1x16x2048xf32, #tpu.memory_space<vmem>> -> memref<16x2048xf32, #tpu.memory_space<vmem>>
    %dma_wait3A_1909 = arith.constant 0 : i32
    %dma_wait3A_1910 = tpu.memref_slice %arg3[%add3A_1901, %dma_wait3A_1903, %dma_wait3A_1909] : memref<8192x2x2048xf32, #tpu.memory_space<hbm>> -> memref<16x1x2048xf32, #tpu.memory_space<hbm>>
    %dma_wait3A_1911 = tpu.memref_squeeze %dma_wait3A_1910 : memref<16x1x2048xf32, #tpu.memory_space<hbm>> -> memref<16x2048xf32, #tpu.memory_space<hbm>>
    %dma_wait3A_1912 = tpu.memref_slice %arg6[%dma_wait3A_1904] : memref<3x!tpu.dma_semaphore, #tpu.memory_space<semaphore_mem>> -> memref<1x!tpu.dma_semaphore, #tpu.memory_space<semaphore_mem>>
    %dma_wait3A_1913 = tpu.memref_squeeze %dma_wait3A_1912 : memref<1x!tpu.dma_semaphore, #tpu.memory_space<semaphore_mem>> -> memref<!tpu.dma_semaphore, #tpu.memory_space<semaphore_mem>>
    %dma_wait3A_1914 = arith.constant 0 : i32
    %dma_wait3A_1915 = tpu.memref_slice %arg3[%add3A_1901, %dma_wait3A_1903, %dma_wait3A_1914] : memref<8192x2x2048xf32, #tpu.memory_space<hbm>> -> memref<16x1x2048xf32, #tpu.memory_space<hbm>>
    %dma_wait3A_1916 = tpu.memref_squeeze %dma_wait3A_1915 : memref<16x1x2048xf32, #tpu.memory_space<hbm>> -> memref<16x2048xf32, #tpu.memory_space<hbm>>
    %dma_wait3A_1917 = arith.constant 0 : i32
    %dma_wait3A_1918 = arith.constant 0 : i32
    %dma_wait3A_1919 = tpu.memref_slice %arg4[%dma_wait3A_1902, %dma_wait3A_1917, %dma_wait3A_1918] : memref<3x16x2048xf32, #tpu.memory_space<vmem>> -> memref<1x16x2048xf32, #tpu.memory_space<vmem>>
    %dma_wait3A_1920 = tpu.memref_squeeze %dma_wait3A_1919 : memref<1x16x2048xf32, #tpu.memory_space<vmem>> -> memref<16x2048xf32, #tpu.memory_space<vmem>>
    tpu.wait_dma2 semaphore(%dma_wait3A_1913 : memref<!tpu.dma_semaphore, #tpu.memory_space<semaphore_mem>>) src(%dma_wait3A_1920 : memref<16x2048xf32, #tpu.memory_space<vmem>>) dst(%dma_wait3A_1916 : memref<16x2048xf32, #tpu.memory_space<hbm>>)
    return
  }
}

</mosaic_0001>

<sc_bundles>
// kernel: kernel.3.cloned.1.call-start
scs
__scs_entry_jumppad:
0x0: {  	(pc) =	sbr.rel $0x88, $3  }
0x1: {  	(tag) =	ssettag $0x0;
	lr =	simm.s32 $0x1  }
0x2: {  	[smem:$0x3FA0] =	sst lr;
	_ =	strace $0xD0000000  }
0x3: {  	_ = 	snop  }
0x4: {  	_ = 	snop  }
0x5: {  	_ = 	snop  }
0x6: {  	_ = 	snop  }
0x7: {  	_ = 	snop  }
__scs_overlays_trampoline_lowered:
0x8: {  	[smem:$0x3FAF] =	sst s0  }
0x9: {  	[smem:$0x3FB0] =	sst s1  }
0xa: {  	[smem:$0x3FB1] =	sst s2  }
0xb: {  	[smem:$0x3FB2] =	sst s3  }
0xc: {  	[smem:$0x3FB3] =	sst s4  }
0xd: {  	[smem:$0x3FB4] =	sst s5  }
0xe: {  	[smem:$0x3FB5] =	sst s6  }
0xf: {  	[smem:$0x3FB6] =	sst s7  }
0x10: {  	[smem:$0x3FB7] =	sst s8  }
0x11: {  	[smem:$0x3FB8] =	sst s9;
	s0 =	simm.s32 @!p0 $0x0  }
0x12: {  	s1 =	sld [smem:$0x3F9E];
	s0 =	simm.s32 @p0 $0x1  }
0x13: {  	[smem:$0x3FB9] =	sst s0;
	s0 =	simm.s32 @!p1 $0x0  }
0x14: {  	s2 =	sld [smem:$0x3F9D];
	s0 =	simm.s32 @p1 $0x1  }
0x15: {  	[smem:$0x3FBA] =	sst s0;
	s0 =	simm.s32 @!p2 $0x0  }
0x16: {  	s3 =	sld [smem:$0x3FDB];
	s0 =	simm.s32 @p2 $0x1  }
0x17: {  	s4 =	simm.s32 $0x1BF5;
	[smem:$0x3FBC] =	sst s0  }
0x18: {  	s0 =	sld [smem:$0x3F9F];
	_ =	swait.ge [sflag:s4], $0x0  }
0x19: {  	s7 =	sld [smem:$0x3FA0]  }
0x1a: {  	s8 =	sadd.s32 $0xFFFFE003, lr  }
0x1b: {  	s9 =	sadd.s32 $0xFFFFFEF7, lr;
	s5 =	simm.s32 $0xFFFFFFFF;
	p2 =	slt.u32 s8, $0xFFFFF086  }
0x1c: {  	p1 =	slt.u32 s9, $0xF7A;
	s5 =	simm.s32 @!p2 $0x0  }
0x1d: {  	s5 =	simm.s32 @p1 $0x1;
	p0 =	seq.s32 s7, s2  }
0x1e: {  	s7 =	smul.u32 @!p0 $0xF7A, s2;
	p2 =	seq.s32 @!p0 s5, $0x0  }
0x1f: {  	s9 =	smul.u32 $0xF7A, s1;
	s8 =	simm.s32 @!p0 $0x1BF5;
	p2 =	por !p2, p0  }
0x20: {  	[sflag:s8] =	ssyncset.s32 @!p0 $0xFFFFF086;
	s6 =	sadd.s32 @!p0 s3, s7;
	s7 =	simm.s32 @!p0 $0x108  }
0x21: {  	s3 =	sadd.s32 s3, s9;
	s6 =	sadd.s32 @!p0 $0x88, s6;
	s7 =	simm.s32 @p2 $0x1082  }
0x22: {  	[simem:s7], [sflag:s8] =	dma.local @!p0 [hbm:s6], $0xF7A  }
0x23: {  	s9 =	sor.u32 $0xD0000000, s2;
	s6 =	simm.s32 $0x108;
	_ =	swait.ge @!p0 [sflag:s8], $0x0  }
0x24: {  	s3 =	sadd.s32 $0x88, s3;
	s6 =	simm.s32 @!p1 $0x1082;
	[sflag:s4] =	ssyncset.s32 $0xFFFFF086  }
0x25: {  	[simem:s6], [sflag:s4] =	dma.local [hbm:s3], $0xF7A  }
0x26: {  	[smem:$0x3FA0] =	sst s1;
	(tag) =	ssettag s2;
	_ =	strace s9  }
0x27: {  	s1 =	sld [smem:$0x3FB0]  }
0x28: {  	s2 =	sld [smem:$0x3FB1]  }
0x29: {  	s4 =	sld [smem:$0x3FB3]  }
0x2a: {  	p0 =	seq.s32 s5, $0x0;
	s5 =	sld [smem:$0x3FB4]  }
0x2b: {  	s6 =	sld [smem:$0x3FB5]  }
0x2c: {  	s7 =	sld [smem:$0x3FB6]  }
0x2d: {  	s3 =	simm.s32 $0x108;
	s8 =	sld [smem:$0x3FB7]  }
0x2e: {  	s3 =	simm.s32 @!p0 $0x1082;
	s9 =	sld [smem:$0x3FB8]  }
0x2f: {  	lr =	sadd.s32 s0, s3;
	s0 =	sld [smem:$0x3FAF]  }
0x30: {  	s3 =	sld [smem:$0x3FB2]  }
0x31: {  	[smem:$0x3FBB] =	sst s10  }
0x32: {  	s10 =	sld [smem:$0x3FB9];
	_ =	sdelay $0x3  }
0x33: {  	p0 =	seq.s32 s10, $0x1;
	s10 =	sld [smem:$0x3FBB];
	_ =	sdelay $0x3  }
0x34: {  	[smem:$0x3FBB] =	sst s10  }
0x35: {  	s10 =	sld [smem:$0x3FBA];
	_ =	sdelay $0x3  }
0x36: {  	p1 =	seq.s32 s10, $0x1;
	s10 =	sld [smem:$0x3FBB];
	_ =	sdelay $0x3  }
0x37: {  	[smem:$0x3FBB] =	sst s10  }
0x38: {  	s10 =	sld [smem:$0x3FBC]  }
0x39: {  	_ = 	snop;
	(pc) =	sbr.ind lr, $3  }
0x3a: {  	_ = 	snop  }
0x3b: {  	_ = 	snop  }
0x3c: {  	p2 =	seq.s32 s10, $0x1;
	s10 =	sld [smem:$0x3FBB]  }
0x3d: {  	_ =	shalt  }
0x3e: {  	_ =	shalt  }
0x3f: {  	_ =	shalt  }
0x40: {  	_ =	shalt  }
0x41: {  	_ =	shalt  }
0x42: {  	_ =	shalt  }
0x43: {  	_ =	shalt  }
0x44: {  	_ =	shalt  }
0x45: {  	_ =	shalt  }
0x46: {  	_ =	shalt  }
0x47: {  	_ =	shalt  }
0x48: {  	_ =	shalt  }
0x49: {  	_ =	shalt  }
0x4a: {  	_ =	shalt  }
0x4b: {  	_ =	shalt  }
0x4c: {  	_ =	shalt  }
0x4d: {  	_ =	shalt  }
0x4e: {  	_ =	shalt  }
0x4f: {  	_ =	shalt  }
0x50: {  	_ =	shalt  }
0x51: {  	_ =	shalt  }
0x52: {  	_ =	shalt  }
0x53: {  	_ =	shalt  }
0x54: {  	_ =	shalt  }
0x55: {  	_ =	shalt  }
0x56: {  	_ =	shalt  }
0x57: {  	_ =	shalt  }
0x58: {  	_ =	shalt  }
0x59: {  	_ =	shalt  }
0x5a: {  	_ =	shalt  }
0x5b: {  	_ =	shalt  }
0x5c: {  	_ =	shalt  }
0x5d: {  	_ =	shalt  }
0x5e: {  	_ =	shalt  }
0x5f: {  	_ =	shalt  }
0x60: {  	_ =	shalt  }
0x61: {  	_ =	shalt  }
0x62: {  	_ =	shalt  }
0x63: {  	_ =	shalt  }
0x64: {  	_ =	shalt  }
0x65: {  	_ =	shalt  }
0x66: {  	_ =	shalt  }
0x67: {  	_ =	shalt  }
0x68: {  	_ =	shalt  }
0x69: {  	_ =	shalt  }
0x6a: {  	_ =	shalt  }
0x6b: {  	_ =	shalt  }
0x6c: {  	_ =	shalt  }
0x6d: {  	_ =	shalt  }
0x6e: {  	_ =	shalt  }
0x6f: {  	_ =	shalt  }
0x70: {  	_ =	shalt  }
0x71: {  	_ =	shalt  }
0x72: {  	_ =	shalt  }
0x73: {  	_ =	shalt  }
0x74: {  	_ =	shalt  }
0x75: {  	_ =	shalt  }
0x76: {  	_ =	shalt  }
0x77: {  	_ =	shalt  }
0x78: {  	_ =	shalt  }
0x79: {  	_ =	shalt  }
0x7a: {  	_ =	shalt  }
0x7b: {  	_ =	shalt  }
0x7c: {  	_ =	shalt  }
0x7d: {  	_ =	shalt  }
0x7e: {  	_ =	shalt  }
0x7f: {  	_ =	shalt  }
0x80: {  	_ =	shalt  }
0x81: {  	_ =	shalt  }
0x82: {  	_ =	shalt  }
0x83: {  	_ =	shalt  }
0x84: {  	_ =	shalt  }
0x85: {  	_ =	shalt  }
0x86: {  	_ =	shalt  }
0x87: {  	_ =	shalt  }
.Lfunc_end0:
.L_simem_size_0:
called_computation_lowered:
.L_overlay_start_0:
0x88: {  	s2 =	sld [smem:$0x3FD9]  }
0x89: {  	s3 =	sld [smem:$0x3FFE];
	_ =	sdelay $0x1  }
0x8a: {  	s1 =	srdreg.scid  }
0x8b: {  	s0 =	sand.u32 $0x1, s1  }
0x8c: {  	s18 =	sshll.u32 s0, $0xA;
	s2 =	sadd.s32 s3, s2  }
0x8d: {  	s2 =	sadd.s32 s2, s18  }
0x8e: {  	[smem:$0x3FC7] =	sst s2  }
0x8f: {  	_ = 	snop  }
0x90: {  	s2 =	sld [smem:$0x3FC9]  }
0x91: {  	s19 =	sld [smem:$0x3FD0];
	(tm) =	ssettm $0x1  }
0x92: {  	s4 =	sld [smem:$0x3FFB];
	_ =	sdelay $0x3  }
0x93: {  	_ =	strace s4  }
0x94: {  	s4 =	sld [smem:$0x3FFC];
	_ =	sdelay $0x3  }
0x95: {  	_ =	strace s4  }
0x96: {  	s4 =	sld [smem:$0x3FFD];
	_ =	sdelay $0x3  }
0x97: {  	_ =	strace s4  }
0x98: {  	_ =	strace $0x8FFFFFFF  }
0x99: {  	s20 =	sld [smem:$0x3FDB];
	_ =	sdelay $0x1  }
0x9a: {  	s5 =	simm.s32 $_scs_section_size  }
0x9b: {  	s6 =	simm.s32 $_size__tile_overlayer_lowered;
	s7 =	simm.s32 $_tile_overlayer_lowered  }
0x9c: {  	s23 =	simm.s32 $0x1BFF;
	s22 =	sshll.u32 s7, $0x1;
	s4 =	sadd.s32 s5, s20  }
0x9d: {  	s8 =	simm.s32 $0x0;
	s21 =	sshll.u32 s6, $0x1;
	s6 =	sadd.s32 s22, s4  }
0x9e: {  	[timem:s8], [sflag:s23] =	dma.local [hbm:s6], s21  }
0x9f: {  	_ =	swait.ge [sflag:s23], s21  }
0xa0: {  	s5 =	ssub.s32 $0x0, s21;
	[sflag:s23] =	ssyncset.done $0x0  }
0xa1: {  	[sflag:s23] =	ssyncadd.s32 s5;
	_ =	sdelay $0x1  }
0xa2: {  	s24 =	simm.s32 $0x1B8B  }
0xa3: {  	_ =	swait.ge [sflag:s24], $0x1  }
0xa4: {  	[sflag:s24] =	ssyncset.done $0x0  }
0xa5: {  	s25 =	simm.s32 $0x1B8E;
	[sflag:s24] =	ssyncadd.s32 $0xFFFFFFFF  }
0xa6: {  	s26 =	simm.s32 $execute0_lowered;
	[smem:$0x3FD2] =	sst s25  }
0xa7: {  	s5 =	sshll.u32 s26, $0x1;
	_ =	strace $0x80000046;
	[dreg:$0x1] =	wrdreg $0xFFFFFFFF  }
0xa8: {  	s28 =	simm.s32 $_size_execute0_lowered;
	s4 =	sadd.s32 s4, s5;
	[dreg:$0x0] =	wrdreg $0x0  }
0xa9: {  	s5 =	sshll.u32 s28, $0x1;
	[dreg:$0x2] =	wrdreg s4  }
0xaa: {  	[dreg:$0x3] =	wrdreg s5  }
0xab: {  	[dreg:$0x4] =	wrdreg $0xC0  }
0xac: {  	_ =	task [dreg:s8], $0x5FFFF  }
0xad: {  	[dreg:$0x1] =	wrdreg $0xFFFFFFFF  }
0xae: {  	[dreg:$0x0] =	wrdreg $0x60  }
0xaf: {  	[dreg:$0x2] =	wrdreg s2  }
0xb0: {  	[dreg:$0x3] =	wrdreg s19  }
0xb1: {  	[dreg:$0x4] =	wrdreg $0x9  }
0xb2: {  	_ =	task.clear_ibuf [dreg:s8], $0x5FFFF;
	_ =	strace $0x90000046  }
0xb3: {  	s29 =	simm.s32 $0x9;
	_ =	strace $0x80000048  }
0xb4: {  	_ =	swait.ge [sflag:s29], $0x1  }
0xb5: {  	[sflag:s29] =	ssyncadd.s32 $0xFFFFFFFF  }
0xb6: {  	_ =	strace $0x90000048  }
0xb7: {  	_ =	sfence  }
0xb8: {  	s30 =	sld [smem:$0x0];
	_ =	sdelay $0x2  }
0xb9: {  	s31 =	sshll.u32 s1, $0xD;
	s1 =	sshrl.u32 s1, $0x2  }
0xba: {  	s3 =	sand.u32 $0x4000, s31;
	s1 =	sadd.s32 s1, s30  }
0xbb: {  	s0 =	sor.u32 s3, s0;
	s1 =	sshll.u32 s1, $0x11  }
0xbc: {  	s0 =	sor.u32 s1, s0  }
0xbd: {  	s0 =	sadd.s32 $0x8F2B, s0  }
0xbe: {  	[sflag:s0] =	ssyncadd.remote.s32 $0x1  }
0xbf: {  	_ =	sfence.sel $0xFFFF  }
0xc0: {  	[dreg:$0x0] =	wrdreg $0xFFFFFFFF;
	(pc) =	sbr.abs _section_cstart, $3  }
0xc1: {  	[dreg:$0x1] =	wrdreg $0xFFFFFFFF  }
0xc2: {  	_ =	task.clear_ibuf [dreg:s8], $0x2FFFF;
	_ =	strace $0x9FFFFFFF  }
0xc3: {  	(tm) =	ssettm $0x7FFFFFFF  }
tec
execute0_lowered:
.L_overlay_start_1:
0x0: {  	(tag) =	ssettag $0x1  }
0x1: {  	s0 =	srdreg.scid;
	s1 =	stileid.u32  }
0x2: {  	s0 =	sand.u32 $0x1, s0;
	s1 =	sshll.u32 s1, $0x1  }
0x3: {  	s25 =	rddreg [dreg:$0x0];
	s2 =	ssub.s32 $0x2, s0;
	s0 =	sor.u32 s0, s1  }
0x4: {  	s3 =	sshrl.u32 s2, $0x1;
	s4 =	sshll.u32 s0, $0x10;
	s30 =	sshll.u32 s0, $0x8  }
0x5: {  	s0 =	sshll.u32 s0, $0x11;
	s19 =	ssub.s32 s2, s3;
	s31 =	sadd.s32 s25, s4  }
0x6: {  	s4 =	sor.u32 $0x10, s30;
	s26 =	sor.u32 $0x20, s30;
	s5 =	sor.u32 $0x30, s30  }
0x7: {  	s21 =	sor.u32 $0xA0, s30;
	s24 =	sor.u32 $0xD0, s30;
	[dreg:$0x3] =	wrdreg s31  }
0x8: {  	s6 =	sshll.u32 s4, $0x8;
	s7 =	sshll.u32 s26, $0x8;
	s8 =	sshll.u32 s5, $0x8  }
0x9: {  	s28 =	sshll.u32 s24, $0x8;
	s24 =	sshll.u32 s24, $0x9;
	s6 =	sadd.s32 s25, s6  }
0xa: {  	s19 =	smax.u32 s19, $0x1;
	s14 =	sadd.s32 s25, s7;
	[dreg:$0x4] =	wrdreg s6  }
0xb: {  	s15 =	sadd.s32 s25, s8;
	s7 =	sor.u32 $0x50, s30;
	[dreg:$0x5] =	wrdreg s14  }
0xc: {  	s8 =	sor.u32 $0x60, s30;
	s2 =	sadd.s32 s25, s28;
	[dreg:$0x6] =	wrdreg s15  }
0xd: {  	s6 =	sor.u32 $0x40, s30;
	s10 =	sshll.u32 s7, $0x8;
	s11 =	sshll.u32 s8, $0x8  }
0xe: {  	s15 =	sshll.u32 s21, $0x8;
	[dreg:$0x10] =	wrdreg s2;
	s2 =	sshll.u32 s26, $0x9  }
0xf: {  	s7 =	sshll.u32 s7, $0x9;
	s8 =	sshll.u32 s8, $0x9;
	s21 =	sshll.u32 s21, $0x9  }
0x10: {  	s9 =	sshll.u32 s6, $0x8;
	s16 =	sadd.s32 s25, s10;
	s17 =	sadd.s32 s25, s11  }
0x11: {  	s10 =	sor.u32 $0x80, s30;
	s11 =	sor.u32 $0x90, s30;
	[dreg:$0x8] =	wrdreg s16  }
0x12: {  	s15 =	sadd.s32 s25, s15;
	s9 =	sadd.s32 s25, s9;
	[dreg:$0x9] =	wrdreg s17  }
0x13: {  	s13 =	sshll.u32 s10, $0x8;
	s14 =	sshll.u32 s11, $0x8;
	[dreg:$0xd] =	wrdreg s15  }
0x14: {  	s10 =	sshll.u32 s10, $0x9;
	s11 =	sshll.u32 s11, $0x9;
	[dreg:$0x7] =	wrdreg s9  }
0x15: {  	s9 =	sor.u32 $0x70, s30;
	s18 =	sadd.s32 s25, s13;
	s20 =	sadd.s32 s25, s14  }
0x16: {  	s13 =	sor.u32 $0xB0, s30;
	s14 =	sor.u32 $0xC0, s30;
	[dreg:$0xb] =	wrdreg s18  }
0x17: {  	s12 =	sshll.u32 s9, $0x8;
	[dreg:$0xc] =	wrdreg s20;
	s16 =	sshll.u32 s13, $0x8  }
0x18: {  	s17 =	sshll.u32 s14, $0x8;
	s9 =	sshll.u32 s9, $0x9;
	s12 =	sadd.s32 s25, s12  }
0x19: {  	s22 =	sadd.s32 s25, s16;
	s23 =	sadd.s32 s25, s17;
	[dreg:$0xa] =	wrdreg s12  }
0x1a: {  	s16 =	sor.u32 $0xE0, s30;
	s17 =	sor.u32 $0xF0, s30;
	[dreg:$0xe] =	wrdreg s22  }
0x1b: {  	s30 =	simm.s32 $0x0;
	[dreg:$0xf] =	wrdreg s23;
	s18 =	sshll.u32 s16, $0x8  }
0x1c: {  	s20 =	sshll.u32 s17, $0x8;
	[smem:$0x7FF] =	sst s30;
	s22 =	sshll.u32 s13, $0x9  }
0x1d: {  	s23 =	sshll.u32 s14, $0x9;
	s29 =	sadd.s32 s25, s18;
	s18 =	rddreg [dreg:$0x1]  }
0x1e: {  	s16 =	sshll.u32 s16, $0x9;
	s1 =	sadd.s32 s25, s20;
	[dreg:$0x11] =	wrdreg s29  }
0x1f: {  	[dreg:$0x12] =	wrdreg s1;
	s31 =	sadd.s32 s18, s0;
	s20 =	sadd.s32 $0x10, s18  }
0x20: {  	s1 =	sshll.u32 s4, $0x9;
	s28 =	sadd.s32 s18, s2;
	s4 =	sshll.u32 s5, $0x9  }
0x21: {  	s5 =	sshll.u32 s6, $0x9;
	s13 =	sadd.s32 s18, s24;
	s15 =	sadd.s32 s18, s16  }
0x22: {  	[dreg:$0x13] =	wrdreg s31;
	s25 =	sadd.s32 s0, s20;
	s26 =	sadd.s32 s18, s1  }
0x23: {  	s0 =	sadd.s32 s1, s20;
	s3 =	sadd.s32 s2, s20;
	s29 =	sadd.s32 s18, s4  }
0x24: {  	s30 =	sadd.s32 s18, s5;
	s6 =	sadd.s32 s5, s20;
	[dreg:$0x15] =	wrdreg s0  }
0x25: {  	s31 =	sadd.s32 s18, s7;
	s1 =	sadd.s32 s8, s20;
	[dreg:$0x17] =	wrdreg s3  }
0x26: {  	s2 =	sadd.s32 s9, s20;
	s5 =	sadd.s32 s18, s11;
	[dreg:$0x1b] =	wrdreg s6  }
0x27: {  	s12 =	sadd.s32 s23, s20;
	s0 =	sadd.s32 s4, s20;
	[dreg:$0x1f] =	wrdreg s1  }
0x28: {  	s14 =	sadd.s32 s24, s20;
	[dreg:$0x19] =	wrdreg s0;
	s0 =	sadd.s32 s7, s20  }
0x29: {  	s16 =	sadd.s32 s16, s20;
	s1 =	sadd.s32 s18, s9;
	[dreg:$0x1d] =	wrdreg s0  }
0x2a: {  	s3 =	sadd.s32 s18, s10;
	_ =	strace $0x80000047;
	[smem:$0x7FC] =	sst s19  }
0x2b: {  	s4 =	sadd.s32 s10, s20;
	s6 =	sadd.s32 s11, s20;
	[dreg:$0x14] =	wrdreg s26  }
0x2c: {  	s9 =	sadd.s32 s18, s22;
	s10 =	sadd.s32 s22, s20;
	[dreg:$0x16] =	wrdreg s28  }
0x2d: {  	s11 =	sadd.s32 s18, s23;
	s23 =	simm.s32 $0x0;
	[dreg:$0x18] =	wrdreg s29  }
0x2e: {  	s7 =	sadd.s32 s18, s21;
	s0 =	sadd.s32 s18, s8;
	[dreg:$0x1a] =	wrdreg s30  }
0x2f: {  	s8 =	sadd.s32 s21, s20;
	s21 =	sshll.u32 s17, $0x9;
	[dreg:$0x1c] =	wrdreg s31  }
0x30: {  	s17 =	sadd.s32 s18, s21;
	s18 =	sadd.s32 s21, s20;
	[dreg:$0x1e] =	wrdreg s0  }
0x31: {  	s19 =	simm.s32 $0x80;
	s20 =	simm.s32 $0x1000;
	[smem:$0x7FD] =	sst s1  }
.LBB2_1:
0x32: {  	[smem:$0x7FB] =	sst s23  }
0x33: {  	s21 =	rddreg [dreg:$0x3];
	s22 =	simm.s32 $0x0  }
0x34: {  	[tilespmem:s22], [sflag:$0x1] =	stream.linear.gather [hbm4b:s21+s22], $0x8000, $0x38;
	[tilespmem:$0x18000] =	vst v63  }
0x35: {  	s26 =	smov.u32 s25;
	s25 =	rddreg [dreg:$0x4];
	s28 =	simm.s32 $0x8000  }
0x36: {  	[tilespmem:s28], [sflag:$0x2] =	stream.linear.gather [hbm4b:s25+s22], $0x8000, $0x38;
	[tilespmem:$0x18000] =	vst v63  }
0x37: {  	s29 =	rddreg [dreg:$0x5];
	s30 =	simm.s32 $0x10000;
	s31 =	simm.s32 $0x1  }
0x38: {  	[tilespmem:s30], [sflag:$0x3] =	stream.linear.gather [hbm4b:s29+s22], $0x8000, $0x38;
	[tilespmem:$0x18000] =	vst v63  }
0x39: {  	_ =	swait.ge [sflag:s31], $0x8000  }
0x3a: {  	p0 =	por $0x1, $0x1;
	[sflag:s31] =	ssyncset.done $0x0  }
0x3b: {  	s21 =	simm.s32 $0x0;
	s25 =	rddreg [dreg:$0x13];
	[sflag:s31] =	ssyncadd.s32 $0xFFFF8000  }
.LBB2_2:
0x3c: {  	s22 =	sshll.u32 s21, $0xE;
	s29 =	sshll.u32 s21, $0xC  }
0x3d: {  	s22 =	sand.u32 $0x3FFFC000, s22;
	s21 =	sadd.s32 s29, s25  }
0x3e: {  	[hbm4b:s21+s19] =	stream.strided.scatter [tilespmem:s22], [sflag:$0x4], $0x400, s20, s19, $0x38;
	[tilespmem:$0x18000] =	vst v63  }
0x3f: {  	s23 =	sor.u32 $0x400, s22;
	s24 =	sadd.s32 $0x20, s21  }
0x40: {  	[hbm4b:s24+s19] =	stream.strided.scatter [tilespmem:s23], [sflag:$0x4], $0x400, s20, s19, $0x38;
	[tilespmem:$0x18000] =	vst v63  }
0x41: {  	s30 =	sor.u32 $0x800, s22;
	s31 =	sadd.s32 $0x40, s21  }
0x42: {  	[hbm4b:s31+s19] =	stream.strided.scatter [tilespmem:s30], [sflag:$0x4], $0x400, s20, s19, $0x38;
	[tilespmem:$0x18000] =	vst v63  }
0x43: {  	s0 =	sor.u32 $0xC00, s22;
	s1 =	sadd.s32 $0x60, s21  }
0x44: {  	[hbm4b:s1+s19] =	stream.strided.scatter [tilespmem:s0], [sflag:$0x4], $0x400, s20, s19, $0x38;
	[tilespmem:$0x18000] =	vst v63  }
0x45: {  	s28 =	sor.u32 $0x1000, s22;
	s29 =	sadd.s32 $0x80, s21  }
0x46: {  	[hbm4b:s29+s19] =	stream.strided.scatter [tilespmem:s28], [sflag:$0x4], $0x400, s20, s19, $0x38;
	[tilespmem:$0x18000] =	vst v63  }
0x47: {  	s30 =	sor.u32 $0x1400, s22;
	s31 =	sadd.s32 $0xA0, s21  }
0x48: {  	[hbm4b:s31+s19] =	stream.strided.scatter [tilespmem:s30], [sflag:$0x4], $0x400, s20, s19, $0x38;
	[tilespmem:$0x18000] =	vst v63  }
0x49: {  	s0 =	sor.u32 $0x1800, s22;
	s1 =	sadd.s32 $0xC0, s21  }
0x4a: {  	[hbm4b:s1+s19] =	stream.strided.scatter [tilespmem:s0], [sflag:$0x4], $0x400, s20, s19, $0x38;
	[tilespmem:$0x18000] =	vst v63  }
0x4b: {  	s28 =	sor.u32 $0x1C00, s22;
	s29 =	sadd.s32 $0xE0, s21  }
0x4c: {  	[hbm4b:s29+s19] =	stream.strided.scatter [tilespmem:s28], [sflag:$0x4], $0x400, s20, s19, $0x38;
	[tilespmem:$0x18000] =	vst v63  }
0x4d: {  	s30 =	sor.u32 $0x2000, s22;
	s31 =	sadd.s32 $0x100, s21  }
0x4e: {  	[hbm4b:s31+s19] =	stream.strided.scatter [tilespmem:s30], [sflag:$0x4], $0x400, s20, s19, $0x38;
	[tilespmem:$0x18000] =	vst v63  }
0x4f: {  	s0 =	sor.u32 $0x2400, s22;
	s1 =	sadd.s32 $0x120, s21  }
0x50: {  	[hbm4b:s1+s19] =	stream.strided.scatter [tilespmem:s0], [sflag:$0x4], $0x400, s20, s19, $0x38;
	[tilespmem:$0x18000] =	vst v63  }
0x51: {  	s28 =	sor.u32 $0x2800, s22;
	s29 =	sadd.s32 $0x140, s21  }
0x52: {  	[hbm4b:s29+s19] =	stream.strided.scatter [tilespmem:s28], [sflag:$0x4], $0x400, s20, s19, $0x38;
	[tilespmem:$0x18000] =	vst v63  }
0x53: {  	s30 =	sor.u32 $0x2C00, s22;
	s31 =	sadd.s32 $0x160, s21  }
0x54: {  	[hbm4b:s31+s19] =	stream.strided.scatter [tilespmem:s30], [sflag:$0x4], $0x400, s20, s19, $0x38;
	[tilespmem:$0x18000] =	vst v63  }
0x55: {  	s0 =	sor.u32 $0x3000, s22;
	s1 =	sadd.s32 $0x180, s21  }
0x56: {  	[hbm4b:s1+s19] =	stream.strided.scatter [tilespmem:s0], [sflag:$0x4], $0x400, s20, s19, $0x38;
	[tilespmem:$0x18000] =	vst v63  }
0x57: {  	p1 =	por p0, p0;
	s28 =	sor.u32 $0x3400, s22;
	s29 =	sadd.s32 $0x1A0, s21  }
0x58: {  	[hbm4b:s29+s19] =	stream.strided.scatter [tilespmem:s28], [sflag:$0x4], $0x400, s20, s19, $0x38;
	[tilespmem:$0x18000] =	vst v63  }
.Ltmp0:
0x59: {  	s30 =	sor.u32 $0x3800, s22;
	s31 =	sadd.s32 $0x1C0, s21;
	(pc) =	sbr.rel @p1 .LBB2_2-.Ltmp0, $4  }
0x5a: {  	[hbm4b:s31+s19] =	stream.strided.scatter [tilespmem:s30], [sflag:$0x4], $0x400, s20, s19, $0x38;
	[tilespmem:$0x18000] =	vst v63  }
0x5b: {  	s22 =	sor.u32 $0x3C00, s22;
	s21 =	sadd.s32 $0x1E0, s21  }
0x5c: {  	[hbm4b:s21+s19] =	stream.strided.scatter [tilespmem:s22], [sflag:$0x4], $0x400, s20, s19, $0x38;
	[tilespmem:$0x18000] =	vst v63  }
0x5d: {  	p0 =	por $0x0, $0x0;
	s21 =	simm.s32 $0x1  }
0x5e: {  	s21 =	simm.s32 $0x0;
	p0 =	por $0x1, $0x1;
	s25 =	smov.u32 s26  }
.LBB2_4:
0x5f: {  	s22 =	sshll.u32 s21, $0xE;
	s29 =	sshll.u32 s21, $0xC  }
0x60: {  	s22 =	sand.u32 $0x3FFFC000, s22;
	s21 =	sadd.s32 s29, s25  }
0x61: {  	[hbm4b:s21+s19] =	stream.strided.scatter [tilespmem:s22], [sflag:$0x4], $0x400, s20, s19, $0x38;
	[tilespmem:$0x18000] =	vst v63  }
0x62: {  	s23 =	sor.u32 $0x400, s22;
	s24 =	sadd.s32 $0x20, s21  }
0x63: {  	[hbm4b:s24+s19] =	stream.strided.scatter [tilespmem:s23], [sflag:$0x4], $0x400, s20, s19, $0x38;
	[tilespmem:$0x18000] =	vst v63  }
0x64: {  	s30 =	sor.u32 $0x800, s22;
	s31 =	sadd.s32 $0x40, s21  }
0x65: {  	[hbm4b:s31+s19] =	stream.strided.scatter [tilespmem:s30], [sflag:$0x4], $0x400, s20, s19, $0x38;
	[tilespmem:$0x18000] =	vst v63  }
0x66: {  	s0 =	sor.u32 $0xC00, s22;
	s1 =	sadd.s32 $0x60, s21  }
0x67: {  	[hbm4b:s1+s19] =	stream.strided.scatter [tilespmem:s0], [sflag:$0x4], $0x400, s20, s19, $0x38;
	[tilespmem:$0x18000] =	vst v63  }
0x68: {  	s26 =	sadd.s32 $0x80, s21;
	s24 =	sor.u32 $0x1000, s22  }
0x69: {  	[hbm4b:s26+s19] =	stream.strided.scatter [tilespmem:s24], [sflag:$0x4], $0x400, s20, s19, $0x38;
	[tilespmem:$0x18000] =	vst v63  }
0x6a: {  	s28 =	sor.u32 $0x1400, s22;
	s29 =	sadd.s32 $0xA0, s21  }
0x6b: {  	[hbm4b:s29+s19] =	stream.strided.scatter [tilespmem:s28], [sflag:$0x4], $0x400, s20, s19, $0x38;
	[tilespmem:$0x18000] =	vst v63  }
0x6c: {  	s30 =	sor.u32 $0x1800, s22;
	s31 =	sadd.s32 $0xC0, s21  }
0x6d: {  	[hbm4b:s31+s19] =	stream.strided.scatter [tilespmem:s30], [sflag:$0x4], $0x400, s20, s19, $0x38;
	[tilespmem:$0x18000] =	vst v63  }
0x6e: {  	s0 =	sor.u32 $0x1C00, s22;
	s1 =	sadd.s32 $0xE0, s21  }
0x6f: {  	[hbm4b:s1+s19] =	stream.strided.scatter [tilespmem:s0], [sflag:$0x4], $0x400, s20, s19, $0x38;
	[tilespmem:$0x18000] =	vst v63  }
0x70: {  	s24 =	sor.u32 $0x2000, s22;
	s26 =	sadd.s32 $0x100, s21  }
0x71: {  	[hbm4b:s26+s19] =	stream.strided.scatter [tilespmem:s24], [sflag:$0x4], $0x400, s20, s19, $0x38;
	[tilespmem:$0x18000] =	vst v63  }
0x72: {  	s28 =	sor.u32 $0x2400, s22;
	s29 =	sadd.s32 $0x120, s21  }
0x73: {  	[hbm4b:s29+s19] =	stream.strided.scatter [tilespmem:s28], [sflag:$0x4], $0x400, s20, s19, $0x38;
	[tilespmem:$0x18000] =	vst v63  }
0x74: {  	s30 =	sor.u32 $0x2800, s22;
	s31 =	sadd.s32 $0x140, s21  }
0x75: {  	[hbm4b:s31+s19] =	stream.strided.scatter [tilespmem:s30], [sflag:$0x4], $0x400, s20, s19, $0x38;
	[tilespmem:$0x18000] =	vst v63  }
0x76: {  	s0 =	sor.u32 $0x2C00, s22;
	s1 =	sadd.s32 $0x160, s21  }
0x77: {  	[hbm4b:s1+s19] =	stream.strided.scatter [tilespmem:s0], [sflag:$0x4], $0x400, s20, s19, $0x38;
	[tilespmem:$0x18000] =	vst v63  }
0x78: {  	s24 =	sor.u32 $0x3000, s22;
	s26 =	sadd.s32 $0x180, s21  }
0x79: {  	[hbm4b:s26+s19] =	stream.strided.scatter [tilespmem:s24], [sflag:$0x4], $0x400, s20, s19, $0x38;
	[tilespmem:$0x18000] =	vst v63  }
0x7a: {  	p1 =	por p0, p0;
	s28 =	sor.u32 $0x3400, s22;
	s29 =	sadd.s32 $0x1A0, s21  }
0x7b: {  	[hbm4b:s29+s19] =	stream.strided.scatter [tilespmem:s28], [sflag:$0x4], $0x400, s20, s19, $0x38;
	[tilespmem:$0x18000] =	vst v63  }
.Ltmp1:
0x7c: {  	s30 =	sor.u32 $0x3800, s22;
	s31 =	sadd.s32 $0x1C0, s21;
	(pc) =	sbr.rel @p1 .LBB2_4-.Ltmp1, $4  }
0x7d: {  	[hbm4b:s31+s19] =	stream.strided.scatter [tilespmem:s30], [sflag:$0x4], $0x400, s20, s19, $0x38;
	[tilespmem:$0x18000] =	vst v63  }
0x7e: {  	s22 =	sor.u32 $0x3C00, s22;
	s21 =	sadd.s32 $0x1E0, s21  }
0x7f: {  	[hbm4b:s21+s19] =	stream.strided.scatter [tilespmem:s22], [sflag:$0x4], $0x400, s20, s19, $0x38;
	[tilespmem:$0x18000] =	vst v63  }
0x80: {  	p0 =	por $0x0, $0x0;
	s21 =	simm.s32 $0x1  }
0x81: {  	s21 =	simm.s32 $0x4  }
0x82: {  	_ =	swait.ge [sflag:s21], $0x8000  }
0x83: {  	[sflag:s21] =	ssyncset.done $0x0  }
0x84: {  	[sflag:s21] =	ssyncadd.s32 $0xFFFF8000  }
0x85: {  	_ =	swait.ge [sflag:s21], $0x8000  }
0x86: {  	s31 =	simm.s32 $0x2;
	[sflag:s21] =	ssyncset.done $0x0  }
0x87: {  	s22 =	rddreg [dreg:$0x6];
	[sflag:s21] =	ssyncadd.s32 $0xFFFF8000;
	s21 =	simm.s32 $0x0  }
0x88: {  	[tilespmem:s21], [sflag:$0x1] =	stream.linear.gather [hbm4b:s22+s21], $0x8000, $0x38;
	[tilespmem:$0x18000] =	vst v63  }
0x89: {  	_ =	swait.ge [sflag:s31], $0x8000  }
0x8a: {  	[sflag:s31] =	ssyncset.done $0x0  }
0x8b: {  	p0 =	por $0x1, $0x1;
	s26 =	rddreg [dreg:$0x14];
	[sflag:s31] =	ssyncadd.s32 $0xFFFF8000  }
.LBB2_6:
0x8c: {  	s22 =	sshll.u32 s21, $0xE  }
0x8d: {  	s28 =	sshll.u32 s21, $0xC;
	s22 =	sand.u32 $0x3FFFC000, s22  }
0x8e: {  	s21 =	sadd.s32 s28, s26;
	s23 =	sadd.s32 $0x8000, s22  }
0x8f: {  	[hbm4b:s21+s19] =	stream.strided.scatter [tilespmem:s23], [sflag:$0x5], $0x400, s20, s19, $0x38;
	[tilespmem:$0x18000] =	vst v63  }
0x90: {  	s29 =	sadd.s32 $0x8400, s22;
	s24 =	sadd.s32 $0x20, s21  }
0x91: {  	[hbm4b:s24+s19] =	stream.strided.scatter [tilespmem:s29], [sflag:$0x5], $0x400, s20, s19, $0x38;
	[tilespmem:$0x18000] =	vst v63  }
0x92: {  	s30 =	sadd.s32 $0x8800, s22;
	s31 =	sadd.s32 $0x40, s21  }
0x93: {  	[hbm4b:s31+s19] =	stream.strided.scatter [tilespmem:s30], [sflag:$0x5], $0x400, s20, s19, $0x38;
	[tilespmem:$0x18000] =	vst v63  }
0x94: {  	s0 =	sadd.s32 $0x8C00, s22;
	s1 =	sadd.s32 $0x60, s21  }
0x95: {  	[hbm4b:s1+s19] =	stream.strided.scatter [tilespmem:s0], [sflag:$0x5], $0x400, s20, s19, $0x38;
	[tilespmem:$0x18000] =	vst v63  }
0x96: {  	s28 =	sadd.s32 $0x9000, s22;
	s29 =	sadd.s32 $0x80, s21  }
0x97: {  	[hbm4b:s29+s19] =	stream.strided.scatter [tilespmem:s28], [sflag:$0x5], $0x400, s20, s19, $0x38;
	[tilespmem:$0x18000] =	vst v63  }
0x98: {  	s30 =	sadd.s32 $0x9400, s22;
	s31 =	sadd.s32 $0xA0, s21  }
0x99: {  	[hbm4b:s31+s19] =	stream.strided.scatter [tilespmem:s30], [sflag:$0x5], $0x400, s20, s19, $0x38;
	[tilespmem:$0x18000] =	vst v63  }
0x9a: {  	s0 =	sadd.s32 $0x9800, s22;
	s1 =	sadd.s32 $0xC0, s21  }
0x9b: {  	[hbm4b:s1+s19] =	stream.strided.scatter [tilespmem:s0], [sflag:$0x5], $0x400, s20, s19, $0x38;
	[tilespmem:$0x18000] =	vst v63  }
0x9c: {  	s28 =	sadd.s32 $0x9C00, s22;
	s29 =	sadd.s32 $0xE0, s21  }
0x9d: {  	[hbm4b:s29+s19] =	stream.strided.scatter [tilespmem:s28], [sflag:$0x5], $0x400, s20, s19, $0x38;
	[tilespmem:$0x18000] =	vst v63  }
0x9e: {  	s30 =	sadd.s32 $0xA000, s22;
	s31 =	sadd.s32 $0x100, s21  }
0x9f: {  	[hbm4b:s31+s19] =	stream.strided.scatter [tilespmem:s30], [sflag:$0x5], $0x400, s20, s19, $0x38;
	[tilespmem:$0x18000] =	vst v63  }
0xa0: {  	s0 =	sadd.s32 $0xA400, s22;
	s1 =	sadd.s32 $0x120, s21  }
0xa1: {  	[hbm4b:s1+s19] =	stream.strided.scatter [tilespmem:s0], [sflag:$0x5], $0x400, s20, s19, $0x38;
	[tilespmem:$0x18000] =	vst v63  }
0xa2: {  	s28 =	sadd.s32 $0xA800, s22;
	s29 =	sadd.s32 $0x140, s21  }
0xa3: {  	[hbm4b:s29+s19] =	stream.strided.scatter [tilespmem:s28], [sflag:$0x5], $0x400, s20, s19, $0x38;
	[tilespmem:$0x18000] =	vst v63  }
0xa4: {  	s30 =	sadd.s32 $0xAC00, s22;
	s31 =	sadd.s32 $0x160, s21  }
0xa5: {  	[hbm4b:s31+s19] =	stream.strided.scatter [tilespmem:s30], [sflag:$0x5], $0x400, s20, s19, $0x38;
	[tilespmem:$0x18000] =	vst v63  }
0xa6: {  	s0 =	sadd.s32 $0xB000, s22;
	s1 =	sadd.s32 $0x180, s21  }
0xa7: {  	[hbm4b:s1+s19] =	stream.strided.scatter [tilespmem:s0], [sflag:$0x5], $0x400, s20, s19, $0x38;
	[tilespmem:$0x18000] =	vst v63  }
0xa8: {  	p1 =	por p0, p0;
	s28 =	sadd.s32 $0xB400, s22;
	s29 =	sadd.s32 $0x1A0, s21  }
0xa9: {  	[hbm4b:s29+s19] =	stream.strided.scatter [tilespmem:s28], [sflag:$0x5], $0x400, s20, s19, $0x38;
	[tilespmem:$0x18000] =	vst v63  }
.Ltmp2:
0xaa: {  	s30 =	sadd.s32 $0xB800, s22;
	s31 =	sadd.s32 $0x1C0, s21;
	(pc) =	sbr.rel @p1 .LBB2_6-.Ltmp2, $4  }
0xab: {  	[hbm4b:s31+s19] =	stream.strided.scatter [tilespmem:s30], [sflag:$0x5], $0x400, s20, s19, $0x38;
	[tilespmem:$0x18000] =	vst v63  }
0xac: {  	s22 =	sadd.s32 $0xBC00, s22;
	s21 =	sadd.s32 $0x1E0, s21  }
0xad: {  	[hbm4b:s21+s19] =	stream.strided.scatter [tilespmem:s22], [sflag:$0x5], $0x400, s20, s19, $0x38;
	[tilespmem:$0x18000] =	vst v63  }
0xae: {  	p0 =	por $0x0, $0x0;
	s21 =	simm.s32 $0x1  }
0xaf: {  	s21 =	simm.s32 $0x0;
	p0 =	por $0x1, $0x1;
	s28 =	rddreg [dreg:$0x15]  }
.LBB2_8:
0xb0: {  	s22 =	sshll.u32 s21, $0xE  }
0xb1: {  	s26 =	sshll.u32 s21, $0xC;
	s22 =	sand.u32 $0x3FFFC000, s22  }
0xb2: {  	s21 =	sadd.s32 s26, s28;
	s23 =	sadd.s32 $0x8000, s22  }
0xb3: {  	[hbm4b:s21+s19] =	stream.strided.scatter [tilespmem:s23], [sflag:$0x5], $0x400, s20, s19, $0x38;
	[tilespmem:$0x18000] =	vst v63  }
0xb4: {  	s29 =	sadd.s32 $0x8400, s22;
	s24 =	sadd.s32 $0x20, s21  }
0xb5: {  	[hbm4b:s24+s19] =	stream.strided.scatter [tilespmem:s29], [sflag:$0x5], $0x400, s20, s19, $0x38;
	[tilespmem:$0x18000] =	vst v63  }
0xb6: {  	s30 =	sadd.s32 $0x8800, s22;
	s31 =	sadd.s32 $0x40, s21  }
0xb7: {  	[hbm4b:s31+s19] =	stream.strided.scatter [tilespmem:s30], [sflag:$0x5], $0x400, s20, s19, $0x38;
	[tilespmem:$0x18000] =	vst v63  }
0xb8: {  	s0 =	sadd.s32 $0x8C00, s22;
	s1 =	sadd.s32 $0x60, s21  }
0xb9: {  	[hbm4b:s1+s19] =	stream.strided.scatter [tilespmem:s0], [sflag:$0x5], $0x400, s20, s19, $0x38;
	[tilespmem:$0x18000] =	vst v63  }
0xba: {  	s26 =	sadd.s32 $0x9000, s22;
	s29 =	sadd.s32 $0x80, s21  }
0xbb: {  	[hbm4b:s29+s19] =	stream.strided.scatter [tilespmem:s26], [sflag:$0x5], $0x400, s20, s19, $0x38;
	[tilespmem:$0x18000] =	vst v63  }
0xbc: {  	s30 =	sadd.s32 $0x9400, s22;
	s31 =	sadd.s32 $0xA0, s21  }
0xbd: {  	[hbm4b:s31+s19] =	stream.strided.scatter [tilespmem:s30], [sflag:$0x5], $0x400, s20, s19, $0x38;
	[tilespmem:$0x18000] =	vst v63  }
0xbe: {  	s0 =	sadd.s32 $0x9800, s22;
	s1 =	sadd.s32 $0xC0, s21  }
0xbf: {  	[hbm4b:s1+s19] =	stream.strided.scatter [tilespmem:s0], [sflag:$0x5], $0x400, s20, s19, $0x38;
	[tilespmem:$0x18000] =	vst v63  }
0xc0: {  	s26 =	sadd.s32 $0x9C00, s22;
	s29 =	sadd.s32 $0xE0, s21  }
0xc1: {  	[hbm4b:s29+s19] =	stream.strided.scatter [tilespmem:s26], [sflag:$0x5], $0x400, s20, s19, $0x38;
	[tilespmem:$0x18000] =	vst v63  }
0xc2: {  	s30 =	sadd.s32 $0xA000, s22;
	s31 =	sadd.s32 $0x100, s21  }
0xc3: {  	[hbm4b:s31+s19] =	stream.strided.scatter [tilespmem:s30], [sflag:$0x5], $0x400, s20, s19, $0x38;
	[tilespmem:$0x18000] =	vst v63  }
0xc4: {  	s0 =	sadd.s32 $0xA400, s22;
	s1 =	sadd.s32 $0x120, s21  }
0xc5: {  	[hbm4b:s1+s19] =	stream.strided.scatter [tilespmem:s0], [sflag:$0x5], $0x400, s20, s19, $0x38;
	[tilespmem:$0x18000] =	vst v63  }
0xc6: {  	s26 =	sadd.s32 $0xA800, s22;
	s29 =	sadd.s32 $0x140, s21  }
0xc7: {  	[hbm4b:s29+s19] =	stream.strided.scatter [tilespmem:s26], [sflag:$0x5], $0x400, s20, s19, $0x38;
	[tilespmem:$0x18000] =	vst v63  }
0xc8: {  	s30 =	sadd.s32 $0xAC00, s22;
	s31 =	sadd.s32 $0x160, s21  }
0xc9: {  	[hbm4b:s31+s19] =	stream.strided.scatter [tilespmem:s30], [sflag:$0x5], $0x400, s20, s19, $0x38;
	[tilespmem:$0x18000] =	vst v63  }
0xca: {  	s0 =	sadd.s32 $0xB000, s22;
	s1 =	sadd.s32 $0x180, s21  }
0xcb: {  	[hbm4b:s1+s19] =	stream.strided.scatter [tilespmem:s0], [sflag:$0x5], $0x400, s20, s19, $0x38;
	[tilespmem:$0x18000] =	vst v63  }
0xcc: {  	p1 =	por p0, p0;
	s26 =	sadd.s32 $0xB400, s22;
	s29 =	sadd.s32 $0x1A0, s21  }
0xcd: {  	[hbm4b:s29+s19] =	stream.strided.scatter [tilespmem:s26], [sflag:$0x5], $0x400, s20, s19, $0x38;
	[tilespmem:$0x18000] =	vst v63  }
.Ltmp3:
0xce: {  	s30 =	sadd.s32 $0xB800, s22;
	s31 =	sadd.s32 $0x1C0, s21;
	(pc) =	sbr.rel @p1 .LBB2_8-.Ltmp3, $4  }
0xcf: {  	[hbm4b:s31+s19] =	stream.strided.scatter [tilespmem:s30], [sflag:$0x5], $0x400, s20, s19, $0x38;
	[tilespmem:$0x18000] =	vst v63  }
0xd0: {  	s22 =	sadd.s32 $0xBC00, s22;
	s21 =	sadd.s32 $0x1E0, s21  }
0xd1: {  	[hbm4b:s21+s19] =	stream.strided.scatter [tilespmem:s22], [sflag:$0x5], $0x400, s20, s19, $0x38;
	[tilespmem:$0x18000] =	vst v63  }
0xd2: {  	p0 =	por $0x0, $0x0;
	s21 =	simm.s32 $0x1  }
0xd3: {  	s21 =	simm.s32 $0x5  }
0xd4: {  	_ =	swait.ge [sflag:s21], $0x8000  }
0xd5: {  	[sflag:s21] =	ssyncset.done $0x0  }
0xd6: {  	[sflag:s21] =	ssyncadd.s32 $0xFFFF8000  }
0xd7: {  	_ =	swait.ge [sflag:s21], $0x8000  }
0xd8: {  	s23 =	simm.s32 $0x8000;
	s31 =	simm.s32 $0x3;
	[sflag:s21] =	ssyncset.done $0x0  }
0xd9: {  	s22 =	rddreg [dreg:$0x7];
	[sflag:s21] =	ssyncadd.s32 $0xFFFF8000;
	s21 =	simm.s32 $0x0  }
0xda: {  	[tilespmem:s23], [sflag:$0x2] =	stream.linear.gather [hbm4b:s22+s21], $0x8000, $0x38;
	[tilespmem:$0x18000] =	vst v63  }
0xdb: {  	_ =	swait.ge [sflag:s31], $0x8000  }
0xdc: {  	[sflag:s31] =	ssyncset.done $0x0  }
0xdd: {  	p0 =	por $0x1, $0x1;
	s28 =	rddreg [dreg:$0x16];
	[sflag:s31] =	ssyncadd.s32 $0xFFFF8000  }
.LBB2_10:
0xde: {  	s22 =	sshll.u32 s21, $0xE  }
0xdf: {  	s26 =	sshll.u32 s21, $0xC;
	s22 =	sand.u32 $0x3FFFC000, s22  }
0xe0: {  	s21 =	sadd.s32 s26, s28;
	s23 =	sadd.s32 $0x10000, s22  }
0xe1: {  	[hbm4b:s21+s19] =	stream.strided.scatter [tilespmem:s23], [sflag:$0x6], $0x400, s20, s19, $0x38;
	[tilespmem:$0x18000] =	vst v63  }
0xe2: {  	s29 =	sadd.s32 $0x10400, s22;
	s24 =	sadd.s32 $0x20, s21  }
0xe3: {  	[hbm4b:s24+s19] =	stream.strided.scatter [tilespmem:s29], [sflag:$0x6], $0x400, s20, s19, $0x38;
	[tilespmem:$0x18000] =	vst v63  }
0xe4: {  	s30 =	sadd.s32 $0x10800, s22;
	s31 =	sadd.s32 $0x40, s21  }
0xe5: {  	[hbm4b:s31+s19] =	stream.strided.scatter [tilespmem:s30], [sflag:$0x6], $0x400, s20, s19, $0x38;
	[tilespmem:$0x18000] =	vst v63  }
0xe6: {  	s0 =	sadd.s32 $0x10C00, s22;
	s1 =	sadd.s32 $0x60, s21  }
0xe7: {  	[hbm4b:s1+s19] =	stream.strided.scatter [tilespmem:s0], [sflag:$0x6], $0x400, s20, s19, $0x38;
	[tilespmem:$0x18000] =	vst v63  }
0xe8: {  	s26 =	sadd.s32 $0x11000, s22;
	s29 =	sadd.s32 $0x80, s21  }
0xe9: {  	[hbm4b:s29+s19] =	stream.strided.scatter [tilespmem:s26], [sflag:$0x6], $0x400, s20, s19, $0x38;
	[tilespmem:$0x18000] =	vst v63  }
0xea: {  	s30 =	sadd.s32 $0x11400, s22;
	s31 =	sadd.s32 $0xA0, s21  }
0xeb: {  	[hbm4b:s31+s19] =	stream.strided.scatter [tilespmem:s30], [sflag:$0x6], $0x400, s20, s19, $0x38;
	[tilespmem:$0x18000] =	vst v63  }
0xec: {  	s0 =	sadd.s32 $0x11800, s22;
	s1 =	sadd.s32 $0xC0, s21  }
0xed: {  	[hbm4b:s1+s19] =	stream.strided.scatter [tilespmem:s0], [sflag:$0x6], $0x400, s20, s19, $0x38;
	[tilespmem:$0x18000] =	vst v63  }
0xee: {  	s26 =	sadd.s32 $0x11C00, s22;
	s29 =	sadd.s32 $0xE0, s21  }
0xef: {  	[hbm4b:s29+s19] =	stream.strided.scatter [tilespmem:s26], [sflag:$0x6], $0x400, s20, s19, $0x38;
	[tilespmem:$0x18000] =	vst v63  }
0xf0: {  	s30 =	sadd.s32 $0x12000, s22;
	s31 =	sadd.s32 $0x100, s21  }
0xf1: {  	[hbm4b:s31+s19] =	stream.strided.scatter [tilespmem:s30], [sflag:$0x6], $0x400, s20, s19, $0x38;
	[tilespmem:$0x18000] =	vst v63  }
0xf2: {  	s0 =	sadd.s32 $0x12400, s22;
	s1 =	sadd.s32 $0x120, s21  }
0xf3: {  	[hbm4b:s1+s19] =	stream.strided.scatter [tilespmem:s0], [sflag:$0x6], $0x400, s20, s19, $0x38;
	[tilespmem:$0x18000] =	vst v63  }
0xf4: {  	s26 =	sadd.s32 $0x12800, s22;
	s29 =	sadd.s32 $0x140, s21  }
0xf5: {  	[hbm4b:s29+s19] =	stream.strided.scatter [tilespmem:s26], [sflag:$0x6], $0x400, s20, s19, $0x38;
	[tilespmem:$0x18000] =	vst v63  }
0xf6: {  	s30 =	sadd.s32 $0x12C00, s22;
	s31 =	sadd.s32 $0x160, s21  }
0xf7: {  	[hbm4b:s31+s19] =	stream.strided.scatter [tilespmem:s30], [sflag:$0x6], $0x400, s20, s19, $0x38;
	[tilespmem:$0x18000] =	vst v63  }
0xf8: {  	s0 =	sadd.s32 $0x13000, s22;
	s1 =	sadd.s32 $0x180, s21  }
0xf9: {  	[hbm4b:s1+s19] =	stream.strided.scatter [tilespmem:s0], [sflag:$0x6], $0x400, s20, s19, $0x38;
	[tilespmem:$0x18000] =	vst v63  }
0xfa: {  	p1 =	por p0, p0;
	s26 =	sadd.s32 $0x13400, s22;
	s29 =	sadd.s32 $0x1A0, s21  }
0xfb: {  	[hbm4b:s29+s19] =	stream.strided.scatter [tilespmem:s26], [sflag:$0x6], $0x400, s20, s19, $0x38;
	[tilespmem:$0x18000] =	vst v63  }
.Ltmp4:
0xfc: {  	s30 =	sadd.s32 $0x13800, s22;
	s31 =	sadd.s32 $0x1C0, s21;
	(pc) =	sbr.rel @p1 .LBB2_10-.Ltmp4, $4  }
0xfd: {  	[hbm4b:s31+s19] =	stream.strided.scatter [tilespmem:s30], [sflag:$0x6], $0x400, s20, s19, $0x38;
	[tilespmem:$0x18000] =	vst v63  }
0xfe: {  	s22 =	sadd.s32 $0x13C00, s22;
	s21 =	sadd.s32 $0x1E0, s21  }
0xff: {  	[hbm4b:s21+s19] =	stream.strided.scatter [tilespmem:s22], [sflag:$0x6], $0x400, s20, s19, $0x38;
	[tilespmem:$0x18000] =	vst v63  }
0x100: {  	p0 =	por $0x0, $0x0;
	s21 =	simm.s32 $0x1  }
0x101: {  	s21 =	simm.s32 $0x0;
	p0 =	por $0x1, $0x1;
	s29 =	rddreg [dreg:$0x17]  }
.LBB2_12:
0x102: {  	s22 =	sshll.u32 s21, $0xE  }
0x103: {  	s26 =	sshll.u32 s21, $0xC;
	s22 =	sand.u32 $0x3FFFC000, s22  }
0x104: {  	s21 =	sadd.s32 s26, s29;
	s23 =	sadd.s32 $0x10000, s22  }
0x105: {  	[hbm4b:s21+s19] =	stream.strided.scatter [tilespmem:s23], [sflag:$0x6], $0x400, s20, s19, $0x38;
	[tilespmem:$0x18000] =	vst v63  }
0x106: {  	s28 =	sadd.s32 $0x10400, s22;
	s24 =	sadd.s32 $0x20, s21  }
0x107: {  	[hbm4b:s24+s19] =	stream.strided.scatter [tilespmem:s28], [sflag:$0x6], $0x400, s20, s19, $0x38;
	[tilespmem:$0x18000] =	vst v63  }
0x108: {  	s30 =	sadd.s32 $0x10800, s22;
	s31 =	sadd.s32 $0x40, s21  }
0x109: {  	[hbm4b:s31+s19] =	stream.strided.scatter [tilespmem:s30], [sflag:$0x6], $0x400, s20, s19, $0x38;
	[tilespmem:$0x18000] =	vst v63  }
0x10a: {  	s0 =	sadd.s32 $0x10C00, s22;
	s1 =	sadd.s32 $0x60, s21  }
0x10b: {  	[hbm4b:s1+s19] =	stream.strided.scatter [tilespmem:s0], [sflag:$0x6], $0x400, s20, s19, $0x38;
	[tilespmem:$0x18000] =	vst v63  }
0x10c: {  	s26 =	sadd.s32 $0x11000, s22;
	s28 =	sadd.s32 $0x80, s21  }
0x10d: {  	[hbm4b:s28+s19] =	stream.strided.scatter [tilespmem:s26], [sflag:$0x6], $0x400, s20, s19, $0x38;
	[tilespmem:$0x18000] =	vst v63  }
0x10e: {  	s30 =	sadd.s32 $0x11400, s22;
	s31 =	sadd.s32 $0xA0, s21  }
0x10f: {  	[hbm4b:s31+s19] =	stream.strided.scatter [tilespmem:s30], [sflag:$0x6], $0x400, s20, s19, $0x38;
	[tilespmem:$0x18000] =	vst v63  }
0x110: {  	s0 =	sadd.s32 $0x11800, s22;
	s1 =	sadd.s32 $0xC0, s21  }
0x111: {  	[hbm4b:s1+s19] =	stream.strided.scatter [tilespmem:s0], [sflag:$0x6], $0x400, s20, s19, $0x38;
	[tilespmem:$0x18000] =	vst v63  }
0x112: {  	s26 =	sadd.s32 $0x11C00, s22;
	s28 =	sadd.s32 $0xE0, s21  }
0x113: {  	[hbm4b:s28+s19] =	stream.strided.scatter [tilespmem:s26], [sflag:$0x6], $0x400, s20, s19, $0x38;
	[tilespmem:$0x18000] =	vst v63  }
0x114: {  	s30 =	sadd.s32 $0x12000, s22;
	s31 =	sadd.s32 $0x100, s21  }
0x115: {  	[hbm4b:s31+s19] =	stream.strided.scatter [tilespmem:s30], [sflag:$0x6], $0x400, s20, s19, $0x38;
	[tilespmem:$0x18000] =	vst v63  }
0x116: {  	s0 =	sadd.s32 $0x12400, s22;
	s1 =	sadd.s32 $0x120, s21  }
0x117: {  	[hbm4b:s1+s19] =	stream.strided.scatter [tilespmem:s0], [sflag:$0x6], $0x400, s20, s19, $0x38;
	[tilespmem:$0x18000] =	vst v63  }
0x118: {  	s26 =	sadd.s32 $0x12800, s22;
	s28 =	sadd.s32 $0x140, s21  }
0x119: {  	[hbm4b:s28+s19] =	stream.strided.scatter [tilespmem:s26], [sflag:$0x6], $0x400, s20, s19, $0x38;
	[tilespmem:$0x18000] =	vst v63  }
0x11a: {  	s30 =	sadd.s32 $0x12C00, s22;
	s31 =	sadd.s32 $0x160, s21  }
0x11b: {  	[hbm4b:s31+s19] =	stream.strided.scatter [tilespmem:s30], [sflag:$0x6], $0x400, s20, s19, $0x38;
	[tilespmem:$0x18000] =	vst v63  }
0x11c: {  	s0 =	sadd.s32 $0x13000, s22;
	s1 =	sadd.s32 $0x180, s21  }
0x11d: {  	[hbm4b:s1+s19] =	stream.strided.scatter [tilespmem:s0], [sflag:$0x6], $0x400, s20, s19, $0x38;
	[tilespmem:$0x18000] =	vst v63  }
0x11e: {  	p1 =	por p0, p0;
	s26 =	sadd.s32 $0x13400, s22;
	s28 =	sadd.s32 $0x1A0, s21  }
0x11f: {  	[hbm4b:s28+s19] =	stream.strided.scatter [tilespmem:s26], [sflag:$0x6], $0x400, s20, s19, $0x38;
	[tilespmem:$0x18000] =	vst v63  }
.Ltmp5:
0x120: {  	s30 =	sadd.s32 $0x13800, s22;
	s31 =	sadd.s32 $0x1C0, s21;
	(pc) =	sbr.rel @p1 .LBB2_12-.Ltmp5, $4  }
0x121: {  	[hbm4b:s31+s19] =	stream.strided.scatter [tilespmem:s30], [sflag:$0x6], $0x400, s20, s19, $0x38;
	[tilespmem:$0x18000] =	vst v63  }
0x122: {  	s22 =	sadd.s32 $0x13C00, s22;
	s21 =	sadd.s32 $0x1E0, s21  }
0x123: {  	[hbm4b:s21+s19] =	stream.strided.scatter [tilespmem:s22], [sflag:$0x6], $0x400, s20, s19, $0x38;
	[tilespmem:$0x18000] =	vst v63  }
0x124: {  	p0 =	por $0x0, $0x0;
	s21 =	simm.s32 $0x1  }
0x125: {  	s21 =	simm.s32 $0x6  }
0x126: {  	_ =	swait.ge [sflag:s21], $0x8000  }
0x127: {  	[sflag:s21] =	ssyncset.done $0x0  }
0x128: {  	[sflag:s21] =	ssyncadd.s32 $0xFFFF8000  }
0x129: {  	_ =	swait.ge [sflag:s21], $0x8000  }
0x12a: {  	s23 =	simm.s32 $0x10000;
	s31 =	simm.s32 $0x1;
	[sflag:s21] =	ssyncset.done $0x0  }
0x12b: {  	s22 =	rddreg [dreg:$0x8];
	[sflag:s21] =	ssyncadd.s32 $0xFFFF8000;
	s21 =	simm.s32 $0x0  }
0x12c: {  	[tilespmem:s23], [sflag:$0x3] =	stream.linear.gather [hbm4b:s22+s21], $0x8000, $0x38;
	[tilespmem:$0x18000] =	vst v63  }
0x12d: {  	_ =	swait.ge [sflag:s31], $0x8000  }
0x12e: {  	[sflag:s31] =	ssyncset.done $0x0  }
0x12f: {  	p0 =	por $0x1, $0x1;
	s29 =	rddreg [dreg:$0x18];
	[sflag:s31] =	ssyncadd.s32 $0xFFFF8000  }
.LBB2_14:
0x130: {  	s22 =	sshll.u32 s21, $0xE;
	s28 =	sshll.u32 s21, $0xC  }
0x131: {  	s22 =	sand.u32 $0x3FFFC000, s22;
	s21 =	sadd.s32 s28, s29  }
0x132: {  	[hbm4b:s21+s19] =	stream.strided.scatter [tilespmem:s22], [sflag:$0x4], $0x400, s20, s19, $0x38;
	[tilespmem:$0x18000] =	vst v63  }
0x133: {  	s23 =	sor.u32 $0x400, s22;
	s24 =	sadd.s32 $0x20, s21  }
0x134: {  	[hbm4b:s24+s19] =	stream.strided.scatter [tilespmem:s23], [sflag:$0x4], $0x400, s20, s19, $0x38;
	[tilespmem:$0x18000] =	vst v63  }
0x135: {  	s30 =	sor.u32 $0x800, s22;
	s31 =	sadd.s32 $0x40, s21  }
0x136: {  	[hbm4b:s31+s19] =	stream.strided.scatter [tilespmem:s30], [sflag:$0x4], $0x400, s20, s19, $0x38;
	[tilespmem:$0x18000] =	vst v63  }
0x137: {  	s0 =	sor.u32 $0xC00, s22;
	s1 =	sadd.s32 $0x60, s21  }
0x138: {  	[hbm4b:s1+s19] =	stream.strided.scatter [tilespmem:s0], [sflag:$0x4], $0x400, s20, s19, $0x38;
	[tilespmem:$0x18000] =	vst v63  }
0x139: {  	s26 =	sor.u32 $0x1000, s22;
	s28 =	sadd.s32 $0x80, s21  }
0x13a: {  	[hbm4b:s28+s19] =	stream.strided.scatter [tilespmem:s26], [sflag:$0x4], $0x400, s20, s19, $0x38;
	[tilespmem:$0x18000] =	vst v63  }
0x13b: {  	s30 =	sor.u32 $0x1400, s22;
	s31 =	sadd.s32 $0xA0, s21  }
0x13c: {  	[hbm4b:s31+s19] =	stream.strided.scatter [tilespmem:s30], [sflag:$0x4], $0x400, s20, s19, $0x38;
	[tilespmem:$0x18000] =	vst v63  }
0x13d: {  	s0 =	sor.u32 $0x1800, s22;
	s1 =	sadd.s32 $0xC0, s21  }
0x13e: {  	[hbm4b:s1+s19] =	stream.strided.scatter [tilespmem:s0], [sflag:$0x4], $0x400, s20, s19, $0x38;
	[tilespmem:$0x18000] =	vst v63  }
0x13f: {  	s26 =	sor.u32 $0x1C00, s22;
	s28 =	sadd.s32 $0xE0, s21  }
0x140: {  	[hbm4b:s28+s19] =	stream.strided.scatter [tilespmem:s26], [sflag:$0x4], $0x400, s20, s19, $0x38;
	[tilespmem:$0x18000] =	vst v63  }
0x141: {  	s30 =	sor.u32 $0x2000, s22;
	s31 =	sadd.s32 $0x100, s21  }
0x142: {  	[hbm4b:s31+s19] =	stream.strided.scatter [tilespmem:s30], [sflag:$0x4], $0x400, s20, s19, $0x38;
	[tilespmem:$0x18000] =	vst v63  }
0x143: {  	s0 =	sor.u32 $0x2400, s22;
	s1 =	sadd.s32 $0x120, s21  }
0x144: {  	[hbm4b:s1+s19] =	stream.strided.scatter [tilespmem:s0], [sflag:$0x4], $0x400, s20, s19, $0x38;
	[tilespmem:$0x18000] =	vst v63  }
0x145: {  	s26 =	sor.u32 $0x2800, s22;
	s28 =	sadd.s32 $0x140, s21  }
0x146: {  	[hbm4b:s28+s19] =	stream.strided.scatter [tilespmem:s26], [sflag:$0x4], $0x400, s20, s19, $0x38;
	[tilespmem:$0x18000] =	vst v63  }
0x147: {  	s30 =	sor.u32 $0x2C00, s22;
	s31 =	sadd.s32 $0x160, s21  }
0x148: {  	[hbm4b:s31+s19] =	stream.strided.scatter [tilespmem:s30], [sflag:$0x4], $0x400, s20, s19, $0x38;
	[tilespmem:$0x18000] =	vst v63  }
0x149: {  	s0 =	sor.u32 $0x3000, s22;
	s1 =	sadd.s32 $0x180, s21  }
0x14a: {  	[hbm4b:s1+s19] =	stream.strided.scatter [tilespmem:s0], [sflag:$0x4], $0x400, s20, s19, $0x38;
	[tilespmem:$0x18000] =	vst v63  }
0x14b: {  	p1 =	por p0, p0;
	s26 =	sor.u32 $0x3400, s22;
	s28 =	sadd.s32 $0x1A0, s21  }
0x14c: {  	[hbm4b:s28+s19] =	stream.strided.scatter [tilespmem:s26], [sflag:$0x4], $0x400, s20, s19, $0x38;
	[tilespmem:$0x18000] =	vst v63  }
.Ltmp6:
0x14d: {  	s30 =	sor.u32 $0x3800, s22;
	s31 =	sadd.s32 $0x1C0, s21;
	(pc) =	sbr.rel @p1 .LBB2_14-.Ltmp6, $4  }
0x14e: {  	[hbm4b:s31+s19] =	stream.strided.scatter [tilespmem:s30], [sflag:$0x4], $0x400, s20, s19, $0x38;
	[tilespmem:$0x18000] =	vst v63  }
0x14f: {  	s22 =	sor.u32 $0x3C00, s22;
	s21 =	sadd.s32 $0x1E0, s21  }
0x150: {  	[hbm4b:s21+s19] =	stream.strided.scatter [tilespmem:s22], [sflag:$0x4], $0x400, s20, s19, $0x38;
	[tilespmem:$0x18000] =	vst v63  }
0x151: {  	p0 =	por $0x0, $0x0;
	s21 =	simm.s32 $0x1  }
0x152: {  	s21 =	simm.s32 $0x0;
	p0 =	por $0x1, $0x1;
	s30 =	rddreg [dreg:$0x19]  }
.LBB2_16:
0x153: {  	s22 =	sshll.u32 s21, $0xE;
	s28 =	sshll.u32 s21, $0xC  }
0x154: {  	s22 =	sand.u32 $0x3FFFC000, s22;
	s21 =	sadd.s32 s28, s30  }
0x155: {  	[hbm4b:s21+s19] =	stream.strided.scatter [tilespmem:s22], [sflag:$0x4], $0x400, s20, s19, $0x38;
	[tilespmem:$0x18000] =	vst v63  }
0x156: {  	s23 =	sor.u32 $0x400, s22;
	s24 =	sadd.s32 $0x20, s21  }
0x157: {  	[hbm4b:s24+s19] =	stream.strided.scatter [tilespmem:s23], [sflag:$0x4], $0x400, s20, s19, $0x38;
	[tilespmem:$0x18000] =	vst v63  }
0x158: {  	s29 =	sor.u32 $0x800, s22;
	s31 =	sadd.s32 $0x40, s21  }
0x159: {  	[hbm4b:s31+s19] =	stream.strided.scatter [tilespmem:s29], [sflag:$0x4], $0x400, s20, s19, $0x38;
	[tilespmem:$0x18000] =	vst v63  }
0x15a: {  	s0 =	sor.u32 $0xC00, s22;
	s1 =	sadd.s32 $0x60, s21  }
0x15b: {  	[hbm4b:s1+s19] =	stream.strided.scatter [tilespmem:s0], [sflag:$0x4], $0x400, s20, s19, $0x38;
	[tilespmem:$0x18000] =	vst v63  }
0x15c: {  	s26 =	sor.u32 $0x1000, s22;
	s28 =	sadd.s32 $0x80, s21  }
0x15d: {  	[hbm4b:s28+s19] =	stream.strided.scatter [tilespmem:s26], [sflag:$0x4], $0x400, s20, s19, $0x38;
	[tilespmem:$0x18000] =	vst v63  }
0x15e: {  	s29 =	sor.u32 $0x1400, s22;
	s31 =	sadd.s32 $0xA0, s21  }
0x15f: {  	[hbm4b:s31+s19] =	stream.strided.scatter [tilespmem:s29], [sflag:$0x4], $0x400, s20, s19, $0x38;
	[tilespmem:$0x18000] =	vst v63  }
0x160: {  	s0 =	sor.u32 $0x1800, s22;
	s1 =	sadd.s32 $0xC0, s21  }
0x161: {  	[hbm4b:s1+s19] =	stream.strided.scatter [tilespmem:s0], [sflag:$0x4], $0x400, s20, s19, $0x38;
	[tilespmem:$0x18000] =	vst v63  }
0x162: {  	s26 =	sor.u32 $0x1C00, s22;
	s28 =	sadd.s32 $0xE0, s21  }
0x163: {  	[hbm4b:s28+s19] =	stream.strided.scatter [tilespmem:s26], [sflag:$0x4], $0x400, s20, s19, $0x38;
	[tilespmem:$0x18000] =	vst v63  }
0x164: {  	s29 =	sor.u32 $0x2000, s22;
	s31 =	sadd.s32 $0x100, s21  }
0x165: {  	[hbm4b:s31+s19] =	stream.strided.scatter [tilespmem:s29], [sflag:$0x4], $0x400, s20, s19, $0x38;
	[tilespmem:$0x18000] =	vst v63  }
0x166: {  	s0 =	sor.u32 $0x2400, s22;
	s1 =	sadd.s32 $0x120, s21  }
0x167: {  	[hbm4b:s1+s19] =	stream.strided.scatter [tilespmem:s0], [sflag:$0x4], $0x400, s20, s19, $0x38;
	[tilespmem:$0x18000] =	vst v63  }
0x168: {  	s26 =	sor.u32 $0x2800, s22;
	s28 =	sadd.s32 $0x140, s21  }
0x169: {  	[hbm4b:s28+s19] =	stream.strided.scatter [tilespmem:s26], [sflag:$0x4], $0x400, s20, s19, $0x38;
	[tilespmem:$0x18000] =	vst v63  }
0x16a: {  	s29 =	sor.u32 $0x2C00, s22;
	s31 =	sadd.s32 $0x160, s21  }
0x16b: {  	[hbm4b:s31+s19] =	stream.strided.scatter [tilespmem:s29], [sflag:$0x4], $0x400, s20, s19, $0x38;
	[tilespmem:$0x18000] =	vst v63  }
0x16c: {  	s0 =	sor.u32 $0x3000, s22;
	s1 =	sadd.s32 $0x180, s21  }
0x16d: {  	[hbm4b:s1+s19] =	stream.strided.scatter [tilespmem:s0], [sflag:$0x4], $0x400, s20, s19, $0x38;
	[tilespmem:$0x18000] =	vst v63  }
0x16e: {  	p1 =	por p0, p0;
	s26 =	sor.u32 $0x3400, s22;
	s28 =	sadd.s32 $0x1A0, s21  }
0x16f: {  	[hbm4b:s28+s19] =	stream.strided.scatter [tilespmem:s26], [sflag:$0x4], $0x400, s20, s19, $0x38;
	[tilespmem:$0x18000] =	vst v63  }
.Ltmp7:
0x170: {  	s29 =	sor.u32 $0x3800, s22;
	s31 =	sadd.s32 $0x1C0, s21;
	(pc) =	sbr.rel @p1 .LBB2_16-.Ltmp7, $4  }
0x171: {  	[hbm4b:s31+s19] =	stream.strided.scatter [tilespmem:s29], [sflag:$0x4], $0x400, s20, s19, $0x38;
	[tilespmem:$0x18000] =	vst v63  }
0x172: {  	s22 =	sor.u32 $0x3C00, s22;
	s21 =	sadd.s32 $0x1E0, s21  }
0x173: {  	[hbm4b:s21+s19] =	stream.strided.scatter [tilespmem:s22], [sflag:$0x4], $0x400, s20, s19, $0x38;
	[tilespmem:$0x18000] =	vst v63  }
0x174: {  	p0 =	por $0x0, $0x0;
	s21 =	simm.s32 $0x1  }
0x175: {  	s21 =	simm.s32 $0x4  }
0x176: {  	_ =	swait.ge [sflag:s21], $0x8000  }
0x177: {  	[sflag:s21] =	ssyncset.done $0x0  }
0x178: {  	[sflag:s21] =	ssyncadd.s32 $0xFFFF8000  }
0x179: {  	_ =	swait.ge [sflag:s21], $0x8000  }
0x17a: {  	s31 =	simm.s32 $0x2;
	[sflag:s21] =	ssyncset.done $0x0  }
0x17b: {  	s22 =	rddreg [dreg:$0x9];
	[sflag:s21] =	ssyncadd.s32 $0xFFFF8000;
	s21 =	simm.s32 $0x0  }
0x17c: {  	[tilespmem:s21], [sflag:$0x1] =	stream.linear.gather [hbm4b:s22+s21], $0x8000, $0x38;
	[tilespmem:$0x18000] =	vst v63  }
0x17d: {  	_ =	swait.ge [sflag:s31], $0x8000  }
0x17e: {  	[sflag:s31] =	ssyncset.done $0x0  }
0x17f: {  	p0 =	por $0x1, $0x1;
	s30 =	rddreg [dreg:$0x1a];
	[sflag:s31] =	ssyncadd.s32 $0xFFFF8000  }
.LBB2_18:
0x180: {  	s22 =	sshll.u32 s21, $0xE  }
0x181: {  	s26 =	sshll.u32 s21, $0xC;
	s22 =	sand.u32 $0x3FFFC000, s22  }
0x182: {  	s21 =	sadd.s32 s26, s30;
	s23 =	sadd.s32 $0x8000, s22  }
0x183: {  	[hbm4b:s21+s19] =	stream.strided.scatter [tilespmem:s23], [sflag:$0x5], $0x400, s20, s19, $0x38;
	[tilespmem:$0x18000] =	vst v63  }
0x184: {  	s28 =	sadd.s32 $0x8400, s22;
	s24 =	sadd.s32 $0x20, s21  }
0x185: {  	[hbm4b:s24+s19] =	stream.strided.scatter [tilespmem:s28], [sflag:$0x5], $0x400, s20, s19, $0x38;
	[tilespmem:$0x18000] =	vst v63  }
0x186: {  	s29 =	sadd.s32 $0x8800, s22;
	s31 =	sadd.s32 $0x40, s21  }
0x187: {  	[hbm4b:s31+s19] =	stream.strided.scatter [tilespmem:s29], [sflag:$0x5], $0x400, s20, s19, $0x38;
	[tilespmem:$0x18000] =	vst v63  }
0x188: {  	s0 =	sadd.s32 $0x8C00, s22;
	s1 =	sadd.s32 $0x60, s21  }
0x189: {  	[hbm4b:s1+s19] =	stream.strided.scatter [tilespmem:s0], [sflag:$0x5], $0x400, s20, s19, $0x38;
	[tilespmem:$0x18000] =	vst v63  }
0x18a: {  	s26 =	sadd.s32 $0x9000, s22;
	s28 =	sadd.s32 $0x80, s21  }
0x18b: {  	[hbm4b:s28+s19] =	stream.strided.scatter [tilespmem:s26], [sflag:$0x5], $0x400, s20, s19, $0x38;
	[tilespmem:$0x18000] =	vst v63  }
0x18c: {  	s29 =	sadd.s32 $0x9400, s22;
	s31 =	sadd.s32 $0xA0, s21  }
0x18d: {  	[hbm4b:s31+s19] =	stream.strided.scatter [tilespmem:s29], [sflag:$0x5], $0x400, s20, s19, $0x38;
	[tilespmem:$0x18000] =	vst v63  }
0x18e: {  	s0 =	sadd.s32 $0x9800, s22;
	s1 =	sadd.s32 $0xC0, s21  }
0x18f: {  	[hbm4b:s1+s19] =	stream.strided.scatter [tilespmem:s0], [sflag:$0x5], $0x400, s20, s19, $0x38;
	[tilespmem:$0x18000] =	vst v63  }
0x190: {  	s26 =	sadd.s32 $0x9C00, s22;
	s28 =	sadd.s32 $0xE0, s21  }
0x191: {  	[hbm4b:s28+s19] =	stream.strided.scatter [tilespmem:s26], [sflag:$0x5], $0x400, s20, s19, $0x38;
	[tilespmem:$0x18000] =	vst v63  }
0x192: {  	s29 =	sadd.s32 $0xA000, s22;
	s31 =	sadd.s32 $0x100, s21  }
0x193: {  	[hbm4b:s31+s19] =	stream.strided.scatter [tilespmem:s29], [sflag:$0x5], $0x400, s20, s19, $0x38;
	[tilespmem:$0x18000] =	vst v63  }
0x194: {  	s0 =	sadd.s32 $0xA400, s22;
	s1 =	sadd.s32 $0x120, s21  }
0x195: {  	[hbm4b:s1+s19] =	stream.strided.scatter [tilespmem:s0], [sflag:$0x5], $0x400, s20, s19, $0x38;
	[tilespmem:$0x18000] =	vst v63  }
0x196: {  	s26 =	sadd.s32 $0xA800, s22;
	s28 =	sadd.s32 $0x140, s21  }
0x197: {  	[hbm4b:s28+s19] =	stream.strided.scatter [tilespmem:s26], [sflag:$0x5], $0x400, s20, s19, $0x38;
	[tilespmem:$0x18000] =	vst v63  }
0x198: {  	s29 =	sadd.s32 $0xAC00, s22;
	s31 =	sadd.s32 $0x160, s21  }
0x199: {  	[hbm4b:s31+s19] =	stream.strided.scatter [tilespmem:s29], [sflag:$0x5], $0x400, s20, s19, $0x38;
	[tilespmem:$0x18000] =	vst v63  }
0x19a: {  	s0 =	sadd.s32 $0xB000, s22;
	s1 =	sadd.s32 $0x180, s21  }
0x19b: {  	[hbm4b:s1+s19] =	stream.strided.scatter [tilespmem:s0], [sflag:$0x5], $0x400, s20, s19, $0x38;
	[tilespmem:$0x18000] =	vst v63  }
0x19c: {  	p1 =	por p0, p0;
	s26 =	sadd.s32 $0xB400, s22;
	s28 =	sadd.s32 $0x1A0, s21  }
0x19d: {  	[hbm4b:s28+s19] =	stream.strided.scatter [tilespmem:s26], [sflag:$0x5], $0x400, s20, s19, $0x38;
	[tilespmem:$0x18000] =	vst v63  }
.Ltmp8:
0x19e: {  	s29 =	sadd.s32 $0xB800, s22;
	s31 =	sadd.s32 $0x1C0, s21;
	(pc) =	sbr.rel @p1 .LBB2_18-.Ltmp8, $4  }
0x19f: {  	[hbm4b:s31+s19] =	stream.strided.scatter [tilespmem:s29], [sflag:$0x5], $0x400, s20, s19, $0x38;
	[tilespmem:$0x18000] =	vst v63  }
0x1a0: {  	s22 =	sadd.s32 $0xBC00, s22;
	s21 =	sadd.s32 $0x1E0, s21  }
0x1a1: {  	[hbm4b:s21+s19] =	stream.strided.scatter [tilespmem:s22], [sflag:$0x5], $0x400, s20, s19, $0x38;
	[tilespmem:$0x18000] =	vst v63  }
0x1a2: {  	p0 =	por $0x0, $0x0;
	s21 =	simm.s32 $0x1  }
0x1a3: {  	s21 =	simm.s32 $0x0;
	p0 =	por $0x1, $0x1;
	s31 =	rddreg [dreg:$0x1b]  }
.LBB2_20:
0x1a4: {  	s22 =	sshll.u32 s21, $0xE  }
0x1a5: {  	s26 =	sshll.u32 s21, $0xC;
	s22 =	sand.u32 $0x3FFFC000, s22  }
0x1a6: {  	s21 =	sadd.s32 s26, s31;
	s23 =	sadd.s32 $0x8000, s22  }
0x1a7: {  	[hbm4b:s21+s19] =	stream.strided.scatter [tilespmem:s23], [sflag:$0x5], $0x400, s20, s19, $0x38;
	[tilespmem:$0x18000] =	vst v63  }
0x1a8: {  	s28 =	sadd.s32 $0x8400, s22;
	s24 =	sadd.s32 $0x20, s21  }
0x1a9: {  	[hbm4b:s24+s19] =	stream.strided.scatter [tilespmem:s28], [sflag:$0x5], $0x400, s20, s19, $0x38;
	[tilespmem:$0x18000] =	vst v63  }
0x1aa: {  	s29 =	sadd.s32 $0x8800, s22;
	s30 =	sadd.s32 $0x40, s21  }
0x1ab: {  	[hbm4b:s30+s19] =	stream.strided.scatter [tilespmem:s29], [sflag:$0x5], $0x400, s20, s19, $0x38;
	[tilespmem:$0x18000] =	vst v63  }
0x1ac: {  	s0 =	sadd.s32 $0x8C00, s22;
	s1 =	sadd.s32 $0x60, s21  }
0x1ad: {  	[hbm4b:s1+s19] =	stream.strided.scatter [tilespmem:s0], [sflag:$0x5], $0x400, s20, s19, $0x38;
	[tilespmem:$0x18000] =	vst v63  }
0x1ae: {  	s26 =	sadd.s32 $0x9000, s22;
	s28 =	sadd.s32 $0x80, s21  }
0x1af: {  	[hbm4b:s28+s19] =	stream.strided.scatter [tilespmem:s26], [sflag:$0x5], $0x400, s20, s19, $0x38;
	[tilespmem:$0x18000] =	vst v63  }
0x1b0: {  	s29 =	sadd.s32 $0x9400, s22;
	s30 =	sadd.s32 $0xA0, s21  }
0x1b1: {  	[hbm4b:s30+s19] =	stream.strided.scatter [tilespmem:s29], [sflag:$0x5], $0x400, s20, s19, $0x38;
	[tilespmem:$0x18000] =	vst v63  }
0x1b2: {  	s0 =	sadd.s32 $0x9800, s22;
	s1 =	sadd.s32 $0xC0, s21  }
0x1b3: {  	[hbm4b:s1+s19] =	stream.strided.scatter [tilespmem:s0], [sflag:$0x5], $0x400, s20, s19, $0x38;
	[tilespmem:$0x18000] =	vst v63  }
0x1b4: {  	s26 =	sadd.s32 $0x9C00, s22;
	s28 =	sadd.s32 $0xE0, s21  }
0x1b5: {  	[hbm4b:s28+s19] =	stream.strided.scatter [tilespmem:s26], [sflag:$0x5], $0x400, s20, s19, $0x38;
	[tilespmem:$0x18000] =	vst v63  }
0x1b6: {  	s29 =	sadd.s32 $0xA000, s22;
	s30 =	sadd.s32 $0x100, s21  }
0x1b7: {  	[hbm4b:s30+s19] =	stream.strided.scatter [tilespmem:s29], [sflag:$0x5], $0x400, s20, s19, $0x38;
	[tilespmem:$0x18000] =	vst v63  }
0x1b8: {  	s0 =	sadd.s32 $0xA400, s22;
	s1 =	sadd.s32 $0x120, s21  }
0x1b9: {  	[hbm4b:s1+s19] =	stream.strided.scatter [tilespmem:s0], [sflag:$0x5], $0x400, s20, s19, $0x38;
	[tilespmem:$0x18000] =	vst v63  }
0x1ba: {  	s26 =	sadd.s32 $0xA800, s22;
	s28 =	sadd.s32 $0x140, s21  }
0x1bb: {  	[hbm4b:s28+s19] =	stream.strided.scatter [tilespmem:s26], [sflag:$0x5], $0x400, s20, s19, $0x38;
	[tilespmem:$0x18000] =	vst v63  }
0x1bc: {  	s29 =	sadd.s32 $0xAC00, s22;
	s30 =	sadd.s32 $0x160, s21  }
0x1bd: {  	[hbm4b:s30+s19] =	stream.strided.scatter [tilespmem:s29], [sflag:$0x5], $0x400, s20, s19, $0x38;
	[tilespmem:$0x18000] =	vst v63  }
0x1be: {  	s0 =	sadd.s32 $0xB000, s22;
	s1 =	sadd.s32 $0x180, s21  }
0x1bf: {  	[hbm4b:s1+s19] =	stream.strided.scatter [tilespmem:s0], [sflag:$0x5], $0x400, s20, s19, $0x38;
	[tilespmem:$0x18000] =	vst v63  }
0x1c0: {  	p1 =	por p0, p0;
	s26 =	sadd.s32 $0xB400, s22;
	s28 =	sadd.s32 $0x1A0, s21  }
0x1c1: {  	[hbm4b:s28+s19] =	stream.strided.scatter [tilespmem:s26], [sflag:$0x5], $0x400, s20, s19, $0x38;
	[tilespmem:$0x18000] =	vst v63  }
.Ltmp9:
0x1c2: {  	s29 =	sadd.s32 $0xB800, s22;
	s30 =	sadd.s32 $0x1C0, s21;
	(pc) =	sbr.rel @p1 .LBB2_20-.Ltmp9, $4  }
0x1c3: {  	[hbm4b:s30+s19] =	stream.strided.scatter [tilespmem:s29], [sflag:$0x5], $0x400, s20, s19, $0x38;
	[tilespmem:$0x18000] =	vst v63  }
0x1c4: {  	s22 =	sadd.s32 $0xBC00, s22;
	s21 =	sadd.s32 $0x1E0, s21  }
0x1c5: {  	[hbm4b:s21+s19] =	stream.strided.scatter [tilespmem:s22], [sflag:$0x5], $0x400, s20, s19, $0x38;
	[tilespmem:$0x18000] =	vst v63  }
0x1c6: {  	p0 =	por $0x0, $0x0;
	s21 =	simm.s32 $0x1  }
0x1c7: {  	s0 =	simm.s32 $0x5  }
0x1c8: {  	_ =	swait.ge [sflag:s0], $0x8000  }
0x1c9: {  	[sflag:s0] =	ssyncset.done $0x0  }
0x1ca: {  	[sflag:s0] =	ssyncadd.s32 $0xFFFF8000  }
0x1cb: {  	_ =	swait.ge [sflag:s0], $0x8000  }
0x1cc: {  	s21 =	simm.s32 $0x0;
	s29 =	simm.s32 $0x8000;
	[sflag:s0] =	ssyncset.done $0x0  }
0x1cd: {  	s30 =	simm.s32 $0x3;
	s22 =	rddreg [dreg:$0xa];
	[sflag:s0] =	ssyncadd.s32 $0xFFFF8000  }
0x1ce: {  	[tilespmem:s29], [sflag:$0x2] =	stream.linear.gather [hbm4b:s22+s21], $0x8000, $0x38;
	[tilespmem:$0x18000] =	vst v63  }
0x1cf: {  	_ =	swait.ge [sflag:s30], $0x8000  }
0x1d0: {  	[sflag:s30] =	ssyncset.done $0x0  }
0x1d1: {  	p0 =	por $0x1, $0x1;
	s31 =	rddreg [dreg:$0x1c];
	[sflag:s30] =	ssyncadd.s32 $0xFFFF8000  }
.LBB2_22:
0x1d2: {  	s22 =	sshll.u32 s21, $0xE  }
0x1d3: {  	s26 =	sshll.u32 s21, $0xC;
	s22 =	sand.u32 $0x3FFFC000, s22  }
0x1d4: {  	s21 =	sadd.s32 s26, s31;
	s23 =	sadd.s32 $0x10000, s22  }
0x1d5: {  	[hbm4b:s21+s19] =	stream.strided.scatter [tilespmem:s23], [sflag:$0x6], $0x400, s20, s19, $0x38;
	[tilespmem:$0x18000] =	vst v63  }
0x1d6: {  	s28 =	sadd.s32 $0x10400, s22;
	s24 =	sadd.s32 $0x20, s21  }
0x1d7: {  	[hbm4b:s24+s19] =	stream.strided.scatter [tilespmem:s28], [sflag:$0x6], $0x400, s20, s19, $0x38;
	[tilespmem:$0x18000] =	vst v63  }
0x1d8: {  	s29 =	sadd.s32 $0x10800, s22;
	s30 =	sadd.s32 $0x40, s21  }
0x1d9: {  	[hbm4b:s30+s19] =	stream.strided.scatter [tilespmem:s29], [sflag:$0x6], $0x400, s20, s19, $0x38;
	[tilespmem:$0x18000] =	vst v63  }
0x1da: {  	s0 =	sadd.s32 $0x10C00, s22;
	s1 =	sadd.s32 $0x60, s21  }
0x1db: {  	[hbm4b:s1+s19] =	stream.strided.scatter [tilespmem:s0], [sflag:$0x6], $0x400, s20, s19, $0x38;
	[tilespmem:$0x18000] =	vst v63  }
0x1dc: {  	s26 =	sadd.s32 $0x11000, s22;
	s28 =	sadd.s32 $0x80, s21  }
0x1dd: {  	[hbm4b:s28+s19] =	stream.strided.scatter [tilespmem:s26], [sflag:$0x6], $0x400, s20, s19, $0x38;
	[tilespmem:$0x18000] =	vst v63  }
0x1de: {  	s29 =	sadd.s32 $0x11400, s22;
	s30 =	sadd.s32 $0xA0, s21  }
0x1df: {  	[hbm4b:s30+s19] =	stream.strided.scatter [tilespmem:s29], [sflag:$0x6], $0x400, s20, s19, $0x38;
	[tilespmem:$0x18000] =	vst v63  }
0x1e0: {  	s0 =	sadd.s32 $0x11800, s22;
	s1 =	sadd.s32 $0xC0, s21  }
0x1e1: {  	[hbm4b:s1+s19] =	stream.strided.scatter [tilespmem:s0], [sflag:$0x6], $0x400, s20, s19, $0x38;
	[tilespmem:$0x18000] =	vst v63  }
0x1e2: {  	s26 =	sadd.s32 $0x11C00, s22;
	s28 =	sadd.s32 $0xE0, s21  }
0x1e3: {  	[hbm4b:s28+s19] =	stream.strided.scatter [tilespmem:s26], [sflag:$0x6], $0x400, s20, s19, $0x38;
	[tilespmem:$0x18000] =	vst v63  }
0x1e4: {  	s29 =	sadd.s32 $0x12000, s22;
	s30 =	sadd.s32 $0x100, s21  }
0x1e5: {  	[hbm4b:s30+s19] =	stream.strided.scatter [tilespmem:s29], [sflag:$0x6], $0x400, s20, s19, $0x38;
	[tilespmem:$0x18000] =	vst v63  }
0x1e6: {  	s0 =	sadd.s32 $0x12400, s22;
	s1 =	sadd.s32 $0x120, s21  }
0x1e7: {  	[hbm4b:s1+s19] =	stream.strided.scatter [tilespmem:s0], [sflag:$0x6], $0x400, s20, s19, $0x38;
	[tilespmem:$0x18000] =	vst v63  }
0x1e8: {  	s26 =	sadd.s32 $0x12800, s22;
	s28 =	sadd.s32 $0x140, s21  }
0x1e9: {  	[hbm4b:s28+s19] =	stream.strided.scatter [tilespmem:s26], [sflag:$0x6], $0x400, s20, s19, $0x38;
	[tilespmem:$0x18000] =	vst v63  }
0x1ea: {  	s29 =	sadd.s32 $0x12C00, s22;
	s30 =	sadd.s32 $0x160, s21  }
0x1eb: {  	[hbm4b:s30+s19] =	stream.strided.scatter [tilespmem:s29], [sflag:$0x6], $0x400, s20, s19, $0x38;
	[tilespmem:$0x18000] =	vst v63  }
0x1ec: {  	s0 =	sadd.s32 $0x13000, s22;
	s1 =	sadd.s32 $0x180, s21  }
0x1ed: {  	[hbm4b:s1+s19] =	stream.strided.scatter [tilespmem:s0], [sflag:$0x6], $0x400, s20, s19, $0x38;
	[tilespmem:$0x18000] =	vst v63  }
0x1ee: {  	p1 =	por p0, p0;
	s26 =	sadd.s32 $0x13400, s22;
	s28 =	sadd.s32 $0x1A0, s21  }
0x1ef: {  	[hbm4b:s28+s19] =	stream.strided.scatter [tilespmem:s26], [sflag:$0x6], $0x400, s20, s19, $0x38;
	[tilespmem:$0x18000] =	vst v63  }
.Ltmp10:
0x1f0: {  	s29 =	sadd.s32 $0x13800, s22;
	s30 =	sadd.s32 $0x1C0, s21;
	(pc) =	sbr.rel @p1 .LBB2_22-.Ltmp10, $4  }
0x1f1: {  	[hbm4b:s30+s19] =	stream.strided.scatter [tilespmem:s29], [sflag:$0x6], $0x400, s20, s19, $0x38;
	[tilespmem:$0x18000] =	vst v63  }
0x1f2: {  	s22 =	sadd.s32 $0x13C00, s22;
	s21 =	sadd.s32 $0x1E0, s21  }
0x1f3: {  	[hbm4b:s21+s19] =	stream.strided.scatter [tilespmem:s22], [sflag:$0x6], $0x400, s20, s19, $0x38;
	[tilespmem:$0x18000] =	vst v63  }
0x1f4: {  	p0 =	por $0x0, $0x0;
	s21 =	simm.s32 $0x1  }
0x1f5: {  	s21 =	simm.s32 $0x0;
	p0 =	por $0x1, $0x1;
	s0 =	rddreg [dreg:$0x1d]  }
.LBB2_24:
0x1f6: {  	s22 =	sshll.u32 s21, $0xE  }
0x1f7: {  	s29 =	sshll.u32 s21, $0xC;
	s22 =	sand.u32 $0x3FFFC000, s22  }
0x1f8: {  	s21 =	sadd.s32 s29, s0;
	s23 =	sadd.s32 $0x10000, s22  }
0x1f9: {  	[hbm4b:s21+s19] =	stream.strided.scatter [tilespmem:s23], [sflag:$0x6], $0x400, s20, s19, $0x38;
	[tilespmem:$0x18000] =	vst v63  }
0x1fa: {  	s30 =	sadd.s32 $0x10400, s22;
	s24 =	sadd.s32 $0x20, s21  }
0x1fb: {  	[hbm4b:s24+s19] =	stream.strided.scatter [tilespmem:s30], [sflag:$0x6], $0x400, s20, s19, $0x38;
	[tilespmem:$0x18000] =	vst v63  }
0x1fc: {  	s31 =	sadd.s32 $0x10800, s22;
	s1 =	sadd.s32 $0x40, s21  }
0x1fd: {  	[hbm4b:s1+s19] =	stream.strided.scatter [tilespmem:s31], [sflag:$0x6], $0x400, s20, s19, $0x38;
	[tilespmem:$0x18000] =	vst v63  }
0x1fe: {  	s26 =	sadd.s32 $0x10C00, s22;
	s28 =	sadd.s32 $0x60, s21  }
0x1ff: {  	[hbm4b:s28+s19] =	stream.strided.scatter [tilespmem:s26], [sflag:$0x6], $0x400, s20, s19, $0x38;
	[tilespmem:$0x18000] =	vst v63  }
0x200: {  	s29 =	sadd.s32 $0x11000, s22;
	s30 =	sadd.s32 $0x80, s21  }
0x201: {  	[hbm4b:s30+s19] =	stream.strided.scatter [tilespmem:s29], [sflag:$0x6], $0x400, s20, s19, $0x38;
	[tilespmem:$0x18000] =	vst v63  }
0x202: {  	s31 =	sadd.s32 $0x11400, s22;
	s1 =	sadd.s32 $0xA0, s21  }
0x203: {  	[hbm4b:s1+s19] =	stream.strided.scatter [tilespmem:s31], [sflag:$0x6], $0x400, s20, s19, $0x38;
	[tilespmem:$0x18000] =	vst v63  }
0x204: {  	s26 =	sadd.s32 $0x11800, s22;
	s28 =	sadd.s32 $0xC0, s21  }
0x205: {  	[hbm4b:s28+s19] =	stream.strided.scatter [tilespmem:s26], [sflag:$0x6], $0x400, s20, s19, $0x38;
	[tilespmem:$0x18000] =	vst v63  }
0x206: {  	s29 =	sadd.s32 $0x11C00, s22;
	s30 =	sadd.s32 $0xE0, s21  }
0x207: {  	[hbm4b:s30+s19] =	stream.strided.scatter [tilespmem:s29], [sflag:$0x6], $0x400, s20, s19, $0x38;
	[tilespmem:$0x18000] =	vst v63  }
0x208: {  	s31 =	sadd.s32 $0x12000, s22;
	s1 =	sadd.s32 $0x100, s21  }
0x209: {  	[hbm4b:s1+s19] =	stream.strided.scatter [tilespmem:s31], [sflag:$0x6], $0x400, s20, s19, $0x38;
	[tilespmem:$0x18000] =	vst v63  }
0x20a: {  	s26 =	sadd.s32 $0x12400, s22;
	s28 =	sadd.s32 $0x120, s21  }
0x20b: {  	[hbm4b:s28+s19] =	stream.strided.scatter [tilespmem:s26], [sflag:$0x6], $0x400, s20, s19, $0x38;
	[tilespmem:$0x18000] =	vst v63  }
0x20c: {  	s29 =	sadd.s32 $0x12800, s22;
	s30 =	sadd.s32 $0x140, s21  }
0x20d: {  	[hbm4b:s30+s19] =	stream.strided.scatter [tilespmem:s29], [sflag:$0x6], $0x400, s20, s19, $0x38;
	[tilespmem:$0x18000] =	vst v63  }
0x20e: {  	s31 =	sadd.s32 $0x12C00, s22;
	s1 =	sadd.s32 $0x160, s21  }
0x20f: {  	[hbm4b:s1+s19] =	stream.strided.scatter [tilespmem:s31], [sflag:$0x6], $0x400, s20, s19, $0x38;
	[tilespmem:$0x18000] =	vst v63  }
0x210: {  	s24 =	sadd.s32 $0x13000, s22;
	s26 =	sadd.s32 $0x180, s21  }
0x211: {  	[hbm4b:s26+s19] =	stream.strided.scatter [tilespmem:s24], [sflag:$0x6], $0x400, s20, s19, $0x38;
	[tilespmem:$0x18000] =	vst v63  }
0x212: {  	p1 =	por p0, p0;
	s28 =	sadd.s32 $0x13400, s22;
	s29 =	sadd.s32 $0x1A0, s21  }
0x213: {  	[hbm4b:s29+s19] =	stream.strided.scatter [tilespmem:s28], [sflag:$0x6], $0x400, s20, s19, $0x38;
	[tilespmem:$0x18000] =	vst v63  }
.Ltmp11:
0x214: {  	s30 =	sadd.s32 $0x13800, s22;
	s31 =	sadd.s32 $0x1C0, s21;
	(pc) =	sbr.rel @p1 .LBB2_24-.Ltmp11, $4  }
0x215: {  	[hbm4b:s31+s19] =	stream.strided.scatter [tilespmem:s30], [sflag:$0x6], $0x400, s20, s19, $0x38;
	[tilespmem:$0x18000] =	vst v63  }
0x216: {  	s22 =	sadd.s32 $0x13C00, s22;
	s21 =	sadd.s32 $0x1E0, s21  }
0x217: {  	[hbm4b:s21+s19] =	stream.strided.scatter [tilespmem:s22], [sflag:$0x6], $0x400, s20, s19, $0x38;
	[tilespmem:$0x18000] =	vst v63  }
0x218: {  	p0 =	por $0x0, $0x0;
	s21 =	simm.s32 $0x1  }
0x219: {  	s0 =	simm.s32 $0x6  }
0x21a: {  	_ =	swait.ge [sflag:s0], $0x8000  }
0x21b: {  	[sflag:s0] =	ssyncset.done $0x0  }
0x21c: {  	[sflag:s0] =	ssyncadd.s32 $0xFFFF8000  }
0x21d: {  	_ =	swait.ge [sflag:s0], $0x8000  }
0x21e: {  	s21 =	simm.s32 $0x0;
	s30 =	simm.s32 $0x10000;
	[sflag:s0] =	ssyncset.done $0x0  }
0x21f: {  	s31 =	simm.s32 $0x1;
	s22 =	rddreg [dreg:$0xb];
	[sflag:s0] =	ssyncadd.s32 $0xFFFF8000  }
0x220: {  	[tilespmem:s30], [sflag:$0x3] =	stream.linear.gather [hbm4b:s22+s21], $0x8000, $0x38;
	[tilespmem:$0x18000] =	vst v63  }
0x221: {  	_ =	swait.ge [sflag:s31], $0x8000  }
0x222: {  	[sflag:s31] =	ssyncset.done $0x0  }
0x223: {  	p0 =	por $0x1, $0x1;
	s0 =	rddreg [dreg:$0x1e];
	[sflag:s31] =	ssyncadd.s32 $0xFFFF8000  }
.LBB2_26:
0x224: {  	s22 =	sshll.u32 s21, $0xE;
	s30 =	sshll.u32 s21, $0xC  }
0x225: {  	s22 =	sand.u32 $0x3FFFC000, s22;
	s21 =	sadd.s32 s30, s0  }
0x226: {  	[hbm4b:s21+s19] =	stream.strided.scatter [tilespmem:s22], [sflag:$0x4], $0x400, s20, s19, $0x38;
	[tilespmem:$0x18000] =	vst v63  }
0x227: {  	s23 =	sor.u32 $0x400, s22;
	s24 =	sadd.s32 $0x20, s21  }
0x228: {  	[hbm4b:s24+s19] =	stream.strided.scatter [tilespmem:s23], [sflag:$0x4], $0x400, s20, s19, $0x38;
	[tilespmem:$0x18000] =	vst v63  }
0x229: {  	s31 =	sor.u32 $0x800, s22;
	s1 =	sadd.s32 $0x40, s21  }
0x22a: {  	[hbm4b:s1+s19] =	stream.strided.scatter [tilespmem:s31], [sflag:$0x4], $0x400, s20, s19, $0x38;
	[tilespmem:$0x18000] =	vst v63  }
0x22b: {  	s26 =	sor.u32 $0xC00, s22;
	s28 =	sadd.s32 $0x60, s21  }
0x22c: {  	[hbm4b:s28+s19] =	stream.strided.scatter [tilespmem:s26], [sflag:$0x4], $0x400, s20, s19, $0x38;
	[tilespmem:$0x18000] =	vst v63  }
0x22d: {  	s29 =	sor.u32 $0x1000, s22;
	s30 =	sadd.s32 $0x80, s21  }
0x22e: {  	[hbm4b:s30+s19] =	stream.strided.scatter [tilespmem:s29], [sflag:$0x4], $0x400, s20, s19, $0x38;
	[tilespmem:$0x18000] =	vst v63  }
0x22f: {  	s31 =	sor.u32 $0x1400, s22;
	s1 =	sadd.s32 $0xA0, s21  }
0x230: {  	[hbm4b:s1+s19] =	stream.strided.scatter [tilespmem:s31], [sflag:$0x4], $0x400, s20, s19, $0x38;
	[tilespmem:$0x18000] =	vst v63  }
0x231: {  	s26 =	sor.u32 $0x1800, s22;
	s28 =	sadd.s32 $0xC0, s21  }
0x232: {  	[hbm4b:s28+s19] =	stream.strided.scatter [tilespmem:s26], [sflag:$0x4], $0x400, s20, s19, $0x38;
	[tilespmem:$0x18000] =	vst v63  }
0x233: {  	s29 =	sor.u32 $0x1C00, s22;
	s30 =	sadd.s32 $0xE0, s21  }
0x234: {  	[hbm4b:s30+s19] =	stream.strided.scatter [tilespmem:s29], [sflag:$0x4], $0x400, s20, s19, $0x38;
	[tilespmem:$0x18000] =	vst v63  }
0x235: {  	s31 =	sor.u32 $0x2000, s22;
	s1 =	sadd.s32 $0x100, s21  }
0x236: {  	[hbm4b:s1+s19] =	stream.strided.scatter [tilespmem:s31], [sflag:$0x4], $0x400, s20, s19, $0x38;
	[tilespmem:$0x18000] =	vst v63  }
0x237: {  	s26 =	sor.u32 $0x2400, s22;
	s28 =	sadd.s32 $0x120, s21  }
0x238: {  	[hbm4b:s28+s19] =	stream.strided.scatter [tilespmem:s26], [sflag:$0x4], $0x400, s20, s19, $0x38;
	[tilespmem:$0x18000] =	vst v63  }
0x239: {  	s29 =	sor.u32 $0x2800, s22;
	s30 =	sadd.s32 $0x140, s21  }
0x23a: {  	[hbm4b:s30+s19] =	stream.strided.scatter [tilespmem:s29], [sflag:$0x4], $0x400, s20, s19, $0x38;
	[tilespmem:$0x18000] =	vst v63  }
0x23b: {  	s31 =	sor.u32 $0x2C00, s22;
	s1 =	sadd.s32 $0x160, s21  }
0x23c: {  	[hbm4b:s1+s19] =	stream.strided.scatter [tilespmem:s31], [sflag:$0x4], $0x400, s20, s19, $0x38;
	[tilespmem:$0x18000] =	vst v63  }
0x23d: {  	s24 =	sor.u32 $0x3000, s22;
	s26 =	sadd.s32 $0x180, s21  }
0x23e: {  	[hbm4b:s26+s19] =	stream.strided.scatter [tilespmem:s24], [sflag:$0x4], $0x400, s20, s19, $0x38;
	[tilespmem:$0x18000] =	vst v63  }
0x23f: {  	p1 =	por p0, p0;
	s28 =	sor.u32 $0x3400, s22;
	s29 =	sadd.s32 $0x1A0, s21  }
0x240: {  	[hbm4b:s29+s19] =	stream.strided.scatter [tilespmem:s28], [sflag:$0x4], $0x400, s20, s19, $0x38;
	[tilespmem:$0x18000] =	vst v63  }
.Ltmp12:
0x241: {  	s30 =	sor.u32 $0x3800, s22;
	s31 =	sadd.s32 $0x1C0, s21;
	(pc) =	sbr.rel @p1 .LBB2_26-.Ltmp12, $4  }
0x242: {  	[hbm4b:s31+s19] =	stream.strided.scatter [tilespmem:s30], [sflag:$0x4], $0x400, s20, s19, $0x38;
	[tilespmem:$0x18000] =	vst v63  }
0x243: {  	s22 =	sor.u32 $0x3C00, s22;
	s21 =	sadd.s32 $0x1E0, s21  }
0x244: {  	[hbm4b:s21+s19] =	stream.strided.scatter [tilespmem:s22], [sflag:$0x4], $0x400, s20, s19, $0x38;
	[tilespmem:$0x18000] =	vst v63  }
0x245: {  	p0 =	por $0x0, $0x0;
	s21 =	simm.s32 $0x1  }
0x246: {  	s21 =	simm.s32 $0x0;
	p0 =	por $0x1, $0x1;
	s1 =	rddreg [dreg:$0x1f]  }
.LBB2_28:
0x247: {  	s22 =	sshll.u32 s21, $0xE;
	s30 =	sshll.u32 s21, $0xC  }
0x248: {  	s22 =	sand.u32 $0x3FFFC000, s22;
	s21 =	sadd.s32 s30, s1  }
0x249: {  	[hbm4b:s21+s19] =	stream.strided.scatter [tilespmem:s22], [sflag:$0x4], $0x400, s20, s19, $0x38;
	[tilespmem:$0x18000] =	vst v63  }
0x24a: {  	s23 =	sor.u32 $0x400, s22;
	s24 =	sadd.s32 $0x20, s21  }
0x24b: {  	[hbm4b:s24+s19] =	stream.strided.scatter [tilespmem:s23], [sflag:$0x4], $0x400, s20, s19, $0x38;
	[tilespmem:$0x18000] =	vst v63  }
0x24c: {  	s31 =	sor.u32 $0x800, s22;
	s0 =	sadd.s32 $0x40, s21  }
0x24d: {  	[hbm4b:s0+s19] =	stream.strided.scatter [tilespmem:s31], [sflag:$0x4], $0x400, s20, s19, $0x38;
	[tilespmem:$0x18000] =	vst v63  }
0x24e: {  	s26 =	sor.u32 $0xC00, s22;
	s28 =	sadd.s32 $0x60, s21  }
0x24f: {  	[hbm4b:s28+s19] =	stream.strided.scatter [tilespmem:s26], [sflag:$0x4], $0x400, s20, s19, $0x38;
	[tilespmem:$0x18000] =	vst v63  }
0x250: {  	s29 =	sor.u32 $0x1000, s22;
	s30 =	sadd.s32 $0x80, s21  }
0x251: {  	[hbm4b:s30+s19] =	stream.strided.scatter [tilespmem:s29], [sflag:$0x4], $0x400, s20, s19, $0x38;
	[tilespmem:$0x18000] =	vst v63  }
0x252: {  	s31 =	sor.u32 $0x1400, s22;
	s0 =	sadd.s32 $0xA0, s21  }
0x253: {  	[hbm4b:s0+s19] =	stream.strided.scatter [tilespmem:s31], [sflag:$0x4], $0x400, s20, s19, $0x38;
	[tilespmem:$0x18000] =	vst v63  }
0x254: {  	s26 =	sor.u32 $0x1800, s22;
	s28 =	sadd.s32 $0xC0, s21  }
0x255: {  	[hbm4b:s28+s19] =	stream.strided.scatter [tilespmem:s26], [sflag:$0x4], $0x400, s20, s19, $0x38;
	[tilespmem:$0x18000] =	vst v63  }
0x256: {  	s29 =	sor.u32 $0x1C00, s22;
	s30 =	sadd.s32 $0xE0, s21  }
0x257: {  	[hbm4b:s30+s19] =	stream.strided.scatter [tilespmem:s29], [sflag:$0x4], $0x400, s20, s19, $0x38;
	[tilespmem:$0x18000] =	vst v63  }
0x258: {  	s31 =	sor.u32 $0x2000, s22;
	s0 =	sadd.s32 $0x100, s21  }
0x259: {  	[hbm4b:s0+s19] =	stream.strided.scatter [tilespmem:s31], [sflag:$0x4], $0x400, s20, s19, $0x38;
	[tilespmem:$0x18000] =	vst v63  }
0x25a: {  	s26 =	sor.u32 $0x2400, s22;
	s28 =	sadd.s32 $0x120, s21  }
0x25b: {  	[hbm4b:s28+s19] =	stream.strided.scatter [tilespmem:s26], [sflag:$0x4], $0x400, s20, s19, $0x38;
	[tilespmem:$0x18000] =	vst v63  }
0x25c: {  	s29 =	sor.u32 $0x2800, s22;
	s30 =	sadd.s32 $0x140, s21  }
0x25d: {  	[hbm4b:s30+s19] =	stream.strided.scatter [tilespmem:s29], [sflag:$0x4], $0x400, s20, s19, $0x38;
	[tilespmem:$0x18000] =	vst v63  }
0x25e: {  	s31 =	sor.u32 $0x2C00, s22;
	s0 =	sadd.s32 $0x160, s21  }
0x25f: {  	[hbm4b:s0+s19] =	stream.strided.scatter [tilespmem:s31], [sflag:$0x4], $0x400, s20, s19, $0x38;
	[tilespmem:$0x18000] =	vst v63  }
0x260: {  	s24 =	sor.u32 $0x3000, s22;
	s26 =	sadd.s32 $0x180, s21  }
0x261: {  	[hbm4b:s26+s19] =	stream.strided.scatter [tilespmem:s24], [sflag:$0x4], $0x400, s20, s19, $0x38;
	[tilespmem:$0x18000] =	vst v63  }
0x262: {  	p1 =	por p0, p0;
	s28 =	sor.u32 $0x3400, s22;
	s29 =	sadd.s32 $0x1A0, s21  }
0x263: {  	[hbm4b:s29+s19] =	stream.strided.scatter [tilespmem:s28], [sflag:$0x4], $0x400, s20, s19, $0x38;
	[tilespmem:$0x18000] =	vst v63  }
.Ltmp13:
0x264: {  	s30 =	sor.u32 $0x3800, s22;
	s31 =	sadd.s32 $0x1C0, s21;
	(pc) =	sbr.rel @p1 .LBB2_28-.Ltmp13, $4  }
0x265: {  	[hbm4b:s31+s19] =	stream.strided.scatter [tilespmem:s30], [sflag:$0x4], $0x400, s20, s19, $0x38;
	[tilespmem:$0x18000] =	vst v63  }
0x266: {  	s22 =	sor.u32 $0x3C00, s22;
	s21 =	sadd.s32 $0x1E0, s21  }
0x267: {  	[hbm4b:s21+s19] =	stream.strided.scatter [tilespmem:s22], [sflag:$0x4], $0x400, s20, s19, $0x38;
	[tilespmem:$0x18000] =	vst v63  }
0x268: {  	p0 =	por $0x0, $0x0;
	s21 =	simm.s32 $0x1  }
0x269: {  	s1 =	simm.s32 $0x4  }
0x26a: {  	_ =	swait.ge [sflag:s1], $0x8000  }
0x26b: {  	[sflag:s1] =	ssyncset.done $0x0  }
0x26c: {  	[sflag:s1] =	ssyncadd.s32 $0xFFFF8000  }
0x26d: {  	_ =	swait.ge [sflag:s1], $0x8000  }
0x26e: {  	s21 =	simm.s32 $0x0;
	[sflag:s1] =	ssyncset.done $0x0  }
0x26f: {  	s31 =	simm.s32 $0x2;
	s22 =	rddreg [dreg:$0xc];
	[sflag:s1] =	ssyncadd.s32 $0xFFFF8000  }
0x270: {  	[tilespmem:s21], [sflag:$0x1] =	stream.linear.gather [hbm4b:s22+s21], $0x8000, $0x38;
	[tilespmem:$0x18000] =	vst v63  }
0x271: {  	_ =	swait.ge [sflag:s31], $0x8000  }
0x272: {  	[sflag:s31] =	ssyncset.done $0x0  }
0x273: {  	p0 =	por $0x1, $0x1;
	s1 =	sld [smem:$0x7FD];
	[sflag:s31] =	ssyncadd.s32 $0xFFFF8000  }
.LBB2_30:
0x274: {  	s22 =	sshll.u32 s21, $0xE  }
0x275: {  	s29 =	sshll.u32 s21, $0xC;
	s22 =	sand.u32 $0x3FFFC000, s22  }
0x276: {  	s21 =	sadd.s32 s29, s1;
	s23 =	sadd.s32 $0x8000, s22  }
0x277: {  	[hbm4b:s21+s19] =	stream.strided.scatter [tilespmem:s23], [sflag:$0x5], $0x400, s20, s19, $0x38;
	[tilespmem:$0x18000] =	vst v63  }
0x278: {  	s30 =	sadd.s32 $0x8400, s22;
	s24 =	sadd.s32 $0x20, s21  }
0x279: {  	[hbm4b:s24+s19] =	stream.strided.scatter [tilespmem:s30], [sflag:$0x5], $0x400, s20, s19, $0x38;
	[tilespmem:$0x18000] =	vst v63  }
0x27a: {  	s31 =	sadd.s32 $0x8800, s22;
	s0 =	sadd.s32 $0x40, s21  }
0x27b: {  	[hbm4b:s0+s19] =	stream.strided.scatter [tilespmem:s31], [sflag:$0x5], $0x400, s20, s19, $0x38;
	[tilespmem:$0x18000] =	vst v63  }
0x27c: {  	s26 =	sadd.s32 $0x8C00, s22;
	s28 =	sadd.s32 $0x60, s21  }
0x27d: {  	[hbm4b:s28+s19] =	stream.strided.scatter [tilespmem:s26], [sflag:$0x5], $0x400, s20, s19, $0x38;
	[tilespmem:$0x18000] =	vst v63  }
0x27e: {  	s29 =	sadd.s32 $0x9000, s22;
	s30 =	sadd.s32 $0x80, s21  }
0x27f: {  	[hbm4b:s30+s19] =	stream.strided.scatter [tilespmem:s29], [sflag:$0x5], $0x400, s20, s19, $0x38;
	[tilespmem:$0x18000] =	vst v63  }
0x280: {  	s31 =	sadd.s32 $0x9400, s22;
	s0 =	sadd.s32 $0xA0, s21  }
0x281: {  	[hbm4b:s0+s19] =	stream.strided.scatter [tilespmem:s31], [sflag:$0x5], $0x400, s20, s19, $0x38;
	[tilespmem:$0x18000] =	vst v63  }
0x282: {  	s26 =	sadd.s32 $0x9800, s22;
	s28 =	sadd.s32 $0xC0, s21  }
0x283: {  	[hbm4b:s28+s19] =	stream.strided.scatter [tilespmem:s26], [sflag:$0x5], $0x400, s20, s19, $0x38;
	[tilespmem:$0x18000] =	vst v63  }
0x284: {  	s29 =	sadd.s32 $0x9C00, s22;
	s30 =	sadd.s32 $0xE0, s21  }
0x285: {  	[hbm4b:s30+s19] =	stream.strided.scatter [tilespmem:s29], [sflag:$0x5], $0x400, s20, s19, $0x38;
	[tilespmem:$0x18000] =	vst v63  }
0x286: {  	s31 =	sadd.s32 $0xA000, s22;
	s0 =	sadd.s32 $0x100, s21  }
0x287: {  	[hbm4b:s0+s19] =	stream.strided.scatter [tilespmem:s31], [sflag:$0x5], $0x400, s20, s19, $0x38;
	[tilespmem:$0x18000] =	vst v63  }
0x288: {  	s26 =	sadd.s32 $0xA400, s22;
	s28 =	sadd.s32 $0x120, s21  }
0x289: {  	[hbm4b:s28+s19] =	stream.strided.scatter [tilespmem:s26], [sflag:$0x5], $0x400, s20, s19, $0x38;
	[tilespmem:$0x18000] =	vst v63  }
0x28a: {  	s29 =	sadd.s32 $0xA800, s22;
	s30 =	sadd.s32 $0x140, s21  }
0x28b: {  	[hbm4b:s30+s19] =	stream.strided.scatter [tilespmem:s29], [sflag:$0x5], $0x400, s20, s19, $0x38;
	[tilespmem:$0x18000] =	vst v63  }
0x28c: {  	s31 =	sadd.s32 $0xAC00, s22;
	s0 =	sadd.s32 $0x160, s21  }
0x28d: {  	[hbm4b:s0+s19] =	stream.strided.scatter [tilespmem:s31], [sflag:$0x5], $0x400, s20, s19, $0x38;
	[tilespmem:$0x18000] =	vst v63  }
0x28e: {  	s24 =	sadd.s32 $0xB000, s22;
	s26 =	sadd.s32 $0x180, s21  }
0x28f: {  	[hbm4b:s26+s19] =	stream.strided.scatter [tilespmem:s24], [sflag:$0x5], $0x400, s20, s19, $0x38;
	[tilespmem:$0x18000] =	vst v63  }
0x290: {  	p1 =	por p0, p0;
	s28 =	sadd.s32 $0xB400, s22;
	s29 =	sadd.s32 $0x1A0, s21  }
0x291: {  	[hbm4b:s29+s19] =	stream.strided.scatter [tilespmem:s28], [sflag:$0x5], $0x400, s20, s19, $0x38;
	[tilespmem:$0x18000] =	vst v63  }
.Ltmp14:
0x292: {  	s30 =	sadd.s32 $0xB800, s22;
	s31 =	sadd.s32 $0x1C0, s21;
	(pc) =	sbr.rel @p1 .LBB2_30-.Ltmp14, $4  }
0x293: {  	[hbm4b:s31+s19] =	stream.strided.scatter [tilespmem:s30], [sflag:$0x5], $0x400, s20, s19, $0x38;
	[tilespmem:$0x18000] =	vst v63  }
0x294: {  	s22 =	sadd.s32 $0xBC00, s22;
	s21 =	sadd.s32 $0x1E0, s21  }
0x295: {  	[hbm4b:s21+s19] =	stream.strided.scatter [tilespmem:s22], [sflag:$0x5], $0x400, s20, s19, $0x38;
	[tilespmem:$0x18000] =	vst v63  }
0x296: {  	p0 =	por $0x0, $0x0;
	s21 =	simm.s32 $0x1  }
0x297: {  	s21 =	simm.s32 $0x0;
	p0 =	por $0x1, $0x1  }
.LBB2_32:
0x298: {  	s22 =	sshll.u32 s21, $0xE  }
0x299: {  	s28 =	sshll.u32 s21, $0xC;
	s22 =	sand.u32 $0x3FFFC000, s22  }
0x29a: {  	s21 =	sadd.s32 s28, s2;
	s23 =	sadd.s32 $0x8000, s22  }
0x29b: {  	[hbm4b:s21+s19] =	stream.strided.scatter [tilespmem:s23], [sflag:$0x5], $0x400, s20, s19, $0x38;
	[tilespmem:$0x18000] =	vst v63  }
0x29c: {  	s29 =	sadd.s32 $0x8400, s22;
	s24 =	sadd.s32 $0x20, s21  }
0x29d: {  	[hbm4b:s24+s19] =	stream.strided.scatter [tilespmem:s29], [sflag:$0x5], $0x400, s20, s19, $0x38;
	[tilespmem:$0x18000] =	vst v63  }
0x29e: {  	s30 =	sadd.s32 $0x8800, s22;
	s31 =	sadd.s32 $0x40, s21  }
0x29f: {  	[hbm4b:s31+s19] =	stream.strided.scatter [tilespmem:s30], [sflag:$0x5], $0x400, s20, s19, $0x38;
	[tilespmem:$0x18000] =	vst v63  }
0x2a0: {  	s0 =	sadd.s32 $0x8C00, s22;
	s1 =	sadd.s32 $0x60, s21  }
0x2a1: {  	[hbm4b:s1+s19] =	stream.strided.scatter [tilespmem:s0], [sflag:$0x5], $0x400, s20, s19, $0x38;
	[tilespmem:$0x18000] =	vst v63  }
0x2a2: {  	s26 =	sadd.s32 $0x80, s21;
	s24 =	sadd.s32 $0x9000, s22  }
0x2a3: {  	[hbm4b:s26+s19] =	stream.strided.scatter [tilespmem:s24], [sflag:$0x5], $0x400, s20, s19, $0x38;
	[tilespmem:$0x18000] =	vst v63  }
0x2a4: {  	s28 =	sadd.s32 $0x9400, s22;
	s29 =	sadd.s32 $0xA0, s21  }
0x2a5: {  	[hbm4b:s29+s19] =	stream.strided.scatter [tilespmem:s28], [sflag:$0x5], $0x400, s20, s19, $0x38;
	[tilespmem:$0x18000] =	vst v63  }
0x2a6: {  	s30 =	sadd.s32 $0x9800, s22;
	s31 =	sadd.s32 $0xC0, s21  }
0x2a7: {  	[hbm4b:s31+s19] =	stream.strided.scatter [tilespmem:s30], [sflag:$0x5], $0x400, s20, s19, $0x38;
	[tilespmem:$0x18000] =	vst v63  }
0x2a8: {  	s0 =	sadd.s32 $0x9C00, s22;
	s1 =	sadd.s32 $0xE0, s21  }
0x2a9: {  	[hbm4b:s1+s19] =	stream.strided.scatter [tilespmem:s0], [sflag:$0x5], $0x400, s20, s19, $0x38;
	[tilespmem:$0x18000] =	vst v63  }
0x2aa: {  	s24 =	sadd.s32 $0xA000, s22;
	s26 =	sadd.s32 $0x100, s21  }
0x2ab: {  	[hbm4b:s26+s19] =	stream.strided.scatter [tilespmem:s24], [sflag:$0x5], $0x400, s20, s19, $0x38;
	[tilespmem:$0x18000] =	vst v63  }
0x2ac: {  	s28 =	sadd.s32 $0xA400, s22;
	s29 =	sadd.s32 $0x120, s21  }
0x2ad: {  	[hbm4b:s29+s19] =	stream.strided.scatter [tilespmem:s28], [sflag:$0x5], $0x400, s20, s19, $0x38;
	[tilespmem:$0x18000] =	vst v63  }
0x2ae: {  	s30 =	sadd.s32 $0xA800, s22;
	s31 =	sadd.s32 $0x140, s21  }
0x2af: {  	[hbm4b:s31+s19] =	stream.strided.scatter [tilespmem:s30], [sflag:$0x5], $0x400, s20, s19, $0x38;
	[tilespmem:$0x18000] =	vst v63  }
0x2b0: {  	s0 =	sadd.s32 $0xAC00, s22;
	s1 =	sadd.s32 $0x160, s21  }
0x2b1: {  	[hbm4b:s1+s19] =	stream.strided.scatter [tilespmem:s0], [sflag:$0x5], $0x400, s20, s19, $0x38;
	[tilespmem:$0x18000] =	vst v63  }
0x2b2: {  	s24 =	sadd.s32 $0xB000, s22;
	s26 =	sadd.s32 $0x180, s21  }
0x2b3: {  	[hbm4b:s26+s19] =	stream.strided.scatter [tilespmem:s24], [sflag:$0x5], $0x400, s20, s19, $0x38;
	[tilespmem:$0x18000] =	vst v63  }
0x2b4: {  	p1 =	por p0, p0;
	s28 =	sadd.s32 $0xB400, s22;
	s29 =	sadd.s32 $0x1A0, s21  }
0x2b5: {  	[hbm4b:s29+s19] =	stream.strided.scatter [tilespmem:s28], [sflag:$0x5], $0x400, s20, s19, $0x38;
	[tilespmem:$0x18000] =	vst v63  }
.Ltmp15:
0x2b6: {  	s30 =	sadd.s32 $0xB800, s22;
	s31 =	sadd.s32 $0x1C0, s21;
	(pc) =	sbr.rel @p1 .LBB2_32-.Ltmp15, $4  }
0x2b7: {  	[hbm4b:s31+s19] =	stream.strided.scatter [tilespmem:s30], [sflag:$0x5], $0x400, s20, s19, $0x38;
	[tilespmem:$0x18000] =	vst v63  }
0x2b8: {  	s22 =	sadd.s32 $0xBC00, s22;
	s21 =	sadd.s32 $0x1E0, s21  }
0x2b9: {  	[hbm4b:s21+s19] =	stream.strided.scatter [tilespmem:s22], [sflag:$0x5], $0x400, s20, s19, $0x38;
	[tilespmem:$0x18000] =	vst v63  }
0x2ba: {  	p0 =	por $0x0, $0x0;
	s21 =	simm.s32 $0x1  }
0x2bb: {  	s21 =	simm.s32 $0x5  }
0x2bc: {  	_ =	swait.ge [sflag:s21], $0x8000  }
0x2bd: {  	[sflag:s21] =	ssyncset.done $0x0  }
0x2be: {  	[sflag:s21] =	ssyncadd.s32 $0xFFFF8000  }
0x2bf: {  	_ =	swait.ge [sflag:s21], $0x8000  }
0x2c0: {  	s23 =	simm.s32 $0x8000;
	s31 =	simm.s32 $0x3;
	[sflag:s21] =	ssyncset.done $0x0  }
0x2c1: {  	s22 =	rddreg [dreg:$0xd];
	[sflag:s21] =	ssyncadd.s32 $0xFFFF8000;
	s21 =	simm.s32 $0x0  }
0x2c2: {  	[tilespmem:s23], [sflag:$0x2] =	stream.linear.gather [hbm4b:s22+s21], $0x8000, $0x38;
	[tilespmem:$0x18000] =	vst v63  }
0x2c3: {  	_ =	swait.ge [sflag:s31], $0x8000  }
0x2c4: {  	[sflag:s31] =	ssyncset.done $0x0  }
0x2c5: {  	p0 =	por $0x1, $0x1;
	[sflag:s31] =	ssyncadd.s32 $0xFFFF8000  }
.LBB2_34:
0x2c6: {  	s22 =	sshll.u32 s21, $0xE  }
0x2c7: {  	s28 =	sshll.u32 s21, $0xC;
	s22 =	sand.u32 $0x3FFFC000, s22  }
0x2c8: {  	s21 =	sadd.s32 s28, s3;
	s23 =	sadd.s32 $0x10000, s22  }
0x2c9: {  	[hbm4b:s21+s19] =	stream.strided.scatter [tilespmem:s23], [sflag:$0x6], $0x400, s20, s19, $0x38;
	[tilespmem:$0x18000] =	vst v63  }
0x2ca: {  	s29 =	sadd.s32 $0x10400, s22;
	s24 =	sadd.s32 $0x20, s21  }
0x2cb: {  	[hbm4b:s24+s19] =	stream.strided.scatter [tilespmem:s29], [sflag:$0x6], $0x400, s20, s19, $0x38;
	[tilespmem:$0x18000] =	vst v63  }
0x2cc: {  	s30 =	sadd.s32 $0x10800, s22;
	s31 =	sadd.s32 $0x40, s21  }
0x2cd: {  	[hbm4b:s31+s19] =	stream.strided.scatter [tilespmem:s30], [sflag:$0x6], $0x400, s20, s19, $0x38;
	[tilespmem:$0x18000] =	vst v63  }
0x2ce: {  	s0 =	sadd.s32 $0x10C00, s22;
	s1 =	sadd.s32 $0x60, s21  }
0x2cf: {  	[hbm4b:s1+s19] =	stream.strided.scatter [tilespmem:s0], [sflag:$0x6], $0x400, s20, s19, $0x38;
	[tilespmem:$0x18000] =	vst v63  }
0x2d0: {  	s26 =	sadd.s32 $0x80, s21;
	s24 =	sadd.s32 $0x11000, s22  }
0x2d1: {  	[hbm4b:s26+s19] =	stream.strided.scatter [tilespmem:s24], [sflag:$0x6], $0x400, s20, s19, $0x38;
	[tilespmem:$0x18000] =	vst v63  }
0x2d2: {  	s28 =	sadd.s32 $0x11400, s22;
	s29 =	sadd.s32 $0xA0, s21  }
0x2d3: {  	[hbm4b:s29+s19] =	stream.strided.scatter [tilespmem:s28], [sflag:$0x6], $0x400, s20, s19, $0x38;
	[tilespmem:$0x18000] =	vst v63  }
0x2d4: {  	s30 =	sadd.s32 $0x11800, s22;
	s31 =	sadd.s32 $0xC0, s21  }
0x2d5: {  	[hbm4b:s31+s19] =	stream.strided.scatter [tilespmem:s30], [sflag:$0x6], $0x400, s20, s19, $0x38;
	[tilespmem:$0x18000] =	vst v63  }
0x2d6: {  	s0 =	sadd.s32 $0x11C00, s22;
	s1 =	sadd.s32 $0xE0, s21  }
0x2d7: {  	[hbm4b:s1+s19] =	stream.strided.scatter [tilespmem:s0], [sflag:$0x6], $0x400, s20, s19, $0x38;
	[tilespmem:$0x18000] =	vst v63  }
0x2d8: {  	s24 =	sadd.s32 $0x12000, s22;
	s26 =	sadd.s32 $0x100, s21  }
0x2d9: {  	[hbm4b:s26+s19] =	stream.strided.scatter [tilespmem:s24], [sflag:$0x6], $0x400, s20, s19, $0x38;
	[tilespmem:$0x18000] =	vst v63  }
0x2da: {  	s28 =	sadd.s32 $0x12400, s22;
	s29 =	sadd.s32 $0x120, s21  }
0x2db: {  	[hbm4b:s29+s19] =	stream.strided.scatter [tilespmem:s28], [sflag:$0x6], $0x400, s20, s19, $0x38;
	[tilespmem:$0x18000] =	vst v63  }
0x2dc: {  	s30 =	sadd.s32 $0x12800, s22;
	s31 =	sadd.s32 $0x140, s21  }
0x2dd: {  	[hbm4b:s31+s19] =	stream.strided.scatter [tilespmem:s30], [sflag:$0x6], $0x400, s20, s19, $0x38;
	[tilespmem:$0x18000] =	vst v63  }
0x2de: {  	s0 =	sadd.s32 $0x12C00, s22;
	s1 =	sadd.s32 $0x160, s21  }
0x2df: {  	[hbm4b:s1+s19] =	stream.strided.scatter [tilespmem:s0], [sflag:$0x6], $0x400, s20, s19, $0x38;
	[tilespmem:$0x18000] =	vst v63  }
0x2e0: {  	s24 =	sadd.s32 $0x13000, s22;
	s26 =	sadd.s32 $0x180, s21  }
0x2e1: {  	[hbm4b:s26+s19] =	stream.strided.scatter [tilespmem:s24], [sflag:$0x6], $0x400, s20, s19, $0x38;
	[tilespmem:$0x18000] =	vst v63  }
0x2e2: {  	p1 =	por p0, p0;
	s28 =	sadd.s32 $0x13400, s22;
	s29 =	sadd.s32 $0x1A0, s21  }
0x2e3: {  	[hbm4b:s29+s19] =	stream.strided.scatter [tilespmem:s28], [sflag:$0x6], $0x400, s20, s19, $0x38;
	[tilespmem:$0x18000] =	vst v63  }
.Ltmp16:
0x2e4: {  	s30 =	sadd.s32 $0x13800, s22;
	s31 =	sadd.s32 $0x1C0, s21;
	(pc) =	sbr.rel @p1 .LBB2_34-.Ltmp16, $4  }
0x2e5: {  	[hbm4b:s31+s19] =	stream.strided.scatter [tilespmem:s30], [sflag:$0x6], $0x400, s20, s19, $0x38;
	[tilespmem:$0x18000] =	vst v63  }
0x2e6: {  	s22 =	sadd.s32 $0x13C00, s22;
	s21 =	sadd.s32 $0x1E0, s21  }
0x2e7: {  	[hbm4b:s21+s19] =	stream.strided.scatter [tilespmem:s22], [sflag:$0x6], $0x400, s20, s19, $0x38;
	[tilespmem:$0x18000] =	vst v63  }
0x2e8: {  	p0 =	por $0x0, $0x0;
	s21 =	simm.s32 $0x1  }
0x2e9: {  	s21 =	simm.s32 $0x0;
	p0 =	por $0x1, $0x1  }
.LBB2_36:
0x2ea: {  	s22 =	sshll.u32 s21, $0xE  }
0x2eb: {  	s28 =	sshll.u32 s21, $0xC;
	s22 =	sand.u32 $0x3FFFC000, s22  }
0x2ec: {  	s21 =	sadd.s32 s28, s4;
	s23 =	sadd.s32 $0x10000, s22  }
0x2ed: {  	[hbm4b:s21+s19] =	stream.strided.scatter [tilespmem:s23], [sflag:$0x6], $0x400, s20, s19, $0x38;
	[tilespmem:$0x18000] =	vst v63  }
0x2ee: {  	s29 =	sadd.s32 $0x10400, s22;
	s24 =	sadd.s32 $0x20, s21  }
0x2ef: {  	[hbm4b:s24+s19] =	stream.strided.scatter [tilespmem:s29], [sflag:$0x6], $0x400, s20, s19, $0x38;
	[tilespmem:$0x18000] =	vst v63  }
0x2f0: {  	s30 =	sadd.s32 $0x10800, s22;
	s31 =	sadd.s32 $0x40, s21  }
0x2f1: {  	[hbm4b:s31+s19] =	stream.strided.scatter [tilespmem:s30], [sflag:$0x6], $0x400, s20, s19, $0x38;
	[tilespmem:$0x18000] =	vst v63  }
0x2f2: {  	s0 =	sadd.s32 $0x10C00, s22;
	s1 =	sadd.s32 $0x60, s21  }
0x2f3: {  	[hbm4b:s1+s19] =	stream.strided.scatter [tilespmem:s0], [sflag:$0x6], $0x400, s20, s19, $0x38;
	[tilespmem:$0x18000] =	vst v63  }
0x2f4: {  	s26 =	sadd.s32 $0x80, s21;
	s24 =	sadd.s32 $0x11000, s22  }
0x2f5: {  	[hbm4b:s26+s19] =	stream.strided.scatter [tilespmem:s24], [sflag:$0x6], $0x400, s20, s19, $0x38;
	[tilespmem:$0x18000] =	vst v63  }
0x2f6: {  	s28 =	sadd.s32 $0x11400, s22;
	s29 =	sadd.s32 $0xA0, s21  }
0x2f7: {  	[hbm4b:s29+s19] =	stream.strided.scatter [tilespmem:s28], [sflag:$0x6], $0x400, s20, s19, $0x38;
	[tilespmem:$0x18000] =	vst v63  }
0x2f8: {  	s30 =	sadd.s32 $0x11800, s22;
	s31 =	sadd.s32 $0xC0, s21  }
0x2f9: {  	[hbm4b:s31+s19] =	stream.strided.scatter [tilespmem:s30], [sflag:$0x6], $0x400, s20, s19, $0x38;
	[tilespmem:$0x18000] =	vst v63  }
0x2fa: {  	s0 =	sadd.s32 $0x11C00, s22;
	s1 =	sadd.s32 $0xE0, s21  }
0x2fb: {  	[hbm4b:s1+s19] =	stream.strided.scatter [tilespmem:s0], [sflag:$0x6], $0x400, s20, s19, $0x38;
	[tilespmem:$0x18000] =	vst v63  }
0x2fc: {  	s24 =	sadd.s32 $0x12000, s22;
	s26 =	sadd.s32 $0x100, s21  }
0x2fd: {  	[hbm4b:s26+s19] =	stream.strided.scatter [tilespmem:s24], [sflag:$0x6], $0x400, s20, s19, $0x38;
	[tilespmem:$0x18000] =	vst v63  }
0x2fe: {  	s28 =	sadd.s32 $0x12400, s22;
	s29 =	sadd.s32 $0x120, s21  }
0x2ff: {  	[hbm4b:s29+s19] =	stream.strided.scatter [tilespmem:s28], [sflag:$0x6], $0x400, s20, s19, $0x38;
	[tilespmem:$0x18000] =	vst v63  }
0x300: {  	s30 =	sadd.s32 $0x12800, s22;
	s31 =	sadd.s32 $0x140, s21  }
0x301: {  	[hbm4b:s31+s19] =	stream.strided.scatter [tilespmem:s30], [sflag:$0x6], $0x400, s20, s19, $0x38;
	[tilespmem:$0x18000] =	vst v63  }
0x302: {  	s0 =	sadd.s32 $0x12C00, s22;
	s1 =	sadd.s32 $0x160, s21  }
0x303: {  	[hbm4b:s1+s19] =	stream.strided.scatter [tilespmem:s0], [sflag:$0x6], $0x400, s20, s19, $0x38;
	[tilespmem:$0x18000] =	vst v63  }
0x304: {  	s24 =	sadd.s32 $0x13000, s22;
	s26 =	sadd.s32 $0x180, s21  }
0x305: {  	[hbm4b:s26+s19] =	stream.strided.scatter [tilespmem:s24], [sflag:$0x6], $0x400, s20, s19, $0x38;
	[tilespmem:$0x18000] =	vst v63  }
0x306: {  	p1 =	por p0, p0;
	s28 =	sadd.s32 $0x13400, s22;
	s29 =	sadd.s32 $0x1A0, s21  }
0x307: {  	[hbm4b:s29+s19] =	stream.strided.scatter [tilespmem:s28], [sflag:$0x6], $0x400, s20, s19, $0x38;
	[tilespmem:$0x18000] =	vst v63  }
.Ltmp17:
0x308: {  	s30 =	sadd.s32 $0x13800, s22;
	s31 =	sadd.s32 $0x1C0, s21;
	(pc) =	sbr.rel @p1 .LBB2_36-.Ltmp17, $4  }
0x309: {  	[hbm4b:s31+s19] =	stream.strided.scatter [tilespmem:s30], [sflag:$0x6], $0x400, s20, s19, $0x38;
	[tilespmem:$0x18000] =	vst v63  }
0x30a: {  	s22 =	sadd.s32 $0x13C00, s22;
	s21 =	sadd.s32 $0x1E0, s21  }
0x30b: {  	[hbm4b:s21+s19] =	stream.strided.scatter [tilespmem:s22], [sflag:$0x6], $0x400, s20, s19, $0x38;
	[tilespmem:$0x18000] =	vst v63  }
0x30c: {  	p0 =	por $0x0, $0x0;
	s21 =	simm.s32 $0x1  }
0x30d: {  	s21 =	simm.s32 $0x6  }
0x30e: {  	_ =	swait.ge [sflag:s21], $0x8000  }
0x30f: {  	[sflag:s21] =	ssyncset.done $0x0  }
0x310: {  	[sflag:s21] =	ssyncadd.s32 $0xFFFF8000  }
0x311: {  	_ =	swait.ge [sflag:s21], $0x8000  }
0x312: {  	s23 =	simm.s32 $0x10000;
	s31 =	simm.s32 $0x1;
	[sflag:s21] =	ssyncset.done $0x0  }
0x313: {  	s22 =	rddreg [dreg:$0xe];
	[sflag:s21] =	ssyncadd.s32 $0xFFFF8000;
	s21 =	simm.s32 $0x0  }
0x314: {  	[tilespmem:s23], [sflag:$0x3] =	stream.linear.gather [hbm4b:s22+s21], $0x8000, $0x38;
	[tilespmem:$0x18000] =	vst v63  }
0x315: {  	_ =	swait.ge [sflag:s31], $0x8000  }
0x316: {  	[sflag:s31] =	ssyncset.done $0x0  }
0x317: {  	p0 =	por $0x1, $0x1;
	[sflag:s31] =	ssyncadd.s32 $0xFFFF8000  }
.LBB2_38:
0x318: {  	s22 =	sshll.u32 s21, $0xE;
	s29 =	sshll.u32 s21, $0xC  }
0x319: {  	s22 =	sand.u32 $0x3FFFC000, s22;
	s21 =	sadd.s32 s29, s5  }
0x31a: {  	[hbm4b:s21+s19] =	stream.strided.scatter [tilespmem:s22], [sflag:$0x4], $0x400, s20, s19, $0x38;
	[tilespmem:$0x18000] =	vst v63  }
0x31b: {  	s23 =	sor.u32 $0x400, s22;
	s24 =	sadd.s32 $0x20, s21  }
0x31c: {  	[hbm4b:s24+s19] =	stream.strided.scatter [tilespmem:s23], [sflag:$0x4], $0x400, s20, s19, $0x38;
	[tilespmem:$0x18000] =	vst v63  }
0x31d: {  	s30 =	sor.u32 $0x800, s22;
	s31 =	sadd.s32 $0x40, s21  }
0x31e: {  	[hbm4b:s31+s19] =	stream.strided.scatter [tilespmem:s30], [sflag:$0x4], $0x400, s20, s19, $0x38;
	[tilespmem:$0x18000] =	vst v63  }
0x31f: {  	s0 =	sor.u32 $0xC00, s22;
	s1 =	sadd.s32 $0x60, s21  }
0x320: {  	[hbm4b:s1+s19] =	stream.strided.scatter [tilespmem:s0], [sflag:$0x4], $0x400, s20, s19, $0x38;
	[tilespmem:$0x18000] =	vst v63  }
0x321: {  	s26 =	sadd.s32 $0x80, s21;
	s24 =	sor.u32 $0x1000, s22  }
0x322: {  	[hbm4b:s26+s19] =	stream.strided.scatter [tilespmem:s24], [sflag:$0x4], $0x400, s20, s19, $0x38;
	[tilespmem:$0x18000] =	vst v63  }
0x323: {  	s28 =	sor.u32 $0x1400, s22;
	s29 =	sadd.s32 $0xA0, s21  }
0x324: {  	[hbm4b:s29+s19] =	stream.strided.scatter [tilespmem:s28], [sflag:$0x4], $0x400, s20, s19, $0x38;
	[tilespmem:$0x18000] =	vst v63  }
0x325: {  	s30 =	sor.u32 $0x1800, s22;
	s31 =	sadd.s32 $0xC0, s21  }
0x326: {  	[hbm4b:s31+s19] =	stream.strided.scatter [tilespmem:s30], [sflag:$0x4], $0x400, s20, s19, $0x38;
	[tilespmem:$0x18000] =	vst v63  }
0x327: {  	s0 =	sor.u32 $0x1C00, s22;
	s1 =	sadd.s32 $0xE0, s21  }
0x328: {  	[hbm4b:s1+s19] =	stream.strided.scatter [tilespmem:s0], [sflag:$0x4], $0x400, s20, s19, $0x38;
	[tilespmem:$0x18000] =	vst v63  }
0x329: {  	s24 =	sor.u32 $0x2000, s22;
	s26 =	sadd.s32 $0x100, s21  }
0x32a: {  	[hbm4b:s26+s19] =	stream.strided.scatter [tilespmem:s24], [sflag:$0x4], $0x400, s20, s19, $0x38;
	[tilespmem:$0x18000] =	vst v63  }
0x32b: {  	s28 =	sor.u32 $0x2400, s22;
	s29 =	sadd.s32 $0x120, s21  }
0x32c: {  	[hbm4b:s29+s19] =	stream.strided.scatter [tilespmem:s28], [sflag:$0x4], $0x400, s20, s19, $0x38;
	[tilespmem:$0x18000] =	vst v63  }
0x32d: {  	s30 =	sor.u32 $0x2800, s22;
	s31 =	sadd.s32 $0x140, s21  }
0x32e: {  	[hbm4b:s31+s19] =	stream.strided.scatter [tilespmem:s30], [sflag:$0x4], $0x400, s20, s19, $0x38;
	[tilespmem:$0x18000] =	vst v63  }
0x32f: {  	s0 =	sor.u32 $0x2C00, s22;
	s1 =	sadd.s32 $0x160, s21  }
0x330: {  	[hbm4b:s1+s19] =	stream.strided.scatter [tilespmem:s0], [sflag:$0x4], $0x400, s20, s19, $0x38;
	[tilespmem:$0x18000] =	vst v63  }
0x331: {  	s24 =	sor.u32 $0x3000, s22;
	s26 =	sadd.s32 $0x180, s21  }
0x332: {  	[hbm4b:s26+s19] =	stream.strided.scatter [tilespmem:s24], [sflag:$0x4], $0x400, s20, s19, $0x38;
	[tilespmem:$0x18000] =	vst v63  }
0x333: {  	p1 =	por p0, p0;
	s28 =	sor.u32 $0x3400, s22;
	s29 =	sadd.s32 $0x1A0, s21  }
0x334: {  	[hbm4b:s29+s19] =	stream.strided.scatter [tilespmem:s28], [sflag:$0x4], $0x400, s20, s19, $0x38;
	[tilespmem:$0x18000] =	vst v63  }
.Ltmp18:
0x335: {  	s30 =	sor.u32 $0x3800, s22;
	s31 =	sadd.s32 $0x1C0, s21;
	(pc) =	sbr.rel @p1 .LBB2_38-.Ltmp18, $4  }
0x336: {  	[hbm4b:s31+s19] =	stream.strided.scatter [tilespmem:s30], [sflag:$0x4], $0x400, s20, s19, $0x38;
	[tilespmem:$0x18000] =	vst v63  }
0x337: {  	s22 =	sor.u32 $0x3C00, s22;
	s21 =	sadd.s32 $0x1E0, s21  }
0x338: {  	[hbm4b:s21+s19] =	stream.strided.scatter [tilespmem:s22], [sflag:$0x4], $0x400, s20, s19, $0x38;
	[tilespmem:$0x18000] =	vst v63  }
0x339: {  	p0 =	por $0x0, $0x0;
	s21 =	simm.s32 $0x1  }
0x33a: {  	s21 =	simm.s32 $0x0;
	p0 =	por $0x1, $0x1  }
.LBB2_40:
0x33b: {  	s22 =	sshll.u32 s21, $0xE;
	s29 =	sshll.u32 s21, $0xC  }
0x33c: {  	s22 =	sand.u32 $0x3FFFC000, s22;
	s21 =	sadd.s32 s29, s6  }
0x33d: {  	[hbm4b:s21+s19] =	stream.strided.scatter [tilespmem:s22], [sflag:$0x4], $0x400, s20, s19, $0x38;
	[tilespmem:$0x18000] =	vst v63  }
0x33e: {  	s23 =	sor.u32 $0x400, s22;
	s24 =	sadd.s32 $0x20, s21  }
0x33f: {  	[hbm4b:s24+s19] =	stream.strided.scatter [tilespmem:s23], [sflag:$0x4], $0x400, s20, s19, $0x38;
	[tilespmem:$0x18000] =	vst v63  }
0x340: {  	s30 =	sor.u32 $0x800, s22;
	s31 =	sadd.s32 $0x40, s21  }
0x341: {  	[hbm4b:s31+s19] =	stream.strided.scatter [tilespmem:s30], [sflag:$0x4], $0x400, s20, s19, $0x38;
	[tilespmem:$0x18000] =	vst v63  }
0x342: {  	s0 =	sor.u32 $0xC00, s22;
	s1 =	sadd.s32 $0x60, s21  }
0x343: {  	[hbm4b:s1+s19] =	stream.strided.scatter [tilespmem:s0], [sflag:$0x4], $0x400, s20, s19, $0x38;
	[tilespmem:$0x18000] =	vst v63  }
0x344: {  	s26 =	sadd.s32 $0x80, s21;
	s24 =	sor.u32 $0x1000, s22  }
0x345: {  	[hbm4b:s26+s19] =	stream.strided.scatter [tilespmem:s24], [sflag:$0x4], $0x400, s20, s19, $0x38;
	[tilespmem:$0x18000] =	vst v63  }
0x346: {  	s28 =	sor.u32 $0x1400, s22;
	s29 =	sadd.s32 $0xA0, s21  }
0x347: {  	[hbm4b:s29+s19] =	stream.strided.scatter [tilespmem:s28], [sflag:$0x4], $0x400, s20, s19, $0x38;
	[tilespmem:$0x18000] =	vst v63  }
0x348: {  	s30 =	sor.u32 $0x1800, s22;
	s31 =	sadd.s32 $0xC0, s21  }
0x349: {  	[hbm4b:s31+s19] =	stream.strided.scatter [tilespmem:s30], [sflag:$0x4], $0x400, s20, s19, $0x38;
	[tilespmem:$0x18000] =	vst v63  }
0x34a: {  	s0 =	sor.u32 $0x1C00, s22;
	s1 =	sadd.s32 $0xE0, s21  }
0x34b: {  	[hbm4b:s1+s19] =	stream.strided.scatter [tilespmem:s0], [sflag:$0x4], $0x400, s20, s19, $0x38;
	[tilespmem:$0x18000] =	vst v63  }
0x34c: {  	s24 =	sor.u32 $0x2000, s22;
	s26 =	sadd.s32 $0x100, s21  }
0x34d: {  	[hbm4b:s26+s19] =	stream.strided.scatter [tilespmem:s24], [sflag:$0x4], $0x400, s20, s19, $0x38;
	[tilespmem:$0x18000] =	vst v63  }
0x34e: {  	s28 =	sor.u32 $0x2400, s22;
	s29 =	sadd.s32 $0x120, s21  }
0x34f: {  	[hbm4b:s29+s19] =	stream.strided.scatter [tilespmem:s28], [sflag:$0x4], $0x400, s20, s19, $0x38;
	[tilespmem:$0x18000] =	vst v63  }
0x350: {  	s30 =	sor.u32 $0x2800, s22;
	s31 =	sadd.s32 $0x140, s21  }
0x351: {  	[hbm4b:s31+s19] =	stream.strided.scatter [tilespmem:s30], [sflag:$0x4], $0x400, s20, s19, $0x38;
	[tilespmem:$0x18000] =	vst v63  }
0x352: {  	s0 =	sor.u32 $0x2C00, s22;
	s1 =	sadd.s32 $0x160, s21  }
0x353: {  	[hbm4b:s1+s19] =	stream.strided.scatter [tilespmem:s0], [sflag:$0x4], $0x400, s20, s19, $0x38;
	[tilespmem:$0x18000] =	vst v63  }
0x354: {  	s24 =	sor.u32 $0x3000, s22;
	s26 =	sadd.s32 $0x180, s21  }
0x355: {  	[hbm4b:s26+s19] =	stream.strided.scatter [tilespmem:s24], [sflag:$0x4], $0x400, s20, s19, $0x38;
	[tilespmem:$0x18000] =	vst v63  }
0x356: {  	p1 =	por p0, p0;
	s28 =	sor.u32 $0x3400, s22;
	s29 =	sadd.s32 $0x1A0, s21  }
0x357: {  	[hbm4b:s29+s19] =	stream.strided.scatter [tilespmem:s28], [sflag:$0x4], $0x400, s20, s19, $0x38;
	[tilespmem:$0x18000] =	vst v63  }
.Ltmp19:
0x358: {  	s30 =	sor.u32 $0x3800, s22;
	s31 =	sadd.s32 $0x1C0, s21;
	(pc) =	sbr.rel @p1 .LBB2_40-.Ltmp19, $4  }
0x359: {  	[hbm4b:s31+s19] =	stream.strided.scatter [tilespmem:s30], [sflag:$0x4], $0x400, s20, s19, $0x38;
	[tilespmem:$0x18000] =	vst v63  }
0x35a: {  	s22 =	sor.u32 $0x3C00, s22;
	s21 =	sadd.s32 $0x1E0, s21  }
0x35b: {  	[hbm4b:s21+s19] =	stream.strided.scatter [tilespmem:s22], [sflag:$0x4], $0x400, s20, s19, $0x38;
	[tilespmem:$0x18000] =	vst v63  }
0x35c: {  	p0 =	por $0x0, $0x0;
	s21 =	simm.s32 $0x1  }
0x35d: {  	s21 =	simm.s32 $0x4  }
0x35e: {  	_ =	swait.ge [sflag:s21], $0x8000  }
0x35f: {  	[sflag:s21] =	ssyncset.done $0x0  }
0x360: {  	[sflag:s21] =	ssyncadd.s32 $0xFFFF8000  }
0x361: {  	_ =	swait.ge [sflag:s21], $0x8000  }
0x362: {  	s31 =	simm.s32 $0x2;
	[sflag:s21] =	ssyncset.done $0x0  }
0x363: {  	s22 =	rddreg [dreg:$0xf];
	[sflag:s21] =	ssyncadd.s32 $0xFFFF8000;
	s21 =	simm.s32 $0x0  }
0x364: {  	[tilespmem:s21], [sflag:$0x1] =	stream.linear.gather [hbm4b:s22+s21], $0x8000, $0x38;
	[tilespmem:$0x18000] =	vst v63  }
0x365: {  	_ =	swait.ge [sflag:s31], $0x8000  }
0x366: {  	[sflag:s31] =	ssyncset.done $0x0  }
0x367: {  	p0 =	por $0x1, $0x1;
	[sflag:s31] =	ssyncadd.s32 $0xFFFF8000  }
.LBB2_42:
0x368: {  	s22 =	sshll.u32 s21, $0xE  }
0x369: {  	s28 =	sshll.u32 s21, $0xC;
	s22 =	sand.u32 $0x3FFFC000, s22  }
0x36a: {  	s21 =	sadd.s32 s28, s7;
	s23 =	sadd.s32 $0x8000, s22  }
0x36b: {  	[hbm4b:s21+s19] =	stream.strided.scatter [tilespmem:s23], [sflag:$0x5], $0x400, s20, s19, $0x38;
	[tilespmem:$0x18000] =	vst v63  }
0x36c: {  	s29 =	sadd.s32 $0x8400, s22;
	s24 =	sadd.s32 $0x20, s21  }
0x36d: {  	[hbm4b:s24+s19] =	stream.strided.scatter [tilespmem:s29], [sflag:$0x5], $0x400, s20, s19, $0x38;
	[tilespmem:$0x18000] =	vst v63  }
0x36e: {  	s30 =	sadd.s32 $0x8800, s22;
	s31 =	sadd.s32 $0x40, s21  }
0x36f: {  	[hbm4b:s31+s19] =	stream.strided.scatter [tilespmem:s30], [sflag:$0x5], $0x400, s20, s19, $0x38;
	[tilespmem:$0x18000] =	vst v63  }
0x370: {  	s0 =	sadd.s32 $0x8C00, s22;
	s1 =	sadd.s32 $0x60, s21  }
0x371: {  	[hbm4b:s1+s19] =	stream.strided.scatter [tilespmem:s0], [sflag:$0x5], $0x400, s20, s19, $0x38;
	[tilespmem:$0x18000] =	vst v63  }
0x372: {  	s26 =	sadd.s32 $0x80, s21;
	s24 =	sadd.s32 $0x9000, s22  }
0x373: {  	[hbm4b:s26+s19] =	stream.strided.scatter [tilespmem:s24], [sflag:$0x5], $0x400, s20, s19, $0x38;
	[tilespmem:$0x18000] =	vst v63  }
0x374: {  	s28 =	sadd.s32 $0x9400, s22;
	s29 =	sadd.s32 $0xA0, s21  }
0x375: {  	[hbm4b:s29+s19] =	stream.strided.scatter [tilespmem:s28], [sflag:$0x5], $0x400, s20, s19, $0x38;
	[tilespmem:$0x18000] =	vst v63  }
0x376: {  	s30 =	sadd.s32 $0x9800, s22;
	s31 =	sadd.s32 $0xC0, s21  }
0x377: {  	[hbm4b:s31+s19] =	stream.strided.scatter [tilespmem:s30], [sflag:$0x5], $0x400, s20, s19, $0x38;
	[tilespmem:$0x18000] =	vst v63  }
0x378: {  	s0 =	sadd.s32 $0x9C00, s22;
	s1 =	sadd.s32 $0xE0, s21  }
0x379: {  	[hbm4b:s1+s19] =	stream.strided.scatter [tilespmem:s0], [sflag:$0x5], $0x400, s20, s19, $0x38;
	[tilespmem:$0x18000] =	vst v63  }
0x37a: {  	s24 =	sadd.s32 $0xA000, s22;
	s26 =	sadd.s32 $0x100, s21  }
0x37b: {  	[hbm4b:s26+s19] =	stream.strided.scatter [tilespmem:s24], [sflag:$0x5], $0x400, s20, s19, $0x38;
	[tilespmem:$0x18000] =	vst v63  }
0x37c: {  	s28 =	sadd.s32 $0xA400, s22;
	s29 =	sadd.s32 $0x120, s21  }
0x37d: {  	[hbm4b:s29+s19] =	stream.strided.scatter [tilespmem:s28], [sflag:$0x5], $0x400, s20, s19, $0x38;
	[tilespmem:$0x18000] =	vst v63  }
0x37e: {  	s30 =	sadd.s32 $0xA800, s22;
	s31 =	sadd.s32 $0x140, s21  }
0x37f: {  	[hbm4b:s31+s19] =	stream.strided.scatter [tilespmem:s30], [sflag:$0x5], $0x400, s20, s19, $0x38;
	[tilespmem:$0x18000] =	vst v63  }
0x380: {  	s0 =	sadd.s32 $0xAC00, s22;
	s1 =	sadd.s32 $0x160, s21  }
0x381: {  	[hbm4b:s1+s19] =	stream.strided.scatter [tilespmem:s0], [sflag:$0x5], $0x400, s20, s19, $0x38;
	[tilespmem:$0x18000] =	vst v63  }
0x382: {  	s24 =	sadd.s32 $0xB000, s22;
	s26 =	sadd.s32 $0x180, s21  }
0x383: {  	[hbm4b:s26+s19] =	stream.strided.scatter [tilespmem:s24], [sflag:$0x5], $0x400, s20, s19, $0x38;
	[tilespmem:$0x18000] =	vst v63  }
0x384: {  	p1 =	por p0, p0;
	s28 =	sadd.s32 $0xB400, s22;
	s29 =	sadd.s32 $0x1A0, s21  }
0x385: {  	[hbm4b:s29+s19] =	stream.strided.scatter [tilespmem:s28], [sflag:$0x5], $0x400, s20, s19, $0x38;
	[tilespmem:$0x18000] =	vst v63  }
.Ltmp20:
0x386: {  	s30 =	sadd.s32 $0xB800, s22;
	s31 =	sadd.s32 $0x1C0, s21;
	(pc) =	sbr.rel @p1 .LBB2_42-.Ltmp20, $4  }
0x387: {  	[hbm4b:s31+s19] =	stream.strided.scatter [tilespmem:s30], [sflag:$0x5], $0x400, s20, s19, $0x38;
	[tilespmem:$0x18000] =	vst v63  }
0x388: {  	s22 =	sadd.s32 $0xBC00, s22;
	s21 =	sadd.s32 $0x1E0, s21  }
0x389: {  	[hbm4b:s21+s19] =	stream.strided.scatter [tilespmem:s22], [sflag:$0x5], $0x400, s20, s19, $0x38;
	[tilespmem:$0x18000] =	vst v63  }
0x38a: {  	p0 =	por $0x0, $0x0;
	s21 =	simm.s32 $0x1  }
0x38b: {  	s21 =	simm.s32 $0x0;
	p0 =	por $0x1, $0x1  }
.LBB2_44:
0x38c: {  	s22 =	sshll.u32 s21, $0xE  }
0x38d: {  	s28 =	sshll.u32 s21, $0xC;
	s22 =	sand.u32 $0x3FFFC000, s22  }
0x38e: {  	s21 =	sadd.s32 s28, s8;
	s23 =	sadd.s32 $0x8000, s22  }
0x38f: {  	[hbm4b:s21+s19] =	stream.strided.scatter [tilespmem:s23], [sflag:$0x5], $0x400, s20, s19, $0x38;
	[tilespmem:$0x18000] =	vst v63  }
0x390: {  	s29 =	sadd.s32 $0x8400, s22;
	s24 =	sadd.s32 $0x20, s21  }
0x391: {  	[hbm4b:s24+s19] =	stream.strided.scatter [tilespmem:s29], [sflag:$0x5], $0x400, s20, s19, $0x38;
	[tilespmem:$0x18000] =	vst v63  }
0x392: {  	s30 =	sadd.s32 $0x8800, s22;
	s31 =	sadd.s32 $0x40, s21  }
0x393: {  	[hbm4b:s31+s19] =	stream.strided.scatter [tilespmem:s30], [sflag:$0x5], $0x400, s20, s19, $0x38;
	[tilespmem:$0x18000] =	vst v63  }
0x394: {  	s0 =	sadd.s32 $0x8C00, s22;
	s1 =	sadd.s32 $0x60, s21  }
0x395: {  	[hbm4b:s1+s19] =	stream.strided.scatter [tilespmem:s0], [sflag:$0x5], $0x400, s20, s19, $0x38;
	[tilespmem:$0x18000] =	vst v63  }
0x396: {  	s26 =	sadd.s32 $0x80, s21;
	s24 =	sadd.s32 $0x9000, s22  }
0x397: {  	[hbm4b:s26+s19] =	stream.strided.scatter [tilespmem:s24], [sflag:$0x5], $0x400, s20, s19, $0x38;
	[tilespmem:$0x18000] =	vst v63  }
0x398: {  	s28 =	sadd.s32 $0x9400, s22;
	s29 =	sadd.s32 $0xA0, s21  }
0x399: {  	[hbm4b:s29+s19] =	stream.strided.scatter [tilespmem:s28], [sflag:$0x5], $0x400, s20, s19, $0x38;
	[tilespmem:$0x18000] =	vst v63  }
0x39a: {  	s30 =	sadd.s32 $0x9800, s22;
	s31 =	sadd.s32 $0xC0, s21  }
0x39b: {  	[hbm4b:s31+s19] =	stream.strided.scatter [tilespmem:s30], [sflag:$0x5], $0x400, s20, s19, $0x38;
	[tilespmem:$0x18000] =	vst v63  }
0x39c: {  	s0 =	sadd.s32 $0x9C00, s22;
	s1 =	sadd.s32 $0xE0, s21  }
0x39d: {  	[hbm4b:s1+s19] =	stream.strided.scatter [tilespmem:s0], [sflag:$0x5], $0x400, s20, s19, $0x38;
	[tilespmem:$0x18000] =	vst v63  }
0x39e: {  	s24 =	sadd.s32 $0xA000, s22;
	s26 =	sadd.s32 $0x100, s21  }
0x39f: {  	[hbm4b:s26+s19] =	stream.strided.scatter [tilespmem:s24], [sflag:$0x5], $0x400, s20, s19, $0x38;
	[tilespmem:$0x18000] =	vst v63  }
0x3a0: {  	s28 =	sadd.s32 $0xA400, s22;
	s29 =	sadd.s32 $0x120, s21  }
0x3a1: {  	[hbm4b:s29+s19] =	stream.strided.scatter [tilespmem:s28], [sflag:$0x5], $0x400, s20, s19, $0x38;
	[tilespmem:$0x18000] =	vst v63  }
0x3a2: {  	s30 =	sadd.s32 $0xA800, s22;
	s31 =	sadd.s32 $0x140, s21  }
0x3a3: {  	[hbm4b:s31+s19] =	stream.strided.scatter [tilespmem:s30], [sflag:$0x5], $0x400, s20, s19, $0x38;
	[tilespmem:$0x18000] =	vst v63  }
0x3a4: {  	s0 =	sadd.s32 $0xAC00, s22;
	s1 =	sadd.s32 $0x160, s21  }
0x3a5: {  	[hbm4b:s1+s19] =	stream.strided.scatter [tilespmem:s0], [sflag:$0x5], $0x400, s20, s19, $0x38;
	[tilespmem:$0x18000] =	vst v63  }
0x3a6: {  	s24 =	sadd.s32 $0xB000, s22;
	s26 =	sadd.s32 $0x180, s21  }
0x3a7: {  	[hbm4b:s26+s19] =	stream.strided.scatter [tilespmem:s24], [sflag:$0x5], $0x400, s20, s19, $0x38;
	[tilespmem:$0x18000] =	vst v63  }
0x3a8: {  	p1 =	por p0, p0;
	s28 =	sadd.s32 $0xB400, s22;
	s29 =	sadd.s32 $0x1A0, s21  }
0x3a9: {  	[hbm4b:s29+s19] =	stream.strided.scatter [tilespmem:s28], [sflag:$0x5], $0x400, s20, s19, $0x38;
	[tilespmem:$0x18000] =	vst v63  }
.Ltmp21:
0x3aa: {  	s30 =	sadd.s32 $0xB800, s22;
	s31 =	sadd.s32 $0x1C0, s21;
	(pc) =	sbr.rel @p1 .LBB2_44-.Ltmp21, $4  }
0x3ab: {  	[hbm4b:s31+s19] =	stream.strided.scatter [tilespmem:s30], [sflag:$0x5], $0x400, s20, s19, $0x38;
	[tilespmem:$0x18000] =	vst v63  }
0x3ac: {  	s22 =	sadd.s32 $0xBC00, s22;
	s21 =	sadd.s32 $0x1E0, s21  }
0x3ad: {  	[hbm4b:s21+s19] =	stream.strided.scatter [tilespmem:s22], [sflag:$0x5], $0x400, s20, s19, $0x38;
	[tilespmem:$0x18000] =	vst v63  }
0x3ae: {  	p0 =	por $0x0, $0x0;
	s21 =	simm.s32 $0x1  }
0x3af: {  	s21 =	simm.s32 $0x5  }
0x3b0: {  	_ =	swait.ge [sflag:s21], $0x8000  }
0x3b1: {  	[sflag:s21] =	ssyncset.done $0x0  }
0x3b2: {  	[sflag:s21] =	ssyncadd.s32 $0xFFFF8000  }
0x3b3: {  	_ =	swait.ge [sflag:s21], $0x8000  }
0x3b4: {  	s23 =	simm.s32 $0x8000;
	s31 =	simm.s32 $0x3;
	[sflag:s21] =	ssyncset.done $0x0  }
0x3b5: {  	s22 =	rddreg [dreg:$0x10];
	[sflag:s21] =	ssyncadd.s32 $0xFFFF8000;
	s21 =	simm.s32 $0x0  }
0x3b6: {  	[tilespmem:s23], [sflag:$0x2] =	stream.linear.gather [hbm4b:s22+s21], $0x8000, $0x38;
	[tilespmem:$0x18000] =	vst v63  }
0x3b7: {  	_ =	swait.ge [sflag:s31], $0x8000  }
0x3b8: {  	[sflag:s31] =	ssyncset.done $0x0  }
0x3b9: {  	p0 =	por $0x1, $0x1;
	[sflag:s31] =	ssyncadd.s32 $0xFFFF8000  }
.LBB2_46:
0x3ba: {  	s22 =	sshll.u32 s21, $0xE  }
0x3bb: {  	s28 =	sshll.u32 s21, $0xC;
	s22 =	sand.u32 $0x3FFFC000, s22  }
0x3bc: {  	s21 =	sadd.s32 s28, s9;
	s23 =	sadd.s32 $0x10000, s22  }
0x3bd: {  	[hbm4b:s21+s19] =	stream.strided.scatter [tilespmem:s23], [sflag:$0x6], $0x400, s20, s19, $0x38;
	[tilespmem:$0x18000] =	vst v63  }
0x3be: {  	s29 =	sadd.s32 $0x10400, s22;
	s24 =	sadd.s32 $0x20, s21  }
0x3bf: {  	[hbm4b:s24+s19] =	stream.strided.scatter [tilespmem:s29], [sflag:$0x6], $0x400, s20, s19, $0x38;
	[tilespmem:$0x18000] =	vst v63  }
0x3c0: {  	s30 =	sadd.s32 $0x10800, s22;
	s31 =	sadd.s32 $0x40, s21  }
0x3c1: {  	[hbm4b:s31+s19] =	stream.strided.scatter [tilespmem:s30], [sflag:$0x6], $0x400, s20, s19, $0x38;
	[tilespmem:$0x18000] =	vst v63  }
0x3c2: {  	s0 =	sadd.s32 $0x10C00, s22;
	s1 =	sadd.s32 $0x60, s21  }
0x3c3: {  	[hbm4b:s1+s19] =	stream.strided.scatter [tilespmem:s0], [sflag:$0x6], $0x400, s20, s19, $0x38;
	[tilespmem:$0x18000] =	vst v63  }
0x3c4: {  	s26 =	sadd.s32 $0x80, s21;
	s24 =	sadd.s32 $0x11000, s22  }
0x3c5: {  	[hbm4b:s26+s19] =	stream.strided.scatter [tilespmem:s24], [sflag:$0x6], $0x400, s20, s19, $0x38;
	[tilespmem:$0x18000] =	vst v63  }
0x3c6: {  	s28 =	sadd.s32 $0x11400, s22;
	s29 =	sadd.s32 $0xA0, s21  }
0x3c7: {  	[hbm4b:s29+s19] =	stream.strided.scatter [tilespmem:s28], [sflag:$0x6], $0x400, s20, s19, $0x38;
	[tilespmem:$0x18000] =	vst v63  }
0x3c8: {  	s30 =	sadd.s32 $0x11800, s22;
	s31 =	sadd.s32 $0xC0, s21  }
0x3c9: {  	[hbm4b:s31+s19] =	stream.strided.scatter [tilespmem:s30], [sflag:$0x6], $0x400, s20, s19, $0x38;
	[tilespmem:$0x18000] =	vst v63  }
0x3ca: {  	s0 =	sadd.s32 $0x11C00, s22;
	s1 =	sadd.s32 $0xE0, s21  }
0x3cb: {  	[hbm4b:s1+s19] =	stream.strided.scatter [tilespmem:s0], [sflag:$0x6], $0x400, s20, s19, $0x38;
	[tilespmem:$0x18000] =	vst v63  }
0x3cc: {  	s24 =	sadd.s32 $0x12000, s22;
	s26 =	sadd.s32 $0x100, s21  }
0x3cd: {  	[hbm4b:s26+s19] =	stream.strided.scatter [tilespmem:s24], [sflag:$0x6], $0x400, s20, s19, $0x38;
	[tilespmem:$0x18000] =	vst v63  }
0x3ce: {  	s28 =	sadd.s32 $0x12400, s22;
	s29 =	sadd.s32 $0x120, s21  }
0x3cf: {  	[hbm4b:s29+s19] =	stream.strided.scatter [tilespmem:s28], [sflag:$0x6], $0x400, s20, s19, $0x38;
	[tilespmem:$0x18000] =	vst v63  }
0x3d0: {  	s30 =	sadd.s32 $0x12800, s22;
	s31 =	sadd.s32 $0x140, s21  }
0x3d1: {  	[hbm4b:s31+s19] =	stream.strided.scatter [tilespmem:s30], [sflag:$0x6], $0x400, s20, s19, $0x38;
	[tilespmem:$0x18000] =	vst v63  }
0x3d2: {  	s0 =	sadd.s32 $0x12C00, s22;
	s1 =	sadd.s32 $0x160, s21  }
0x3d3: {  	[hbm4b:s1+s19] =	stream.strided.scatter [tilespmem:s0], [sflag:$0x6], $0x400, s20, s19, $0x38;
	[tilespmem:$0x18000] =	vst v63  }
0x3d4: {  	s24 =	sadd.s32 $0x13000, s22;
	s26 =	sadd.s32 $0x180, s21  }
0x3d5: {  	[hbm4b:s26+s19] =	stream.strided.scatter [tilespmem:s24], [sflag:$0x6], $0x400, s20, s19, $0x38;
	[tilespmem:$0x18000] =	vst v63  }
0x3d6: {  	p1 =	por p0, p0;
	s28 =	sadd.s32 $0x13400, s22;
	s29 =	sadd.s32 $0x1A0, s21  }
0x3d7: {  	[hbm4b:s29+s19] =	stream.strided.scatter [tilespmem:s28], [sflag:$0x6], $0x400, s20, s19, $0x38;
	[tilespmem:$0x18000] =	vst v63  }
.Ltmp22:
0x3d8: {  	s30 =	sadd.s32 $0x13800, s22;
	s31 =	sadd.s32 $0x1C0, s21;
	(pc) =	sbr.rel @p1 .LBB2_46-.Ltmp22, $4  }
0x3d9: {  	[hbm4b:s31+s19] =	stream.strided.scatter [tilespmem:s30], [sflag:$0x6], $0x400, s20, s19, $0x38;
	[tilespmem:$0x18000] =	vst v63  }
0x3da: {  	s22 =	sadd.s32 $0x13C00, s22;
	s21 =	sadd.s32 $0x1E0, s21  }
0x3db: {  	[hbm4b:s21+s19] =	stream.strided.scatter [tilespmem:s22], [sflag:$0x6], $0x400, s20, s19, $0x38;
	[tilespmem:$0x18000] =	vst v63  }
0x3dc: {  	p0 =	por $0x0, $0x0;
	s21 =	simm.s32 $0x1  }
0x3dd: {  	s21 =	simm.s32 $0x0;
	p0 =	por $0x1, $0x1  }
.LBB2_48:
0x3de: {  	s22 =	sshll.u32 s21, $0xE  }
0x3df: {  	s28 =	sshll.u32 s21, $0xC;
	s22 =	sand.u32 $0x3FFFC000, s22  }
0x3e0: {  	s21 =	sadd.s32 s28, s10;
	s23 =	sadd.s32 $0x10000, s22  }
0x3e1: {  	[hbm4b:s21+s19] =	stream.strided.scatter [tilespmem:s23], [sflag:$0x6], $0x400, s20, s19, $0x38;
	[tilespmem:$0x18000] =	vst v63  }
0x3e2: {  	s29 =	sadd.s32 $0x10400, s22;
	s24 =	sadd.s32 $0x20, s21  }
0x3e3: {  	[hbm4b:s24+s19] =	stream.strided.scatter [tilespmem:s29], [sflag:$0x6], $0x400, s20, s19, $0x38;
	[tilespmem:$0x18000] =	vst v63  }
0x3e4: {  	s30 =	sadd.s32 $0x10800, s22;
	s31 =	sadd.s32 $0x40, s21  }
0x3e5: {  	[hbm4b:s31+s19] =	stream.strided.scatter [tilespmem:s30], [sflag:$0x6], $0x400, s20, s19, $0x38;
	[tilespmem:$0x18000] =	vst v63  }
0x3e6: {  	s0 =	sadd.s32 $0x10C00, s22;
	s1 =	sadd.s32 $0x60, s21  }
0x3e7: {  	[hbm4b:s1+s19] =	stream.strided.scatter [tilespmem:s0], [sflag:$0x6], $0x400, s20, s19, $0x38;
	[tilespmem:$0x18000] =	vst v63  }
0x3e8: {  	s26 =	sadd.s32 $0x80, s21;
	s24 =	sadd.s32 $0x11000, s22  }
0x3e9: {  	[hbm4b:s26+s19] =	stream.strided.scatter [tilespmem:s24], [sflag:$0x6], $0x400, s20, s19, $0x38;
	[tilespmem:$0x18000] =	vst v63  }
0x3ea: {  	s28 =	sadd.s32 $0x11400, s22;
	s29 =	sadd.s32 $0xA0, s21  }
0x3eb: {  	[hbm4b:s29+s19] =	stream.strided.scatter [tilespmem:s28], [sflag:$0x6], $0x400, s20, s19, $0x38;
	[tilespmem:$0x18000] =	vst v63  }
0x3ec: {  	s30 =	sadd.s32 $0x11800, s22;
	s31 =	sadd.s32 $0xC0, s21  }
0x3ed: {  	[hbm4b:s31+s19] =	stream.strided.scatter [tilespmem:s30], [sflag:$0x6], $0x400, s20, s19, $0x38;
	[tilespmem:$0x18000] =	vst v63  }
0x3ee: {  	s0 =	sadd.s32 $0x11C00, s22;
	s1 =	sadd.s32 $0xE0, s21  }
0x3ef: {  	[hbm4b:s1+s19] =	stream.strided.scatter [tilespmem:s0], [sflag:$0x6], $0x400, s20, s19, $0x38;
	[tilespmem:$0x18000] =	vst v63  }
0x3f0: {  	s24 =	sadd.s32 $0x12000, s22;
	s26 =	sadd.s32 $0x100, s21  }
0x3f1: {  	[hbm4b:s26+s19] =	stream.strided.scatter [tilespmem:s24], [sflag:$0x6], $0x400, s20, s19, $0x38;
	[tilespmem:$0x18000] =	vst v63  }
0x3f2: {  	s28 =	sadd.s32 $0x12400, s22;
	s29 =	sadd.s32 $0x120, s21  }
0x3f3: {  	[hbm4b:s29+s19] =	stream.strided.scatter [tilespmem:s28], [sflag:$0x6], $0x400, s20, s19, $0x38;
	[tilespmem:$0x18000] =	vst v63  }
0x3f4: {  	s30 =	sadd.s32 $0x12800, s22;
	s31 =	sadd.s32 $0x140, s21  }
0x3f5: {  	[hbm4b:s31+s19] =	stream.strided.scatter [tilespmem:s30], [sflag:$0x6], $0x400, s20, s19, $0x38;
	[tilespmem:$0x18000] =	vst v63  }
0x3f6: {  	s0 =	sadd.s32 $0x12C00, s22;
	s1 =	sadd.s32 $0x160, s21  }
0x3f7: {  	[hbm4b:s1+s19] =	stream.strided.scatter [tilespmem:s0], [sflag:$0x6], $0x400, s20, s19, $0x38;
	[tilespmem:$0x18000] =	vst v63  }
0x3f8: {  	s24 =	sadd.s32 $0x13000, s22;
	s26 =	sadd.s32 $0x180, s21  }
0x3f9: {  	[hbm4b:s26+s19] =	stream.strided.scatter [tilespmem:s24], [sflag:$0x6], $0x400, s20, s19, $0x38;
	[tilespmem:$0x18000] =	vst v63  }
0x3fa: {  	p1 =	por p0, p0;
	s28 =	sadd.s32 $0x13400, s22;
	s29 =	sadd.s32 $0x1A0, s21  }
0x3fb: {  	[hbm4b:s29+s19] =	stream.strided.scatter [tilespmem:s28], [sflag:$0x6], $0x400, s20, s19, $0x38;
	[tilespmem:$0x18000] =	vst v63  }
.Ltmp23:
0x3fc: {  	s30 =	sadd.s32 $0x13800, s22;
	s31 =	sadd.s32 $0x1C0, s21;
	(pc) =	sbr.rel @p1 .LBB2_48-.Ltmp23, $4  }
0x3fd: {  	[hbm4b:s31+s19] =	stream.strided.scatter [tilespmem:s30], [sflag:$0x6], $0x400, s20, s19, $0x38;
	[tilespmem:$0x18000] =	vst v63  }
0x3fe: {  	s22 =	sadd.s32 $0x13C00, s22;
	s21 =	sadd.s32 $0x1E0, s21  }
0x3ff: {  	[hbm4b:s21+s19] =	stream.strided.scatter [tilespmem:s22], [sflag:$0x6], $0x400, s20, s19, $0x38;
	[tilespmem:$0x18000] =	vst v63  }
0x400: {  	p0 =	por $0x0, $0x0;
	s21 =	simm.s32 $0x1  }
0x401: {  	s21 =	simm.s32 $0x6  }
0x402: {  	_ =	swait.ge [sflag:s21], $0x8000  }
0x403: {  	[sflag:s21] =	ssyncset.done $0x0  }
0x404: {  	[sflag:s21] =	ssyncadd.s32 $0xFFFF8000  }
0x405: {  	_ =	swait.ge [sflag:s21], $0x8000  }
0x406: {  	s23 =	simm.s32 $0x10000;
	s31 =	simm.s32 $0x1;
	[sflag:s21] =	ssyncset.done $0x0  }
0x407: {  	s22 =	rddreg [dreg:$0x11];
	[sflag:s21] =	ssyncadd.s32 $0xFFFF8000;
	s21 =	simm.s32 $0x0  }
0x408: {  	[tilespmem:s23], [sflag:$0x3] =	stream.linear.gather [hbm4b:s22+s21], $0x8000, $0x38;
	[tilespmem:$0x18000] =	vst v63  }
0x409: {  	_ =	swait.ge [sflag:s31], $0x8000  }
0x40a: {  	[sflag:s31] =	ssyncset.done $0x0  }
0x40b: {  	p0 =	por $0x1, $0x1;
	[sflag:s31] =	ssyncadd.s32 $0xFFFF8000  }
.LBB2_50:
0x40c: {  	s22 =	sshll.u32 s21, $0xE;
	s29 =	sshll.u32 s21, $0xC  }
0x40d: {  	s22 =	sand.u32 $0x3FFFC000, s22;
	s21 =	sadd.s32 s29, s11  }
0x40e: {  	[hbm4b:s21+s19] =	stream.strided.scatter [tilespmem:s22], [sflag:$0x4], $0x400, s20, s19, $0x38;
	[tilespmem:$0x18000] =	vst v63  }
0x40f: {  	s23 =	sor.u32 $0x400, s22;
	s24 =	sadd.s32 $0x20, s21  }
0x410: {  	[hbm4b:s24+s19] =	stream.strided.scatter [tilespmem:s23], [sflag:$0x4], $0x400, s20, s19, $0x38;
	[tilespmem:$0x18000] =	vst v63  }
0x411: {  	s30 =	sor.u32 $0x800, s22;
	s31 =	sadd.s32 $0x40, s21  }
0x412: {  	[hbm4b:s31+s19] =	stream.strided.scatter [tilespmem:s30], [sflag:$0x4], $0x400, s20, s19, $0x38;
	[tilespmem:$0x18000] =	vst v63  }
0x413: {  	s0 =	sor.u32 $0xC00, s22;
	s1 =	sadd.s32 $0x60, s21  }
0x414: {  	[hbm4b:s1+s19] =	stream.strided.scatter [tilespmem:s0], [sflag:$0x4], $0x400, s20, s19, $0x38;
	[tilespmem:$0x18000] =	vst v63  }
0x415: {  	s26 =	sadd.s32 $0x80, s21;
	s24 =	sor.u32 $0x1000, s22  }
0x416: {  	[hbm4b:s26+s19] =	stream.strided.scatter [tilespmem:s24], [sflag:$0x4], $0x400, s20, s19, $0x38;
	[tilespmem:$0x18000] =	vst v63  }
0x417: {  	s28 =	sor.u32 $0x1400, s22;
	s29 =	sadd.s32 $0xA0, s21  }
0x418: {  	[hbm4b:s29+s19] =	stream.strided.scatter [tilespmem:s28], [sflag:$0x4], $0x400, s20, s19, $0x38;
	[tilespmem:$0x18000] =	vst v63  }
0x419: {  	s30 =	sor.u32 $0x1800, s22;
	s31 =	sadd.s32 $0xC0, s21  }
0x41a: {  	[hbm4b:s31+s19] =	stream.strided.scatter [tilespmem:s30], [sflag:$0x4], $0x400, s20, s19, $0x38;
	[tilespmem:$0x18000] =	vst v63  }
0x41b: {  	s0 =	sor.u32 $0x1C00, s22;
	s1 =	sadd.s32 $0xE0, s21  }
0x41c: {  	[hbm4b:s1+s19] =	stream.strided.scatter [tilespmem:s0], [sflag:$0x4], $0x400, s20, s19, $0x38;
	[tilespmem:$0x18000] =	vst v63  }
0x41d: {  	s24 =	sor.u32 $0x2000, s22;
	s26 =	sadd.s32 $0x100, s21  }
0x41e: {  	[hbm4b:s26+s19] =	stream.strided.scatter [tilespmem:s24], [sflag:$0x4], $0x400, s20, s19, $0x38;
	[tilespmem:$0x18000] =	vst v63  }
0x41f: {  	s28 =	sor.u32 $0x2400, s22;
	s29 =	sadd.s32 $0x120, s21  }
0x420: {  	[hbm4b:s29+s19] =	stream.strided.scatter [tilespmem:s28], [sflag:$0x4], $0x400, s20, s19, $0x38;
	[tilespmem:$0x18000] =	vst v63  }
0x421: {  	s30 =	sor.u32 $0x2800, s22;
	s31 =	sadd.s32 $0x140, s21  }
0x422: {  	[hbm4b:s31+s19] =	stream.strided.scatter [tilespmem:s30], [sflag:$0x4], $0x400, s20, s19, $0x38;
	[tilespmem:$0x18000] =	vst v63  }
0x423: {  	s0 =	sor.u32 $0x2C00, s22;
	s1 =	sadd.s32 $0x160, s21  }
0x424: {  	[hbm4b:s1+s19] =	stream.strided.scatter [tilespmem:s0], [sflag:$0x4], $0x400, s20, s19, $0x38;
	[tilespmem:$0x18000] =	vst v63  }
0x425: {  	s24 =	sor.u32 $0x3000, s22;
	s26 =	sadd.s32 $0x180, s21  }
0x426: {  	[hbm4b:s26+s19] =	stream.strided.scatter [tilespmem:s24], [sflag:$0x4], $0x400, s20, s19, $0x38;
	[tilespmem:$0x18000] =	vst v63  }
0x427: {  	p1 =	por p0, p0;
	s28 =	sor.u32 $0x3400, s22;
	s29 =	sadd.s32 $0x1A0, s21  }
0x428: {  	[hbm4b:s29+s19] =	stream.strided.scatter [tilespmem:s28], [sflag:$0x4], $0x400, s20, s19, $0x38;
	[tilespmem:$0x18000] =	vst v63  }
.Ltmp24:
0x429: {  	s30 =	sor.u32 $0x3800, s22;
	s31 =	sadd.s32 $0x1C0, s21;
	(pc) =	sbr.rel @p1 .LBB2_50-.Ltmp24, $4  }
0x42a: {  	[hbm4b:s31+s19] =	stream.strided.scatter [tilespmem:s30], [sflag:$0x4], $0x400, s20, s19, $0x38;
	[tilespmem:$0x18000] =	vst v63  }
0x42b: {  	s22 =	sor.u32 $0x3C00, s22;
	s21 =	sadd.s32 $0x1E0, s21  }
0x42c: {  	[hbm4b:s21+s19] =	stream.strided.scatter [tilespmem:s22], [sflag:$0x4], $0x400, s20, s19, $0x38;
	[tilespmem:$0x18000] =	vst v63  }
0x42d: {  	p0 =	por $0x0, $0x0;
	s21 =	simm.s32 $0x1  }
0x42e: {  	s21 =	simm.s32 $0x0;
	p0 =	por $0x1, $0x1  }
.LBB2_52:
0x42f: {  	s22 =	sshll.u32 s21, $0xE;
	s29 =	sshll.u32 s21, $0xC  }
0x430: {  	s22 =	sand.u32 $0x3FFFC000, s22;
	s21 =	sadd.s32 s29, s12  }
0x431: {  	[hbm4b:s21+s19] =	stream.strided.scatter [tilespmem:s22], [sflag:$0x4], $0x400, s20, s19, $0x38;
	[tilespmem:$0x18000] =	vst v63  }
0x432: {  	s23 =	sor.u32 $0x400, s22;
	s24 =	sadd.s32 $0x20, s21  }
0x433: {  	[hbm4b:s24+s19] =	stream.strided.scatter [tilespmem:s23], [sflag:$0x4], $0x400, s20, s19, $0x38;
	[tilespmem:$0x18000] =	vst v63  }
0x434: {  	s30 =	sor.u32 $0x800, s22;
	s31 =	sadd.s32 $0x40, s21  }
0x435: {  	[hbm4b:s31+s19] =	stream.strided.scatter [tilespmem:s30], [sflag:$0x4], $0x400, s20, s19, $0x38;
	[tilespmem:$0x18000] =	vst v63  }
0x436: {  	s0 =	sor.u32 $0xC00, s22;
	s1 =	sadd.s32 $0x60, s21  }
0x437: {  	[hbm4b:s1+s19] =	stream.strided.scatter [tilespmem:s0], [sflag:$0x4], $0x400, s20, s19, $0x38;
	[tilespmem:$0x18000] =	vst v63  }
0x438: {  	s26 =	sadd.s32 $0x80, s21;
	s24 =	sor.u32 $0x1000, s22  }
0x439: {  	[hbm4b:s26+s19] =	stream.strided.scatter [tilespmem:s24], [sflag:$0x4], $0x400, s20, s19, $0x38;
	[tilespmem:$0x18000] =	vst v63  }
0x43a: {  	s28 =	sor.u32 $0x1400, s22;
	s29 =	sadd.s32 $0xA0, s21  }
0x43b: {  	[hbm4b:s29+s19] =	stream.strided.scatter [tilespmem:s28], [sflag:$0x4], $0x400, s20, s19, $0x38;
	[tilespmem:$0x18000] =	vst v63  }
0x43c: {  	s30 =	sor.u32 $0x1800, s22;
	s31 =	sadd.s32 $0xC0, s21  }
0x43d: {  	[hbm4b:s31+s19] =	stream.strided.scatter [tilespmem:s30], [sflag:$0x4], $0x400, s20, s19, $0x38;
	[tilespmem:$0x18000] =	vst v63  }
0x43e: {  	s0 =	sor.u32 $0x1C00, s22;
	s1 =	sadd.s32 $0xE0, s21  }
0x43f: {  	[hbm4b:s1+s19] =	stream.strided.scatter [tilespmem:s0], [sflag:$0x4], $0x400, s20, s19, $0x38;
	[tilespmem:$0x18000] =	vst v63  }
0x440: {  	s24 =	sor.u32 $0x2000, s22;
	s26 =	sadd.s32 $0x100, s21  }
0x441: {  	[hbm4b:s26+s19] =	stream.strided.scatter [tilespmem:s24], [sflag:$0x4], $0x400, s20, s19, $0x38;
	[tilespmem:$0x18000] =	vst v63  }
0x442: {  	s28 =	sor.u32 $0x2400, s22;
	s29 =	sadd.s32 $0x120, s21  }
0x443: {  	[hbm4b:s29+s19] =	stream.strided.scatter [tilespmem:s28], [sflag:$0x4], $0x400, s20, s19, $0x38;
	[tilespmem:$0x18000] =	vst v63  }
0x444: {  	s30 =	sor.u32 $0x2800, s22;
	s31 =	sadd.s32 $0x140, s21  }
0x445: {  	[hbm4b:s31+s19] =	stream.strided.scatter [tilespmem:s30], [sflag:$0x4], $0x400, s20, s19, $0x38;
	[tilespmem:$0x18000] =	vst v63  }
0x446: {  	s0 =	sor.u32 $0x2C00, s22;
	s1 =	sadd.s32 $0x160, s21  }
0x447: {  	[hbm4b:s1+s19] =	stream.strided.scatter [tilespmem:s0], [sflag:$0x4], $0x400, s20, s19, $0x38;
	[tilespmem:$0x18000] =	vst v63  }
0x448: {  	s24 =	sor.u32 $0x3000, s22;
	s26 =	sadd.s32 $0x180, s21  }
0x449: {  	[hbm4b:s26+s19] =	stream.strided.scatter [tilespmem:s24], [sflag:$0x4], $0x400, s20, s19, $0x38;
	[tilespmem:$0x18000] =	vst v63  }
0x44a: {  	p1 =	por p0, p0;
	s28 =	sor.u32 $0x3400, s22;
	s29 =	sadd.s32 $0x1A0, s21  }
0x44b: {  	[hbm4b:s29+s19] =	stream.strided.scatter [tilespmem:s28], [sflag:$0x4], $0x400, s20, s19, $0x38;
	[tilespmem:$0x18000] =	vst v63  }
.Ltmp25:
0x44c: {  	s30 =	sor.u32 $0x3800, s22;
	s31 =	sadd.s32 $0x1C0, s21;
	(pc) =	sbr.rel @p1 .LBB2_52-.Ltmp25, $4  }
0x44d: {  	[hbm4b:s31+s19] =	stream.strided.scatter [tilespmem:s30], [sflag:$0x4], $0x400, s20, s19, $0x38;
	[tilespmem:$0x18000] =	vst v63  }
0x44e: {  	s22 =	sor.u32 $0x3C00, s22;
	s21 =	sadd.s32 $0x1E0, s21  }
0x44f: {  	[hbm4b:s21+s19] =	stream.strided.scatter [tilespmem:s22], [sflag:$0x4], $0x400, s20, s19, $0x38;
	[tilespmem:$0x18000] =	vst v63  }
0x450: {  	p0 =	por $0x0, $0x0;
	s21 =	simm.s32 $0x1  }
0x451: {  	s21 =	simm.s32 $0x4  }
0x452: {  	_ =	swait.ge [sflag:s21], $0x8000  }
0x453: {  	[sflag:s21] =	ssyncset.done $0x0  }
0x454: {  	[sflag:s21] =	ssyncadd.s32 $0xFFFF8000  }
0x455: {  	_ =	swait.ge [sflag:s21], $0x8000  }
0x456: {  	s31 =	simm.s32 $0x2;
	[sflag:s21] =	ssyncset.done $0x0  }
0x457: {  	s22 =	rddreg [dreg:$0x12];
	[sflag:s21] =	ssyncadd.s32 $0xFFFF8000;
	s21 =	simm.s32 $0x0  }
0x458: {  	[tilespmem:s21], [sflag:$0x1] =	stream.linear.gather [hbm4b:s22+s21], $0x8000, $0x38;
	[tilespmem:$0x18000] =	vst v63  }
0x459: {  	_ =	swait.ge [sflag:s31], $0x8000  }
0x45a: {  	[sflag:s31] =	ssyncset.done $0x0  }
0x45b: {  	p0 =	por $0x1, $0x1;
	[sflag:s31] =	ssyncadd.s32 $0xFFFF8000  }
.LBB2_54:
0x45c: {  	s22 =	sshll.u32 s21, $0xE  }
0x45d: {  	s28 =	sshll.u32 s21, $0xC;
	s22 =	sand.u32 $0x3FFFC000, s22  }
0x45e: {  	s21 =	sadd.s32 s28, s13;
	s23 =	sadd.s32 $0x8000, s22  }
0x45f: {  	[hbm4b:s21+s19] =	stream.strided.scatter [tilespmem:s23], [sflag:$0x5], $0x400, s20, s19, $0x38;
	[tilespmem:$0x18000] =	vst v63  }
0x460: {  	s29 =	sadd.s32 $0x8400, s22;
	s24 =	sadd.s32 $0x20, s21  }
0x461: {  	[hbm4b:s24+s19] =	stream.strided.scatter [tilespmem:s29], [sflag:$0x5], $0x400, s20, s19, $0x38;
	[tilespmem:$0x18000] =	vst v63  }
0x462: {  	s30 =	sadd.s32 $0x8800, s22;
	s31 =	sadd.s32 $0x40, s21  }
0x463: {  	[hbm4b:s31+s19] =	stream.strided.scatter [tilespmem:s30], [sflag:$0x5], $0x400, s20, s19, $0x38;
	[tilespmem:$0x18000] =	vst v63  }
0x464: {  	s0 =	sadd.s32 $0x8C00, s22;
	s1 =	sadd.s32 $0x60, s21  }
0x465: {  	[hbm4b:s1+s19] =	stream.strided.scatter [tilespmem:s0], [sflag:$0x5], $0x400, s20, s19, $0x38;
	[tilespmem:$0x18000] =	vst v63  }
0x466: {  	s26 =	sadd.s32 $0x80, s21;
	s24 =	sadd.s32 $0x9000, s22  }
0x467: {  	[hbm4b:s26+s19] =	stream.strided.scatter [tilespmem:s24], [sflag:$0x5], $0x400, s20, s19, $0x38;
	[tilespmem:$0x18000] =	vst v63  }
0x468: {  	s28 =	sadd.s32 $0x9400, s22;
	s29 =	sadd.s32 $0xA0, s21  }
0x469: {  	[hbm4b:s29+s19] =	stream.strided.scatter [tilespmem:s28], [sflag:$0x5], $0x400, s20, s19, $0x38;
	[tilespmem:$0x18000] =	vst v63  }
0x46a: {  	s30 =	sadd.s32 $0x9800, s22;
	s31 =	sadd.s32 $0xC0, s21  }
0x46b: {  	[hbm4b:s31+s19] =	stream.strided.scatter [tilespmem:s30], [sflag:$0x5], $0x400, s20, s19, $0x38;
	[tilespmem:$0x18000] =	vst v63  }
0x46c: {  	s0 =	sadd.s32 $0x9C00, s22;
	s1 =	sadd.s32 $0xE0, s21  }
0x46d: {  	[hbm4b:s1+s19] =	stream.strided.scatter [tilespmem:s0], [sflag:$0x5], $0x400, s20, s19, $0x38;
	[tilespmem:$0x18000] =	vst v63  }
0x46e: {  	s24 =	sadd.s32 $0xA000, s22;
	s26 =	sadd.s32 $0x100, s21  }
0x46f: {  	[hbm4b:s26+s19] =	stream.strided.scatter [tilespmem:s24], [sflag:$0x5], $0x400, s20, s19, $0x38;
	[tilespmem:$0x18000] =	vst v63  }
0x470: {  	s28 =	sadd.s32 $0xA400, s22;
	s29 =	sadd.s32 $0x120, s21  }
0x471: {  	[hbm4b:s29+s19] =	stream.strided.scatter [tilespmem:s28], [sflag:$0x5], $0x400, s20, s19, $0x38;
	[tilespmem:$0x18000] =	vst v63  }
0x472: {  	s30 =	sadd.s32 $0xA800, s22;
	s31 =	sadd.s32 $0x140, s21  }
0x473: {  	[hbm4b:s31+s19] =	stream.strided.scatter [tilespmem:s30], [sflag:$0x5], $0x400, s20, s19, $0x38;
	[tilespmem:$0x18000] =	vst v63  }
0x474: {  	s0 =	sadd.s32 $0xAC00, s22;
	s1 =	sadd.s32 $0x160, s21  }
0x475: {  	[hbm4b:s1+s19] =	stream.strided.scatter [tilespmem:s0], [sflag:$0x5], $0x400, s20, s19, $0x38;
	[tilespmem:$0x18000] =	vst v63  }
0x476: {  	s24 =	sadd.s32 $0xB000, s22;
	s26 =	sadd.s32 $0x180, s21  }
0x477: {  	[hbm4b:s26+s19] =	stream.strided.scatter [tilespmem:s24], [sflag:$0x5], $0x400, s20, s19, $0x38;
	[tilespmem:$0x18000] =	vst v63  }
0x478: {  	p1 =	por p0, p0;
	s28 =	sadd.s32 $0xB400, s22;
	s29 =	sadd.s32 $0x1A0, s21  }
0x479: {  	[hbm4b:s29+s19] =	stream.strided.scatter [tilespmem:s28], [sflag:$0x5], $0x400, s20, s19, $0x38;
	[tilespmem:$0x18000] =	vst v63  }
.Ltmp26:
0x47a: {  	s30 =	sadd.s32 $0xB800, s22;
	s31 =	sadd.s32 $0x1C0, s21;
	(pc) =	sbr.rel @p1 .LBB2_54-.Ltmp26, $4  }
0x47b: {  	[hbm4b:s31+s19] =	stream.strided.scatter [tilespmem:s30], [sflag:$0x5], $0x400, s20, s19, $0x38;
	[tilespmem:$0x18000] =	vst v63  }
0x47c: {  	s22 =	sadd.s32 $0xBC00, s22;
	s21 =	sadd.s32 $0x1E0, s21  }
0x47d: {  	[hbm4b:s21+s19] =	stream.strided.scatter [tilespmem:s22], [sflag:$0x5], $0x400, s20, s19, $0x38;
	[tilespmem:$0x18000] =	vst v63  }
0x47e: {  	p0 =	por $0x0, $0x0;
	s21 =	simm.s32 $0x1  }
0x47f: {  	s21 =	simm.s32 $0x0;
	p0 =	por $0x1, $0x1  }
.LBB2_56:
0x480: {  	s22 =	sshll.u32 s21, $0xE  }
0x481: {  	s28 =	sshll.u32 s21, $0xC;
	s22 =	sand.u32 $0x3FFFC000, s22  }
0x482: {  	s21 =	sadd.s32 s28, s14;
	s23 =	sadd.s32 $0x8000, s22  }
0x483: {  	[hbm4b:s21+s19] =	stream.strided.scatter [tilespmem:s23], [sflag:$0x5], $0x400, s20, s19, $0x38;
	[tilespmem:$0x18000] =	vst v63  }
0x484: {  	s29 =	sadd.s32 $0x8400, s22;
	s24 =	sadd.s32 $0x20, s21  }
0x485: {  	[hbm4b:s24+s19] =	stream.strided.scatter [tilespmem:s29], [sflag:$0x5], $0x400, s20, s19, $0x38;
	[tilespmem:$0x18000] =	vst v63  }
0x486: {  	s30 =	sadd.s32 $0x8800, s22;
	s31 =	sadd.s32 $0x40, s21  }
0x487: {  	[hbm4b:s31+s19] =	stream.strided.scatter [tilespmem:s30], [sflag:$0x5], $0x400, s20, s19, $0x38;
	[tilespmem:$0x18000] =	vst v63  }
0x488: {  	s0 =	sadd.s32 $0x8C00, s22;
	s1 =	sadd.s32 $0x60, s21  }
0x489: {  	[hbm4b:s1+s19] =	stream.strided.scatter [tilespmem:s0], [sflag:$0x5], $0x400, s20, s19, $0x38;
	[tilespmem:$0x18000] =	vst v63  }
0x48a: {  	s26 =	sadd.s32 $0x80, s21;
	s24 =	sadd.s32 $0x9000, s22  }
0x48b: {  	[hbm4b:s26+s19] =	stream.strided.scatter [tilespmem:s24], [sflag:$0x5], $0x400, s20, s19, $0x38;
	[tilespmem:$0x18000] =	vst v63  }
0x48c: {  	s28 =	sadd.s32 $0x9400, s22;
	s29 =	sadd.s32 $0xA0, s21  }
0x48d: {  	[hbm4b:s29+s19] =	stream.strided.scatter [tilespmem:s28], [sflag:$0x5], $0x400, s20, s19, $0x38;
	[tilespmem:$0x18000] =	vst v63  }
0x48e: {  	s30 =	sadd.s32 $0x9800, s22;
	s31 =	sadd.s32 $0xC0, s21  }
0x48f: {  	[hbm4b:s31+s19] =	stream.strided.scatter [tilespmem:s30], [sflag:$0x5], $0x400, s20, s19, $0x38;
	[tilespmem:$0x18000] =	vst v63  }
0x490: {  	s0 =	sadd.s32 $0x9C00, s22;
	s1 =	sadd.s32 $0xE0, s21  }
0x491: {  	[hbm4b:s1+s19] =	stream.strided.scatter [tilespmem:s0], [sflag:$0x5], $0x400, s20, s19, $0x38;
	[tilespmem:$0x18000] =	vst v63  }
0x492: {  	s24 =	sadd.s32 $0xA000, s22;
	s26 =	sadd.s32 $0x100, s21  }
0x493: {  	[hbm4b:s26+s19] =	stream.strided.scatter [tilespmem:s24], [sflag:$0x5], $0x400, s20, s19, $0x38;
	[tilespmem:$0x18000] =	vst v63  }
0x494: {  	s28 =	sadd.s32 $0xA400, s22;
	s29 =	sadd.s32 $0x120, s21  }
0x495: {  	[hbm4b:s29+s19] =	stream.strided.scatter [tilespmem:s28], [sflag:$0x5], $0x400, s20, s19, $0x38;
	[tilespmem:$0x18000] =	vst v63  }
0x496: {  	s30 =	sadd.s32 $0xA800, s22;
	s31 =	sadd.s32 $0x140, s21  }
0x497: {  	[hbm4b:s31+s19] =	stream.strided.scatter [tilespmem:s30], [sflag:$0x5], $0x400, s20, s19, $0x38;
	[tilespmem:$0x18000] =	vst v63  }
0x498: {  	s0 =	sadd.s32 $0xAC00, s22;
	s1 =	sadd.s32 $0x160, s21  }
0x499: {  	[hbm4b:s1+s19] =	stream.strided.scatter [tilespmem:s0], [sflag:$0x5], $0x400, s20, s19, $0x38;
	[tilespmem:$0x18000] =	vst v63  }
0x49a: {  	s24 =	sadd.s32 $0xB000, s22;
	s26 =	sadd.s32 $0x180, s21  }
0x49b: {  	[hbm4b:s26+s19] =	stream.strided.scatter [tilespmem:s24], [sflag:$0x5], $0x400, s20, s19, $0x38;
	[tilespmem:$0x18000] =	vst v63  }
0x49c: {  	p1 =	por p0, p0;
	s28 =	sadd.s32 $0xB400, s22;
	s29 =	sadd.s32 $0x1A0, s21  }
0x49d: {  	[hbm4b:s29+s19] =	stream.strided.scatter [tilespmem:s28], [sflag:$0x5], $0x400, s20, s19, $0x38;
	[tilespmem:$0x18000] =	vst v63  }
.Ltmp27:
0x49e: {  	s30 =	sadd.s32 $0xB800, s22;
	s31 =	sadd.s32 $0x1C0, s21;
	(pc) =	sbr.rel @p1 .LBB2_56-.Ltmp27, $4  }
0x49f: {  	[hbm4b:s31+s19] =	stream.strided.scatter [tilespmem:s30], [sflag:$0x5], $0x400, s20, s19, $0x38;
	[tilespmem:$0x18000] =	vst v63  }
0x4a0: {  	s22 =	sadd.s32 $0xBC00, s22;
	s21 =	sadd.s32 $0x1E0, s21  }
0x4a1: {  	[hbm4b:s21+s19] =	stream.strided.scatter [tilespmem:s22], [sflag:$0x5], $0x400, s20, s19, $0x38;
	[tilespmem:$0x18000] =	vst v63  }
0x4a2: {  	p0 =	por $0x0, $0x0;
	s21 =	simm.s32 $0x1  }
0x4a3: {  	s21 =	simm.s32 $0x3  }
0x4a4: {  	_ =	swait.ge [sflag:s21], $0x8000  }
0x4a5: {  	[sflag:s21] =	ssyncset.done $0x0  }
0x4a6: {  	p0 =	por $0x1, $0x1;
	[sflag:s21] =	ssyncadd.s32 $0xFFFF8000;
	s21 =	simm.s32 $0x0  }
.LBB2_58:
0x4a7: {  	s22 =	sshll.u32 s21, $0xE  }
0x4a8: {  	s28 =	sshll.u32 s21, $0xC;
	s22 =	sand.u32 $0x3FFFC000, s22  }
0x4a9: {  	s21 =	sadd.s32 s28, s15;
	s23 =	sadd.s32 $0x10000, s22  }
0x4aa: {  	[hbm4b:s21+s19] =	stream.strided.scatter [tilespmem:s23], [sflag:$0x6], $0x400, s20, s19, $0x38;
	[tilespmem:$0x18000] =	vst v63  }
0x4ab: {  	s29 =	sadd.s32 $0x10400, s22;
	s24 =	sadd.s32 $0x20, s21  }
0x4ac: {  	[hbm4b:s24+s19] =	stream.strided.scatter [tilespmem:s29], [sflag:$0x6], $0x400, s20, s19, $0x38;
	[tilespmem:$0x18000] =	vst v63  }
0x4ad: {  	s30 =	sadd.s32 $0x10800, s22;
	s31 =	sadd.s32 $0x40, s21  }
0x4ae: {  	[hbm4b:s31+s19] =	stream.strided.scatter [tilespmem:s30], [sflag:$0x6], $0x400, s20, s19, $0x38;
	[tilespmem:$0x18000] =	vst v63  }
0x4af: {  	s0 =	sadd.s32 $0x10C00, s22;
	s1 =	sadd.s32 $0x60, s21  }
0x4b0: {  	[hbm4b:s1+s19] =	stream.strided.scatter [tilespmem:s0], [sflag:$0x6], $0x400, s20, s19, $0x38;
	[tilespmem:$0x18000] =	vst v63  }
0x4b1: {  	s26 =	sadd.s32 $0x80, s21;
	s24 =	sadd.s32 $0x11000, s22  }
0x4b2: {  	[hbm4b:s26+s19] =	stream.strided.scatter [tilespmem:s24], [sflag:$0x6], $0x400, s20, s19, $0x38;
	[tilespmem:$0x18000] =	vst v63  }
0x4b3: {  	s28 =	sadd.s32 $0x11400, s22;
	s29 =	sadd.s32 $0xA0, s21  }
0x4b4: {  	[hbm4b:s29+s19] =	stream.strided.scatter [tilespmem:s28], [sflag:$0x6], $0x400, s20, s19, $0x38;
	[tilespmem:$0x18000] =	vst v63  }
0x4b5: {  	s30 =	sadd.s32 $0x11800, s22;
	s31 =	sadd.s32 $0xC0, s21  }
0x4b6: {  	[hbm4b:s31+s19] =	stream.strided.scatter [tilespmem:s30], [sflag:$0x6], $0x400, s20, s19, $0x38;
	[tilespmem:$0x18000] =	vst v63  }
0x4b7: {  	s0 =	sadd.s32 $0x11C00, s22;
	s1 =	sadd.s32 $0xE0, s21  }
0x4b8: {  	[hbm4b:s1+s19] =	stream.strided.scatter [tilespmem:s0], [sflag:$0x6], $0x400, s20, s19, $0x38;
	[tilespmem:$0x18000] =	vst v63  }
0x4b9: {  	s24 =	sadd.s32 $0x12000, s22;
	s26 =	sadd.s32 $0x100, s21  }
0x4ba: {  	[hbm4b:s26+s19] =	stream.strided.scatter [tilespmem:s24], [sflag:$0x6], $0x400, s20, s19, $0x38;
	[tilespmem:$0x18000] =	vst v63  }
0x4bb: {  	s28 =	sadd.s32 $0x12400, s22;
	s29 =	sadd.s32 $0x120, s21  }
0x4bc: {  	[hbm4b:s29+s19] =	stream.strided.scatter [tilespmem:s28], [sflag:$0x6], $0x400, s20, s19, $0x38;
	[tilespmem:$0x18000] =	vst v63  }
0x4bd: {  	s30 =	sadd.s32 $0x12800, s22;
	s31 =	sadd.s32 $0x140, s21  }
0x4be: {  	[hbm4b:s31+s19] =	stream.strided.scatter [tilespmem:s30], [sflag:$0x6], $0x400, s20, s19, $0x38;
	[tilespmem:$0x18000] =	vst v63  }
0x4bf: {  	s0 =	sadd.s32 $0x12C00, s22;
	s1 =	sadd.s32 $0x160, s21  }
0x4c0: {  	[hbm4b:s1+s19] =	stream.strided.scatter [tilespmem:s0], [sflag:$0x6], $0x400, s20, s19, $0x38;
	[tilespmem:$0x18000] =	vst v63  }
0x4c1: {  	s24 =	sadd.s32 $0x13000, s22;
	s26 =	sadd.s32 $0x180, s21  }
0x4c2: {  	[hbm4b:s26+s19] =	stream.strided.scatter [tilespmem:s24], [sflag:$0x6], $0x400, s20, s19, $0x38;
	[tilespmem:$0x18000] =	vst v63  }
0x4c3: {  	p1 =	por p0, p0;
	s28 =	sadd.s32 $0x13400, s22;
	s29 =	sadd.s32 $0x1A0, s21  }
0x4c4: {  	[hbm4b:s29+s19] =	stream.strided.scatter [tilespmem:s28], [sflag:$0x6], $0x400, s20, s19, $0x38;
	[tilespmem:$0x18000] =	vst v63  }
.Ltmp28:
0x4c5: {  	s30 =	sadd.s32 $0x13800, s22;
	s31 =	sadd.s32 $0x1C0, s21;
	(pc) =	sbr.rel @p1 .LBB2_58-.Ltmp28, $4  }
0x4c6: {  	[hbm4b:s31+s19] =	stream.strided.scatter [tilespmem:s30], [sflag:$0x6], $0x400, s20, s19, $0x38;
	[tilespmem:$0x18000] =	vst v63  }
0x4c7: {  	s22 =	sadd.s32 $0x13C00, s22;
	s21 =	sadd.s32 $0x1E0, s21  }
0x4c8: {  	[hbm4b:s21+s19] =	stream.strided.scatter [tilespmem:s22], [sflag:$0x6], $0x400, s20, s19, $0x38;
	[tilespmem:$0x18000] =	vst v63  }
0x4c9: {  	p0 =	por $0x0, $0x0;
	s21 =	simm.s32 $0x1  }
0x4ca: {  	s21 =	simm.s32 $0x0;
	p0 =	por $0x1, $0x1  }
.LBB2_60:
0x4cb: {  	s22 =	sshll.u32 s21, $0xE  }
0x4cc: {  	s28 =	sshll.u32 s21, $0xC;
	s22 =	sand.u32 $0x3FFFC000, s22  }
0x4cd: {  	s21 =	sadd.s32 s28, s16;
	s23 =	sadd.s32 $0x10000, s22  }
0x4ce: {  	[hbm4b:s21+s19] =	stream.strided.scatter [tilespmem:s23], [sflag:$0x6], $0x400, s20, s19, $0x38;
	[tilespmem:$0x18000] =	vst v63  }
0x4cf: {  	s29 =	sadd.s32 $0x10400, s22;
	s24 =	sadd.s32 $0x20, s21  }
0x4d0: {  	[hbm4b:s24+s19] =	stream.strided.scatter [tilespmem:s29], [sflag:$0x6], $0x400, s20, s19, $0x38;
	[tilespmem:$0x18000] =	vst v63  }
0x4d1: {  	s30 =	sadd.s32 $0x10800, s22;
	s31 =	sadd.s32 $0x40, s21  }
0x4d2: {  	[hbm4b:s31+s19] =	stream.strided.scatter [tilespmem:s30], [sflag:$0x6], $0x400, s20, s19, $0x38;
	[tilespmem:$0x18000] =	vst v63  }
0x4d3: {  	s0 =	sadd.s32 $0x10C00, s22;
	s1 =	sadd.s32 $0x60, s21  }
0x4d4: {  	[hbm4b:s1+s19] =	stream.strided.scatter [tilespmem:s0], [sflag:$0x6], $0x400, s20, s19, $0x38;
	[tilespmem:$0x18000] =	vst v63  }
0x4d5: {  	s26 =	sadd.s32 $0x80, s21;
	s24 =	sadd.s32 $0x11000, s22  }
0x4d6: {  	[hbm4b:s26+s19] =	stream.strided.scatter [tilespmem:s24], [sflag:$0x6], $0x400, s20, s19, $0x38;
	[tilespmem:$0x18000] =	vst v63  }
0x4d7: {  	s28 =	sadd.s32 $0x11400, s22;
	s29 =	sadd.s32 $0xA0, s21  }
0x4d8: {  	[hbm4b:s29+s19] =	stream.strided.scatter [tilespmem:s28], [sflag:$0x6], $0x400, s20, s19, $0x38;
	[tilespmem:$0x18000] =	vst v63  }
0x4d9: {  	s30 =	sadd.s32 $0x11800, s22;
	s31 =	sadd.s32 $0xC0, s21  }
0x4da: {  	[hbm4b:s31+s19] =	stream.strided.scatter [tilespmem:s30], [sflag:$0x6], $0x400, s20, s19, $0x38;
	[tilespmem:$0x18000] =	vst v63  }
0x4db: {  	s0 =	sadd.s32 $0x11C00, s22;
	s1 =	sadd.s32 $0xE0, s21  }
0x4dc: {  	[hbm4b:s1+s19] =	stream.strided.scatter [tilespmem:s0], [sflag:$0x6], $0x400, s20, s19, $0x38;
	[tilespmem:$0x18000] =	vst v63  }
0x4dd: {  	s24 =	sadd.s32 $0x12000, s22;
	s26 =	sadd.s32 $0x100, s21  }
0x4de: {  	[hbm4b:s26+s19] =	stream.strided.scatter [tilespmem:s24], [sflag:$0x6], $0x400, s20, s19, $0x38;
	[tilespmem:$0x18000] =	vst v63  }
0x4df: {  	s28 =	sadd.s32 $0x12400, s22;
	s29 =	sadd.s32 $0x120, s21  }
0x4e0: {  	[hbm4b:s29+s19] =	stream.strided.scatter [tilespmem:s28], [sflag:$0x6], $0x400, s20, s19, $0x38;
	[tilespmem:$0x18000] =	vst v63  }
0x4e1: {  	s30 =	sadd.s32 $0x12800, s22;
	s31 =	sadd.s32 $0x140, s21  }
0x4e2: {  	[hbm4b:s31+s19] =	stream.strided.scatter [tilespmem:s30], [sflag:$0x6], $0x400, s20, s19, $0x38;
	[tilespmem:$0x18000] =	vst v63  }
0x4e3: {  	s0 =	sadd.s32 $0x12C00, s22;
	s1 =	sadd.s32 $0x160, s21  }
0x4e4: {  	[hbm4b:s1+s19] =	stream.strided.scatter [tilespmem:s0], [sflag:$0x6], $0x400, s20, s19, $0x38;
	[tilespmem:$0x18000] =	vst v63  }
0x4e5: {  	s24 =	sadd.s32 $0x13000, s22;
	s26 =	sadd.s32 $0x180, s21  }
0x4e6: {  	[hbm4b:s26+s19] =	stream.strided.scatter [tilespmem:s24], [sflag:$0x6], $0x400, s20, s19, $0x38;
	[tilespmem:$0x18000] =	vst v63  }
0x4e7: {  	p1 =	por p0, p0;
	s28 =	sadd.s32 $0x13400, s22;
	s29 =	sadd.s32 $0x1A0, s21  }
0x4e8: {  	[hbm4b:s29+s19] =	stream.strided.scatter [tilespmem:s28], [sflag:$0x6], $0x400, s20, s19, $0x38;
	[tilespmem:$0x18000] =	vst v63  }
.Ltmp29:
0x4e9: {  	s30 =	sadd.s32 $0x13800, s22;
	s31 =	sadd.s32 $0x1C0, s21;
	(pc) =	sbr.rel @p1 .LBB2_60-.Ltmp29, $4  }
0x4ea: {  	[hbm4b:s31+s19] =	stream.strided.scatter [tilespmem:s30], [sflag:$0x6], $0x400, s20, s19, $0x38;
	[tilespmem:$0x18000] =	vst v63  }
0x4eb: {  	s22 =	sadd.s32 $0x13C00, s22;
	s21 =	sadd.s32 $0x1E0, s21  }
0x4ec: {  	[hbm4b:s21+s19] =	stream.strided.scatter [tilespmem:s22], [sflag:$0x6], $0x400, s20, s19, $0x38;
	[tilespmem:$0x18000] =	vst v63  }
0x4ed: {  	p0 =	por $0x0, $0x0;
	s21 =	simm.s32 $0x1  }
0x4ee: {  	s21 =	simm.s32 $0x1  }
0x4ef: {  	_ =	swait.ge [sflag:s21], $0x8000  }
0x4f0: {  	[sflag:s21] =	ssyncset.done $0x0  }
0x4f1: {  	p0 =	por $0x1, $0x1;
	[sflag:s21] =	ssyncadd.s32 $0xFFFF8000;
	s21 =	simm.s32 $0x0  }
.LBB2_62:
0x4f2: {  	s22 =	sshll.u32 s21, $0xE;
	s29 =	sshll.u32 s21, $0xC  }
0x4f3: {  	s22 =	sand.u32 $0x3FFFC000, s22;
	s21 =	sadd.s32 s29, s17  }
0x4f4: {  	[hbm4b:s21+s19] =	stream.strided.scatter [tilespmem:s22], [sflag:$0x4], $0x400, s20, s19, $0x38;
	[tilespmem:$0x18000] =	vst v63  }
0x4f5: {  	s23 =	sor.u32 $0x400, s22;
	s24 =	sadd.s32 $0x20, s21  }
0x4f6: {  	[hbm4b:s24+s19] =	stream.strided.scatter [tilespmem:s23], [sflag:$0x4], $0x400, s20, s19, $0x38;
	[tilespmem:$0x18000] =	vst v63  }
0x4f7: {  	s30 =	sor.u32 $0x800, s22;
	s31 =	sadd.s32 $0x40, s21  }
0x4f8: {  	[hbm4b:s31+s19] =	stream.strided.scatter [tilespmem:s30], [sflag:$0x4], $0x400, s20, s19, $0x38;
	[tilespmem:$0x18000] =	vst v63  }
0x4f9: {  	s0 =	sor.u32 $0xC00, s22;
	s1 =	sadd.s32 $0x60, s21  }
0x4fa: {  	[hbm4b:s1+s19] =	stream.strided.scatter [tilespmem:s0], [sflag:$0x4], $0x400, s20, s19, $0x38;
	[tilespmem:$0x18000] =	vst v63  }
0x4fb: {  	s26 =	sadd.s32 $0x80, s21;
	s24 =	sor.u32 $0x1000, s22  }
0x4fc: {  	[hbm4b:s26+s19] =	stream.strided.scatter [tilespmem:s24], [sflag:$0x4], $0x400, s20, s19, $0x38;
	[tilespmem:$0x18000] =	vst v63  }
0x4fd: {  	s28 =	sor.u32 $0x1400, s22;
	s29 =	sadd.s32 $0xA0, s21  }
0x4fe: {  	[hbm4b:s29+s19] =	stream.strided.scatter [tilespmem:s28], [sflag:$0x4], $0x400, s20, s19, $0x38;
	[tilespmem:$0x18000] =	vst v63  }
0x4ff: {  	s30 =	sor.u32 $0x1800, s22;
	s31 =	sadd.s32 $0xC0, s21  }
0x500: {  	[hbm4b:s31+s19] =	stream.strided.scatter [tilespmem:s30], [sflag:$0x4], $0x400, s20, s19, $0x38;
	[tilespmem:$0x18000] =	vst v63  }
0x501: {  	s0 =	sor.u32 $0x1C00, s22;
	s1 =	sadd.s32 $0xE0, s21  }
0x502: {  	[hbm4b:s1+s19] =	stream.strided.scatter [tilespmem:s0], [sflag:$0x4], $0x400, s20, s19, $0x38;
	[tilespmem:$0x18000] =	vst v63  }
0x503: {  	s24 =	sor.u32 $0x2000, s22;
	s26 =	sadd.s32 $0x100, s21  }
0x504: {  	[hbm4b:s26+s19] =	stream.strided.scatter [tilespmem:s24], [sflag:$0x4], $0x400, s20, s19, $0x38;
	[tilespmem:$0x18000] =	vst v63  }
0x505: {  	s28 =	sor.u32 $0x2400, s22;
	s29 =	sadd.s32 $0x120, s21  }
0x506: {  	[hbm4b:s29+s19] =	stream.strided.scatter [tilespmem:s28], [sflag:$0x4], $0x400, s20, s19, $0x38;
	[tilespmem:$0x18000] =	vst v63  }
0x507: {  	s30 =	sor.u32 $0x2800, s22;
	s31 =	sadd.s32 $0x140, s21  }
0x508: {  	[hbm4b:s31+s19] =	stream.strided.scatter [tilespmem:s30], [sflag:$0x4], $0x400, s20, s19, $0x38;
	[tilespmem:$0x18000] =	vst v63  }
0x509: {  	s0 =	sor.u32 $0x2C00, s22;
	s1 =	sadd.s32 $0x160, s21  }
0x50a: {  	[hbm4b:s1+s19] =	stream.strided.scatter [tilespmem:s0], [sflag:$0x4], $0x400, s20, s19, $0x38;
	[tilespmem:$0x18000] =	vst v63  }
0x50b: {  	s24 =	sor.u32 $0x3000, s22;
	s26 =	sadd.s32 $0x180, s21  }
0x50c: {  	[hbm4b:s26+s19] =	stream.strided.scatter [tilespmem:s24], [sflag:$0x4], $0x400, s20, s19, $0x38;
	[tilespmem:$0x18000] =	vst v63  }
0x50d: {  	p1 =	por p0, p0;
	s28 =	sor.u32 $0x3400, s22;
	s29 =	sadd.s32 $0x1A0, s21  }
0x50e: {  	[hbm4b:s29+s19] =	stream.strided.scatter [tilespmem:s28], [sflag:$0x4], $0x400, s20, s19, $0x38;
	[tilespmem:$0x18000] =	vst v63  }
.Ltmp30:
0x50f: {  	s30 =	sor.u32 $0x3800, s22;
	s31 =	sadd.s32 $0x1C0, s21;
	(pc) =	sbr.rel @p1 .LBB2_62-.Ltmp30, $4  }
0x510: {  	[hbm4b:s31+s19] =	stream.strided.scatter [tilespmem:s30], [sflag:$0x4], $0x400, s20, s19, $0x38;
	[tilespmem:$0x18000] =	vst v63  }
0x511: {  	s22 =	sor.u32 $0x3C00, s22;
	s21 =	sadd.s32 $0x1E0, s21  }
0x512: {  	[hbm4b:s21+s19] =	stream.strided.scatter [tilespmem:s22], [sflag:$0x4], $0x400, s20, s19, $0x38;
	[tilespmem:$0x18000] =	vst v63  }
0x513: {  	p0 =	por $0x0, $0x0;
	s21 =	simm.s32 $0x1  }
0x514: {  	s21 =	simm.s32 $0x0;
	p0 =	por $0x1, $0x1  }
.LBB2_64:
0x515: {  	s22 =	sshll.u32 s21, $0xE;
	s29 =	sshll.u32 s21, $0xC  }
0x516: {  	s22 =	sand.u32 $0x3FFFC000, s22;
	s21 =	sadd.s32 s29, s18  }
0x517: {  	[hbm4b:s21+s19] =	stream.strided.scatter [tilespmem:s22], [sflag:$0x4], $0x400, s20, s19, $0x38;
	[tilespmem:$0x18000] =	vst v63  }
0x518: {  	s23 =	sor.u32 $0x400, s22;
	s24 =	sadd.s32 $0x20, s21  }
0x519: {  	[hbm4b:s24+s19] =	stream.strided.scatter [tilespmem:s23], [sflag:$0x4], $0x400, s20, s19, $0x38;
	[tilespmem:$0x18000] =	vst v63  }
0x51a: {  	s30 =	sor.u32 $0x800, s22;
	s31 =	sadd.s32 $0x40, s21  }
0x51b: {  	[hbm4b:s31+s19] =	stream.strided.scatter [tilespmem:s30], [sflag:$0x4], $0x400, s20, s19, $0x38;
	[tilespmem:$0x18000] =	vst v63  }
0x51c: {  	s0 =	sor.u32 $0xC00, s22;
	s1 =	sadd.s32 $0x60, s21  }
0x51d: {  	[hbm4b:s1+s19] =	stream.strided.scatter [tilespmem:s0], [sflag:$0x4], $0x400, s20, s19, $0x38;
	[tilespmem:$0x18000] =	vst v63  }
0x51e: {  	s26 =	sadd.s32 $0x80, s21;
	s24 =	sor.u32 $0x1000, s22  }
0x51f: {  	[hbm4b:s26+s19] =	stream.strided.scatter [tilespmem:s24], [sflag:$0x4], $0x400, s20, s19, $0x38;
	[tilespmem:$0x18000] =	vst v63  }
0x520: {  	s28 =	sor.u32 $0x1400, s22;
	s29 =	sadd.s32 $0xA0, s21  }
0x521: {  	[hbm4b:s29+s19] =	stream.strided.scatter [tilespmem:s28], [sflag:$0x4], $0x400, s20, s19, $0x38;
	[tilespmem:$0x18000] =	vst v63  }
0x522: {  	s30 =	sor.u32 $0x1800, s22;
	s31 =	sadd.s32 $0xC0, s21  }
0x523: {  	[hbm4b:s31+s19] =	stream.strided.scatter [tilespmem:s30], [sflag:$0x4], $0x400, s20, s19, $0x38;
	[tilespmem:$0x18000] =	vst v63  }
0x524: {  	s0 =	sor.u32 $0x1C00, s22;
	s1 =	sadd.s32 $0xE0, s21  }
0x525: {  	[hbm4b:s1+s19] =	stream.strided.scatter [tilespmem:s0], [sflag:$0x4], $0x400, s20, s19, $0x38;
	[tilespmem:$0x18000] =	vst v63  }
0x526: {  	s24 =	sor.u32 $0x2000, s22;
	s26 =	sadd.s32 $0x100, s21  }
0x527: {  	[hbm4b:s26+s19] =	stream.strided.scatter [tilespmem:s24], [sflag:$0x4], $0x400, s20, s19, $0x38;
	[tilespmem:$0x18000] =	vst v63  }
0x528: {  	s28 =	sor.u32 $0x2400, s22;
	s29 =	sadd.s32 $0x120, s21  }
0x529: {  	[hbm4b:s29+s19] =	stream.strided.scatter [tilespmem:s28], [sflag:$0x4], $0x400, s20, s19, $0x38;
	[tilespmem:$0x18000] =	vst v63  }
0x52a: {  	s30 =	sor.u32 $0x2800, s22;
	s31 =	sadd.s32 $0x140, s21  }
0x52b: {  	[hbm4b:s31+s19] =	stream.strided.scatter [tilespmem:s30], [sflag:$0x4], $0x400, s20, s19, $0x38;
	[tilespmem:$0x18000] =	vst v63  }
0x52c: {  	s0 =	sor.u32 $0x2C00, s22;
	s1 =	sadd.s32 $0x160, s21  }
0x52d: {  	[hbm4b:s1+s19] =	stream.strided.scatter [tilespmem:s0], [sflag:$0x4], $0x400, s20, s19, $0x38;
	[tilespmem:$0x18000] =	vst v63  }
0x52e: {  	s24 =	sor.u32 $0x3000, s22;
	s26 =	sadd.s32 $0x180, s21  }
0x52f: {  	[hbm4b:s26+s19] =	stream.strided.scatter [tilespmem:s24], [sflag:$0x4], $0x400, s20, s19, $0x38;
	[tilespmem:$0x18000] =	vst v63  }
0x530: {  	p1 =	por p0, p0;
	s28 =	sor.u32 $0x3400, s22;
	s29 =	sadd.s32 $0x1A0, s21  }
0x531: {  	[hbm4b:s29+s19] =	stream.strided.scatter [tilespmem:s28], [sflag:$0x4], $0x400, s20, s19, $0x38;
	[tilespmem:$0x18000] =	vst v63  }
.Ltmp31:
0x532: {  	s30 =	sor.u32 $0x3800, s22;
	s31 =	sadd.s32 $0x1C0, s21;
	(pc) =	sbr.rel @p1 .LBB2_64-.Ltmp31, $4  }
0x533: {  	[hbm4b:s31+s19] =	stream.strided.scatter [tilespmem:s30], [sflag:$0x4], $0x400, s20, s19, $0x38;
	[tilespmem:$0x18000] =	vst v63  }
0x534: {  	s22 =	sor.u32 $0x3C00, s22;
	s21 =	sadd.s32 $0x1E0, s21  }
0x535: {  	[hbm4b:s21+s19] =	stream.strided.scatter [tilespmem:s22], [sflag:$0x4], $0x400, s20, s19, $0x38;
	[tilespmem:$0x18000] =	vst v63  }
0x536: {  	p0 =	por $0x0, $0x0;
	s21 =	simm.s32 $0x1  }
0x537: {  	s21 =	simm.s32 $0x5  }
0x538: {  	_ =	swait.ge [sflag:s21], $0x8000  }
0x539: {  	[sflag:s21] =	ssyncset.done $0x0  }
0x53a: {  	[sflag:s21] =	ssyncadd.s32 $0xFFFF8000  }
0x53b: {  	_ =	swait.ge [sflag:s21], $0x8000  }
0x53c: {  	[sflag:s21] =	ssyncset.done $0x0  }
0x53d: {  	s30 =	simm.s32 $0x6;
	[sflag:s21] =	ssyncadd.s32 $0xFFFF8000  }
0x53e: {  	_ =	swait.ge [sflag:s30], $0x8000  }
0x53f: {  	[sflag:s30] =	ssyncset.done $0x0  }
0x540: {  	[sflag:s30] =	ssyncadd.s32 $0xFFFF8000  }
0x541: {  	_ =	swait.ge [sflag:s30], $0x8000  }
0x542: {  	[sflag:s30] =	ssyncset.done $0x0  }
0x543: {  	s22 =	simm.s32 $0x4;
	[sflag:s30] =	ssyncadd.s32 $0xFFFF8000  }
0x544: {  	_ =	swait.ge [sflag:s22], $0x8000  }
0x545: {  	[sflag:s22] =	ssyncset.done $0x0  }
0x546: {  	[sflag:s22] =	ssyncadd.s32 $0xFFFF8000  }
0x547: {  	_ =	swait.ge [sflag:s22], $0x8000  }
0x548: {  	s23 =	sld [smem:$0x7FB]  }
0x549: {  	s31 =	sld [smem:$0x7FC];
	_ =	sdelay $0x1  }
0x54a: {  	s23 =	sadd.s32 $0x1, s23  }
0x54b: {  	p0 =	sne.s32 s23, s31  }
.Ltmp32:
0x54c: {  	_ = 	snop;
	(pc) =	sbr.rel @p0 .LBB2_1-.Ltmp32, $3  }
0x54d: {  	_ =	sdelay $0x1  }
0x54e: {  	[sflag:s22] =	ssyncset.done $0x0  }
0x54f: {  	[sflag:s22] =	ssyncadd.s32 $0xFFFF8000  }
0x550: {  	_ =	sfence.sel $0x180000  }
0x551: {  	[bflag:$0x0] =	sbarrier.arrive $0xFFFF  }
0x552: {  	_ =	strace $0x90000047  }
0x553: {  	s0 =	stileid.u32;
	[bflag:$0x2] =	sbarrier.arrive $0xFFFF  }
0x554: {  	p0 =	sne.s32 s0, $0x0;
	s0 =	rddreg [dreg:$0x2]  }
0x555: {  	s0 =	sadd.s32 @!p0 $0x100000, s0  }
0x556: {  	[sflag:s0] =	ssyncadd.tile.s32 @!p0 $0x1;
	_ =	shalt  }
.Lfunc_end2:
_tile_overlayer_lowered:
.L_overlay_start_2:
0x557: {  	(tag) =	ssettag $0x2  }
0x558: {  	s0 =	rddreg [dreg:$0x0];
	s2 =	stileid.u32  }
0x559: {  	s1 =	rddreg [dreg:$0x1];
	p0 =	sne.s32 s2, $0x0  }
0x55a: {  	s3 =	rddreg [dreg:$0x2];
	[bflag:$0x3] =	sbarrier.arrive $0xFFFF;
	s2 =	simm.s32 @!p0 $0x1C07  }
0x55b: {  	[timem:s3], [sflag:s2] =	dma.local @!p0 [hbm:s0], s1  }
0x55c: {  	s0 =	simm.s32 @!p0 $0x7  }
0x55d: {  	_ =	swait.ge @!p0 [sflag:s0], s1  }
0x55e: {  	s1 =	ssub.s32 @!p0 $0x0, s1;
	[sflag:s0] =	ssyncset.done @!p0 $0x0  }
0x55f: {  	[sflag:s0] =	ssyncadd.s32 @!p0 s1  }
0x560: {  	[bflag:$0x3] =	sbarrier.arrive $0xFFFF  }
0x561: {  	_ =	shalt  }

</sc_bundles>
